<compile_context>
chip_gen: v7x
topology: tpu7x:2x2x1
jax: 0.10.2.dev20260603
libtpu: 0.0.44.dev20260713+nightly
codegen_flags: <defaults>
</compile_context>

<pallas_src>
import functools

import jax
import jax.numpy as jnp
from jax import lax
from jax.experimental import pallas as pl
from jax.experimental.pallas import tpu as pltpu
from jax.experimental.pallas import tpu_sc as plsc

_BETA = 0.25
_BB = 512


def _vq_body(e_ref, esq_ref, w2t_ref, wsq_ref, idx_ref, loss_ref):
    e = e_ref[...]
    mm2_full = jnp.dot(e, w2t_ref[...],
                       preferred_element_type=jnp.float32)
    k = mm2_full.shape[1]
    ns = k // 128
    bb = 128
    wsq = wsq_ref[...]
    lane = lax.broadcasted_iota(jnp.int32, (bb, 128), 1)

    def half_argmin(mm2, esq_b, s_lo, s_hi):
        nacc = 1
        avs = [jnp.full((bb, 128), jnp.inf, jnp.float32) for _ in range(nacc)]
        ais = [jnp.zeros((bb, 128), jnp.int32) for _ in range(nacc)]
        for s in range(s_lo, s_hi):
            a = s % nacc
            d2s = (esq_b - mm2[:, s * 128:(s + 1) * 128]) + jnp.broadcast_to(
                wsq[:, s * 128:(s + 1) * 128], (bb, 128))
            upd = d2s < avs[a]
            avs[a] = jnp.where(upd, d2s, avs[a])
            ais[a] = jnp.where(upd, s, ais[a])
        av, ai = avs[0], ais[0]
        for a in range(1, nacc):
            take = (avs[a] < av) | ((avs[a] == av) & (ais[a] < ai))
            av = jnp.where(take, avs[a], av)
            ai = jnp.where(take, ais[a], ai)
        v = jnp.min(av, axis=1, keepdims=True)
        kfull = ai * 128 + lane
        i = jnp.min(jnp.where(av == v, kfull, k), axis=1)
        return v, i

    acc = jnp.zeros((1, 1), jnp.float32)
    for rb in range(_BB // bb):
        rows = slice(rb * bb, (rb + 1) * bb)
        mm2 = mm2_full[rows, :]
        esq_b = jnp.broadcast_to(esq_ref[rows, :], (bb, 128))
        vl, il = half_argmin(mm2, esq_b, 0, ns // 2)
        vr, ir = half_argmin(mm2, esq_b, ns // 2, ns)
        vl_bf = vl.astype(jnp.bfloat16).astype(jnp.float32)
        pickr = vr < vl_bf
        idx_ref[0, 0, rows] = jnp.where(pickr[:, 0], ir, il)
        dsel = jnp.where(pickr[:, 0], vr[:, 0], vl[:, 0])
        acc = acc + jnp.sum(dsel).reshape(1, 1)
    @pl.when(pl.program_id(0) == 0)
    def _():
        loss_ref[...] = jnp.zeros((1, 1), jnp.float32)
    loss_ref[...] += acc


def _argmin_losses(encoding, embedding_weight):
    b, d = encoding.shape
    k = embedding_weight.shape[0]
    enc_sq = jnp.sum(encoding * encoding, axis=1, keepdims=True)
    w_sq = jnp.sum(embedding_weight * embedding_weight, axis=1)
    w2t = (2.0 * embedding_weight).T
    g = b // _BB
    idx3, loss = pl.pallas_call(
        _vq_body,
        grid=(g,),
        in_specs=[
            pl.BlockSpec((_BB, d), lambda i: (i, 0)),
            pl.BlockSpec((_BB, 1), lambda i: (i, 0)),
            pl.BlockSpec((d, k), lambda i: (0, 0)),
            pl.BlockSpec((1, k), lambda i: (0, 0)),
        ],
        out_specs=[
            pl.BlockSpec((1, 1, _BB), lambda i: (i, 0, 0)),
            pl.BlockSpec((1, 1), lambda i: (0, 0)),
        ],
        out_shape=[
            jax.ShapeDtypeStruct((g, 1, _BB), jnp.int32),
            jax.ShapeDtypeStruct((1, 1), jnp.float32),
        ],
        compiler_params=pltpu.CompilerParams(
            dimension_semantics=("arbitrary",),
        ),
    )(encoding, enc_sq, w2t, w_sq.reshape(1, k))
    return idx3.reshape(b), loss[0, 0]


def _make_sc_gather(b, k, d):
    info = plsc.get_sparse_core_info()
    nw = info.num_cores * info.num_subcores
    b_per_w = b // nw
    nc = b_per_w // 128
    nbuf = 6
    mesh = plsc.VectorSubcoreMesh(core_axis_name="c", subcore_axis_name="s")

    @functools.partial(
        pl.kernel, mesh=mesh,
        out_type=jax.ShapeDtypeStruct((b, 128), jnp.float32),
        scratch_types=(
            [pltpu.VMEM((b_per_w,), jnp.int32)]
            + [pltpu.VMEM((128, 128), jnp.float32)] * nbuf
            + [pltpu.SemaphoreType.DMA] * (2 * nbuf)
        ),
    )
    def gather_kernel(table_hbm, idx_hbm, out_hbm, idx_v, *rest):
        bufs = rest[:nbuf]
        gsem = rest[nbuf:2 * nbuf]
        wsem = rest[2 * nbuf:3 * nbuf]
        wid = lax.axis_index("s") * info.num_cores + lax.axis_index("c")
        base = wid * b_per_w
        pltpu.sync_copy(idx_hbm.at[pl.ds(base, b_per_w)], idx_v)

        hg = [None] * nbuf
        hw = [None] * nbuf
        for j in range(min(nbuf, nc)):
            hg[j] = pltpu.async_copy(
                table_hbm.at[idx_v.at[pl.ds(j * 128, 128)]], bufs[j], gsem[j])
        for j in range(nc):
            q = j % nbuf
            hg[q].wait()
            hw[q] = pltpu.async_copy(
                bufs[q], out_hbm.at[pl.ds(base + j * 128, 128)], wsem[q])
            nxt = j + nbuf
            if nxt < nc:
                hw[q].wait()
                hg[q] = pltpu.async_copy(
                    table_hbm.at[idx_v.at[pl.ds(nxt * 128, 128)]],
                    bufs[q], gsem[q])
        for j in range(max(0, nc - nbuf), nc):
            hw[j % nbuf].wait()

    return gather_kernel


def kernel(encoding, embedding_weight):
    b, d = encoding.shape
    k = embedding_weight.shape[0]
    table_p = jnp.pad(embedding_weight, ((0, 0), (0, 128 - d)))
    seg = b // 2
    gather = _make_sc_gather(seg, k, d)
    idx_parts, st_parts, loss_parts = [], [], []
    for i in range(2):
        enc_i = lax.slice_in_dim(encoding, i * seg, (i + 1) * seg, axis=0)
        idx_i, loss_i = _argmin_losses(enc_i, embedding_weight)
        idx_parts.append(idx_i)
        st_parts.append(gather(table_p, idx_i)[:, :d])
        loss_parts.append(loss_i)
    quantized_index = jnp.concatenate(idx_parts)
    quantized_st = jnp.concatenate(st_parts)
    loss_sum = loss_parts[0] + loss_parts[1]
    s = loss_sum / (b * d)
    commitment_loss = s
    embedding_loss = s
    vq_loss = commitment_loss * _BETA + embedding_loss
    return (quantized_index, quantized_st, vq_loss, embedding_loss, commitment_loss)

# --- scband reference (transcript-rebuilt; emitter-appended) ---
"""Pipeline reference for scband-action-vqvae-39058432590353 (READ-ONLY COPY).

The authoritative reference and input builder live on the scoring server;
editing this copy changes nothing except your own understanding.
"""

import jax, jax.numpy as jnp
import numpy as np

B = 65536
D = 32
K = 8192
BETA = 0.25


def setup_inputs(seed: int = 0) -> dict:
    key = jax.random.key(seed)
    k1, k2 = jax.random.split(key)
    encoding = jax.random.normal(k1, (B, D), dtype=jnp.float32)
    # nn.Embedding weight initialized uniform(-1/K, 1/K) as in VectorQuantizer.__init__
    embedding_weight = jax.random.uniform(k2, (K, D), dtype=jnp.float32, minval=-1.0 / K, maxval=1.0 / K)
    return {"encoding": encoding, "embedding_weight": embedding_weight}


def reference(encoding, embedding_weight):
    # VectorQuantizer.train (non-EMA, non-onehot-table, no eps-greedy path)
    # encode: torch.cdist(encoding, W, p=2).min(dim=-1)[1]
    # argmin over squared L2 distance gives identical index to argmin over L2 distance
    enc_sq = jnp.sum(encoding * encoding, axis=1, keepdims=True)          # (B,1)
    w_sq = jnp.sum(embedding_weight * embedding_weight, axis=1)           # (K,)
    d2 = enc_sq - 2.0 * (encoding @ embedding_weight.T) + w_sq[None, :]   # (B,K)
    quantized_index = jnp.argmin(d2, axis=-1)                             # (B,)
    # one_hot(idx, K) @ W  ==  gather rows of W
    quantized_embedding = jnp.take(embedding_weight, quantized_index, axis=0)  # (B,D)
    commitment_loss = jnp.mean((encoding - jax.lax.stop_gradient(quantized_embedding)) ** 2)
    embedding_loss = jnp.mean((quantized_embedding - jax.lax.stop_gradient(encoding)) ** 2)
    vq_loss = commitment_loss * BETA + embedding_loss
    # straight-through estimator
    quantized_st = encoding + jax.lax.stop_gradient(quantized_embedding - encoding)
    return (quantized_index, quantized_st, vq_loss, embedding_loss, commitment_loss)

if __name__ == "__main__":
    import jax
    _d = setup_inputs()
    print(jax.jit(kernel)(*tuple(_d.values())))

</pallas_src>

<mosaic_0001>
#map = affine_map<(d0, d1) -> (0, 0)>
#map1 = affine_map<(d0, d1) -> (0)>
module attributes {stable_mosaic.version = 14 : i64} {
  func.func @gather_kernel(%arg0: i32, %arg1: i32, %arg2: memref<8192x128xf32, #tpu.memory_space<hbm>>, %arg3: memref<32768xi32, #tpu.memory_space<hbm>>, %arg4: memref<32768x128xf32, #tpu.memory_space<hbm>>, %arg5: memref<1024xi32, #tpu.memory_space<vmem>>, %arg6: memref<128x128xf32, #tpu.memory_space<vmem>>, %arg7: memref<128x128xf32, #tpu.memory_space<vmem>>, %arg8: memref<128x128xf32, #tpu.memory_space<vmem>>, %arg9: memref<128x128xf32, #tpu.memory_space<vmem>>, %arg10: memref<128x128xf32, #tpu.memory_space<vmem>>, %arg11: memref<128x128xf32, #tpu.memory_space<vmem>>, %arg12: memref<!tpu.dma_semaphore, #tpu.memory_space<semaphore_mem>>, %arg13: memref<!tpu.dma_semaphore, #tpu.memory_space<semaphore_mem>>, %arg14: memref<!tpu.dma_semaphore, #tpu.memory_space<semaphore_mem>>, %arg15: memref<!tpu.dma_semaphore, #tpu.memory_space<semaphore_mem>>, %arg16: memref<!tpu.dma_semaphore, #tpu.memory_space<semaphore_mem>>, %arg17: memref<!tpu.dma_semaphore, #tpu.memory_space<semaphore_mem>>, %arg18: memref<!tpu.dma_semaphore, #tpu.memory_space<semaphore_mem>>, %arg19: memref<!tpu.dma_semaphore, #tpu.memory_space<semaphore_mem>>, %arg20: memref<!tpu.dma_semaphore, #tpu.memory_space<semaphore_mem>>, %arg21: memref<!tpu.dma_semaphore, #tpu.memory_space<semaphore_mem>>, %arg22: memref<!tpu.dma_semaphore, #tpu.memory_space<semaphore_mem>>, %arg23: memref<!tpu.dma_semaphore, #tpu.memory_space<semaphore_mem>>) attributes {dimension_semantics = [#tpu.dimension_semantics<core_parallel>, #tpu.dimension_semantics<subcore_parallel>], iteration_bounds = array<i64: 2, 16>, scalar_prefetch = 0 : i64, scratch_operands = 19 : i64, tpu.core_type = #tpu.core_type<sc_vector_subcore>, window_params = [{transform_indices = #map}, {transform_indices = #map1}, {transform_indices = #map}]} {
    %mul3A = arith.constant 2 : i32
    %mul3A_0 = arith.muli %arg1, %mul3A : i32
    %add3A = arith.addi %mul3A_0, %arg0 : i32
    %mul3A_1 = arith.constant 1024 : i32
    %mul3A_2 = arith.muli %add3A, %mul3A_1 : i32
    "tpu.region"() ({
      %run_scoped3A = tpu.sem_alloc : memref<!tpu.dma_semaphore, #tpu.memory_space<semaphore_mem>>
      %dma_start3A_161 = tpu.memref_slice %arg3[%mul3A_2] : memref<32768xi32, #tpu.memory_space<hbm>> -> memref<1024xi32, #tpu.memory_space<hbm>>
      %dma_start3A_162 = tpu.memref_slice %arg3[%mul3A_2] : memref<32768xi32, #tpu.memory_space<hbm>> -> memref<1024xi32, #tpu.memory_space<hbm>>
      tpu.enqueue_dma source(%dma_start3A_162 : memref<1024xi32, #tpu.memory_space<hbm>>) target(%arg5 : memref<1024xi32, #tpu.memory_space<vmem>>) target_semaphore(%run_scoped3A : memref<!tpu.dma_semaphore, #tpu.memory_space<semaphore_mem>>)
      %dma_wait3A_163 = tpu.memref_slice %arg3[%mul3A_2] : memref<32768xi32, #tpu.memory_space<hbm>> -> memref<1024xi32, #tpu.memory_space<hbm>>
      %dma_wait3A_164 = tpu.memref_slice %arg3[%mul3A_2] : memref<32768xi32, #tpu.memory_space<hbm>> -> memref<1024xi32, #tpu.memory_space<hbm>>
      tpu.wait_dma2 semaphore(%run_scoped3A : memref<!tpu.dma_semaphore, #tpu.memory_space<semaphore_mem>>) src(%dma_wait3A_164 : memref<1024xi32, #tpu.memory_space<hbm>>) dst(%arg5 : memref<1024xi32, #tpu.memory_space<vmem>>)
      tpu.yield
    }) : () -> ()
    %dma_start3A = arith.constant 0 : i32
    %dma_start3A_3 = tpu.memref_slice %arg5[%dma_start3A] : memref<1024xi32, #tpu.memory_space<vmem>> -> memref<128xi32, #tpu.memory_space<vmem>>
    %dma_start3A_4 = arith.constant 0 : i32
    %dma_start3A_5 = arith.constant 0 : i32
    %dma_start3A_6 = tpu.memref_slice %arg2[%dma_start3A_4, %dma_start3A_5] : memref<8192x128xf32, #tpu.memory_space<hbm>> -> memref<8192x128xf32, #tpu.memory_space<hbm>>
    tpu.enqueue_indirect_dma source(%dma_start3A_6 : memref<8192x128xf32, #tpu.memory_space<hbm>>) target(%arg6 : memref<128x128xf32, #tpu.memory_space<vmem>>) offsets(%dma_start3A_3 : memref<128xi32, #tpu.memory_space<vmem>>) semaphore(%arg12 : memref<!tpu.dma_semaphore, #tpu.memory_space<semaphore_mem>>)
    %dma_start3A_7 = arith.constant 128 : i32
    %dma_start3A_8 = tpu.memref_slice %arg5[%dma_start3A_7] : memref<1024xi32, #tpu.memory_space<vmem>> -> memref<128xi32, #tpu.memory_space<vmem>>
    %dma_start3A_9 = arith.constant 0 : i32
    %dma_start3A_10 = arith.constant 0 : i32
    %dma_start3A_11 = tpu.memref_slice %arg2[%dma_start3A_9, %dma_start3A_10] : memref<8192x128xf32, #tpu.memory_space<hbm>> -> memref<8192x128xf32, #tpu.memory_space<hbm>>
    tpu.enqueue_indirect_dma source(%dma_start3A_11 : memref<8192x128xf32, #tpu.memory_space<hbm>>) target(%arg7 : memref<128x128xf32, #tpu.memory_space<vmem>>) offsets(%dma_start3A_8 : memref<128xi32, #tpu.memory_space<vmem>>) semaphore(%arg13 : memref<!tpu.dma_semaphore, #tpu.memory_space<semaphore_mem>>)
    %dma_start3A_12 = arith.constant 256 : i32
    %dma_start3A_13 = tpu.memref_slice %arg5[%dma_start3A_12] : memref<1024xi32, #tpu.memory_space<vmem>> -> memref<128xi32, #tpu.memory_space<vmem>>
    %dma_start3A_14 = arith.constant 0 : i32
    %dma_start3A_15 = arith.constant 0 : i32
    %dma_start3A_16 = tpu.memref_slice %arg2[%dma_start3A_14, %dma_start3A_15] : memref<8192x128xf32, #tpu.memory_space<hbm>> -> memref<8192x128xf32, #tpu.memory_space<hbm>>
    tpu.enqueue_indirect_dma source(%dma_start3A_16 : memref<8192x128xf32, #tpu.memory_space<hbm>>) target(%arg8 : memref<128x128xf32, #tpu.memory_space<vmem>>) offsets(%dma_start3A_13 : memref<128xi32, #tpu.memory_space<vmem>>) semaphore(%arg14 : memref<!tpu.dma_semaphore, #tpu.memory_space<semaphore_mem>>)
    %dma_start3A_17 = arith.constant 384 : i32
    %dma_start3A_18 = tpu.memref_slice %arg5[%dma_start3A_17] : memref<1024xi32, #tpu.memory_space<vmem>> -> memref<128xi32, #tpu.memory_space<vmem>>
    %dma_start3A_19 = arith.constant 0 : i32
    %dma_start3A_20 = arith.constant 0 : i32
    %dma_start3A_21 = tpu.memref_slice %arg2[%dma_start3A_19, %dma_start3A_20] : memref<8192x128xf32, #tpu.memory_space<hbm>> -> memref<8192x128xf32, #tpu.memory_space<hbm>>
    tpu.enqueue_indirect_dma source(%dma_start3A_21 : memref<8192x128xf32, #tpu.memory_space<hbm>>) target(%arg9 : memref<128x128xf32, #tpu.memory_space<vmem>>) offsets(%dma_start3A_18 : memref<128xi32, #tpu.memory_space<vmem>>) semaphore(%arg15 : memref<!tpu.dma_semaphore, #tpu.memory_space<semaphore_mem>>)
    %dma_start3A_22 = arith.constant 512 : i32
    %dma_start3A_23 = tpu.memref_slice %arg5[%dma_start3A_22] : memref<1024xi32, #tpu.memory_space<vmem>> -> memref<128xi32, #tpu.memory_space<vmem>>
    %dma_start3A_24 = arith.constant 0 : i32
    %dma_start3A_25 = arith.constant 0 : i32
    %dma_start3A_26 = tpu.memref_slice %arg2[%dma_start3A_24, %dma_start3A_25] : memref<8192x128xf32, #tpu.memory_space<hbm>> -> memref<8192x128xf32, #tpu.memory_space<hbm>>
    tpu.enqueue_indirect_dma source(%dma_start3A_26 : memref<8192x128xf32, #tpu.memory_space<hbm>>) target(%arg10 : memref<128x128xf32, #tpu.memory_space<vmem>>) offsets(%dma_start3A_23 : memref<128xi32, #tpu.memory_space<vmem>>) semaphore(%arg16 : memref<!tpu.dma_semaphore, #tpu.memory_space<semaphore_mem>>)
    %dma_start3A_27 = arith.constant 640 : i32
    %dma_start3A_28 = tpu.memref_slice %arg5[%dma_start3A_27] : memref<1024xi32, #tpu.memory_space<vmem>> -> memref<128xi32, #tpu.memory_space<vmem>>
    %dma_start3A_29 = arith.constant 0 : i32
    %dma_start3A_30 = arith.constant 0 : i32
    %dma_start3A_31 = tpu.memref_slice %arg2[%dma_start3A_29, %dma_start3A_30] : memref<8192x128xf32, #tpu.memory_space<hbm>> -> memref<8192x128xf32, #tpu.memory_space<hbm>>
    tpu.enqueue_indirect_dma source(%dma_start3A_31 : memref<8192x128xf32, #tpu.memory_space<hbm>>) target(%arg11 : memref<128x128xf32, #tpu.memory_space<vmem>>) offsets(%dma_start3A_28 : memref<128xi32, #tpu.memory_space<vmem>>) semaphore(%arg17 : memref<!tpu.dma_semaphore, #tpu.memory_space<semaphore_mem>>)
    %dma_wait3A = arith.constant 0 : i32
    %dma_wait3A_32 = tpu.memref_slice %arg5[%dma_wait3A] : memref<1024xi32, #tpu.memory_space<vmem>> -> memref<128xi32, #tpu.memory_space<vmem>>
    %dma_wait3A_33 = arith.constant 0 : i32
    %dma_wait3A_34 = arith.constant 0 : i32
    %dma_wait3A_35 = tpu.memref_slice %arg2[%dma_wait3A_33, %dma_wait3A_34] : memref<8192x128xf32, #tpu.memory_space<hbm>> -> memref<8192x128xf32, #tpu.memory_space<hbm>>
    tpu.wait_indirect_dma semaphore(%arg12 : memref<!tpu.dma_semaphore, #tpu.memory_space<semaphore_mem>>) src(%dma_wait3A_35 : memref<8192x128xf32, #tpu.memory_space<hbm>>) dst(%arg6 : memref<128x128xf32, #tpu.memory_space<vmem>>)
    %add3A_36 = arith.constant 0 : i32
    %add3A_37 = arith.addi %mul3A_2, %add3A_36 : i32
    %dma_start3A_38 = arith.constant 0 : i32
    %dma_start3A_39 = tpu.memref_slice %arg4[%add3A_37, %dma_start3A_38] : memref<32768x128xf32, #tpu.memory_space<hbm>> -> memref<128x128xf32, #tpu.memory_space<hbm>>
    %dma_start3A_40 = arith.constant 0 : i32
    %dma_start3A_41 = tpu.memref_slice %arg4[%add3A_37, %dma_start3A_40] : memref<32768x128xf32, #tpu.memory_space<hbm>> -> memref<128x128xf32, #tpu.memory_space<hbm>>
    tpu.enqueue_dma source(%arg6 : memref<128x128xf32, #tpu.memory_space<vmem>>) target(%dma_start3A_41 : memref<128x128xf32, #tpu.memory_space<hbm>>) target_semaphore(%arg18 : memref<!tpu.dma_semaphore, #tpu.memory_space<semaphore_mem>>)
    %dma_wait3A_42 = arith.constant 0 : i32
    %dma_wait3A_43 = tpu.memref_slice %arg4[%add3A_37, %dma_wait3A_42] : memref<32768x128xf32, #tpu.memory_space<hbm>> -> memref<128x128xf32, #tpu.memory_space<hbm>>
    %dma_wait3A_44 = arith.constant 0 : i32
    %dma_wait3A_45 = tpu.memref_slice %arg4[%add3A_37, %dma_wait3A_44] : memref<32768x128xf32, #tpu.memory_space<hbm>> -> memref<128x128xf32, #tpu.memory_space<hbm>>
    tpu.wait_dma2 semaphore(%arg18 : memref<!tpu.dma_semaphore, #tpu.memory_space<semaphore_mem>>) src(%arg6 : memref<128x128xf32, #tpu.memory_space<vmem>>) dst(%dma_wait3A_45 : memref<128x128xf32, #tpu.memory_space<hbm>>)
    %dma_start3A_46 = arith.constant 768 : i32
    %dma_start3A_47 = tpu.memref_slice %arg5[%dma_start3A_46] : memref<1024xi32, #tpu.memory_space<vmem>> -> memref<128xi32, #tpu.memory_space<vmem>>
    %dma_start3A_48 = arith.constant 0 : i32
    %dma_start3A_49 = arith.constant 0 : i32
    %dma_start3A_50 = tpu.memref_slice %arg2[%dma_start3A_48, %dma_start3A_49] : memref<8192x128xf32, #tpu.memory_space<hbm>> -> memref<8192x128xf32, #tpu.memory_space<hbm>>
    tpu.enqueue_indirect_dma source(%dma_start3A_50 : memref<8192x128xf32, #tpu.memory_space<hbm>>) target(%arg6 : memref<128x128xf32, #tpu.memory_space<vmem>>) offsets(%dma_start3A_47 : memref<128xi32, #tpu.memory_space<vmem>>) semaphore(%arg12 : memref<!tpu.dma_semaphore, #tpu.memory_space<semaphore_mem>>)
    %dma_wait3A_51 = arith.constant 128 : i32
    %dma_wait3A_52 = tpu.memref_slice %arg5[%dma_wait3A_51] : memref<1024xi32, #tpu.memory_space<vmem>> -> memref<128xi32, #tpu.memory_space<vmem>>
    %dma_wait3A_53 = arith.constant 0 : i32
    %dma_wait3A_54 = arith.constant 0 : i32
    %dma_wait3A_55 = tpu.memref_slice %arg2[%dma_wait3A_53, %dma_wait3A_54] : memref<8192x128xf32, #tpu.memory_space<hbm>> -> memref<8192x128xf32, #tpu.memory_space<hbm>>
    tpu.wait_indirect_dma semaphore(%arg13 : memref<!tpu.dma_semaphore, #tpu.memory_space<semaphore_mem>>) src(%dma_wait3A_55 : memref<8192x128xf32, #tpu.memory_space<hbm>>) dst(%arg7 : memref<128x128xf32, #tpu.memory_space<vmem>>)
    %add3A_56 = arith.constant 128 : i32
    %add3A_57 = arith.addi %mul3A_2, %add3A_56 : i32
    %dma_start3A_58 = arith.constant 0 : i32
    %dma_start3A_59 = tpu.memref_slice %arg4[%add3A_57, %dma_start3A_58] : memref<32768x128xf32, #tpu.memory_space<hbm>> -> memref<128x128xf32, #tpu.memory_space<hbm>>
    %dma_start3A_60 = arith.constant 0 : i32
    %dma_start3A_61 = tpu.memref_slice %arg4[%add3A_57, %dma_start3A_60] : memref<32768x128xf32, #tpu.memory_space<hbm>> -> memref<128x128xf32, #tpu.memory_space<hbm>>
    tpu.enqueue_dma source(%arg7 : memref<128x128xf32, #tpu.memory_space<vmem>>) target(%dma_start3A_61 : memref<128x128xf32, #tpu.memory_space<hbm>>) target_semaphore(%arg19 : memref<!tpu.dma_semaphore, #tpu.memory_space<semaphore_mem>>)
    %dma_wait3A_62 = arith.constant 0 : i32
    %dma_wait3A_63 = tpu.memref_slice %arg4[%add3A_57, %dma_wait3A_62] : memref<32768x128xf32, #tpu.memory_space<hbm>> -> memref<128x128xf32, #tpu.memory_space<hbm>>
    %dma_wait3A_64 = arith.constant 0 : i32
    %dma_wait3A_65 = tpu.memref_slice %arg4[%add3A_57, %dma_wait3A_64] : memref<32768x128xf32, #tpu.memory_space<hbm>> -> memref<128x128xf32, #tpu.memory_space<hbm>>
    tpu.wait_dma2 semaphore(%arg19 : memref<!tpu.dma_semaphore, #tpu.memory_space<semaphore_mem>>) src(%arg7 : memref<128x128xf32, #tpu.memory_space<vmem>>) dst(%dma_wait3A_65 : memref<128x128xf32, #tpu.memory_space<hbm>>)
    %dma_start3A_66 = arith.constant 896 : i32
    %dma_start3A_67 = tpu.memref_slice %arg5[%dma_start3A_66] : memref<1024xi32, #tpu.memory_space<vmem>> -> memref<128xi32, #tpu.memory_space<vmem>>
    %dma_start3A_68 = arith.constant 0 : i32
    %dma_start3A_69 = arith.constant 0 : i32
    %dma_start3A_70 = tpu.memref_slice %arg2[%dma_start3A_68, %dma_start3A_69] : memref<8192x128xf32, #tpu.memory_space<hbm>> -> memref<8192x128xf32, #tpu.memory_space<hbm>>
    tpu.enqueue_indirect_dma source(%dma_start3A_70 : memref<8192x128xf32, #tpu.memory_space<hbm>>) target(%arg7 : memref<128x128xf32, #tpu.memory_space<vmem>>) offsets(%dma_start3A_67 : memref<128xi32, #tpu.memory_space<vmem>>) semaphore(%arg13 : memref<!tpu.dma_semaphore, #tpu.memory_space<semaphore_mem>>)
    %dma_wait3A_71 = arith.constant 256 : i32
    %dma_wait3A_72 = tpu.memref_slice %arg5[%dma_wait3A_71] : memref<1024xi32, #tpu.memory_space<vmem>> -> memref<128xi32, #tpu.memory_space<vmem>>
    %dma_wait3A_73 = arith.constant 0 : i32
    %dma_wait3A_74 = arith.constant 0 : i32
    %dma_wait3A_75 = tpu.memref_slice %arg2[%dma_wait3A_73, %dma_wait3A_74] : memref<8192x128xf32, #tpu.memory_space<hbm>> -> memref<8192x128xf32, #tpu.memory_space<hbm>>
    tpu.wait_indirect_dma semaphore(%arg14 : memref<!tpu.dma_semaphore, #tpu.memory_space<semaphore_mem>>) src(%dma_wait3A_75 : memref<8192x128xf32, #tpu.memory_space<hbm>>) dst(%arg8 : memref<128x128xf32, #tpu.memory_space<vmem>>)
    %add3A_76 = arith.constant 256 : i32
    %add3A_77 = arith.addi %mul3A_2, %add3A_76 : i32
    %dma_start3A_78 = arith.constant 0 : i32
    %dma_start3A_79 = tpu.memref_slice %arg4[%add3A_77, %dma_start3A_78] : memref<32768x128xf32, #tpu.memory_space<hbm>> -> memref<128x128xf32, #tpu.memory_space<hbm>>
    %dma_start3A_80 = arith.constant 0 : i32
    %dma_start3A_81 = tpu.memref_slice %arg4[%add3A_77, %dma_start3A_80] : memref<32768x128xf32, #tpu.memory_space<hbm>> -> memref<128x128xf32, #tpu.memory_space<hbm>>
    tpu.enqueue_dma source(%arg8 : memref<128x128xf32, #tpu.memory_space<vmem>>) target(%dma_start3A_81 : memref<128x128xf32, #tpu.memory_space<hbm>>) target_semaphore(%arg20 : memref<!tpu.dma_semaphore, #tpu.memory_space<semaphore_mem>>)
    %dma_wait3A_82 = arith.constant 384 : i32
    %dma_wait3A_83 = tpu.memref_slice %arg5[%dma_wait3A_82] : memref<1024xi32, #tpu.memory_space<vmem>> -> memref<128xi32, #tpu.memory_space<vmem>>
    %dma_wait3A_84 = arith.constant 0 : i32
    %dma_wait3A_85 = arith.constant 0 : i32
    %dma_wait3A_86 = tpu.memref_slice %arg2[%dma_wait3A_84, %dma_wait3A_85] : memref<8192x128xf32, #tpu.memory_space<hbm>> -> memref<8192x128xf32, #tpu.memory_space<hbm>>
    tpu.wait_indirect_dma semaphore(%arg15 : memref<!tpu.dma_semaphore, #tpu.memory_space<semaphore_mem>>) src(%dma_wait3A_86 : memref<8192x128xf32, #tpu.memory_space<hbm>>) dst(%arg9 : memref<128x128xf32, #tpu.memory_space<vmem>>)
    %add3A_87 = arith.constant 384 : i32
    %add3A_88 = arith.addi %mul3A_2, %add3A_87 : i32
    %dma_start3A_89 = arith.constant 0 : i32
    %dma_start3A_90 = tpu.memref_slice %arg4[%add3A_88, %dma_start3A_89] : memref<32768x128xf32, #tpu.memory_space<hbm>> -> memref<128x128xf32, #tpu.memory_space<hbm>>
    %dma_start3A_91 = arith.constant 0 : i32
    %dma_start3A_92 = tpu.memref_slice %arg4[%add3A_88, %dma_start3A_91] : memref<32768x128xf32, #tpu.memory_space<hbm>> -> memref<128x128xf32, #tpu.memory_space<hbm>>
    tpu.enqueue_dma source(%arg9 : memref<128x128xf32, #tpu.memory_space<vmem>>) target(%dma_start3A_92 : memref<128x128xf32, #tpu.memory_space<hbm>>) target_semaphore(%arg21 : memref<!tpu.dma_semaphore, #tpu.memory_space<semaphore_mem>>)
    %dma_wait3A_93 = arith.constant 512 : i32
    %dma_wait3A_94 = tpu.memref_slice %arg5[%dma_wait3A_93] : memref<1024xi32, #tpu.memory_space<vmem>> -> memref<128xi32, #tpu.memory_space<vmem>>
    %dma_wait3A_95 = arith.constant 0 : i32
    %dma_wait3A_96 = arith.constant 0 : i32
    %dma_wait3A_97 = tpu.memref_slice %arg2[%dma_wait3A_95, %dma_wait3A_96] : memref<8192x128xf32, #tpu.memory_space<hbm>> -> memref<8192x128xf32, #tpu.memory_space<hbm>>
    tpu.wait_indirect_dma semaphore(%arg16 : memref<!tpu.dma_semaphore, #tpu.memory_space<semaphore_mem>>) src(%dma_wait3A_97 : memref<8192x128xf32, #tpu.memory_space<hbm>>) dst(%arg10 : memref<128x128xf32, #tpu.memory_space<vmem>>)
    %add3A_98 = arith.constant 512 : i32
    %add3A_99 = arith.addi %mul3A_2, %add3A_98 : i32
    %dma_start3A_100 = arith.constant 0 : i32
    %dma_start3A_101 = tpu.memref_slice %arg4[%add3A_99, %dma_start3A_100] : memref<32768x128xf32, #tpu.memory_space<hbm>> -> memref<128x128xf32, #tpu.memory_space<hbm>>
    %dma_start3A_102 = arith.constant 0 : i32
    %dma_start3A_103 = tpu.memref_slice %arg4[%add3A_99, %dma_start3A_102] : memref<32768x128xf32, #tpu.memory_space<hbm>> -> memref<128x128xf32, #tpu.memory_space<hbm>>
    tpu.enqueue_dma source(%arg10 : memref<128x128xf32, #tpu.memory_space<vmem>>) target(%dma_start3A_103 : memref<128x128xf32, #tpu.memory_space<hbm>>) target_semaphore(%arg22 : memref<!tpu.dma_semaphore, #tpu.memory_space<semaphore_mem>>)
    %dma_wait3A_104 = arith.constant 640 : i32
    %dma_wait3A_105 = tpu.memref_slice %arg5[%dma_wait3A_104] : memref<1024xi32, #tpu.memory_space<vmem>> -> memref<128xi32, #tpu.memory_space<vmem>>
    %dma_wait3A_106 = arith.constant 0 : i32
    %dma_wait3A_107 = arith.constant 0 : i32
    %dma_wait3A_108 = tpu.memref_slice %arg2[%dma_wait3A_106, %dma_wait3A_107] : memref<8192x128xf32, #tpu.memory_space<hbm>> -> memref<8192x128xf32, #tpu.memory_space<hbm>>
    tpu.wait_indirect_dma semaphore(%arg17 : memref<!tpu.dma_semaphore, #tpu.memory_space<semaphore_mem>>) src(%dma_wait3A_108 : memref<8192x128xf32, #tpu.memory_space<hbm>>) dst(%arg11 : memref<128x128xf32, #tpu.memory_space<vmem>>)
    %add3A_109 = arith.constant 640 : i32
    %add3A_110 = arith.addi %mul3A_2, %add3A_109 : i32
    %dma_start3A_111 = arith.constant 0 : i32
    %dma_start3A_112 = tpu.memref_slice %arg4[%add3A_110, %dma_start3A_111] : memref<32768x128xf32, #tpu.memory_space<hbm>> -> memref<128x128xf32, #tpu.memory_space<hbm>>
    %dma_start3A_113 = arith.constant 0 : i32
    %dma_start3A_114 = tpu.memref_slice %arg4[%add3A_110, %dma_start3A_113] : memref<32768x128xf32, #tpu.memory_space<hbm>> -> memref<128x128xf32, #tpu.memory_space<hbm>>
    tpu.enqueue_dma source(%arg11 : memref<128x128xf32, #tpu.memory_space<vmem>>) target(%dma_start3A_114 : memref<128x128xf32, #tpu.memory_space<hbm>>) target_semaphore(%arg23 : memref<!tpu.dma_semaphore, #tpu.memory_space<semaphore_mem>>)
    %dma_wait3A_115 = arith.constant 768 : i32
    %dma_wait3A_116 = tpu.memref_slice %arg5[%dma_wait3A_115] : memref<1024xi32, #tpu.memory_space<vmem>> -> memref<128xi32, #tpu.memory_space<vmem>>
    %dma_wait3A_117 = arith.constant 0 : i32
    %dma_wait3A_118 = arith.constant 0 : i32
    %dma_wait3A_119 = tpu.memref_slice %arg2[%dma_wait3A_117, %dma_wait3A_118] : memref<8192x128xf32, #tpu.memory_space<hbm>> -> memref<8192x128xf32, #tpu.memory_space<hbm>>
    tpu.wait_indirect_dma semaphore(%arg12 : memref<!tpu.dma_semaphore, #tpu.memory_space<semaphore_mem>>) src(%dma_wait3A_119 : memref<8192x128xf32, #tpu.memory_space<hbm>>) dst(%arg6 : memref<128x128xf32, #tpu.memory_space<vmem>>)
    %add3A_120 = arith.constant 768 : i32
    %add3A_121 = arith.addi %mul3A_2, %add3A_120 : i32
    %dma_start3A_122 = arith.constant 0 : i32
    %dma_start3A_123 = tpu.memref_slice %arg4[%add3A_121, %dma_start3A_122] : memref<32768x128xf32, #tpu.memory_space<hbm>> -> memref<128x128xf32, #tpu.memory_space<hbm>>
    %dma_start3A_124 = arith.constant 0 : i32
    %dma_start3A_125 = tpu.memref_slice %arg4[%add3A_121, %dma_start3A_124] : memref<32768x128xf32, #tpu.memory_space<hbm>> -> memref<128x128xf32, #tpu.memory_space<hbm>>
    tpu.enqueue_dma source(%arg6 : memref<128x128xf32, #tpu.memory_space<vmem>>) target(%dma_start3A_125 : memref<128x128xf32, #tpu.memory_space<hbm>>) target_semaphore(%arg18 : memref<!tpu.dma_semaphore, #tpu.memory_space<semaphore_mem>>)
    %dma_wait3A_126 = arith.constant 896 : i32
    %dma_wait3A_127 = tpu.memref_slice %arg5[%dma_wait3A_126] : memref<1024xi32, #tpu.memory_space<vmem>> -> memref<128xi32, #tpu.memory_space<vmem>>
    %dma_wait3A_128 = arith.constant 0 : i32
    %dma_wait3A_129 = arith.constant 0 : i32
    %dma_wait3A_130 = tpu.memref_slice %arg2[%dma_wait3A_128, %dma_wait3A_129] : memref<8192x128xf32, #tpu.memory_space<hbm>> -> memref<8192x128xf32, #tpu.memory_space<hbm>>
    tpu.wait_indirect_dma semaphore(%arg13 : memref<!tpu.dma_semaphore, #tpu.memory_space<semaphore_mem>>) src(%dma_wait3A_130 : memref<8192x128xf32, #tpu.memory_space<hbm>>) dst(%arg7 : memref<128x128xf32, #tpu.memory_space<vmem>>)
    %add3A_131 = arith.constant 896 : i32
    %add3A_132 = arith.addi %mul3A_2, %add3A_131 : i32
    %dma_start3A_133 = arith.constant 0 : i32
    %dma_start3A_134 = tpu.memref_slice %arg4[%add3A_132, %dma_start3A_133] : memref<32768x128xf32, #tpu.memory_space<hbm>> -> memref<128x128xf32, #tpu.memory_space<hbm>>
    %dma_start3A_135 = arith.constant 0 : i32
    %dma_start3A_136 = tpu.memref_slice %arg4[%add3A_132, %dma_start3A_135] : memref<32768x128xf32, #tpu.memory_space<hbm>> -> memref<128x128xf32, #tpu.memory_space<hbm>>
    tpu.enqueue_dma source(%arg7 : memref<128x128xf32, #tpu.memory_space<vmem>>) target(%dma_start3A_136 : memref<128x128xf32, #tpu.memory_space<hbm>>) target_semaphore(%arg19 : memref<!tpu.dma_semaphore, #tpu.memory_space<semaphore_mem>>)
    %dma_wait3A_137 = arith.constant 0 : i32
    %dma_wait3A_138 = tpu.memref_slice %arg4[%add3A_77, %dma_wait3A_137] : memref<32768x128xf32, #tpu.memory_space<hbm>> -> memref<128x128xf32, #tpu.memory_space<hbm>>
    %dma_wait3A_139 = arith.constant 0 : i32
    %dma_wait3A_140 = tpu.memref_slice %arg4[%add3A_77, %dma_wait3A_139] : memref<32768x128xf32, #tpu.memory_space<hbm>> -> memref<128x128xf32, #tpu.memory_space<hbm>>
    tpu.wait_dma2 semaphore(%arg20 : memref<!tpu.dma_semaphore, #tpu.memory_space<semaphore_mem>>) src(%arg8 : memref<128x128xf32, #tpu.memory_space<vmem>>) dst(%dma_wait3A_140 : memref<128x128xf32, #tpu.memory_space<hbm>>)
    %dma_wait3A_141 = arith.constant 0 : i32
    %dma_wait3A_142 = tpu.memref_slice %arg4[%add3A_88, %dma_wait3A_141] : memref<32768x128xf32, #tpu.memory_space<hbm>> -> memref<128x128xf32, #tpu.memory_space<hbm>>
    %dma_wait3A_143 = arith.constant 0 : i32
    %dma_wait3A_144 = tpu.memref_slice %arg4[%add3A_88, %dma_wait3A_143] : memref<32768x128xf32, #tpu.memory_space<hbm>> -> memref<128x128xf32, #tpu.memory_space<hbm>>
    tpu.wait_dma2 semaphore(%arg21 : memref<!tpu.dma_semaphore, #tpu.memory_space<semaphore_mem>>) src(%arg9 : memref<128x128xf32, #tpu.memory_space<vmem>>) dst(%dma_wait3A_144 : memref<128x128xf32, #tpu.memory_space<hbm>>)
    %dma_wait3A_145 = arith.constant 0 : i32
    %dma_wait3A_146 = tpu.memref_slice %arg4[%add3A_99, %dma_wait3A_145] : memref<32768x128xf32, #tpu.memory_space<hbm>> -> memref<128x128xf32, #tpu.memory_space<hbm>>
    %dma_wait3A_147 = arith.constant 0 : i32
    %dma_wait3A_148 = tpu.memref_slice %arg4[%add3A_99, %dma_wait3A_147] : memref<32768x128xf32, #tpu.memory_space<hbm>> -> memref<128x128xf32, #tpu.memory_space<hbm>>
    tpu.wait_dma2 semaphore(%arg22 : memref<!tpu.dma_semaphore, #tpu.memory_space<semaphore_mem>>) src(%arg10 : memref<128x128xf32, #tpu.memory_space<vmem>>) dst(%dma_wait3A_148 : memref<128x128xf32, #tpu.memory_space<hbm>>)
    %dma_wait3A_149 = arith.constant 0 : i32
    %dma_wait3A_150 = tpu.memref_slice %arg4[%add3A_110, %dma_wait3A_149] : memref<32768x128xf32, #tpu.memory_space<hbm>> -> memref<128x128xf32, #tpu.memory_space<hbm>>
    %dma_wait3A_151 = arith.constant 0 : i32
    %dma_wait3A_152 = tpu.memref_slice %arg4[%add3A_110, %dma_wait3A_151] : memref<32768x128xf32, #tpu.memory_space<hbm>> -> memref<128x128xf32, #tpu.memory_space<hbm>>
    tpu.wait_dma2 semaphore(%arg23 : memref<!tpu.dma_semaphore, #tpu.memory_space<semaphore_mem>>) src(%arg11 : memref<128x128xf32, #tpu.memory_space<vmem>>) dst(%dma_wait3A_152 : memref<128x128xf32, #tpu.memory_space<hbm>>)
    %dma_wait3A_153 = arith.constant 0 : i32
    %dma_wait3A_154 = tpu.memref_slice %arg4[%add3A_121, %dma_wait3A_153] : memref<32768x128xf32, #tpu.memory_space<hbm>> -> memref<128x128xf32, #tpu.memory_space<hbm>>
    %dma_wait3A_155 = arith.constant 0 : i32
    %dma_wait3A_156 = tpu.memref_slice %arg4[%add3A_121, %dma_wait3A_155] : memref<32768x128xf32, #tpu.memory_space<hbm>> -> memref<128x128xf32, #tpu.memory_space<hbm>>
    tpu.wait_dma2 semaphore(%arg18 : memref<!tpu.dma_semaphore, #tpu.memory_space<semaphore_mem>>) src(%arg6 : memref<128x128xf32, #tpu.memory_space<vmem>>) dst(%dma_wait3A_156 : memref<128x128xf32, #tpu.memory_space<hbm>>)
    %dma_wait3A_157 = arith.constant 0 : i32
    %dma_wait3A_158 = tpu.memref_slice %arg4[%add3A_132, %dma_wait3A_157] : memref<32768x128xf32, #tpu.memory_space<hbm>> -> memref<128x128xf32, #tpu.memory_space<hbm>>
    %dma_wait3A_159 = arith.constant 0 : i32
    %dma_wait3A_160 = tpu.memref_slice %arg4[%add3A_132, %dma_wait3A_159] : memref<32768x128xf32, #tpu.memory_space<hbm>> -> memref<128x128xf32, #tpu.memory_space<hbm>>
    tpu.wait_dma2 semaphore(%arg19 : memref<!tpu.dma_semaphore, #tpu.memory_space<semaphore_mem>>) src(%arg7 : memref<128x128xf32, #tpu.memory_space<vmem>>) dst(%dma_wait3A_160 : memref<128x128xf32, #tpu.memory_space<hbm>>)
    return
  }
}

#map = affine_map<(d0, d1) -> (0, 0)>
#map1 = affine_map<(d0, d1) -> (0)>
module attributes {stable_mosaic.version = 14 : i64} {
  func.func @gather_kernel(%arg0: i32, %arg1: i32, %arg2: memref<8192x128xf32, #tpu.memory_space<hbm>>, %arg3: memref<32768xi32, #tpu.memory_space<hbm>>, %arg4: memref<32768x128xf32, #tpu.memory_space<hbm>>, %arg5: memref<1024xi32, #tpu.memory_space<vmem>>, %arg6: memref<128x128xf32, #tpu.memory_space<vmem>>, %arg7: memref<128x128xf32, #tpu.memory_space<vmem>>, %arg8: memref<128x128xf32, #tpu.memory_space<vmem>>, %arg9: memref<128x128xf32, #tpu.memory_space<vmem>>, %arg10: memref<128x128xf32, #tpu.memory_space<vmem>>, %arg11: memref<128x128xf32, #tpu.memory_space<vmem>>, %arg12: memref<!tpu.dma_semaphore, #tpu.memory_space<semaphore_mem>>, %arg13: memref<!tpu.dma_semaphore, #tpu.memory_space<semaphore_mem>>, %arg14: memref<!tpu.dma_semaphore, #tpu.memory_space<semaphore_mem>>, %arg15: memref<!tpu.dma_semaphore, #tpu.memory_space<semaphore_mem>>, %arg16: memref<!tpu.dma_semaphore, #tpu.memory_space<semaphore_mem>>, %arg17: memref<!tpu.dma_semaphore, #tpu.memory_space<semaphore_mem>>, %arg18: memref<!tpu.dma_semaphore, #tpu.memory_space<semaphore_mem>>, %arg19: memref<!tpu.dma_semaphore, #tpu.memory_space<semaphore_mem>>, %arg20: memref<!tpu.dma_semaphore, #tpu.memory_space<semaphore_mem>>, %arg21: memref<!tpu.dma_semaphore, #tpu.memory_space<semaphore_mem>>, %arg22: memref<!tpu.dma_semaphore, #tpu.memory_space<semaphore_mem>>, %arg23: memref<!tpu.dma_semaphore, #tpu.memory_space<semaphore_mem>>) attributes {dimension_semantics = [#tpu.dimension_semantics<core_parallel>, #tpu.dimension_semantics<subcore_parallel>], iteration_bounds = array<i64: 2, 16>, scalar_prefetch = 0 : i64, scratch_operands = 19 : i64, tpu.core_type = #tpu.core_type<sc_vector_subcore>, window_params = [{transform_indices = #map}, {transform_indices = #map1}, {transform_indices = #map}]} {
    %mul3A = arith.constant 2 : i32
    %mul3A_0 = arith.muli %arg1, %mul3A : i32
    %add3A = arith.addi %mul3A_0, %arg0 : i32
    %mul3A_1 = arith.constant 1024 : i32
    %mul3A_2 = arith.muli %add3A, %mul3A_1 : i32
    "tpu.region"() ({
      %run_scoped3A = tpu.sem_alloc : memref<!tpu.dma_semaphore, #tpu.memory_space<semaphore_mem>>
      %dma_start3A_161 = tpu.memref_slice %arg3[%mul3A_2] : memref<32768xi32, #tpu.memory_space<hbm>> -> memref<1024xi32, #tpu.memory_space<hbm>>
      %dma_start3A_162 = tpu.memref_slice %arg3[%mul3A_2] : memref<32768xi32, #tpu.memory_space<hbm>> -> memref<1024xi32, #tpu.memory_space<hbm>>
      tpu.enqueue_dma source(%dma_start3A_162 : memref<1024xi32, #tpu.memory_space<hbm>>) target(%arg5 : memref<1024xi32, #tpu.memory_space<vmem>>) target_semaphore(%run_scoped3A : memref<!tpu.dma_semaphore, #tpu.memory_space<semaphore_mem>>)
      %dma_wait3A_163 = tpu.memref_slice %arg3[%mul3A_2] : memref<32768xi32, #tpu.memory_space<hbm>> -> memref<1024xi32, #tpu.memory_space<hbm>>
      %dma_wait3A_164 = tpu.memref_slice %arg3[%mul3A_2] : memref<32768xi32, #tpu.memory_space<hbm>> -> memref<1024xi32, #tpu.memory_space<hbm>>
      tpu.wait_dma2 semaphore(%run_scoped3A : memref<!tpu.dma_semaphore, #tpu.memory_space<semaphore_mem>>) src(%dma_wait3A_164 : memref<1024xi32, #tpu.memory_space<hbm>>) dst(%arg5 : memref<1024xi32, #tpu.memory_space<vmem>>)
      tpu.yield
    }) : () -> ()
    %dma_start3A = arith.constant 0 : i32
    %dma_start3A_3 = tpu.memref_slice %arg5[%dma_start3A] : memref<1024xi32, #tpu.memory_space<vmem>> -> memref<128xi32, #tpu.memory_space<vmem>>
    %dma_start3A_4 = arith.constant 0 : i32
    %dma_start3A_5 = arith.constant 0 : i32
    %dma_start3A_6 = tpu.memref_slice %arg2[%dma_start3A_4, %dma_start3A_5] : memref<8192x128xf32, #tpu.memory_space<hbm>> -> memref<8192x128xf32, #tpu.memory_space<hbm>>
    tpu.enqueue_indirect_dma source(%dma_start3A_6 : memref<8192x128xf32, #tpu.memory_space<hbm>>) target(%arg6 : memref<128x128xf32, #tpu.memory_space<vmem>>) offsets(%dma_start3A_3 : memref<128xi32, #tpu.memory_space<vmem>>) semaphore(%arg12 : memref<!tpu.dma_semaphore, #tpu.memory_space<semaphore_mem>>)
    %dma_start3A_7 = arith.constant 128 : i32
    %dma_start3A_8 = tpu.memref_slice %arg5[%dma_start3A_7] : memref<1024xi32, #tpu.memory_space<vmem>> -> memref<128xi32, #tpu.memory_space<vmem>>
    %dma_start3A_9 = arith.constant 0 : i32
    %dma_start3A_10 = arith.constant 0 : i32
    %dma_start3A_11 = tpu.memref_slice %arg2[%dma_start3A_9, %dma_start3A_10] : memref<8192x128xf32, #tpu.memory_space<hbm>> -> memref<8192x128xf32, #tpu.memory_space<hbm>>
    tpu.enqueue_indirect_dma source(%dma_start3A_11 : memref<8192x128xf32, #tpu.memory_space<hbm>>) target(%arg7 : memref<128x128xf32, #tpu.memory_space<vmem>>) offsets(%dma_start3A_8 : memref<128xi32, #tpu.memory_space<vmem>>) semaphore(%arg13 : memref<!tpu.dma_semaphore, #tpu.memory_space<semaphore_mem>>)
    %dma_start3A_12 = arith.constant 256 : i32
    %dma_start3A_13 = tpu.memref_slice %arg5[%dma_start3A_12] : memref<1024xi32, #tpu.memory_space<vmem>> -> memref<128xi32, #tpu.memory_space<vmem>>
    %dma_start3A_14 = arith.constant 0 : i32
    %dma_start3A_15 = arith.constant 0 : i32
    %dma_start3A_16 = tpu.memref_slice %arg2[%dma_start3A_14, %dma_start3A_15] : memref<8192x128xf32, #tpu.memory_space<hbm>> -> memref<8192x128xf32, #tpu.memory_space<hbm>>
    tpu.enqueue_indirect_dma source(%dma_start3A_16 : memref<8192x128xf32, #tpu.memory_space<hbm>>) target(%arg8 : memref<128x128xf32, #tpu.memory_space<vmem>>) offsets(%dma_start3A_13 : memref<128xi32, #tpu.memory_space<vmem>>) semaphore(%arg14 : memref<!tpu.dma_semaphore, #tpu.memory_space<semaphore_mem>>)
    %dma_start3A_17 = arith.constant 384 : i32
    %dma_start3A_18 = tpu.memref_slice %arg5[%dma_start3A_17] : memref<1024xi32, #tpu.memory_space<vmem>> -> memref<128xi32, #tpu.memory_space<vmem>>
    %dma_start3A_19 = arith.constant 0 : i32
    %dma_start3A_20 = arith.constant 0 : i32
    %dma_start3A_21 = tpu.memref_slice %arg2[%dma_start3A_19, %dma_start3A_20] : memref<8192x128xf32, #tpu.memory_space<hbm>> -> memref<8192x128xf32, #tpu.memory_space<hbm>>
    tpu.enqueue_indirect_dma source(%dma_start3A_21 : memref<8192x128xf32, #tpu.memory_space<hbm>>) target(%arg9 : memref<128x128xf32, #tpu.memory_space<vmem>>) offsets(%dma_start3A_18 : memref<128xi32, #tpu.memory_space<vmem>>) semaphore(%arg15 : memref<!tpu.dma_semaphore, #tpu.memory_space<semaphore_mem>>)
    %dma_start3A_22 = arith.constant 512 : i32
    %dma_start3A_23 = tpu.memref_slice %arg5[%dma_start3A_22] : memref<1024xi32, #tpu.memory_space<vmem>> -> memref<128xi32, #tpu.memory_space<vmem>>
    %dma_start3A_24 = arith.constant 0 : i32
    %dma_start3A_25 = arith.constant 0 : i32
    %dma_start3A_26 = tpu.memref_slice %arg2[%dma_start3A_24, %dma_start3A_25] : memref<8192x128xf32, #tpu.memory_space<hbm>> -> memref<8192x128xf32, #tpu.memory_space<hbm>>
    tpu.enqueue_indirect_dma source(%dma_start3A_26 : memref<8192x128xf32, #tpu.memory_space<hbm>>) target(%arg10 : memref<128x128xf32, #tpu.memory_space<vmem>>) offsets(%dma_start3A_23 : memref<128xi32, #tpu.memory_space<vmem>>) semaphore(%arg16 : memref<!tpu.dma_semaphore, #tpu.memory_space<semaphore_mem>>)
    %dma_start3A_27 = arith.constant 640 : i32
    %dma_start3A_28 = tpu.memref_slice %arg5[%dma_start3A_27] : memref<1024xi32, #tpu.memory_space<vmem>> -> memref<128xi32, #tpu.memory_space<vmem>>
    %dma_start3A_29 = arith.constant 0 : i32
    %dma_start3A_30 = arith.constant 0 : i32
    %dma_start3A_31 = tpu.memref_slice %arg2[%dma_start3A_29, %dma_start3A_30] : memref<8192x128xf32, #tpu.memory_space<hbm>> -> memref<8192x128xf32, #tpu.memory_space<hbm>>
    tpu.enqueue_indirect_dma source(%dma_start3A_31 : memref<8192x128xf32, #tpu.memory_space<hbm>>) target(%arg11 : memref<128x128xf32, #tpu.memory_space<vmem>>) offsets(%dma_start3A_28 : memref<128xi32, #tpu.memory_space<vmem>>) semaphore(%arg17 : memref<!tpu.dma_semaphore, #tpu.memory_space<semaphore_mem>>)
    %dma_wait3A = arith.constant 0 : i32
    %dma_wait3A_32 = tpu.memref_slice %arg5[%dma_wait3A] : memref<1024xi32, #tpu.memory_space<vmem>> -> memref<128xi32, #tpu.memory_space<vmem>>
    %dma_wait3A_33 = arith.constant 0 : i32
    %dma_wait3A_34 = arith.constant 0 : i32
    %dma_wait3A_35 = tpu.memref_slice %arg2[%dma_wait3A_33, %dma_wait3A_34] : memref<8192x128xf32, #tpu.memory_space<hbm>> -> memref<8192x128xf32, #tpu.memory_space<hbm>>
    tpu.wait_indirect_dma semaphore(%arg12 : memref<!tpu.dma_semaphore, #tpu.memory_space<semaphore_mem>>) src(%dma_wait3A_35 : memref<8192x128xf32, #tpu.memory_space<hbm>>) dst(%arg6 : memref<128x128xf32, #tpu.memory_space<vmem>>)
    %add3A_36 = arith.constant 0 : i32
    %add3A_37 = arith.addi %mul3A_2, %add3A_36 : i32
    %dma_start3A_38 = arith.constant 0 : i32
    %dma_start3A_39 = tpu.memref_slice %arg4[%add3A_37, %dma_start3A_38] : memref<32768x128xf32, #tpu.memory_space<hbm>> -> memref<128x128xf32, #tpu.memory_space<hbm>>
    %dma_start3A_40 = arith.constant 0 : i32
    %dma_start3A_41 = tpu.memref_slice %arg4[%add3A_37, %dma_start3A_40] : memref<32768x128xf32, #tpu.memory_space<hbm>> -> memref<128x128xf32, #tpu.memory_space<hbm>>
    tpu.enqueue_dma source(%arg6 : memref<128x128xf32, #tpu.memory_space<vmem>>) target(%dma_start3A_41 : memref<128x128xf32, #tpu.memory_space<hbm>>) target_semaphore(%arg18 : memref<!tpu.dma_semaphore, #tpu.memory_space<semaphore_mem>>)
    %dma_wait3A_42 = arith.constant 0 : i32
    %dma_wait3A_43 = tpu.memref_slice %arg4[%add3A_37, %dma_wait3A_42] : memref<32768x128xf32, #tpu.memory_space<hbm>> -> memref<128x128xf32, #tpu.memory_space<hbm>>
    %dma_wait3A_44 = arith.constant 0 : i32
    %dma_wait3A_45 = tpu.memref_slice %arg4[%add3A_37, %dma_wait3A_44] : memref<32768x128xf32, #tpu.memory_space<hbm>> -> memref<128x128xf32, #tpu.memory_space<hbm>>
    tpu.wait_dma2 semaphore(%arg18 : memref<!tpu.dma_semaphore, #tpu.memory_space<semaphore_mem>>) src(%arg6 : memref<128x128xf32, #tpu.memory_space<vmem>>) dst(%dma_wait3A_45 : memref<128x128xf32, #tpu.memory_space<hbm>>)
    %dma_start3A_46 = arith.constant 768 : i32
    %dma_start3A_47 = tpu.memref_slice %arg5[%dma_start3A_46] : memref<1024xi32, #tpu.memory_space<vmem>> -> memref<128xi32, #tpu.memory_space<vmem>>
    %dma_start3A_48 = arith.constant 0 : i32
    %dma_start3A_49 = arith.constant 0 : i32
    %dma_start3A_50 = tpu.memref_slice %arg2[%dma_start3A_48, %dma_start3A_49] : memref<8192x128xf32, #tpu.memory_space<hbm>> -> memref<8192x128xf32, #tpu.memory_space<hbm>>
    tpu.enqueue_indirect_dma source(%dma_start3A_50 : memref<8192x128xf32, #tpu.memory_space<hbm>>) target(%arg6 : memref<128x128xf32, #tpu.memory_space<vmem>>) offsets(%dma_start3A_47 : memref<128xi32, #tpu.memory_space<vmem>>) semaphore(%arg12 : memref<!tpu.dma_semaphore, #tpu.memory_space<semaphore_mem>>)
    %dma_wait3A_51 = arith.constant 128 : i32
    %dma_wait3A_52 = tpu.memref_slice %arg5[%dma_wait3A_51] : memref<1024xi32, #tpu.memory_space<vmem>> -> memref<128xi32, #tpu.memory_space<vmem>>
    %dma_wait3A_53 = arith.constant 0 : i32
    %dma_wait3A_54 = arith.constant 0 : i32
    %dma_wait3A_55 = tpu.memref_slice %arg2[%dma_wait3A_53, %dma_wait3A_54] : memref<8192x128xf32, #tpu.memory_space<hbm>> -> memref<8192x128xf32, #tpu.memory_space<hbm>>
    tpu.wait_indirect_dma semaphore(%arg13 : memref<!tpu.dma_semaphore, #tpu.memory_space<semaphore_mem>>) src(%dma_wait3A_55 : memref<8192x128xf32, #tpu.memory_space<hbm>>) dst(%arg7 : memref<128x128xf32, #tpu.memory_space<vmem>>)
    %add3A_56 = arith.constant 128 : i32
    %add3A_57 = arith.addi %mul3A_2, %add3A_56 : i32
    %dma_start3A_58 = arith.constant 0 : i32
    %dma_start3A_59 = tpu.memref_slice %arg4[%add3A_57, %dma_start3A_58] : memref<32768x128xf32, #tpu.memory_space<hbm>> -> memref<128x128xf32, #tpu.memory_space<hbm>>
    %dma_start3A_60 = arith.constant 0 : i32
    %dma_start3A_61 = tpu.memref_slice %arg4[%add3A_57, %dma_start3A_60] : memref<32768x128xf32, #tpu.memory_space<hbm>> -> memref<128x128xf32, #tpu.memory_space<hbm>>
    tpu.enqueue_dma source(%arg7 : memref<128x128xf32, #tpu.memory_space<vmem>>) target(%dma_start3A_61 : memref<128x128xf32, #tpu.memory_space<hbm>>) target_semaphore(%arg19 : memref<!tpu.dma_semaphore, #tpu.memory_space<semaphore_mem>>)
    %dma_wait3A_62 = arith.constant 0 : i32
    %dma_wait3A_63 = tpu.memref_slice %arg4[%add3A_57, %dma_wait3A_62] : memref<32768x128xf32, #tpu.memory_space<hbm>> -> memref<128x128xf32, #tpu.memory_space<hbm>>
    %dma_wait3A_64 = arith.constant 0 : i32
    %dma_wait3A_65 = tpu.memref_slice %arg4[%add3A_57, %dma_wait3A_64] : memref<32768x128xf32, #tpu.memory_space<hbm>> -> memref<128x128xf32, #tpu.memory_space<hbm>>
    tpu.wait_dma2 semaphore(%arg19 : memref<!tpu.dma_semaphore, #tpu.memory_space<semaphore_mem>>) src(%arg7 : memref<128x128xf32, #tpu.memory_space<vmem>>) dst(%dma_wait3A_65 : memref<128x128xf32, #tpu.memory_space<hbm>>)
    %dma_start3A_66 = arith.constant 896 : i32
    %dma_start3A_67 = tpu.memref_slice %arg5[%dma_start3A_66] : memref<1024xi32, #tpu.memory_space<vmem>> -> memref<128xi32, #tpu.memory_space<vmem>>
    %dma_start3A_68 = arith.constant 0 : i32
    %dma_start3A_69 = arith.constant 0 : i32
    %dma_start3A_70 = tpu.memref_slice %arg2[%dma_start3A_68, %dma_start3A_69] : memref<8192x128xf32, #tpu.memory_space<hbm>> -> memref<8192x128xf32, #tpu.memory_space<hbm>>
    tpu.enqueue_indirect_dma source(%dma_start3A_70 : memref<8192x128xf32, #tpu.memory_space<hbm>>) target(%arg7 : memref<128x128xf32, #tpu.memory_space<vmem>>) offsets(%dma_start3A_67 : memref<128xi32, #tpu.memory_space<vmem>>) semaphore(%arg13 : memref<!tpu.dma_semaphore, #tpu.memory_space<semaphore_mem>>)
    %dma_wait3A_71 = arith.constant 256 : i32
    %dma_wait3A_72 = tpu.memref_slice %arg5[%dma_wait3A_71] : memref<1024xi32, #tpu.memory_space<vmem>> -> memref<128xi32, #tpu.memory_space<vmem>>
    %dma_wait3A_73 = arith.constant 0 : i32
    %dma_wait3A_74 = arith.constant 0 : i32
    %dma_wait3A_75 = tpu.memref_slice %arg2[%dma_wait3A_73, %dma_wait3A_74] : memref<8192x128xf32, #tpu.memory_space<hbm>> -> memref<8192x128xf32, #tpu.memory_space<hbm>>
    tpu.wait_indirect_dma semaphore(%arg14 : memref<!tpu.dma_semaphore, #tpu.memory_space<semaphore_mem>>) src(%dma_wait3A_75 : memref<8192x128xf32, #tpu.memory_space<hbm>>) dst(%arg8 : memref<128x128xf32, #tpu.memory_space<vmem>>)
    %add3A_76 = arith.constant 256 : i32
    %add3A_77 = arith.addi %mul3A_2, %add3A_76 : i32
    %dma_start3A_78 = arith.constant 0 : i32
    %dma_start3A_79 = tpu.memref_slice %arg4[%add3A_77, %dma_start3A_78] : memref<32768x128xf32, #tpu.memory_space<hbm>> -> memref<128x128xf32, #tpu.memory_space<hbm>>
    %dma_start3A_80 = arith.constant 0 : i32
    %dma_start3A_81 = tpu.memref_slice %arg4[%add3A_77, %dma_start3A_80] : memref<32768x128xf32, #tpu.memory_space<hbm>> -> memref<128x128xf32, #tpu.memory_space<hbm>>
    tpu.enqueue_dma source(%arg8 : memref<128x128xf32, #tpu.memory_space<vmem>>) target(%dma_start3A_81 : memref<128x128xf32, #tpu.memory_space<hbm>>) target_semaphore(%arg20 : memref<!tpu.dma_semaphore, #tpu.memory_space<semaphore_mem>>)
    %dma_wait3A_82 = arith.constant 384 : i32
    %dma_wait3A_83 = tpu.memref_slice %arg5[%dma_wait3A_82] : memref<1024xi32, #tpu.memory_space<vmem>> -> memref<128xi32, #tpu.memory_space<vmem>>
    %dma_wait3A_84 = arith.constant 0 : i32
    %dma_wait3A_85 = arith.constant 0 : i32
    %dma_wait3A_86 = tpu.memref_slice %arg2[%dma_wait3A_84, %dma_wait3A_85] : memref<8192x128xf32, #tpu.memory_space<hbm>> -> memref<8192x128xf32, #tpu.memory_space<hbm>>
    tpu.wait_indirect_dma semaphore(%arg15 : memref<!tpu.dma_semaphore, #tpu.memory_space<semaphore_mem>>) src(%dma_wait3A_86 : memref<8192x128xf32, #tpu.memory_space<hbm>>) dst(%arg9 : memref<128x128xf32, #tpu.memory_space<vmem>>)
    %add3A_87 = arith.constant 384 : i32
    %add3A_88 = arith.addi %mul3A_2, %add3A_87 : i32
    %dma_start3A_89 = arith.constant 0 : i32
    %dma_start3A_90 = tpu.memref_slice %arg4[%add3A_88, %dma_start3A_89] : memref<32768x128xf32, #tpu.memory_space<hbm>> -> memref<128x128xf32, #tpu.memory_space<hbm>>
    %dma_start3A_91 = arith.constant 0 : i32
    %dma_start3A_92 = tpu.memref_slice %arg4[%add3A_88, %dma_start3A_91] : memref<32768x128xf32, #tpu.memory_space<hbm>> -> memref<128x128xf32, #tpu.memory_space<hbm>>
    tpu.enqueue_dma source(%arg9 : memref<128x128xf32, #tpu.memory_space<vmem>>) target(%dma_start3A_92 : memref<128x128xf32, #tpu.memory_space<hbm>>) target_semaphore(%arg21 : memref<!tpu.dma_semaphore, #tpu.memory_space<semaphore_mem>>)
    %dma_wait3A_93 = arith.constant 512 : i32
    %dma_wait3A_94 = tpu.memref_slice %arg5[%dma_wait3A_93] : memref<1024xi32, #tpu.memory_space<vmem>> -> memref<128xi32, #tpu.memory_space<vmem>>
    %dma_wait3A_95 = arith.constant 0 : i32
    %dma_wait3A_96 = arith.constant 0 : i32
    %dma_wait3A_97 = tpu.memref_slice %arg2[%dma_wait3A_95, %dma_wait3A_96] : memref<8192x128xf32, #tpu.memory_space<hbm>> -> memref<8192x128xf32, #tpu.memory_space<hbm>>
    tpu.wait_indirect_dma semaphore(%arg16 : memref<!tpu.dma_semaphore, #tpu.memory_space<semaphore_mem>>) src(%dma_wait3A_97 : memref<8192x128xf32, #tpu.memory_space<hbm>>) dst(%arg10 : memref<128x128xf32, #tpu.memory_space<vmem>>)
    %add3A_98 = arith.constant 512 : i32
    %add3A_99 = arith.addi %mul3A_2, %add3A_98 : i32
    %dma_start3A_100 = arith.constant 0 : i32
    %dma_start3A_101 = tpu.memref_slice %arg4[%add3A_99, %dma_start3A_100] : memref<32768x128xf32, #tpu.memory_space<hbm>> -> memref<128x128xf32, #tpu.memory_space<hbm>>
    %dma_start3A_102 = arith.constant 0 : i32
    %dma_start3A_103 = tpu.memref_slice %arg4[%add3A_99, %dma_start3A_102] : memref<32768x128xf32, #tpu.memory_space<hbm>> -> memref<128x128xf32, #tpu.memory_space<hbm>>
    tpu.enqueue_dma source(%arg10 : memref<128x128xf32, #tpu.memory_space<vmem>>) target(%dma_start3A_103 : memref<128x128xf32, #tpu.memory_space<hbm>>) target_semaphore(%arg22 : memref<!tpu.dma_semaphore, #tpu.memory_space<semaphore_mem>>)
    %dma_wait3A_104 = arith.constant 640 : i32
    %dma_wait3A_105 = tpu.memref_slice %arg5[%dma_wait3A_104] : memref<1024xi32, #tpu.memory_space<vmem>> -> memref<128xi32, #tpu.memory_space<vmem>>
    %dma_wait3A_106 = arith.constant 0 : i32
    %dma_wait3A_107 = arith.constant 0 : i32
    %dma_wait3A_108 = tpu.memref_slice %arg2[%dma_wait3A_106, %dma_wait3A_107] : memref<8192x128xf32, #tpu.memory_space<hbm>> -> memref<8192x128xf32, #tpu.memory_space<hbm>>
    tpu.wait_indirect_dma semaphore(%arg17 : memref<!tpu.dma_semaphore, #tpu.memory_space<semaphore_mem>>) src(%dma_wait3A_108 : memref<8192x128xf32, #tpu.memory_space<hbm>>) dst(%arg11 : memref<128x128xf32, #tpu.memory_space<vmem>>)
    %add3A_109 = arith.constant 640 : i32
    %add3A_110 = arith.addi %mul3A_2, %add3A_109 : i32
    %dma_start3A_111 = arith.constant 0 : i32
    %dma_start3A_112 = tpu.memref_slice %arg4[%add3A_110, %dma_start3A_111] : memref<32768x128xf32, #tpu.memory_space<hbm>> -> memref<128x128xf32, #tpu.memory_space<hbm>>
    %dma_start3A_113 = arith.constant 0 : i32
    %dma_start3A_114 = tpu.memref_slice %arg4[%add3A_110, %dma_start3A_113] : memref<32768x128xf32, #tpu.memory_space<hbm>> -> memref<128x128xf32, #tpu.memory_space<hbm>>
    tpu.enqueue_dma source(%arg11 : memref<128x128xf32, #tpu.memory_space<vmem>>) target(%dma_start3A_114 : memref<128x128xf32, #tpu.memory_space<hbm>>) target_semaphore(%arg23 : memref<!tpu.dma_semaphore, #tpu.memory_space<semaphore_mem>>)
    %dma_wait3A_115 = arith.constant 768 : i32
    %dma_wait3A_116 = tpu.memref_slice %arg5[%dma_wait3A_115] : memref<1024xi32, #tpu.memory_space<vmem>> -> memref<128xi32, #tpu.memory_space<vmem>>
    %dma_wait3A_117 = arith.constant 0 : i32
    %dma_wait3A_118 = arith.constant 0 : i32
    %dma_wait3A_119 = tpu.memref_slice %arg2[%dma_wait3A_117, %dma_wait3A_118] : memref<8192x128xf32, #tpu.memory_space<hbm>> -> memref<8192x128xf32, #tpu.memory_space<hbm>>
    tpu.wait_indirect_dma semaphore(%arg12 : memref<!tpu.dma_semaphore, #tpu.memory_space<semaphore_mem>>) src(%dma_wait3A_119 : memref<8192x128xf32, #tpu.memory_space<hbm>>) dst(%arg6 : memref<128x128xf32, #tpu.memory_space<vmem>>)
    %add3A_120 = arith.constant 768 : i32
    %add3A_121 = arith.addi %mul3A_2, %add3A_120 : i32
    %dma_start3A_122 = arith.constant 0 : i32
    %dma_start3A_123 = tpu.memref_slice %arg4[%add3A_121, %dma_start3A_122] : memref<32768x128xf32, #tpu.memory_space<hbm>> -> memref<128x128xf32, #tpu.memory_space<hbm>>
    %dma_start3A_124 = arith.constant 0 : i32
    %dma_start3A_125 = tpu.memref_slice %arg4[%add3A_121, %dma_start3A_124] : memref<32768x128xf32, #tpu.memory_space<hbm>> -> memref<128x128xf32, #tpu.memory_space<hbm>>
    tpu.enqueue_dma source(%arg6 : memref<128x128xf32, #tpu.memory_space<vmem>>) target(%dma_start3A_125 : memref<128x128xf32, #tpu.memory_space<hbm>>) target_semaphore(%arg18 : memref<!tpu.dma_semaphore, #tpu.memory_space<semaphore_mem>>)
    %dma_wait3A_126 = arith.constant 896 : i32
    %dma_wait3A_127 = tpu.memref_slice %arg5[%dma_wait3A_126] : memref<1024xi32, #tpu.memory_space<vmem>> -> memref<128xi32, #tpu.memory_space<vmem>>
    %dma_wait3A_128 = arith.constant 0 : i32
    %dma_wait3A_129 = arith.constant 0 : i32
    %dma_wait3A_130 = tpu.memref_slice %arg2[%dma_wait3A_128, %dma_wait3A_129] : memref<8192x128xf32, #tpu.memory_space<hbm>> -> memref<8192x128xf32, #tpu.memory_space<hbm>>
    tpu.wait_indirect_dma semaphore(%arg13 : memref<!tpu.dma_semaphore, #tpu.memory_space<semaphore_mem>>) src(%dma_wait3A_130 : memref<8192x128xf32, #tpu.memory_space<hbm>>) dst(%arg7 : memref<128x128xf32, #tpu.memory_space<vmem>>)
    %add3A_131 = arith.constant 896 : i32
    %add3A_132 = arith.addi %mul3A_2, %add3A_131 : i32
    %dma_start3A_133 = arith.constant 0 : i32
    %dma_start3A_134 = tpu.memref_slice %arg4[%add3A_132, %dma_start3A_133] : memref<32768x128xf32, #tpu.memory_space<hbm>> -> memref<128x128xf32, #tpu.memory_space<hbm>>
    %dma_start3A_135 = arith.constant 0 : i32
    %dma_start3A_136 = tpu.memref_slice %arg4[%add3A_132, %dma_start3A_135] : memref<32768x128xf32, #tpu.memory_space<hbm>> -> memref<128x128xf32, #tpu.memory_space<hbm>>
    tpu.enqueue_dma source(%arg7 : memref<128x128xf32, #tpu.memory_space<vmem>>) target(%dma_start3A_136 : memref<128x128xf32, #tpu.memory_space<hbm>>) target_semaphore(%arg19 : memref<!tpu.dma_semaphore, #tpu.memory_space<semaphore_mem>>)
    %dma_wait3A_137 = arith.constant 0 : i32
    %dma_wait3A_138 = tpu.memref_slice %arg4[%add3A_77, %dma_wait3A_137] : memref<32768x128xf32, #tpu.memory_space<hbm>> -> memref<128x128xf32, #tpu.memory_space<hbm>>
    %dma_wait3A_139 = arith.constant 0 : i32
    %dma_wait3A_140 = tpu.memref_slice %arg4[%add3A_77, %dma_wait3A_139] : memref<32768x128xf32, #tpu.memory_space<hbm>> -> memref<128x128xf32, #tpu.memory_space<hbm>>
    tpu.wait_dma2 semaphore(%arg20 : memref<!tpu.dma_semaphore, #tpu.memory_space<semaphore_mem>>) src(%arg8 : memref<128x128xf32, #tpu.memory_space<vmem>>) dst(%dma_wait3A_140 : memref<128x128xf32, #tpu.memory_space<hbm>>)
    %dma_wait3A_141 = arith.constant 0 : i32
    %dma_wait3A_142 = tpu.memref_slice %arg4[%add3A_88, %dma_wait3A_141] : memref<32768x128xf32, #tpu.memory_space<hbm>> -> memref<128x128xf32, #tpu.memory_space<hbm>>
    %dma_wait3A_143 = arith.constant 0 : i32
    %dma_wait3A_144 = tpu.memref_slice %arg4[%add3A_88, %dma_wait3A_143] : memref<32768x128xf32, #tpu.memory_space<hbm>> -> memref<128x128xf32, #tpu.memory_space<hbm>>
    tpu.wait_dma2 semaphore(%arg21 : memref<!tpu.dma_semaphore, #tpu.memory_space<semaphore_mem>>) src(%arg9 : memref<128x128xf32, #tpu.memory_space<vmem>>) dst(%dma_wait3A_144 : memref<128x128xf32, #tpu.memory_space<hbm>>)
    %dma_wait3A_145 = arith.constant 0 : i32
    %dma_wait3A_146 = tpu.memref_slice %arg4[%add3A_99, %dma_wait3A_145] : memref<32768x128xf32, #tpu.memory_space<hbm>> -> memref<128x128xf32, #tpu.memory_space<hbm>>
    %dma_wait3A_147 = arith.constant 0 : i32
    %dma_wait3A_148 = tpu.memref_slice %arg4[%add3A_99, %dma_wait3A_147] : memref<32768x128xf32, #tpu.memory_space<hbm>> -> memref<128x128xf32, #tpu.memory_space<hbm>>
    tpu.wait_dma2 semaphore(%arg22 : memref<!tpu.dma_semaphore, #tpu.memory_space<semaphore_mem>>) src(%arg10 : memref<128x128xf32, #tpu.memory_space<vmem>>) dst(%dma_wait3A_148 : memref<128x128xf32, #tpu.memory_space<hbm>>)
    %dma_wait3A_149 = arith.constant 0 : i32
    %dma_wait3A_150 = tpu.memref_slice %arg4[%add3A_110, %dma_wait3A_149] : memref<32768x128xf32, #tpu.memory_space<hbm>> -> memref<128x128xf32, #tpu.memory_space<hbm>>
    %dma_wait3A_151 = arith.constant 0 : i32
    %dma_wait3A_152 = tpu.memref_slice %arg4[%add3A_110, %dma_wait3A_151] : memref<32768x128xf32, #tpu.memory_space<hbm>> -> memref<128x128xf32, #tpu.memory_space<hbm>>
    tpu.wait_dma2 semaphore(%arg23 : memref<!tpu.dma_semaphore, #tpu.memory_space<semaphore_mem>>) src(%arg11 : memref<128x128xf32, #tpu.memory_space<vmem>>) dst(%dma_wait3A_152 : memref<128x128xf32, #tpu.memory_space<hbm>>)
    %dma_wait3A_153 = arith.constant 0 : i32
    %dma_wait3A_154 = tpu.memref_slice %arg4[%add3A_121, %dma_wait3A_153] : memref<32768x128xf32, #tpu.memory_space<hbm>> -> memref<128x128xf32, #tpu.memory_space<hbm>>
    %dma_wait3A_155 = arith.constant 0 : i32
    %dma_wait3A_156 = tpu.memref_slice %arg4[%add3A_121, %dma_wait3A_155] : memref<32768x128xf32, #tpu.memory_space<hbm>> -> memref<128x128xf32, #tpu.memory_space<hbm>>
    tpu.wait_dma2 semaphore(%arg18 : memref<!tpu.dma_semaphore, #tpu.memory_space<semaphore_mem>>) src(%arg6 : memref<128x128xf32, #tpu.memory_space<vmem>>) dst(%dma_wait3A_156 : memref<128x128xf32, #tpu.memory_space<hbm>>)
    %dma_wait3A_157 = arith.constant 0 : i32
    %dma_wait3A_158 = tpu.memref_slice %arg4[%add3A_132, %dma_wait3A_157] : memref<32768x128xf32, #tpu.memory_space<hbm>> -> memref<128x128xf32, #tpu.memory_space<hbm>>
    %dma_wait3A_159 = arith.constant 0 : i32
    %dma_wait3A_160 = tpu.memref_slice %arg4[%add3A_132, %dma_wait3A_159] : memref<32768x128xf32, #tpu.memory_space<hbm>> -> memref<128x128xf32, #tpu.memory_space<hbm>>
    tpu.wait_dma2 semaphore(%arg19 : memref<!tpu.dma_semaphore, #tpu.memory_space<semaphore_mem>>) src(%arg7 : memref<128x128xf32, #tpu.memory_space<vmem>>) dst(%dma_wait3A_160 : memref<128x128xf32, #tpu.memory_space<hbm>>)
    return
  }
}

module attributes {stable_mosaic.version = 14 : i64} {
  func.func @_vq_body(%arg0: i32, %arg1: memref<512x32xf32, #tpu.memory_space<vmem>>, %arg2: memref<512x1xf32, #tpu.memory_space<vmem>>, %arg3: memref<32x8192xf32, #tpu.memory_space<vmem>>, %arg4: memref<1x8192xf32, #tpu.memory_space<vmem>>, %arg5: memref<1x1x512xi32, #tpu.memory_space<vmem>>, %arg6: memref<1x1xf32, #tpu.memory_space<vmem>>) attributes {dimension_semantics = [#tpu.dimension_semantics<arbitrary>], iteration_bounds = array<i64: 64>, scalar_prefetch = 0 : i64, scratch_operands = 0 : i64, tpu.core_type = #tpu.core_type<tc>, window_params = [{transform_indices = @transform_0, window_bounds = array<i64: 512, 32>}, {transform_indices = @transform_1, window_bounds = array<i64: 512, 1>}, {pipeline_mode = #tpu.pipeline_mode<synchronous>, transform_indices = @transform_2, window_bounds = array<i64: 32, 8192>}, {pipeline_mode = #tpu.pipeline_mode<synchronous>, transform_indices = @transform_3, window_bounds = array<i64: 1, 8192>}, {transform_indices = @transform_4, window_bounds = array<i64: 1, 1, 512>}, {pipeline_mode = #tpu.pipeline_mode<synchronous>, transform_indices = @transform_5, window_bounds = array<i64: 1, 1>}]} {
    %get3A = arith.constant 0 : index
    %get3A_0 = arith.constant 0 : index
    %get3A_1 = vector.load %arg1[%get3A, %get3A_0] : memref<512x32xf32, #tpu.memory_space<vmem>>, vector<512x32xf32>
    %get3A_2 = arith.constant 0 : index
    %get3A_3 = arith.constant 0 : index
    %get3A_4 = vector.load %arg3[%get3A_2, %get3A_3] : memref<32x8192xf32, #tpu.memory_space<vmem>>, vector<32x8192xf32>
    %dot_general3A = arith.constant dense<0.000000e+00> : vector<512x8192xf32>
    %dot_general3A_5 = tpu.matmul %get3A_1, %get3A_4, %dot_general3A {dimension_numbers = #tpu.dot_dimension_numbers<[1], [0], [0], [1], [0, 0, 1, 1], [], []>, transpose_lhs_hint = false} : vector<512x32xf32>, vector<32x8192xf32>, vector<512x8192xf32> -> vector<512x8192xf32>
    %get3A_6 = arith.constant 0 : index
    %get3A_7 = arith.constant 0 : index
    %get3A_8 = vector.load %arg4[%get3A_6, %get3A_7] : memref<1x8192xf32, #tpu.memory_space<vmem>>, vector<1x8192xf32>
    %iota3A = tpu.iota {dimensions = array<i32: 1>} : vector<128x128xi32>
    %broadcast_in_dim3A = arith.constant 0.000000e+00 : f32
    %broadcast_in_dim3A_9 = vector.broadcast %broadcast_in_dim3A : f32 to vector<1x1xf32>
    %slice3A = vector.extract_strided_slice %dot_general3A_5 {offsets = [0, 0], sizes = [128, 8192], strides = [1, 1]} : vector<512x8192xf32> to vector<128x8192xf32>
    %get3A_10 = arith.constant 0 : index
    %get3A_11 = arith.constant 0 : index
    %get3A_12 = vector.load %arg2[%get3A_10, %get3A_11] : memref<512x1xf32, #tpu.memory_space<vmem>>, vector<128x1xf32>
    %broadcast_in_dim3A_13 = vector.shape_cast %get3A_12 : vector<128x1xf32> to vector<128x1xf32>
    %broadcast_in_dim3A_14 = vector.broadcast %broadcast_in_dim3A_13 : vector<128x1xf32> to vector<128x128xf32>
    %broadcast_in_dim3A_15 = arith.constant 0x7F800000 : f32
    %broadcast_in_dim3A_16 = vector.broadcast %broadcast_in_dim3A_15 : f32 to vector<128x128xf32>
    %broadcast_in_dim3A_17 = arith.constant 0 : i32
    %broadcast_in_dim3A_18 = vector.broadcast %broadcast_in_dim3A_17 : i32 to vector<128x128xi32>
    %slice3A_19 = vector.extract_strided_slice %slice3A {offsets = [0, 0], sizes = [128, 128], strides = [1, 1]} : vector<128x8192xf32> to vector<128x128xf32>
    %sub3A = arith.subf %broadcast_in_dim3A_14, %slice3A_19 : vector<128x128xf32>
    %slice3A_20 = vector.extract_strided_slice %get3A_8 {offsets = [0, 0], sizes = [1, 128], strides = [1, 1]} : vector<1x8192xf32> to vector<1x128xf32>
    %broadcast_in_dim3A_21 = vector.shape_cast %slice3A_20 : vector<1x128xf32> to vector<1x128xf32>
    %broadcast_in_dim3A_22 = vector.broadcast %broadcast_in_dim3A_21 : vector<1x128xf32> to vector<128x128xf32>
    %add3A = arith.addf %sub3A, %broadcast_in_dim3A_22 : vector<128x128xf32>
    %lt3A = arith.cmpf olt, %add3A, %broadcast_in_dim3A_16 : vector<128x128xf32>
    %select_n3A = arith.select %lt3A, %add3A, %broadcast_in_dim3A_16 : vector<128x128xi1>, vector<128x128xf32>
    %jit3A = arith.constant 0 : i32
    %broadcast_in_dim3A_23 = vector.broadcast %jit3A : i32 to vector<128x128xi32>
    %select_n3A_24 = arith.select %lt3A, %broadcast_in_dim3A_23, %broadcast_in_dim3A_18 : vector<128x128xi1>, vector<128x128xi32>
    %slice3A_25 = vector.extract_strided_slice %slice3A {offsets = [0, 128], sizes = [128, 128], strides = [1, 1]} : vector<128x8192xf32> to vector<128x128xf32>
    %sub3A_26 = arith.subf %broadcast_in_dim3A_14, %slice3A_25 : vector<128x128xf32>
    %slice3A_27 = vector.extract_strided_slice %get3A_8 {offsets = [0, 128], sizes = [1, 128], strides = [1, 1]} : vector<1x8192xf32> to vector<1x128xf32>
    %broadcast_in_dim3A_28 = vector.shape_cast %slice3A_27 : vector<1x128xf32> to vector<1x128xf32>
    %broadcast_in_dim3A_29 = vector.broadcast %broadcast_in_dim3A_28 : vector<1x128xf32> to vector<128x128xf32>
    %add3A_30 = arith.addf %sub3A_26, %broadcast_in_dim3A_29 : vector<128x128xf32>
    %lt3A_31 = arith.cmpf olt, %add3A_30, %select_n3A : vector<128x128xf32>
    %select_n3A_32 = arith.select %lt3A_31, %add3A_30, %select_n3A : vector<128x128xi1>, vector<128x128xf32>
    %jit3A_33 = arith.constant 1 : i32
    %broadcast_in_dim3A_34 = vector.broadcast %jit3A_33 : i32 to vector<128x128xi32>
    %select_n3A_35 = arith.select %lt3A_31, %broadcast_in_dim3A_34, %select_n3A_24 : vector<128x128xi1>, vector<128x128xi32>
    %slice3A_36 = vector.extract_strided_slice %slice3A {offsets = [0, 256], sizes = [128, 128], strides = [1, 1]} : vector<128x8192xf32> to vector<128x128xf32>
    %sub3A_37 = arith.subf %broadcast_in_dim3A_14, %slice3A_36 : vector<128x128xf32>
    %slice3A_38 = vector.extract_strided_slice %get3A_8 {offsets = [0, 256], sizes = [1, 128], strides = [1, 1]} : vector<1x8192xf32> to vector<1x128xf32>
    %broadcast_in_dim3A_39 = vector.shape_cast %slice3A_38 : vector<1x128xf32> to vector<1x128xf32>
    %broadcast_in_dim3A_40 = vector.broadcast %broadcast_in_dim3A_39 : vector<1x128xf32> to vector<128x128xf32>
    %add3A_41 = arith.addf %sub3A_37, %broadcast_in_dim3A_40 : vector<128x128xf32>
    %lt3A_42 = arith.cmpf olt, %add3A_41, %select_n3A_32 : vector<128x128xf32>
    %select_n3A_43 = arith.select %lt3A_42, %add3A_41, %select_n3A_32 : vector<128x128xi1>, vector<128x128xf32>
    %jit3A_44 = arith.constant 2 : i32
    %broadcast_in_dim3A_45 = vector.broadcast %jit3A_44 : i32 to vector<128x128xi32>
    %select_n3A_46 = arith.select %lt3A_42, %broadcast_in_dim3A_45, %select_n3A_35 : vector<128x128xi1>, vector<128x128xi32>
    %slice3A_47 = vector.extract_strided_slice %slice3A {offsets = [0, 384], sizes = [128, 128], strides = [1, 1]} : vector<128x8192xf32> to vector<128x128xf32>
    %sub3A_48 = arith.subf %broadcast_in_dim3A_14, %slice3A_47 : vector<128x128xf32>
    %slice3A_49 = vector.extract_strided_slice %get3A_8 {offsets = [0, 384], sizes = [1, 128], strides = [1, 1]} : vector<1x8192xf32> to vector<1x128xf32>
    %broadcast_in_dim3A_50 = vector.shape_cast %slice3A_49 : vector<1x128xf32> to vector<1x128xf32>
    %broadcast_in_dim3A_51 = vector.broadcast %broadcast_in_dim3A_50 : vector<1x128xf32> to vector<128x128xf32>
    %add3A_52 = arith.addf %sub3A_48, %broadcast_in_dim3A_51 : vector<128x128xf32>
    %lt3A_53 = arith.cmpf olt, %add3A_52, %select_n3A_43 : vector<128x128xf32>
    %select_n3A_54 = arith.select %lt3A_53, %add3A_52, %select_n3A_43 : vector<128x128xi1>, vector<128x128xf32>
    %jit3A_55 = arith.constant 3 : i32
    %broadcast_in_dim3A_56 = vector.broadcast %jit3A_55 : i32 to vector<128x128xi32>
    %select_n3A_57 = arith.select %lt3A_53, %broadcast_in_dim3A_56, %select_n3A_46 : vector<128x128xi1>, vector<128x128xi32>
    %slice3A_58 = vector.extract_strided_slice %slice3A {offsets = [0, 512], sizes = [128, 128], strides = [1, 1]} : vector<128x8192xf32> to vector<128x128xf32>
    %sub3A_59 = arith.subf %broadcast_in_dim3A_14, %slice3A_58 : vector<128x128xf32>
    %slice3A_60 = vector.extract_strided_slice %get3A_8 {offsets = [0, 512], sizes = [1, 128], strides = [1, 1]} : vector<1x8192xf32> to vector<1x128xf32>
    %broadcast_in_dim3A_61 = vector.shape_cast %slice3A_60 : vector<1x128xf32> to vector<1x128xf32>
    %broadcast_in_dim3A_62 = vector.broadcast %broadcast_in_dim3A_61 : vector<1x128xf32> to vector<128x128xf32>
    %add3A_63 = arith.addf %sub3A_59, %broadcast_in_dim3A_62 : vector<128x128xf32>
    %lt3A_64 = arith.cmpf olt, %add3A_63, %select_n3A_54 : vector<128x128xf32>
    %select_n3A_65 = arith.select %lt3A_64, %add3A_63, %select_n3A_54 : vector<128x128xi1>, vector<128x128xf32>
    %jit3A_66 = arith.constant 4 : i32
    %broadcast_in_dim3A_67 = vector.broadcast %jit3A_66 : i32 to vector<128x128xi32>
    %select_n3A_68 = arith.select %lt3A_64, %broadcast_in_dim3A_67, %select_n3A_57 : vector<128x128xi1>, vector<128x128xi32>
    %slice3A_69 = vector.extract_strided_slice %slice3A {offsets = [0, 640], sizes = [128, 128], strides = [1, 1]} : vector<128x8192xf32> to vector<128x128xf32>
    %sub3A_70 = arith.subf %broadcast_in_dim3A_14, %slice3A_69 : vector<128x128xf32>
    %slice3A_71 = vector.extract_strided_slice %get3A_8 {offsets = [0, 640], sizes = [1, 128], strides = [1, 1]} : vector<1x8192xf32> to vector<1x128xf32>
    %broadcast_in_dim3A_72 = vector.shape_cast %slice3A_71 : vector<1x128xf32> to vector<1x128xf32>
    %broadcast_in_dim3A_73 = vector.broadcast %broadcast_in_dim3A_72 : vector<1x128xf32> to vector<128x128xf32>
    %add3A_74 = arith.addf %sub3A_70, %broadcast_in_dim3A_73 : vector<128x128xf32>
    %lt3A_75 = arith.cmpf olt, %add3A_74, %select_n3A_65 : vector<128x128xf32>
    %select_n3A_76 = arith.select %lt3A_75, %add3A_74, %select_n3A_65 : vector<128x128xi1>, vector<128x128xf32>
    %jit3A_77 = arith.constant 5 : i32
    %broadcast_in_dim3A_78 = vector.broadcast %jit3A_77 : i32 to vector<128x128xi32>
    %select_n3A_79 = arith.select %lt3A_75, %broadcast_in_dim3A_78, %select_n3A_68 : vector<128x128xi1>, vector<128x128xi32>
    %slice3A_80 = vector.extract_strided_slice %slice3A {offsets = [0, 768], sizes = [128, 128], strides = [1, 1]} : vector<128x8192xf32> to vector<128x128xf32>
    %sub3A_81 = arith.subf %broadcast_in_dim3A_14, %slice3A_80 : vector<128x128xf32>
    %slice3A_82 = vector.extract_strided_slice %get3A_8 {offsets = [0, 768], sizes = [1, 128], strides = [1, 1]} : vector<1x8192xf32> to vector<1x128xf32>
    %broadcast_in_dim3A_83 = vector.shape_cast %slice3A_82 : vector<1x128xf32> to vector<1x128xf32>
    %broadcast_in_dim3A_84 = vector.broadcast %broadcast_in_dim3A_83 : vector<1x128xf32> to vector<128x128xf32>
    %add3A_85 = arith.addf %sub3A_81, %broadcast_in_dim3A_84 : vector<128x128xf32>
    %lt3A_86 = arith.cmpf olt, %add3A_85, %select_n3A_76 : vector<128x128xf32>
    %select_n3A_87 = arith.select %lt3A_86, %add3A_85, %select_n3A_76 : vector<128x128xi1>, vector<128x128xf32>
    %jit3A_88 = arith.constant 6 : i32
    %broadcast_in_dim3A_89 = vector.broadcast %jit3A_88 : i32 to vector<128x128xi32>
    %select_n3A_90 = arith.select %lt3A_86, %broadcast_in_dim3A_89, %select_n3A_79 : vector<128x128xi1>, vector<128x128xi32>
    %slice3A_91 = vector.extract_strided_slice %slice3A {offsets = [0, 896], sizes = [128, 128], strides = [1, 1]} : vector<128x8192xf32> to vector<128x128xf32>
    %sub3A_92 = arith.subf %broadcast_in_dim3A_14, %slice3A_91 : vector<128x128xf32>
    %slice3A_93 = vector.extract_strided_slice %get3A_8 {offsets = [0, 896], sizes = [1, 128], strides = [1, 1]} : vector<1x8192xf32> to vector<1x128xf32>
    %broadcast_in_dim3A_94 = vector.shape_cast %slice3A_93 : vector<1x128xf32> to vector<1x128xf32>
    %broadcast_in_dim3A_95 = vector.broadcast %broadcast_in_dim3A_94 : vector<1x128xf32> to vector<128x128xf32>
    %add3A_96 = arith.addf %sub3A_92, %broadcast_in_dim3A_95 : vector<128x128xf32>
    %lt3A_97 = arith.cmpf olt, %add3A_96, %select_n3A_87 : vector<128x128xf32>
    %select_n3A_98 = arith.select %lt3A_97, %add3A_96, %select_n3A_87 : vector<128x128xi1>, vector<128x128xf32>
    %jit3A_99 = arith.constant 7 : i32
    %broadcast_in_dim3A_100 = vector.broadcast %jit3A_99 : i32 to vector<128x128xi32>
    %select_n3A_101 = arith.select %lt3A_97, %broadcast_in_dim3A_100, %select_n3A_90 : vector<128x128xi1>, vector<128x128xi32>
    %slice3A_102 = vector.extract_strided_slice %slice3A {offsets = [0, 1024], sizes = [128, 128], strides = [1, 1]} : vector<128x8192xf32> to vector<128x128xf32>
    %sub3A_103 = arith.subf %broadcast_in_dim3A_14, %slice3A_102 : vector<128x128xf32>
    %slice3A_104 = vector.extract_strided_slice %get3A_8 {offsets = [0, 1024], sizes = [1, 128], strides = [1, 1]} : vector<1x8192xf32> to vector<1x128xf32>
    %broadcast_in_dim3A_105 = vector.shape_cast %slice3A_104 : vector<1x128xf32> to vector<1x128xf32>
    %broadcast_in_dim3A_106 = vector.broadcast %broadcast_in_dim3A_105 : vector<1x128xf32> to vector<128x128xf32>
    %add3A_107 = arith.addf %sub3A_103, %broadcast_in_dim3A_106 : vector<128x128xf32>
    %lt3A_108 = arith.cmpf olt, %add3A_107, %select_n3A_98 : vector<128x128xf32>
    %select_n3A_109 = arith.select %lt3A_108, %add3A_107, %select_n3A_98 : vector<128x128xi1>, vector<128x128xf32>
    %jit3A_110 = arith.constant 8 : i32
    %broadcast_in_dim3A_111 = vector.broadcast %jit3A_110 : i32 to vector<128x128xi32>
    %select_n3A_112 = arith.select %lt3A_108, %broadcast_in_dim3A_111, %select_n3A_101 : vector<128x128xi1>, vector<128x128xi32>
    %slice3A_113 = vector.extract_strided_slice %slice3A {offsets = [0, 1152], sizes = [128, 128], strides = [1, 1]} : vector<128x8192xf32> to vector<128x128xf32>
    %sub3A_114 = arith.subf %broadcast_in_dim3A_14, %slice3A_113 : vector<128x128xf32>
    %slice3A_115 = vector.extract_strided_slice %get3A_8 {offsets = [0, 1152], sizes = [1, 128], strides = [1, 1]} : vector<1x8192xf32> to vector<1x128xf32>
    %broadcast_in_dim3A_116 = vector.shape_cast %slice3A_115 : vector<1x128xf32> to vector<1x128xf32>
    %broadcast_in_dim3A_117 = vector.broadcast %broadcast_in_dim3A_116 : vector<1x128xf32> to vector<128x128xf32>
    %add3A_118 = arith.addf %sub3A_114, %broadcast_in_dim3A_117 : vector<128x128xf32>
    %lt3A_119 = arith.cmpf olt, %add3A_118, %select_n3A_109 : vector<128x128xf32>
    %select_n3A_120 = arith.select %lt3A_119, %add3A_118, %select_n3A_109 : vector<128x128xi1>, vector<128x128xf32>
    %jit3A_121 = arith.constant 9 : i32
    %broadcast_in_dim3A_122 = vector.broadcast %jit3A_121 : i32 to vector<128x128xi32>
    %select_n3A_123 = arith.select %lt3A_119, %broadcast_in_dim3A_122, %select_n3A_112 : vector<128x128xi1>, vector<128x128xi32>
    %slice3A_124 = vector.extract_strided_slice %slice3A {offsets = [0, 1280], sizes = [128, 128], strides = [1, 1]} : vector<128x8192xf32> to vector<128x128xf32>
    %sub3A_125 = arith.subf %broadcast_in_dim3A_14, %slice3A_124 : vector<128x128xf32>
    %slice3A_126 = vector.extract_strided_slice %get3A_8 {offsets = [0, 1280], sizes = [1, 128], strides = [1, 1]} : vector<1x8192xf32> to vector<1x128xf32>
    %broadcast_in_dim3A_127 = vector.shape_cast %slice3A_126 : vector<1x128xf32> to vector<1x128xf32>
    %broadcast_in_dim3A_128 = vector.broadcast %broadcast_in_dim3A_127 : vector<1x128xf32> to vector<128x128xf32>
    %add3A_129 = arith.addf %sub3A_125, %broadcast_in_dim3A_128 : vector<128x128xf32>
    %lt3A_130 = arith.cmpf olt, %add3A_129, %select_n3A_120 : vector<128x128xf32>
    %select_n3A_131 = arith.select %lt3A_130, %add3A_129, %select_n3A_120 : vector<128x128xi1>, vector<128x128xf32>
    %jit3A_132 = arith.constant 10 : i32
    %broadcast_in_dim3A_133 = vector.broadcast %jit3A_132 : i32 to vector<128x128xi32>
    %select_n3A_134 = arith.select %lt3A_130, %broadcast_in_dim3A_133, %select_n3A_123 : vector<128x128xi1>, vector<128x128xi32>
    %slice3A_135 = vector.extract_strided_slice %slice3A {offsets = [0, 1408], sizes = [128, 128], strides = [1, 1]} : vector<128x8192xf32> to vector<128x128xf32>
    %sub3A_136 = arith.subf %broadcast_in_dim3A_14, %slice3A_135 : vector<128x128xf32>
    %slice3A_137 = vector.extract_strided_slice %get3A_8 {offsets = [0, 1408], sizes = [1, 128], strides = [1, 1]} : vector<1x8192xf32> to vector<1x128xf32>
    %broadcast_in_dim3A_138 = vector.shape_cast %slice3A_137 : vector<1x128xf32> to vector<1x128xf32>
    %broadcast_in_dim3A_139 = vector.broadcast %broadcast_in_dim3A_138 : vector<1x128xf32> to vector<128x128xf32>
    %add3A_140 = arith.addf %sub3A_136, %broadcast_in_dim3A_139 : vector<128x128xf32>
    %lt3A_141 = arith.cmpf olt, %add3A_140, %select_n3A_131 : vector<128x128xf32>
    %select_n3A_142 = arith.select %lt3A_141, %add3A_140, %select_n3A_131 : vector<128x128xi1>, vector<128x128xf32>
    %jit3A_143 = arith.constant 11 : i32
    %broadcast_in_dim3A_144 = vector.broadcast %jit3A_143 : i32 to vector<128x128xi32>
    %select_n3A_145 = arith.select %lt3A_141, %broadcast_in_dim3A_144, %select_n3A_134 : vector<128x128xi1>, vector<128x128xi32>
    %slice3A_146 = vector.extract_strided_slice %slice3A {offsets = [0, 1536], sizes = [128, 128], strides = [1, 1]} : vector<128x8192xf32> to vector<128x128xf32>
    %sub3A_147 = arith.subf %broadcast_in_dim3A_14, %slice3A_146 : vector<128x128xf32>
    %slice3A_148 = vector.extract_strided_slice %get3A_8 {offsets = [0, 1536], sizes = [1, 128], strides = [1, 1]} : vector<1x8192xf32> to vector<1x128xf32>
    %broadcast_in_dim3A_149 = vector.shape_cast %slice3A_148 : vector<1x128xf32> to vector<1x128xf32>
    %broadcast_in_dim3A_150 = vector.broadcast %broadcast_in_dim3A_149 : vector<1x128xf32> to vector<128x128xf32>
    %add3A_151 = arith.addf %sub3A_147, %broadcast_in_dim3A_150 : vector<128x128xf32>
    %lt3A_152 = arith.cmpf olt, %add3A_151, %select_n3A_142 : vector<128x128xf32>
    %select_n3A_153 = arith.select %lt3A_152, %add3A_151, %select_n3A_142 : vector<128x128xi1>, vector<128x128xf32>
    %jit3A_154 = arith.constant 12 : i32
    %broadcast_in_dim3A_155 = vector.broadcast %jit3A_154 : i32 to vector<128x128xi32>
    %select_n3A_156 = arith.select %lt3A_152, %broadcast_in_dim3A_155, %select_n3A_145 : vector<128x128xi1>, vector<128x128xi32>
    %slice3A_157 = vector.extract_strided_slice %slice3A {offsets = [0, 1664], sizes = [128, 128], strides = [1, 1]} : vector<128x8192xf32> to vector<128x128xf32>
    %sub3A_158 = arith.subf %broadcast_in_dim3A_14, %slice3A_157 : vector<128x128xf32>
    %slice3A_159 = vector.extract_strided_slice %get3A_8 {offsets = [0, 1664], sizes = [1, 128], strides = [1, 1]} : vector<1x8192xf32> to vector<1x128xf32>
    %broadcast_in_dim3A_160 = vector.shape_cast %slice3A_159 : vector<1x128xf32> to vector<1x128xf32>
    %broadcast_in_dim3A_161 = vector.broadcast %broadcast_in_dim3A_160 : vector<1x128xf32> to vector<128x128xf32>
    %add3A_162 = arith.addf %sub3A_158, %broadcast_in_dim3A_161 : vector<128x128xf32>
    %lt3A_163 = arith.cmpf olt, %add3A_162, %select_n3A_153 : vector<128x128xf32>
    %select_n3A_164 = arith.select %lt3A_163, %add3A_162, %select_n3A_153 : vector<128x128xi1>, vector<128x128xf32>
    %jit3A_165 = arith.constant 13 : i32
    %broadcast_in_dim3A_166 = vector.broadcast %jit3A_165 : i32 to vector<128x128xi32>
    %select_n3A_167 = arith.select %lt3A_163, %broadcast_in_dim3A_166, %select_n3A_156 : vector<128x128xi1>, vector<128x128xi32>
    %slice3A_168 = vector.extract_strided_slice %slice3A {offsets = [0, 1792], sizes = [128, 128], strides = [1, 1]} : vector<128x8192xf32> to vector<128x128xf32>
    %sub3A_169 = arith.subf %broadcast_in_dim3A_14, %slice3A_168 : vector<128x128xf32>
    %slice3A_170 = vector.extract_strided_slice %get3A_8 {offsets = [0, 1792], sizes = [1, 128], strides = [1, 1]} : vector<1x8192xf32> to vector<1x128xf32>
    %broadcast_in_dim3A_171 = vector.shape_cast %slice3A_170 : vector<1x128xf32> to vector<1x128xf32>
    %broadcast_in_dim3A_172 = vector.broadcast %broadcast_in_dim3A_171 : vector<1x128xf32> to vector<128x128xf32>
    %add3A_173 = arith.addf %sub3A_169, %broadcast_in_dim3A_172 : vector<128x128xf32>
    %lt3A_174 = arith.cmpf olt, %add3A_173, %select_n3A_164 : vector<128x128xf32>
    %select_n3A_175 = arith.select %lt3A_174, %add3A_173, %select_n3A_164 : vector<128x128xi1>, vector<128x128xf32>
    %jit3A_176 = arith.constant 14 : i32
    %broadcast_in_dim3A_177 = vector.broadcast %jit3A_176 : i32 to vector<128x128xi32>
    %select_n3A_178 = arith.select %lt3A_174, %broadcast_in_dim3A_177, %select_n3A_167 : vector<128x128xi1>, vector<128x128xi32>
    %slice3A_179 = vector.extract_strided_slice %slice3A {offsets = [0, 1920], sizes = [128, 128], strides = [1, 1]} : vector<128x8192xf32> to vector<128x128xf32>
    %sub3A_180 = arith.subf %broadcast_in_dim3A_14, %slice3A_179 : vector<128x128xf32>
    %slice3A_181 = vector.extract_strided_slice %get3A_8 {offsets = [0, 1920], sizes = [1, 128], strides = [1, 1]} : vector<1x8192xf32> to vector<1x128xf32>
    %broadcast_in_dim3A_182 = vector.shape_cast %slice3A_181 : vector<1x128xf32> to vector<1x128xf32>
    %broadcast_in_dim3A_183 = vector.broadcast %broadcast_in_dim3A_182 : vector<1x128xf32> to vector<128x128xf32>
    %add3A_184 = arith.addf %sub3A_180, %broadcast_in_dim3A_183 : vector<128x128xf32>
    %lt3A_185 = arith.cmpf olt, %add3A_184, %select_n3A_175 : vector<128x128xf32>
    %select_n3A_186 = arith.select %lt3A_185, %add3A_184, %select_n3A_175 : vector<128x128xi1>, vector<128x128xf32>
    %jit3A_187 = arith.constant 15 : i32
    %broadcast_in_dim3A_188 = vector.broadcast %jit3A_187 : i32 to vector<128x128xi32>
    %select_n3A_189 = arith.select %lt3A_185, %broadcast_in_dim3A_188, %select_n3A_178 : vector<128x128xi1>, vector<128x128xi32>
    %slice3A_190 = vector.extract_strided_slice %slice3A {offsets = [0, 2048], sizes = [128, 128], strides = [1, 1]} : vector<128x8192xf32> to vector<128x128xf32>
    %sub3A_191 = arith.subf %broadcast_in_dim3A_14, %slice3A_190 : vector<128x128xf32>
    %slice3A_192 = vector.extract_strided_slice %get3A_8 {offsets = [0, 2048], sizes = [1, 128], strides = [1, 1]} : vector<1x8192xf32> to vector<1x128xf32>
    %broadcast_in_dim3A_193 = vector.shape_cast %slice3A_192 : vector<1x128xf32> to vector<1x128xf32>
    %broadcast_in_dim3A_194 = vector.broadcast %broadcast_in_dim3A_193 : vector<1x128xf32> to vector<128x128xf32>
    %add3A_195 = arith.addf %sub3A_191, %broadcast_in_dim3A_194 : vector<128x128xf32>
    %lt3A_196 = arith.cmpf olt, %add3A_195, %select_n3A_186 : vector<128x128xf32>
    %select_n3A_197 = arith.select %lt3A_196, %add3A_195, %select_n3A_186 : vector<128x128xi1>, vector<128x128xf32>
    %jit3A_198 = arith.constant 16 : i32
    %broadcast_in_dim3A_199 = vector.broadcast %jit3A_198 : i32 to vector<128x128xi32>
    %select_n3A_200 = arith.select %lt3A_196, %broadcast_in_dim3A_199, %select_n3A_189 : vector<128x128xi1>, vector<128x128xi32>
    %slice3A_201 = vector.extract_strided_slice %slice3A {offsets = [0, 2176], sizes = [128, 128], strides = [1, 1]} : vector<128x8192xf32> to vector<128x128xf32>
    %sub3A_202 = arith.subf %broadcast_in_dim3A_14, %slice3A_201 : vector<128x128xf32>
    %slice3A_203 = vector.extract_strided_slice %get3A_8 {offsets = [0, 2176], sizes = [1, 128], strides = [1, 1]} : vector<1x8192xf32> to vector<1x128xf32>
    %broadcast_in_dim3A_204 = vector.shape_cast %slice3A_203 : vector<1x128xf32> to vector<1x128xf32>
    %broadcast_in_dim3A_205 = vector.broadcast %broadcast_in_dim3A_204 : vector<1x128xf32> to vector<128x128xf32>
    %add3A_206 = arith.addf %sub3A_202, %broadcast_in_dim3A_205 : vector<128x128xf32>
    %lt3A_207 = arith.cmpf olt, %add3A_206, %select_n3A_197 : vector<128x128xf32>
    %select_n3A_208 = arith.select %lt3A_207, %add3A_206, %select_n3A_197 : vector<128x128xi1>, vector<128x128xf32>
    %jit3A_209 = arith.constant 17 : i32
    %broadcast_in_dim3A_210 = vector.broadcast %jit3A_209 : i32 to vector<128x128xi32>
    %select_n3A_211 = arith.select %lt3A_207, %broadcast_in_dim3A_210, %select_n3A_200 : vector<128x128xi1>, vector<128x128xi32>
    %slice3A_212 = vector.extract_strided_slice %slice3A {offsets = [0, 2304], sizes = [128, 128], strides = [1, 1]} : vector<128x8192xf32> to vector<128x128xf32>
    %sub3A_213 = arith.subf %broadcast_in_dim3A_14, %slice3A_212 : vector<128x128xf32>
    %slice3A_214 = vector.extract_strided_slice %get3A_8 {offsets = [0, 2304], sizes = [1, 128], strides = [1, 1]} : vector<1x8192xf32> to vector<1x128xf32>
    %broadcast_in_dim3A_215 = vector.shape_cast %slice3A_214 : vector<1x128xf32> to vector<1x128xf32>
    %broadcast_in_dim3A_216 = vector.broadcast %broadcast_in_dim3A_215 : vector<1x128xf32> to vector<128x128xf32>
    %add3A_217 = arith.addf %sub3A_213, %broadcast_in_dim3A_216 : vector<128x128xf32>
    %lt3A_218 = arith.cmpf olt, %add3A_217, %select_n3A_208 : vector<128x128xf32>
    %select_n3A_219 = arith.select %lt3A_218, %add3A_217, %select_n3A_208 : vector<128x128xi1>, vector<128x128xf32>
    %jit3A_220 = arith.constant 18 : i32
    %broadcast_in_dim3A_221 = vector.broadcast %jit3A_220 : i32 to vector<128x128xi32>
    %select_n3A_222 = arith.select %lt3A_218, %broadcast_in_dim3A_221, %select_n3A_211 : vector<128x128xi1>, vector<128x128xi32>
    %slice3A_223 = vector.extract_strided_slice %slice3A {offsets = [0, 2432], sizes = [128, 128], strides = [1, 1]} : vector<128x8192xf32> to vector<128x128xf32>
    %sub3A_224 = arith.subf %broadcast_in_dim3A_14, %slice3A_223 : vector<128x128xf32>
    %slice3A_225 = vector.extract_strided_slice %get3A_8 {offsets = [0, 2432], sizes = [1, 128], strides = [1, 1]} : vector<1x8192xf32> to vector<1x128xf32>
    %broadcast_in_dim3A_226 = vector.shape_cast %slice3A_225 : vector<1x128xf32> to vector<1x128xf32>
    %broadcast_in_dim3A_227 = vector.broadcast %broadcast_in_dim3A_226 : vector<1x128xf32> to vector<128x128xf32>
    %add3A_228 = arith.addf %sub3A_224, %broadcast_in_dim3A_227 : vector<128x128xf32>
    %lt3A_229 = arith.cmpf olt, %add3A_228, %select_n3A_219 : vector<128x128xf32>
    %select_n3A_230 = arith.select %lt3A_229, %add3A_228, %select_n3A_219 : vector<128x128xi1>, vector<128x128xf32>
    %jit3A_231 = arith.constant 19 : i32
    %broadcast_in_dim3A_232 = vector.broadcast %jit3A_231 : i32 to vector<128x128xi32>
    %select_n3A_233 = arith.select %lt3A_229, %broadcast_in_dim3A_232, %select_n3A_222 : vector<128x128xi1>, vector<128x128xi32>
    %slice3A_234 = vector.extract_strided_slice %slice3A {offsets = [0, 2560], sizes = [128, 128], strides = [1, 1]} : vector<128x8192xf32> to vector<128x128xf32>
    %sub3A_235 = arith.subf %broadcast_in_dim3A_14, %slice3A_234 : vector<128x128xf32>
    %slice3A_236 = vector.extract_strided_slice %get3A_8 {offsets = [0, 2560], sizes = [1, 128], strides = [1, 1]} : vector<1x8192xf32> to vector<1x128xf32>
    %broadcast_in_dim3A_237 = vector.shape_cast %slice3A_236 : vector<1x128xf32> to vector<1x128xf32>
    %broadcast_in_dim3A_238 = vector.broadcast %broadcast_in_dim3A_237 : vector<1x128xf32> to vector<128x128xf32>
    %add3A_239 = arith.addf %sub3A_235, %broadcast_in_dim3A_238 : vector<128x128xf32>
    %lt3A_240 = arith.cmpf olt, %add3A_239, %select_n3A_230 : vector<128x128xf32>
    %select_n3A_241 = arith.select %lt3A_240, %add3A_239, %select_n3A_230 : vector<128x128xi1>, vector<128x128xf32>
    %jit3A_242 = arith.constant 20 : i32
    %broadcast_in_dim3A_243 = vector.broadcast %jit3A_242 : i32 to vector<128x128xi32>
    %select_n3A_244 = arith.select %lt3A_240, %broadcast_in_dim3A_243, %select_n3A_233 : vector<128x128xi1>, vector<128x128xi32>
    %slice3A_245 = vector.extract_strided_slice %slice3A {offsets = [0, 2688], sizes = [128, 128], strides = [1, 1]} : vector<128x8192xf32> to vector<128x128xf32>
    %sub3A_246 = arith.subf %broadcast_in_dim3A_14, %slice3A_245 : vector<128x128xf32>
    %slice3A_247 = vector.extract_strided_slice %get3A_8 {offsets = [0, 2688], sizes = [1, 128], strides = [1, 1]} : vector<1x8192xf32> to vector<1x128xf32>
    %broadcast_in_dim3A_248 = vector.shape_cast %slice3A_247 : vector<1x128xf32> to vector<1x128xf32>
    %broadcast_in_dim3A_249 = vector.broadcast %broadcast_in_dim3A_248 : vector<1x128xf32> to vector<128x128xf32>
    %add3A_250 = arith.addf %sub3A_246, %broadcast_in_dim3A_249 : vector<128x128xf32>
    %lt3A_251 = arith.cmpf olt, %add3A_250, %select_n3A_241 : vector<128x128xf32>
    %select_n3A_252 = arith.select %lt3A_251, %add3A_250, %select_n3A_241 : vector<128x128xi1>, vector<128x128xf32>
    %jit3A_253 = arith.constant 21 : i32
    %broadcast_in_dim3A_254 = vector.broadcast %jit3A_253 : i32 to vector<128x128xi32>
    %select_n3A_255 = arith.select %lt3A_251, %broadcast_in_dim3A_254, %select_n3A_244 : vector<128x128xi1>, vector<128x128xi32>
    %slice3A_256 = vector.extract_strided_slice %slice3A {offsets = [0, 2816], sizes = [128, 128], strides = [1, 1]} : vector<128x8192xf32> to vector<128x128xf32>
    %sub3A_257 = arith.subf %broadcast_in_dim3A_14, %slice3A_256 : vector<128x128xf32>
    %slice3A_258 = vector.extract_strided_slice %get3A_8 {offsets = [0, 2816], sizes = [1, 128], strides = [1, 1]} : vector<1x8192xf32> to vector<1x128xf32>
    %broadcast_in_dim3A_259 = vector.shape_cast %slice3A_258 : vector<1x128xf32> to vector<1x128xf32>
    %broadcast_in_dim3A_260 = vector.broadcast %broadcast_in_dim3A_259 : vector<1x128xf32> to vector<128x128xf32>
    %add3A_261 = arith.addf %sub3A_257, %broadcast_in_dim3A_260 : vector<128x128xf32>
    %lt3A_262 = arith.cmpf olt, %add3A_261, %select_n3A_252 : vector<128x128xf32>
    %select_n3A_263 = arith.select %lt3A_262, %add3A_261, %select_n3A_252 : vector<128x128xi1>, vector<128x128xf32>
    %jit3A_264 = arith.constant 22 : i32
    %broadcast_in_dim3A_265 = vector.broadcast %jit3A_264 : i32 to vector<128x128xi32>
    %select_n3A_266 = arith.select %lt3A_262, %broadcast_in_dim3A_265, %select_n3A_255 : vector<128x128xi1>, vector<128x128xi32>
    %slice3A_267 = vector.extract_strided_slice %slice3A {offsets = [0, 2944], sizes = [128, 128], strides = [1, 1]} : vector<128x8192xf32> to vector<128x128xf32>
    %sub3A_268 = arith.subf %broadcast_in_dim3A_14, %slice3A_267 : vector<128x128xf32>
    %slice3A_269 = vector.extract_strided_slice %get3A_8 {offsets = [0, 2944], sizes = [1, 128], strides = [1, 1]} : vector<1x8192xf32> to vector<1x128xf32>
    %broadcast_in_dim3A_270 = vector.shape_cast %slice3A_269 : vector<1x128xf32> to vector<1x128xf32>
    %broadcast_in_dim3A_271 = vector.broadcast %broadcast_in_dim3A_270 : vector<1x128xf32> to vector<128x128xf32>
    %add3A_272 = arith.addf %sub3A_268, %broadcast_in_dim3A_271 : vector<128x128xf32>
    %lt3A_273 = arith.cmpf olt, %add3A_272, %select_n3A_263 : vector<128x128xf32>
    %select_n3A_274 = arith.select %lt3A_273, %add3A_272, %select_n3A_263 : vector<128x128xi1>, vector<128x128xf32>
    %jit3A_275 = arith.constant 23 : i32
    %broadcast_in_dim3A_276 = vector.broadcast %jit3A_275 : i32 to vector<128x128xi32>
    %select_n3A_277 = arith.select %lt3A_273, %broadcast_in_dim3A_276, %select_n3A_266 : vector<128x128xi1>, vector<128x128xi32>
    %slice3A_278 = vector.extract_strided_slice %slice3A {offsets = [0, 3072], sizes = [128, 128], strides = [1, 1]} : vector<128x8192xf32> to vector<128x128xf32>
    %sub3A_279 = arith.subf %broadcast_in_dim3A_14, %slice3A_278 : vector<128x128xf32>
    %slice3A_280 = vector.extract_strided_slice %get3A_8 {offsets = [0, 3072], sizes = [1, 128], strides = [1, 1]} : vector<1x8192xf32> to vector<1x128xf32>
    %broadcast_in_dim3A_281 = vector.shape_cast %slice3A_280 : vector<1x128xf32> to vector<1x128xf32>
    %broadcast_in_dim3A_282 = vector.broadcast %broadcast_in_dim3A_281 : vector<1x128xf32> to vector<128x128xf32>
    %add3A_283 = arith.addf %sub3A_279, %broadcast_in_dim3A_282 : vector<128x128xf32>
    %lt3A_284 = arith.cmpf olt, %add3A_283, %select_n3A_274 : vector<128x128xf32>
    %select_n3A_285 = arith.select %lt3A_284, %add3A_283, %select_n3A_274 : vector<128x128xi1>, vector<128x128xf32>
    %jit3A_286 = arith.constant 24 : i32
    %broadcast_in_dim3A_287 = vector.broadcast %jit3A_286 : i32 to vector<128x128xi32>
    %select_n3A_288 = arith.select %lt3A_284, %broadcast_in_dim3A_287, %select_n3A_277 : vector<128x128xi1>, vector<128x128xi32>
    %slice3A_289 = vector.extract_strided_slice %slice3A {offsets = [0, 3200], sizes = [128, 128], strides = [1, 1]} : vector<128x8192xf32> to vector<128x128xf32>
    %sub3A_290 = arith.subf %broadcast_in_dim3A_14, %slice3A_289 : vector<128x128xf32>
    %slice3A_291 = vector.extract_strided_slice %get3A_8 {offsets = [0, 3200], sizes = [1, 128], strides = [1, 1]} : vector<1x8192xf32> to vector<1x128xf32>
    %broadcast_in_dim3A_292 = vector.shape_cast %slice3A_291 : vector<1x128xf32> to vector<1x128xf32>
    %broadcast_in_dim3A_293 = vector.broadcast %broadcast_in_dim3A_292 : vector<1x128xf32> to vector<128x128xf32>
    %add3A_294 = arith.addf %sub3A_290, %broadcast_in_dim3A_293 : vector<128x128xf32>
    %lt3A_295 = arith.cmpf olt, %add3A_294, %select_n3A_285 : vector<128x128xf32>
    %select_n3A_296 = arith.select %lt3A_295, %add3A_294, %select_n3A_285 : vector<128x128xi1>, vector<128x128xf32>
    %jit3A_297 = arith.constant 25 : i32
    %broadcast_in_dim3A_298 = vector.broadcast %jit3A_297 : i32 to vector<128x128xi32>
    %select_n3A_299 = arith.select %lt3A_295, %broadcast_in_dim3A_298, %select_n3A_288 : vector<128x128xi1>, vector<128x128xi32>
    %slice3A_300 = vector.extract_strided_slice %slice3A {offsets = [0, 3328], sizes = [128, 128], strides = [1, 1]} : vector<128x8192xf32> to vector<128x128xf32>
    %sub3A_301 = arith.subf %broadcast_in_dim3A_14, %slice3A_300 : vector<128x128xf32>
    %slice3A_302 = vector.extract_strided_slice %get3A_8 {offsets = [0, 3328], sizes = [1, 128], strides = [1, 1]} : vector<1x8192xf32> to vector<1x128xf32>
    %broadcast_in_dim3A_303 = vector.shape_cast %slice3A_302 : vector<1x128xf32> to vector<1x128xf32>
    %broadcast_in_dim3A_304 = vector.broadcast %broadcast_in_dim3A_303 : vector<1x128xf32> to vector<128x128xf32>
    %add3A_305 = arith.addf %sub3A_301, %broadcast_in_dim3A_304 : vector<128x128xf32>
    %lt3A_306 = arith.cmpf olt, %add3A_305, %select_n3A_296 : vector<128x128xf32>
    %select_n3A_307 = arith.select %lt3A_306, %add3A_305, %select_n3A_296 : vector<128x128xi1>, vector<128x128xf32>
    %jit3A_308 = arith.constant 26 : i32
    %broadcast_in_dim3A_309 = vector.broadcast %jit3A_308 : i32 to vector<128x128xi32>
    %select_n3A_310 = arith.select %lt3A_306, %broadcast_in_dim3A_309, %select_n3A_299 : vector<128x128xi1>, vector<128x128xi32>
    %slice3A_311 = vector.extract_strided_slice %slice3A {offsets = [0, 3456], sizes = [128, 128], strides = [1, 1]} : vector<128x8192xf32> to vector<128x128xf32>
    %sub3A_312 = arith.subf %broadcast_in_dim3A_14, %slice3A_311 : vector<128x128xf32>
    %slice3A_313 = vector.extract_strided_slice %get3A_8 {offsets = [0, 3456], sizes = [1, 128], strides = [1, 1]} : vector<1x8192xf32> to vector<1x128xf32>
    %broadcast_in_dim3A_314 = vector.shape_cast %slice3A_313 : vector<1x128xf32> to vector<1x128xf32>
    %broadcast_in_dim3A_315 = vector.broadcast %broadcast_in_dim3A_314 : vector<1x128xf32> to vector<128x128xf32>
    %add3A_316 = arith.addf %sub3A_312, %broadcast_in_dim3A_315 : vector<128x128xf32>
    %lt3A_317 = arith.cmpf olt, %add3A_316, %select_n3A_307 : vector<128x128xf32>
    %select_n3A_318 = arith.select %lt3A_317, %add3A_316, %select_n3A_307 : vector<128x128xi1>, vector<128x128xf32>
    %jit3A_319 = arith.constant 27 : i32
    %broadcast_in_dim3A_320 = vector.broadcast %jit3A_319 : i32 to vector<128x128xi32>
    %select_n3A_321 = arith.select %lt3A_317, %broadcast_in_dim3A_320, %select_n3A_310 : vector<128x128xi1>, vector<128x128xi32>
    %slice3A_322 = vector.extract_strided_slice %slice3A {offsets = [0, 3584], sizes = [128, 128], strides = [1, 1]} : vector<128x8192xf32> to vector<128x128xf32>
    %sub3A_323 = arith.subf %broadcast_in_dim3A_14, %slice3A_322 : vector<128x128xf32>
    %slice3A_324 = vector.extract_strided_slice %get3A_8 {offsets = [0, 3584], sizes = [1, 128], strides = [1, 1]} : vector<1x8192xf32> to vector<1x128xf32>
    %broadcast_in_dim3A_325 = vector.shape_cast %slice3A_324 : vector<1x128xf32> to vector<1x128xf32>
    %broadcast_in_dim3A_326 = vector.broadcast %broadcast_in_dim3A_325 : vector<1x128xf32> to vector<128x128xf32>
    %add3A_327 = arith.addf %sub3A_323, %broadcast_in_dim3A_326 : vector<128x128xf32>
    %lt3A_328 = arith.cmpf olt, %add3A_327, %select_n3A_318 : vector<128x128xf32>
    %select_n3A_329 = arith.select %lt3A_328, %add3A_327, %select_n3A_318 : vector<128x128xi1>, vector<128x128xf32>
    %jit3A_330 = arith.constant 28 : i32
    %broadcast_in_dim3A_331 = vector.broadcast %jit3A_330 : i32 to vector<128x128xi32>
    %select_n3A_332 = arith.select %lt3A_328, %broadcast_in_dim3A_331, %select_n3A_321 : vector<128x128xi1>, vector<128x128xi32>
    %slice3A_333 = vector.extract_strided_slice %slice3A {offsets = [0, 3712], sizes = [128, 128], strides = [1, 1]} : vector<128x8192xf32> to vector<128x128xf32>
    %sub3A_334 = arith.subf %broadcast_in_dim3A_14, %slice3A_333 : vector<128x128xf32>
    %slice3A_335 = vector.extract_strided_slice %get3A_8 {offsets = [0, 3712], sizes = [1, 128], strides = [1, 1]} : vector<1x8192xf32> to vector<1x128xf32>
    %broadcast_in_dim3A_336 = vector.shape_cast %slice3A_335 : vector<1x128xf32> to vector<1x128xf32>
    %broadcast_in_dim3A_337 = vector.broadcast %broadcast_in_dim3A_336 : vector<1x128xf32> to vector<128x128xf32>
    %add3A_338 = arith.addf %sub3A_334, %broadcast_in_dim3A_337 : vector<128x128xf32>
    %lt3A_339 = arith.cmpf olt, %add3A_338, %select_n3A_329 : vector<128x128xf32>
    %select_n3A_340 = arith.select %lt3A_339, %add3A_338, %select_n3A_329 : vector<128x128xi1>, vector<128x128xf32>
    %jit3A_341 = arith.constant 29 : i32
    %broadcast_in_dim3A_342 = vector.broadcast %jit3A_341 : i32 to vector<128x128xi32>
    %select_n3A_343 = arith.select %lt3A_339, %broadcast_in_dim3A_342, %select_n3A_332 : vector<128x128xi1>, vector<128x128xi32>
    %slice3A_344 = vector.extract_strided_slice %slice3A {offsets = [0, 3840], sizes = [128, 128], strides = [1, 1]} : vector<128x8192xf32> to vector<128x128xf32>
    %sub3A_345 = arith.subf %broadcast_in_dim3A_14, %slice3A_344 : vector<128x128xf32>
    %slice3A_346 = vector.extract_strided_slice %get3A_8 {offsets = [0, 3840], sizes = [1, 128], strides = [1, 1]} : vector<1x8192xf32> to vector<1x128xf32>
    %broadcast_in_dim3A_347 = vector.shape_cast %slice3A_346 : vector<1x128xf32> to vector<1x128xf32>
    %broadcast_in_dim3A_348 = vector.broadcast %broadcast_in_dim3A_347 : vector<1x128xf32> to vector<128x128xf32>
    %add3A_349 = arith.addf %sub3A_345, %broadcast_in_dim3A_348 : vector<128x128xf32>
    %lt3A_350 = arith.cmpf olt, %add3A_349, %select_n3A_340 : vector<128x128xf32>
    %select_n3A_351 = arith.select %lt3A_350, %add3A_349, %select_n3A_340 : vector<128x128xi1>, vector<128x128xf32>
    %jit3A_352 = arith.constant 30 : i32
    %broadcast_in_dim3A_353 = vector.broadcast %jit3A_352 : i32 to vector<128x128xi32>
    %select_n3A_354 = arith.select %lt3A_350, %broadcast_in_dim3A_353, %select_n3A_343 : vector<128x128xi1>, vector<128x128xi32>
    %slice3A_355 = vector.extract_strided_slice %slice3A {offsets = [0, 3968], sizes = [128, 128], strides = [1, 1]} : vector<128x8192xf32> to vector<128x128xf32>
    %sub3A_356 = arith.subf %broadcast_in_dim3A_14, %slice3A_355 : vector<128x128xf32>
    %slice3A_357 = vector.extract_strided_slice %get3A_8 {offsets = [0, 3968], sizes = [1, 128], strides = [1, 1]} : vector<1x8192xf32> to vector<1x128xf32>
    %broadcast_in_dim3A_358 = vector.shape_cast %slice3A_357 : vector<1x128xf32> to vector<1x128xf32>
    %broadcast_in_dim3A_359 = vector.broadcast %broadcast_in_dim3A_358 : vector<1x128xf32> to vector<128x128xf32>
    %add3A_360 = arith.addf %sub3A_356, %broadcast_in_dim3A_359 : vector<128x128xf32>
    %lt3A_361 = arith.cmpf olt, %add3A_360, %select_n3A_351 : vector<128x128xf32>
    %select_n3A_362 = arith.select %lt3A_361, %add3A_360, %select_n3A_351 : vector<128x128xi1>, vector<128x128xf32>
    %jit3A_363 = arith.constant 31 : i32
    %broadcast_in_dim3A_364 = vector.broadcast %jit3A_363 : i32 to vector<128x128xi32>
    %select_n3A_365 = arith.select %lt3A_361, %broadcast_in_dim3A_364, %select_n3A_354 : vector<128x128xi1>, vector<128x128xi32>
    %reduce_min3A = arith.constant dense<0x7F800000> : vector<128xf32>
    %reduce_min3A_366 = vector.multi_reduction <minimumf>, %select_n3A_362, %reduce_min3A [1] : vector<128x128xf32> to vector<128xf32>
    %broadcast_in_dim3A_367 = vector.shape_cast %reduce_min3A_366 : vector<128xf32> to vector<128x1xf32>
    %mul3A = arith.constant 128 : i32
    %mul3A_368 = vector.broadcast %mul3A : i32 to vector<128x128xi32>
    %mul3A_369 = arith.muli %select_n3A_365, %mul3A_368 : vector<128x128xi32>
    %add3A_370 = arith.addi %mul3A_369, %iota3A : vector<128x128xi32>
    %eq3A = vector.broadcast %broadcast_in_dim3A_367 : vector<128x1xf32> to vector<128x128xf32>
    %eq3A_371 = arith.cmpf oeq, %select_n3A_362, %eq3A : vector<128x128xf32>
    %jit3A_372 = arith.constant 8192 : i32
    %broadcast_in_dim3A_373 = vector.broadcast %jit3A_372 : i32 to vector<128x128xi32>
    %select_n3A_374 = arith.select %eq3A_371, %add3A_370, %broadcast_in_dim3A_373 : vector<128x128xi1>, vector<128x128xi32>
    %reduce_min3A_375 = arith.constant dense<2147483647> : vector<128xi32>
    %reduce_min3A_376 = vector.multi_reduction <minsi>, %select_n3A_374, %reduce_min3A_375 [1] : vector<128x128xi32> to vector<128xi32>
    %broadcast_in_dim3A_377 = arith.constant 0x7F800000 : f32
    %broadcast_in_dim3A_378 = vector.broadcast %broadcast_in_dim3A_377 : f32 to vector<128x128xf32>
    %broadcast_in_dim3A_379 = arith.constant 0 : i32
    %broadcast_in_dim3A_380 = vector.broadcast %broadcast_in_dim3A_379 : i32 to vector<128x128xi32>
    %slice3A_381 = vector.extract_strided_slice %slice3A {offsets = [0, 4096], sizes = [128, 128], strides = [1, 1]} : vector<128x8192xf32> to vector<128x128xf32>
    %sub3A_382 = arith.subf %broadcast_in_dim3A_14, %slice3A_381 : vector<128x128xf32>
    %slice3A_383 = vector.extract_strided_slice %get3A_8 {offsets = [0, 4096], sizes = [1, 128], strides = [1, 1]} : vector<1x8192xf32> to vector<1x128xf32>
    %broadcast_in_dim3A_384 = vector.shape_cast %slice3A_383 : vector<1x128xf32> to vector<1x128xf32>
    %broadcast_in_dim3A_385 = vector.broadcast %broadcast_in_dim3A_384 : vector<1x128xf32> to vector<128x128xf32>
    %add3A_386 = arith.addf %sub3A_382, %broadcast_in_dim3A_385 : vector<128x128xf32>
    %lt3A_387 = arith.cmpf olt, %add3A_386, %broadcast_in_dim3A_378 : vector<128x128xf32>
    %select_n3A_388 = arith.select %lt3A_387, %add3A_386, %broadcast_in_dim3A_378 : vector<128x128xi1>, vector<128x128xf32>
    %jit3A_389 = arith.constant 32 : i32
    %broadcast_in_dim3A_390 = vector.broadcast %jit3A_389 : i32 to vector<128x128xi32>
    %select_n3A_391 = arith.select %lt3A_387, %broadcast_in_dim3A_390, %broadcast_in_dim3A_380 : vector<128x128xi1>, vector<128x128xi32>
    %slice3A_392 = vector.extract_strided_slice %slice3A {offsets = [0, 4224], sizes = [128, 128], strides = [1, 1]} : vector<128x8192xf32> to vector<128x128xf32>
    %sub3A_393 = arith.subf %broadcast_in_dim3A_14, %slice3A_392 : vector<128x128xf32>
    %slice3A_394 = vector.extract_strided_slice %get3A_8 {offsets = [0, 4224], sizes = [1, 128], strides = [1, 1]} : vector<1x8192xf32> to vector<1x128xf32>
    %broadcast_in_dim3A_395 = vector.shape_cast %slice3A_394 : vector<1x128xf32> to vector<1x128xf32>
    %broadcast_in_dim3A_396 = vector.broadcast %broadcast_in_dim3A_395 : vector<1x128xf32> to vector<128x128xf32>
    %add3A_397 = arith.addf %sub3A_393, %broadcast_in_dim3A_396 : vector<128x128xf32>
    %lt3A_398 = arith.cmpf olt, %add3A_397, %select_n3A_388 : vector<128x128xf32>
    %select_n3A_399 = arith.select %lt3A_398, %add3A_397, %select_n3A_388 : vector<128x128xi1>, vector<128x128xf32>
    %jit3A_400 = arith.constant 33 : i32
    %broadcast_in_dim3A_401 = vector.broadcast %jit3A_400 : i32 to vector<128x128xi32>
    %select_n3A_402 = arith.select %lt3A_398, %broadcast_in_dim3A_401, %select_n3A_391 : vector<128x128xi1>, vector<128x128xi32>
    %slice3A_403 = vector.extract_strided_slice %slice3A {offsets = [0, 4352], sizes = [128, 128], strides = [1, 1]} : vector<128x8192xf32> to vector<128x128xf32>
    %sub3A_404 = arith.subf %broadcast_in_dim3A_14, %slice3A_403 : vector<128x128xf32>
    %slice3A_405 = vector.extract_strided_slice %get3A_8 {offsets = [0, 4352], sizes = [1, 128], strides = [1, 1]} : vector<1x8192xf32> to vector<1x128xf32>
    %broadcast_in_dim3A_406 = vector.shape_cast %slice3A_405 : vector<1x128xf32> to vector<1x128xf32>
    %broadcast_in_dim3A_407 = vector.broadcast %broadcast_in_dim3A_406 : vector<1x128xf32> to vector<128x128xf32>
    %add3A_408 = arith.addf %sub3A_404, %broadcast_in_dim3A_407 : vector<128x128xf32>
    %lt3A_409 = arith.cmpf olt, %add3A_408, %select_n3A_399 : vector<128x128xf32>
    %select_n3A_410 = arith.select %lt3A_409, %add3A_408, %select_n3A_399 : vector<128x128xi1>, vector<128x128xf32>
    %jit3A_411 = arith.constant 34 : i32
    %broadcast_in_dim3A_412 = vector.broadcast %jit3A_411 : i32 to vector<128x128xi32>
    %select_n3A_413 = arith.select %lt3A_409, %broadcast_in_dim3A_412, %select_n3A_402 : vector<128x128xi1>, vector<128x128xi32>
    %slice3A_414 = vector.extract_strided_slice %slice3A {offsets = [0, 4480], sizes = [128, 128], strides = [1, 1]} : vector<128x8192xf32> to vector<128x128xf32>
    %sub3A_415 = arith.subf %broadcast_in_dim3A_14, %slice3A_414 : vector<128x128xf32>
    %slice3A_416 = vector.extract_strided_slice %get3A_8 {offsets = [0, 4480], sizes = [1, 128], strides = [1, 1]} : vector<1x8192xf32> to vector<1x128xf32>
    %broadcast_in_dim3A_417 = vector.shape_cast %slice3A_416 : vector<1x128xf32> to vector<1x128xf32>
    %broadcast_in_dim3A_418 = vector.broadcast %broadcast_in_dim3A_417 : vector<1x128xf32> to vector<128x128xf32>
    %add3A_419 = arith.addf %sub3A_415, %broadcast_in_dim3A_418 : vector<128x128xf32>
    %lt3A_420 = arith.cmpf olt, %add3A_419, %select_n3A_410 : vector<128x128xf32>
    %select_n3A_421 = arith.select %lt3A_420, %add3A_419, %select_n3A_410 : vector<128x128xi1>, vector<128x128xf32>
    %jit3A_422 = arith.constant 35 : i32
    %broadcast_in_dim3A_423 = vector.broadcast %jit3A_422 : i32 to vector<128x128xi32>
    %select_n3A_424 = arith.select %lt3A_420, %broadcast_in_dim3A_423, %select_n3A_413 : vector<128x128xi1>, vector<128x128xi32>
    %slice3A_425 = vector.extract_strided_slice %slice3A {offsets = [0, 4608], sizes = [128, 128], strides = [1, 1]} : vector<128x8192xf32> to vector<128x128xf32>
    %sub3A_426 = arith.subf %broadcast_in_dim3A_14, %slice3A_425 : vector<128x128xf32>
    %slice3A_427 = vector.extract_strided_slice %get3A_8 {offsets = [0, 4608], sizes = [1, 128], strides = [1, 1]} : vector<1x8192xf32> to vector<1x128xf32>
    %broadcast_in_dim3A_428 = vector.shape_cast %slice3A_427 : vector<1x128xf32> to vector<1x128xf32>
    %broadcast_in_dim3A_429 = vector.broadcast %broadcast_in_dim3A_428 : vector<1x128xf32> to vector<128x128xf32>
    %add3A_430 = arith.addf %sub3A_426, %broadcast_in_dim3A_429 : vector<128x128xf32>
    %lt3A_431 = arith.cmpf olt, %add3A_430, %select_n3A_421 : vector<128x128xf32>
    %select_n3A_432 = arith.select %lt3A_431, %add3A_430, %select_n3A_421 : vector<128x128xi1>, vector<128x128xf32>
    %jit3A_433 = arith.constant 36 : i32
    %broadcast_in_dim3A_434 = vector.broadcast %jit3A_433 : i32 to vector<128x128xi32>
    %select_n3A_435 = arith.select %lt3A_431, %broadcast_in_dim3A_434, %select_n3A_424 : vector<128x128xi1>, vector<128x128xi32>
    %slice3A_436 = vector.extract_strided_slice %slice3A {offsets = [0, 4736], sizes = [128, 128], strides = [1, 1]} : vector<128x8192xf32> to vector<128x128xf32>
    %sub3A_437 = arith.subf %broadcast_in_dim3A_14, %slice3A_436 : vector<128x128xf32>
    %slice3A_438 = vector.extract_strided_slice %get3A_8 {offsets = [0, 4736], sizes = [1, 128], strides = [1, 1]} : vector<1x8192xf32> to vector<1x128xf32>
    %broadcast_in_dim3A_439 = vector.shape_cast %slice3A_438 : vector<1x128xf32> to vector<1x128xf32>
    %broadcast_in_dim3A_440 = vector.broadcast %broadcast_in_dim3A_439 : vector<1x128xf32> to vector<128x128xf32>
    %add3A_441 = arith.addf %sub3A_437, %broadcast_in_dim3A_440 : vector<128x128xf32>
    %lt3A_442 = arith.cmpf olt, %add3A_441, %select_n3A_432 : vector<128x128xf32>
    %select_n3A_443 = arith.select %lt3A_442, %add3A_441, %select_n3A_432 : vector<128x128xi1>, vector<128x128xf32>
    %jit3A_444 = arith.constant 37 : i32
    %broadcast_in_dim3A_445 = vector.broadcast %jit3A_444 : i32 to vector<128x128xi32>
    %select_n3A_446 = arith.select %lt3A_442, %broadcast_in_dim3A_445, %select_n3A_435 : vector<128x128xi1>, vector<128x128xi32>
    %slice3A_447 = vector.extract_strided_slice %slice3A {offsets = [0, 4864], sizes = [128, 128], strides = [1, 1]} : vector<128x8192xf32> to vector<128x128xf32>
    %sub3A_448 = arith.subf %broadcast_in_dim3A_14, %slice3A_447 : vector<128x128xf32>
    %slice3A_449 = vector.extract_strided_slice %get3A_8 {offsets = [0, 4864], sizes = [1, 128], strides = [1, 1]} : vector<1x8192xf32> to vector<1x128xf32>
    %broadcast_in_dim3A_450 = vector.shape_cast %slice3A_449 : vector<1x128xf32> to vector<1x128xf32>
    %broadcast_in_dim3A_451 = vector.broadcast %broadcast_in_dim3A_450 : vector<1x128xf32> to vector<128x128xf32>
    %add3A_452 = arith.addf %sub3A_448, %broadcast_in_dim3A_451 : vector<128x128xf32>
    %lt3A_453 = arith.cmpf olt, %add3A_452, %select_n3A_443 : vector<128x128xf32>
    %select_n3A_454 = arith.select %lt3A_453, %add3A_452, %select_n3A_443 : vector<128x128xi1>, vector<128x128xf32>
    %jit3A_455 = arith.constant 38 : i32
    %broadcast_in_dim3A_456 = vector.broadcast %jit3A_455 : i32 to vector<128x128xi32>
    %select_n3A_457 = arith.select %lt3A_453, %broadcast_in_dim3A_456, %select_n3A_446 : vector<128x128xi1>, vector<128x128xi32>
    %slice3A_458 = vector.extract_strided_slice %slice3A {offsets = [0, 4992], sizes = [128, 128], strides = [1, 1]} : vector<128x8192xf32> to vector<128x128xf32>
    %sub3A_459 = arith.subf %broadcast_in_dim3A_14, %slice3A_458 : vector<128x128xf32>
    %slice3A_460 = vector.extract_strided_slice %get3A_8 {offsets = [0, 4992], sizes = [1, 128], strides = [1, 1]} : vector<1x8192xf32> to vector<1x128xf32>
    %broadcast_in_dim3A_461 = vector.shape_cast %slice3A_460 : vector<1x128xf32> to vector<1x128xf32>
    %broadcast_in_dim3A_462 = vector.broadcast %broadcast_in_dim3A_461 : vector<1x128xf32> to vector<128x128xf32>
    %add3A_463 = arith.addf %sub3A_459, %broadcast_in_dim3A_462 : vector<128x128xf32>
    %lt3A_464 = arith.cmpf olt, %add3A_463, %select_n3A_454 : vector<128x128xf32>
    %select_n3A_465 = arith.select %lt3A_464, %add3A_463, %select_n3A_454 : vector<128x128xi1>, vector<128x128xf32>
    %jit3A_466 = arith.constant 39 : i32
    %broadcast_in_dim3A_467 = vector.broadcast %jit3A_466 : i32 to vector<128x128xi32>
    %select_n3A_468 = arith.select %lt3A_464, %broadcast_in_dim3A_467, %select_n3A_457 : vector<128x128xi1>, vector<128x128xi32>
    %slice3A_469 = vector.extract_strided_slice %slice3A {offsets = [0, 5120], sizes = [128, 128], strides = [1, 1]} : vector<128x8192xf32> to vector<128x128xf32>
    %sub3A_470 = arith.subf %broadcast_in_dim3A_14, %slice3A_469 : vector<128x128xf32>
    %slice3A_471 = vector.extract_strided_slice %get3A_8 {offsets = [0, 5120], sizes = [1, 128], strides = [1, 1]} : vector<1x8192xf32> to vector<1x128xf32>
    %broadcast_in_dim3A_472 = vector.shape_cast %slice3A_471 : vector<1x128xf32> to vector<1x128xf32>
    %broadcast_in_dim3A_473 = vector.broadcast %broadcast_in_dim3A_472 : vector<1x128xf32> to vector<128x128xf32>
    %add3A_474 = arith.addf %sub3A_470, %broadcast_in_dim3A_473 : vector<128x128xf32>
    %lt3A_475 = arith.cmpf olt, %add3A_474, %select_n3A_465 : vector<128x128xf32>
    %select_n3A_476 = arith.select %lt3A_475, %add3A_474, %select_n3A_465 : vector<128x128xi1>, vector<128x128xf32>
    %jit3A_477 = arith.constant 40 : i32
    %broadcast_in_dim3A_478 = vector.broadcast %jit3A_477 : i32 to vector<128x128xi32>
    %select_n3A_479 = arith.select %lt3A_475, %broadcast_in_dim3A_478, %select_n3A_468 : vector<128x128xi1>, vector<128x128xi32>
    %slice3A_480 = vector.extract_strided_slice %slice3A {offsets = [0, 5248], sizes = [128, 128], strides = [1, 1]} : vector<128x8192xf32> to vector<128x128xf32>
    %sub3A_481 = arith.subf %broadcast_in_dim3A_14, %slice3A_480 : vector<128x128xf32>
    %slice3A_482 = vector.extract_strided_slice %get3A_8 {offsets = [0, 5248], sizes = [1, 128], strides = [1, 1]} : vector<1x8192xf32> to vector<1x128xf32>
    %broadcast_in_dim3A_483 = vector.shape_cast %slice3A_482 : vector<1x128xf32> to vector<1x128xf32>
    %broadcast_in_dim3A_484 = vector.broadcast %broadcast_in_dim3A_483 : vector<1x128xf32> to vector<128x128xf32>
    %add3A_485 = arith.addf %sub3A_481, %broadcast_in_dim3A_484 : vector<128x128xf32>
    %lt3A_486 = arith.cmpf olt, %add3A_485, %select_n3A_476 : vector<128x128xf32>
    %select_n3A_487 = arith.select %lt3A_486, %add3A_485, %select_n3A_476 : vector<128x128xi1>, vector<128x128xf32>
    %jit3A_488 = arith.constant 41 : i32
    %broadcast_in_dim3A_489 = vector.broadcast %jit3A_488 : i32 to vector<128x128xi32>
    %select_n3A_490 = arith.select %lt3A_486, %broadcast_in_dim3A_489, %select_n3A_479 : vector<128x128xi1>, vector<128x128xi32>
    %slice3A_491 = vector.extract_strided_slice %slice3A {offsets = [0, 5376], sizes = [128, 128], strides = [1, 1]} : vector<128x8192xf32> to vector<128x128xf32>
    %sub3A_492 = arith.subf %broadcast_in_dim3A_14, %slice3A_491 : vector<128x128xf32>
    %slice3A_493 = vector.extract_strided_slice %get3A_8 {offsets = [0, 5376], sizes = [1, 128], strides = [1, 1]} : vector<1x8192xf32> to vector<1x128xf32>
    %broadcast_in_dim3A_494 = vector.shape_cast %slice3A_493 : vector<1x128xf32> to vector<1x128xf32>
    %broadcast_in_dim3A_495 = vector.broadcast %broadcast_in_dim3A_494 : vector<1x128xf32> to vector<128x128xf32>
    %add3A_496 = arith.addf %sub3A_492, %broadcast_in_dim3A_495 : vector<128x128xf32>
    %lt3A_497 = arith.cmpf olt, %add3A_496, %select_n3A_487 : vector<128x128xf32>
    %select_n3A_498 = arith.select %lt3A_497, %add3A_496, %select_n3A_487 : vector<128x128xi1>, vector<128x128xf32>
    %jit3A_499 = arith.constant 42 : i32
    %broadcast_in_dim3A_500 = vector.broadcast %jit3A_499 : i32 to vector<128x128xi32>
    %select_n3A_501 = arith.select %lt3A_497, %broadcast_in_dim3A_500, %select_n3A_490 : vector<128x128xi1>, vector<128x128xi32>
    %slice3A_502 = vector.extract_strided_slice %slice3A {offsets = [0, 5504], sizes = [128, 128], strides = [1, 1]} : vector<128x8192xf32> to vector<128x128xf32>
    %sub3A_503 = arith.subf %broadcast_in_dim3A_14, %slice3A_502 : vector<128x128xf32>
    %slice3A_504 = vector.extract_strided_slice %get3A_8 {offsets = [0, 5504], sizes = [1, 128], strides = [1, 1]} : vector<1x8192xf32> to vector<1x128xf32>
    %broadcast_in_dim3A_505 = vector.shape_cast %slice3A_504 : vector<1x128xf32> to vector<1x128xf32>
    %broadcast_in_dim3A_506 = vector.broadcast %broadcast_in_dim3A_505 : vector<1x128xf32> to vector<128x128xf32>
    %add3A_507 = arith.addf %sub3A_503, %broadcast_in_dim3A_506 : vector<128x128xf32>
    %lt3A_508 = arith.cmpf olt, %add3A_507, %select_n3A_498 : vector<128x128xf32>
    %select_n3A_509 = arith.select %lt3A_508, %add3A_507, %select_n3A_498 : vector<128x128xi1>, vector<128x128xf32>
    %jit3A_510 = arith.constant 43 : i32
    %broadcast_in_dim3A_511 = vector.broadcast %jit3A_510 : i32 to vector<128x128xi32>
    %select_n3A_512 = arith.select %lt3A_508, %broadcast_in_dim3A_511, %select_n3A_501 : vector<128x128xi1>, vector<128x128xi32>
    %slice3A_513 = vector.extract_strided_slice %slice3A {offsets = [0, 5632], sizes = [128, 128], strides = [1, 1]} : vector<128x8192xf32> to vector<128x128xf32>
    %sub3A_514 = arith.subf %broadcast_in_dim3A_14, %slice3A_513 : vector<128x128xf32>
    %slice3A_515 = vector.extract_strided_slice %get3A_8 {offsets = [0, 5632], sizes = [1, 128], strides = [1, 1]} : vector<1x8192xf32> to vector<1x128xf32>
    %broadcast_in_dim3A_516 = vector.shape_cast %slice3A_515 : vector<1x128xf32> to vector<1x128xf32>
    %broadcast_in_dim3A_517 = vector.broadcast %broadcast_in_dim3A_516 : vector<1x128xf32> to vector<128x128xf32>
    %add3A_518 = arith.addf %sub3A_514, %broadcast_in_dim3A_517 : vector<128x128xf32>
    %lt3A_519 = arith.cmpf olt, %add3A_518, %select_n3A_509 : vector<128x128xf32>
    %select_n3A_520 = arith.select %lt3A_519, %add3A_518, %select_n3A_509 : vector<128x128xi1>, vector<128x128xf32>
    %jit3A_521 = arith.constant 44 : i32
    %broadcast_in_dim3A_522 = vector.broadcast %jit3A_521 : i32 to vector<128x128xi32>
    %select_n3A_523 = arith.select %lt3A_519, %broadcast_in_dim3A_522, %select_n3A_512 : vector<128x128xi1>, vector<128x128xi32>
    %slice3A_524 = vector.extract_strided_slice %slice3A {offsets = [0, 5760], sizes = [128, 128], strides = [1, 1]} : vector<128x8192xf32> to vector<128x128xf32>
    %sub3A_525 = arith.subf %broadcast_in_dim3A_14, %slice3A_524 : vector<128x128xf32>
    %slice3A_526 = vector.extract_strided_slice %get3A_8 {offsets = [0, 5760], sizes = [1, 128], strides = [1, 1]} : vector<1x8192xf32> to vector<1x128xf32>
    %broadcast_in_dim3A_527 = vector.shape_cast %slice3A_526 : vector<1x128xf32> to vector<1x128xf32>
    %broadcast_in_dim3A_528 = vector.broadcast %broadcast_in_dim3A_527 : vector<1x128xf32> to vector<128x128xf32>
    %add3A_529 = arith.addf %sub3A_525, %broadcast_in_dim3A_528 : vector<128x128xf32>
    %lt3A_530 = arith.cmpf olt, %add3A_529, %select_n3A_520 : vector<128x128xf32>
    %select_n3A_531 = arith.select %lt3A_530, %add3A_529, %select_n3A_520 : vector<128x128xi1>, vector<128x128xf32>
    %jit3A_532 = arith.constant 45 : i32
    %broadcast_in_dim3A_533 = vector.broadcast %jit3A_532 : i32 to vector<128x128xi32>
    %select_n3A_534 = arith.select %lt3A_530, %broadcast_in_dim3A_533, %select_n3A_523 : vector<128x128xi1>, vector<128x128xi32>
    %slice3A_535 = vector.extract_strided_slice %slice3A {offsets = [0, 5888], sizes = [128, 128], strides = [1, 1]} : vector<128x8192xf32> to vector<128x128xf32>
    %sub3A_536 = arith.subf %broadcast_in_dim3A_14, %slice3A_535 : vector<128x128xf32>
    %slice3A_537 = vector.extract_strided_slice %get3A_8 {offsets = [0, 5888], sizes = [1, 128], strides = [1, 1]} : vector<1x8192xf32> to vector<1x128xf32>
    %broadcast_in_dim3A_538 = vector.shape_cast %slice3A_537 : vector<1x128xf32> to vector<1x128xf32>
    %broadcast_in_dim3A_539 = vector.broadcast %broadcast_in_dim3A_538 : vector<1x128xf32> to vector<128x128xf32>
    %add3A_540 = arith.addf %sub3A_536, %broadcast_in_dim3A_539 : vector<128x128xf32>
    %lt3A_541 = arith.cmpf olt, %add3A_540, %select_n3A_531 : vector<128x128xf32>
    %select_n3A_542 = arith.select %lt3A_541, %add3A_540, %select_n3A_531 : vector<128x128xi1>, vector<128x128xf32>
    %jit3A_543 = arith.constant 46 : i32
    %broadcast_in_dim3A_544 = vector.broadcast %jit3A_543 : i32 to vector<128x128xi32>
    %select_n3A_545 = arith.select %lt3A_541, %broadcast_in_dim3A_544, %select_n3A_534 : vector<128x128xi1>, vector<128x128xi32>
    %slice3A_546 = vector.extract_strided_slice %slice3A {offsets = [0, 6016], sizes = [128, 128], strides = [1, 1]} : vector<128x8192xf32> to vector<128x128xf32>
    %sub3A_547 = arith.subf %broadcast_in_dim3A_14, %slice3A_546 : vector<128x128xf32>
    %slice3A_548 = vector.extract_strided_slice %get3A_8 {offsets = [0, 6016], sizes = [1, 128], strides = [1, 1]} : vector<1x8192xf32> to vector<1x128xf32>
    %broadcast_in_dim3A_549 = vector.shape_cast %slice3A_548 : vector<1x128xf32> to vector<1x128xf32>
    %broadcast_in_dim3A_550 = vector.broadcast %broadcast_in_dim3A_549 : vector<1x128xf32> to vector<128x128xf32>
    %add3A_551 = arith.addf %sub3A_547, %broadcast_in_dim3A_550 : vector<128x128xf32>
    %lt3A_552 = arith.cmpf olt, %add3A_551, %select_n3A_542 : vector<128x128xf32>
    %select_n3A_553 = arith.select %lt3A_552, %add3A_551, %select_n3A_542 : vector<128x128xi1>, vector<128x128xf32>
    %jit3A_554 = arith.constant 47 : i32
    %broadcast_in_dim3A_555 = vector.broadcast %jit3A_554 : i32 to vector<128x128xi32>
    %select_n3A_556 = arith.select %lt3A_552, %broadcast_in_dim3A_555, %select_n3A_545 : vector<128x128xi1>, vector<128x128xi32>
    %slice3A_557 = vector.extract_strided_slice %slice3A {offsets = [0, 6144], sizes = [128, 128], strides = [1, 1]} : vector<128x8192xf32> to vector<128x128xf32>
    %sub3A_558 = arith.subf %broadcast_in_dim3A_14, %slice3A_557 : vector<128x128xf32>
    %slice3A_559 = vector.extract_strided_slice %get3A_8 {offsets = [0, 6144], sizes = [1, 128], strides = [1, 1]} : vector<1x8192xf32> to vector<1x128xf32>
    %broadcast_in_dim3A_560 = vector.shape_cast %slice3A_559 : vector<1x128xf32> to vector<1x128xf32>
    %broadcast_in_dim3A_561 = vector.broadcast %broadcast_in_dim3A_560 : vector<1x128xf32> to vector<128x128xf32>
    %add3A_562 = arith.addf %sub3A_558, %broadcast_in_dim3A_561 : vector<128x128xf32>
    %lt3A_563 = arith.cmpf olt, %add3A_562, %select_n3A_553 : vector<128x128xf32>
    %select_n3A_564 = arith.select %lt3A_563, %add3A_562, %select_n3A_553 : vector<128x128xi1>, vector<128x128xf32>
    %jit3A_565 = arith.constant 48 : i32
    %broadcast_in_dim3A_566 = vector.broadcast %jit3A_565 : i32 to vector<128x128xi32>
    %select_n3A_567 = arith.select %lt3A_563, %broadcast_in_dim3A_566, %select_n3A_556 : vector<128x128xi1>, vector<128x128xi32>
    %slice3A_568 = vector.extract_strided_slice %slice3A {offsets = [0, 6272], sizes = [128, 128], strides = [1, 1]} : vector<128x8192xf32> to vector<128x128xf32>
    %sub3A_569 = arith.subf %broadcast_in_dim3A_14, %slice3A_568 : vector<128x128xf32>
    %slice3A_570 = vector.extract_strided_slice %get3A_8 {offsets = [0, 6272], sizes = [1, 128], strides = [1, 1]} : vector<1x8192xf32> to vector<1x128xf32>
    %broadcast_in_dim3A_571 = vector.shape_cast %slice3A_570 : vector<1x128xf32> to vector<1x128xf32>
    %broadcast_in_dim3A_572 = vector.broadcast %broadcast_in_dim3A_571 : vector<1x128xf32> to vector<128x128xf32>
    %add3A_573 = arith.addf %sub3A_569, %broadcast_in_dim3A_572 : vector<128x128xf32>
    %lt3A_574 = arith.cmpf olt, %add3A_573, %select_n3A_564 : vector<128x128xf32>
    %select_n3A_575 = arith.select %lt3A_574, %add3A_573, %select_n3A_564 : vector<128x128xi1>, vector<128x128xf32>
    %jit3A_576 = arith.constant 49 : i32
    %broadcast_in_dim3A_577 = vector.broadcast %jit3A_576 : i32 to vector<128x128xi32>
    %select_n3A_578 = arith.select %lt3A_574, %broadcast_in_dim3A_577, %select_n3A_567 : vector<128x128xi1>, vector<128x128xi32>
    %slice3A_579 = vector.extract_strided_slice %slice3A {offsets = [0, 6400], sizes = [128, 128], strides = [1, 1]} : vector<128x8192xf32> to vector<128x128xf32>
    %sub3A_580 = arith.subf %broadcast_in_dim3A_14, %slice3A_579 : vector<128x128xf32>
    %slice3A_581 = vector.extract_strided_slice %get3A_8 {offsets = [0, 6400], sizes = [1, 128], strides = [1, 1]} : vector<1x8192xf32> to vector<1x128xf32>
    %broadcast_in_dim3A_582 = vector.shape_cast %slice3A_581 : vector<1x128xf32> to vector<1x128xf32>
    %broadcast_in_dim3A_583 = vector.broadcast %broadcast_in_dim3A_582 : vector<1x128xf32> to vector<128x128xf32>
    %add3A_584 = arith.addf %sub3A_580, %broadcast_in_dim3A_583 : vector<128x128xf32>
    %lt3A_585 = arith.cmpf olt, %add3A_584, %select_n3A_575 : vector<128x128xf32>
    %select_n3A_586 = arith.select %lt3A_585, %add3A_584, %select_n3A_575 : vector<128x128xi1>, vector<128x128xf32>
    %jit3A_587 = arith.constant 50 : i32
    %broadcast_in_dim3A_588 = vector.broadcast %jit3A_587 : i32 to vector<128x128xi32>
    %select_n3A_589 = arith.select %lt3A_585, %broadcast_in_dim3A_588, %select_n3A_578 : vector<128x128xi1>, vector<128x128xi32>
    %slice3A_590 = vector.extract_strided_slice %slice3A {offsets = [0, 6528], sizes = [128, 128], strides = [1, 1]} : vector<128x8192xf32> to vector<128x128xf32>
    %sub3A_591 = arith.subf %broadcast_in_dim3A_14, %slice3A_590 : vector<128x128xf32>
    %slice3A_592 = vector.extract_strided_slice %get3A_8 {offsets = [0, 6528], sizes = [1, 128], strides = [1, 1]} : vector<1x8192xf32> to vector<1x128xf32>
    %broadcast_in_dim3A_593 = vector.shape_cast %slice3A_592 : vector<1x128xf32> to vector<1x128xf32>
    %broadcast_in_dim3A_594 = vector.broadcast %broadcast_in_dim3A_593 : vector<1x128xf32> to vector<128x128xf32>
    %add3A_595 = arith.addf %sub3A_591, %broadcast_in_dim3A_594 : vector<128x128xf32>
    %lt3A_596 = arith.cmpf olt, %add3A_595, %select_n3A_586 : vector<128x128xf32>
    %select_n3A_597 = arith.select %lt3A_596, %add3A_595, %select_n3A_586 : vector<128x128xi1>, vector<128x128xf32>
    %jit3A_598 = arith.constant 51 : i32
    %broadcast_in_dim3A_599 = vector.broadcast %jit3A_598 : i32 to vector<128x128xi32>
    %select_n3A_600 = arith.select %lt3A_596, %broadcast_in_dim3A_599, %select_n3A_589 : vector<128x128xi1>, vector<128x128xi32>
    %slice3A_601 = vector.extract_strided_slice %slice3A {offsets = [0, 6656], sizes = [128, 128], strides = [1, 1]} : vector<128x8192xf32> to vector<128x128xf32>
    %sub3A_602 = arith.subf %broadcast_in_dim3A_14, %slice3A_601 : vector<128x128xf32>
    %slice3A_603 = vector.extract_strided_slice %get3A_8 {offsets = [0, 6656], sizes = [1, 128], strides = [1, 1]} : vector<1x8192xf32> to vector<1x128xf32>
    %broadcast_in_dim3A_604 = vector.shape_cast %slice3A_603 : vector<1x128xf32> to vector<1x128xf32>
    %broadcast_in_dim3A_605 = vector.broadcast %broadcast_in_dim3A_604 : vector<1x128xf32> to vector<128x128xf32>
    %add3A_606 = arith.addf %sub3A_602, %broadcast_in_dim3A_605 : vector<128x128xf32>
    %lt3A_607 = arith.cmpf olt, %add3A_606, %select_n3A_597 : vector<128x128xf32>
    %select_n3A_608 = arith.select %lt3A_607, %add3A_606, %select_n3A_597 : vector<128x128xi1>, vector<128x128xf32>
    %jit3A_609 = arith.constant 52 : i32
    %broadcast_in_dim3A_610 = vector.broadcast %jit3A_609 : i32 to vector<128x128xi32>
    %select_n3A_611 = arith.select %lt3A_607, %broadcast_in_dim3A_610, %select_n3A_600 : vector<128x128xi1>, vector<128x128xi32>
    %slice3A_612 = vector.extract_strided_slice %slice3A {offsets = [0, 6784], sizes = [128, 128], strides = [1, 1]} : vector<128x8192xf32> to vector<128x128xf32>
    %sub3A_613 = arith.subf %broadcast_in_dim3A_14, %slice3A_612 : vector<128x128xf32>
    %slice3A_614 = vector.extract_strided_slice %get3A_8 {offsets = [0, 6784], sizes = [1, 128], strides = [1, 1]} : vector<1x8192xf32> to vector<1x128xf32>
    %broadcast_in_dim3A_615 = vector.shape_cast %slice3A_614 : vector<1x128xf32> to vector<1x128xf32>
    %broadcast_in_dim3A_616 = vector.broadcast %broadcast_in_dim3A_615 : vector<1x128xf32> to vector<128x128xf32>
    %add3A_617 = arith.addf %sub3A_613, %broadcast_in_dim3A_616 : vector<128x128xf32>
    %lt3A_618 = arith.cmpf olt, %add3A_617, %select_n3A_608 : vector<128x128xf32>
    %select_n3A_619 = arith.select %lt3A_618, %add3A_617, %select_n3A_608 : vector<128x128xi1>, vector<128x128xf32>
    %jit3A_620 = arith.constant 53 : i32
    %broadcast_in_dim3A_621 = vector.broadcast %jit3A_620 : i32 to vector<128x128xi32>
    %select_n3A_622 = arith.select %lt3A_618, %broadcast_in_dim3A_621, %select_n3A_611 : vector<128x128xi1>, vector<128x128xi32>
    %slice3A_623 = vector.extract_strided_slice %slice3A {offsets = [0, 6912], sizes = [128, 128], strides = [1, 1]} : vector<128x8192xf32> to vector<128x128xf32>
    %sub3A_624 = arith.subf %broadcast_in_dim3A_14, %slice3A_623 : vector<128x128xf32>
    %slice3A_625 = vector.extract_strided_slice %get3A_8 {offsets = [0, 6912], sizes = [1, 128], strides = [1, 1]} : vector<1x8192xf32> to vector<1x128xf32>
    %broadcast_in_dim3A_626 = vector.shape_cast %slice3A_625 : vector<1x128xf32> to vector<1x128xf32>
    %broadcast_in_dim3A_627 = vector.broadcast %broadcast_in_dim3A_626 : vector<1x128xf32> to vector<128x128xf32>
    %add3A_628 = arith.addf %sub3A_624, %broadcast_in_dim3A_627 : vector<128x128xf32>
    %lt3A_629 = arith.cmpf olt, %add3A_628, %select_n3A_619 : vector<128x128xf32>
    %select_n3A_630 = arith.select %lt3A_629, %add3A_628, %select_n3A_619 : vector<128x128xi1>, vector<128x128xf32>
    %jit3A_631 = arith.constant 54 : i32
    %broadcast_in_dim3A_632 = vector.broadcast %jit3A_631 : i32 to vector<128x128xi32>
    %select_n3A_633 = arith.select %lt3A_629, %broadcast_in_dim3A_632, %select_n3A_622 : vector<128x128xi1>, vector<128x128xi32>
    %slice3A_634 = vector.extract_strided_slice %slice3A {offsets = [0, 7040], sizes = [128, 128], strides = [1, 1]} : vector<128x8192xf32> to vector<128x128xf32>
    %sub3A_635 = arith.subf %broadcast_in_dim3A_14, %slice3A_634 : vector<128x128xf32>
    %slice3A_636 = vector.extract_strided_slice %get3A_8 {offsets = [0, 7040], sizes = [1, 128], strides = [1, 1]} : vector<1x8192xf32> to vector<1x128xf32>
    %broadcast_in_dim3A_637 = vector.shape_cast %slice3A_636 : vector<1x128xf32> to vector<1x128xf32>
    %broadcast_in_dim3A_638 = vector.broadcast %broadcast_in_dim3A_637 : vector<1x128xf32> to vector<128x128xf32>
    %add3A_639 = arith.addf %sub3A_635, %broadcast_in_dim3A_638 : vector<128x128xf32>
    %lt3A_640 = arith.cmpf olt, %add3A_639, %select_n3A_630 : vector<128x128xf32>
    %select_n3A_641 = arith.select %lt3A_640, %add3A_639, %select_n3A_630 : vector<128x128xi1>, vector<128x128xf32>
    %jit3A_642 = arith.constant 55 : i32
    %broadcast_in_dim3A_643 = vector.broadcast %jit3A_642 : i32 to vector<128x128xi32>
    %select_n3A_644 = arith.select %lt3A_640, %broadcast_in_dim3A_643, %select_n3A_633 : vector<128x128xi1>, vector<128x128xi32>
    %slice3A_645 = vector.extract_strided_slice %slice3A {offsets = [0, 7168], sizes = [128, 128], strides = [1, 1]} : vector<128x8192xf32> to vector<128x128xf32>
    %sub3A_646 = arith.subf %broadcast_in_dim3A_14, %slice3A_645 : vector<128x128xf32>
    %slice3A_647 = vector.extract_strided_slice %get3A_8 {offsets = [0, 7168], sizes = [1, 128], strides = [1, 1]} : vector<1x8192xf32> to vector<1x128xf32>
    %broadcast_in_dim3A_648 = vector.shape_cast %slice3A_647 : vector<1x128xf32> to vector<1x128xf32>
    %broadcast_in_dim3A_649 = vector.broadcast %broadcast_in_dim3A_648 : vector<1x128xf32> to vector<128x128xf32>
    %add3A_650 = arith.addf %sub3A_646, %broadcast_in_dim3A_649 : vector<128x128xf32>
    %lt3A_651 = arith.cmpf olt, %add3A_650, %select_n3A_641 : vector<128x128xf32>
    %select_n3A_652 = arith.select %lt3A_651, %add3A_650, %select_n3A_641 : vector<128x128xi1>, vector<128x128xf32>
    %jit3A_653 = arith.constant 56 : i32
    %broadcast_in_dim3A_654 = vector.broadcast %jit3A_653 : i32 to vector<128x128xi32>
    %select_n3A_655 = arith.select %lt3A_651, %broadcast_in_dim3A_654, %select_n3A_644 : vector<128x128xi1>, vector<128x128xi32>
    %slice3A_656 = vector.extract_strided_slice %slice3A {offsets = [0, 7296], sizes = [128, 128], strides = [1, 1]} : vector<128x8192xf32> to vector<128x128xf32>
    %sub3A_657 = arith.subf %broadcast_in_dim3A_14, %slice3A_656 : vector<128x128xf32>
    %slice3A_658 = vector.extract_strided_slice %get3A_8 {offsets = [0, 7296], sizes = [1, 128], strides = [1, 1]} : vector<1x8192xf32> to vector<1x128xf32>
    %broadcast_in_dim3A_659 = vector.shape_cast %slice3A_658 : vector<1x128xf32> to vector<1x128xf32>
    %broadcast_in_dim3A_660 = vector.broadcast %broadcast_in_dim3A_659 : vector<1x128xf32> to vector<128x128xf32>
    %add3A_661 = arith.addf %sub3A_657, %broadcast_in_dim3A_660 : vector<128x128xf32>
    %lt3A_662 = arith.cmpf olt, %add3A_661, %select_n3A_652 : vector<128x128xf32>
    %select_n3A_663 = arith.select %lt3A_662, %add3A_661, %select_n3A_652 : vector<128x128xi1>, vector<128x128xf32>
    %jit3A_664 = arith.constant 57 : i32
    %broadcast_in_dim3A_665 = vector.broadcast %jit3A_664 : i32 to vector<128x128xi32>
    %select_n3A_666 = arith.select %lt3A_662, %broadcast_in_dim3A_665, %select_n3A_655 : vector<128x128xi1>, vector<128x128xi32>
    %slice3A_667 = vector.extract_strided_slice %slice3A {offsets = [0, 7424], sizes = [128, 128], strides = [1, 1]} : vector<128x8192xf32> to vector<128x128xf32>
    %sub3A_668 = arith.subf %broadcast_in_dim3A_14, %slice3A_667 : vector<128x128xf32>
    %slice3A_669 = vector.extract_strided_slice %get3A_8 {offsets = [0, 7424], sizes = [1, 128], strides = [1, 1]} : vector<1x8192xf32> to vector<1x128xf32>
    %broadcast_in_dim3A_670 = vector.shape_cast %slice3A_669 : vector<1x128xf32> to vector<1x128xf32>
    %broadcast_in_dim3A_671 = vector.broadcast %broadcast_in_dim3A_670 : vector<1x128xf32> to vector<128x128xf32>
    %add3A_672 = arith.addf %sub3A_668, %broadcast_in_dim3A_671 : vector<128x128xf32>
    %lt3A_673 = arith.cmpf olt, %add3A_672, %select_n3A_663 : vector<128x128xf32>
    %select_n3A_674 = arith.select %lt3A_673, %add3A_672, %select_n3A_663 : vector<128x128xi1>, vector<128x128xf32>
    %jit3A_675 = arith.constant 58 : i32
    %broadcast_in_dim3A_676 = vector.broadcast %jit3A_675 : i32 to vector<128x128xi32>
    %select_n3A_677 = arith.select %lt3A_673, %broadcast_in_dim3A_676, %select_n3A_666 : vector<128x128xi1>, vector<128x128xi32>
    %slice3A_678 = vector.extract_strided_slice %slice3A {offsets = [0, 7552], sizes = [128, 128], strides = [1, 1]} : vector<128x8192xf32> to vector<128x128xf32>
    %sub3A_679 = arith.subf %broadcast_in_dim3A_14, %slice3A_678 : vector<128x128xf32>
    %slice3A_680 = vector.extract_strided_slice %get3A_8 {offsets = [0, 7552], sizes = [1, 128], strides = [1, 1]} : vector<1x8192xf32> to vector<1x128xf32>
    %broadcast_in_dim3A_681 = vector.shape_cast %slice3A_680 : vector<1x128xf32> to vector<1x128xf32>
    %broadcast_in_dim3A_682 = vector.broadcast %broadcast_in_dim3A_681 : vector<1x128xf32> to vector<128x128xf32>
    %add3A_683 = arith.addf %sub3A_679, %broadcast_in_dim3A_682 : vector<128x128xf32>
    %lt3A_684 = arith.cmpf olt, %add3A_683, %select_n3A_674 : vector<128x128xf32>
    %select_n3A_685 = arith.select %lt3A_684, %add3A_683, %select_n3A_674 : vector<128x128xi1>, vector<128x128xf32>
    %jit3A_686 = arith.constant 59 : i32
    %broadcast_in_dim3A_687 = vector.broadcast %jit3A_686 : i32 to vector<128x128xi32>
    %select_n3A_688 = arith.select %lt3A_684, %broadcast_in_dim3A_687, %select_n3A_677 : vector<128x128xi1>, vector<128x128xi32>
    %slice3A_689 = vector.extract_strided_slice %slice3A {offsets = [0, 7680], sizes = [128, 128], strides = [1, 1]} : vector<128x8192xf32> to vector<128x128xf32>
    %sub3A_690 = arith.subf %broadcast_in_dim3A_14, %slice3A_689 : vector<128x128xf32>
    %slice3A_691 = vector.extract_strided_slice %get3A_8 {offsets = [0, 7680], sizes = [1, 128], strides = [1, 1]} : vector<1x8192xf32> to vector<1x128xf32>
    %broadcast_in_dim3A_692 = vector.shape_cast %slice3A_691 : vector<1x128xf32> to vector<1x128xf32>
    %broadcast_in_dim3A_693 = vector.broadcast %broadcast_in_dim3A_692 : vector<1x128xf32> to vector<128x128xf32>
    %add3A_694 = arith.addf %sub3A_690, %broadcast_in_dim3A_693 : vector<128x128xf32>
    %lt3A_695 = arith.cmpf olt, %add3A_694, %select_n3A_685 : vector<128x128xf32>
    %select_n3A_696 = arith.select %lt3A_695, %add3A_694, %select_n3A_685 : vector<128x128xi1>, vector<128x128xf32>
    %jit3A_697 = arith.constant 60 : i32
    %broadcast_in_dim3A_698 = vector.broadcast %jit3A_697 : i32 to vector<128x128xi32>
    %select_n3A_699 = arith.select %lt3A_695, %broadcast_in_dim3A_698, %select_n3A_688 : vector<128x128xi1>, vector<128x128xi32>
    %slice3A_700 = vector.extract_strided_slice %slice3A {offsets = [0, 7808], sizes = [128, 128], strides = [1, 1]} : vector<128x8192xf32> to vector<128x128xf32>
    %sub3A_701 = arith.subf %broadcast_in_dim3A_14, %slice3A_700 : vector<128x128xf32>
    %slice3A_702 = vector.extract_strided_slice %get3A_8 {offsets = [0, 7808], sizes = [1, 128], strides = [1, 1]} : vector<1x8192xf32> to vector<1x128xf32>
    %broadcast_in_dim3A_703 = vector.shape_cast %slice3A_702 : vector<1x128xf32> to vector<1x128xf32>
    %broadcast_in_dim3A_704 = vector.broadcast %broadcast_in_dim3A_703 : vector<1x128xf32> to vector<128x128xf32>
    %add3A_705 = arith.addf %sub3A_701, %broadcast_in_dim3A_704 : vector<128x128xf32>
    %lt3A_706 = arith.cmpf olt, %add3A_705, %select_n3A_696 : vector<128x128xf32>
    %select_n3A_707 = arith.select %lt3A_706, %add3A_705, %select_n3A_696 : vector<128x128xi1>, vector<128x128xf32>
    %jit3A_708 = arith.constant 61 : i32
    %broadcast_in_dim3A_709 = vector.broadcast %jit3A_708 : i32 to vector<128x128xi32>
    %select_n3A_710 = arith.select %lt3A_706, %broadcast_in_dim3A_709, %select_n3A_699 : vector<128x128xi1>, vector<128x128xi32>
    %slice3A_711 = vector.extract_strided_slice %slice3A {offsets = [0, 7936], sizes = [128, 128], strides = [1, 1]} : vector<128x8192xf32> to vector<128x128xf32>
    %sub3A_712 = arith.subf %broadcast_in_dim3A_14, %slice3A_711 : vector<128x128xf32>
    %slice3A_713 = vector.extract_strided_slice %get3A_8 {offsets = [0, 7936], sizes = [1, 128], strides = [1, 1]} : vector<1x8192xf32> to vector<1x128xf32>
    %broadcast_in_dim3A_714 = vector.shape_cast %slice3A_713 : vector<1x128xf32> to vector<1x128xf32>
    %broadcast_in_dim3A_715 = vector.broadcast %broadcast_in_dim3A_714 : vector<1x128xf32> to vector<128x128xf32>
    %add3A_716 = arith.addf %sub3A_712, %broadcast_in_dim3A_715 : vector<128x128xf32>
    %lt3A_717 = arith.cmpf olt, %add3A_716, %select_n3A_707 : vector<128x128xf32>
    %select_n3A_718 = arith.select %lt3A_717, %add3A_716, %select_n3A_707 : vector<128x128xi1>, vector<128x128xf32>
    %jit3A_719 = arith.constant 62 : i32
    %broadcast_in_dim3A_720 = vector.broadcast %jit3A_719 : i32 to vector<128x128xi32>
    %select_n3A_721 = arith.select %lt3A_717, %broadcast_in_dim3A_720, %select_n3A_710 : vector<128x128xi1>, vector<128x128xi32>
    %slice3A_722 = vector.extract_strided_slice %slice3A {offsets = [0, 8064], sizes = [128, 128], strides = [1, 1]} : vector<128x8192xf32> to vector<128x128xf32>
    %sub3A_723 = arith.subf %broadcast_in_dim3A_14, %slice3A_722 : vector<128x128xf32>
    %slice3A_724 = vector.extract_strided_slice %get3A_8 {offsets = [0, 8064], sizes = [1, 128], strides = [1, 1]} : vector<1x8192xf32> to vector<1x128xf32>
    %broadcast_in_dim3A_725 = vector.shape_cast %slice3A_724 : vector<1x128xf32> to vector<1x128xf32>
    %broadcast_in_dim3A_726 = vector.broadcast %broadcast_in_dim3A_725 : vector<1x128xf32> to vector<128x128xf32>
    %add3A_727 = arith.addf %sub3A_723, %broadcast_in_dim3A_726 : vector<128x128xf32>
    %lt3A_728 = arith.cmpf olt, %add3A_727, %select_n3A_718 : vector<128x128xf32>
    %select_n3A_729 = arith.select %lt3A_728, %add3A_727, %select_n3A_718 : vector<128x128xi1>, vector<128x128xf32>
    %jit3A_730 = arith.constant 63 : i32
    %broadcast_in_dim3A_731 = vector.broadcast %jit3A_730 : i32 to vector<128x128xi32>
    %select_n3A_732 = arith.select %lt3A_728, %broadcast_in_dim3A_731, %select_n3A_721 : vector<128x128xi1>, vector<128x128xi32>
    %reduce_min3A_733 = arith.constant dense<0x7F800000> : vector<128xf32>
    %reduce_min3A_734 = vector.multi_reduction <minimumf>, %select_n3A_729, %reduce_min3A_733 [1] : vector<128x128xf32> to vector<128xf32>
    %broadcast_in_dim3A_735 = vector.shape_cast %reduce_min3A_734 : vector<128xf32> to vector<128x1xf32>
    %mul3A_736 = arith.constant 128 : i32
    %mul3A_737 = vector.broadcast %mul3A_736 : i32 to vector<128x128xi32>
    %mul3A_738 = arith.muli %select_n3A_732, %mul3A_737 : vector<128x128xi32>
    %add3A_739 = arith.addi %mul3A_738, %iota3A : vector<128x128xi32>
    %eq3A_740 = vector.broadcast %broadcast_in_dim3A_735 : vector<128x1xf32> to vector<128x128xf32>
    %eq3A_741 = arith.cmpf oeq, %select_n3A_729, %eq3A_740 : vector<128x128xf32>
    %jit3A_742 = arith.constant 8192 : i32
    %broadcast_in_dim3A_743 = vector.broadcast %jit3A_742 : i32 to vector<128x128xi32>
    %select_n3A_744 = arith.select %eq3A_741, %add3A_739, %broadcast_in_dim3A_743 : vector<128x128xi1>, vector<128x128xi32>
    %reduce_min3A_745 = arith.constant dense<2147483647> : vector<128xi32>
    %reduce_min3A_746 = vector.multi_reduction <minsi>, %select_n3A_744, %reduce_min3A_745 [1] : vector<128x128xi32> to vector<128xi32>
    %convert_element_type3A = arith.truncf %broadcast_in_dim3A_367 : vector<128x1xf32> to vector<128x1xbf16>
    %convert_element_type3A_747 = arith.extf %convert_element_type3A : vector<128x1xbf16> to vector<128x1xf32>
    %lt3A_748 = arith.cmpf olt, %broadcast_in_dim3A_735, %convert_element_type3A_747 : vector<128x1xf32>
    %squeeze3A = vector.shape_cast %lt3A_748 : vector<128x1xi1> to vector<128xi1>
    %select_n3A_749 = arith.select %squeeze3A, %reduce_min3A_746, %reduce_min3A_376 : vector<128xi1>, vector<128xi32>
    %swap3A = arith.constant 0 : index
    %swap3A_750 = arith.constant 0 : index
    %swap3A_751 = arith.constant 0 : index
    %swap3A_752 = vector.load %arg5[%swap3A, %swap3A_750, %swap3A_751] : memref<1x1x512xi32, #tpu.memory_space<vmem>>, vector<1x1x128xi32>
    %swap3A_753 = vector.shape_cast %swap3A_752 : vector<1x1x128xi32> to vector<128xi32>
    %swap3A_754 = vector.shape_cast %select_n3A_749 : vector<128xi32> to vector<1x1x128xi32>
    tpu.vector_store %arg5[%swap3A, %swap3A_750, %swap3A_751], %swap3A_754 {strides = array<i32>} : memref<1x1x512xi32, #tpu.memory_space<vmem>>, vector<1x1x128xi32>,
    %squeeze3A_755 = vector.shape_cast %lt3A_748 : vector<128x1xi1> to vector<128xi1>
    %squeeze3A_756 = vector.shape_cast %broadcast_in_dim3A_735 : vector<128x1xf32> to vector<128xf32>
    %squeeze3A_757 = vector.shape_cast %broadcast_in_dim3A_367 : vector<128x1xf32> to vector<128xf32>
    %select_n3A_758 = arith.select %squeeze3A_755, %squeeze3A_756, %squeeze3A_757 : vector<128xi1>, vector<128xf32>
    %reduce_sum3A = vector.shape_cast %select_n3A_758 : vector<128xf32> to vector<1x128xf32>
    %reduce_sum3A_759 = arith.constant dense<0.000000e+00> : vector<1xf32>
    %reduce_sum3A_760 = vector.multi_reduction <add>, %reduce_sum3A, %reduce_sum3A_759 [1] : vector<1x128xf32> to vector<1xf32>
    %reduce_sum3A_761 = vector.shape_cast %reduce_sum3A_760 : vector<1xf32> to vector<1x1xf32>
    %reduce_sum3A_762 = vector.extract %reduce_sum3A_761[0, 0] : f32 from vector<1x1xf32>
    %reshape3A = vector.broadcast %reduce_sum3A_762 : f32 to vector<1x1xf32>
    %add3A_763 = arith.addf %broadcast_in_dim3A_9, %reshape3A : vector<1x1xf32>
    %slice3A_764 = vector.extract_strided_slice %dot_general3A_5 {offsets = [128, 0], sizes = [128, 8192], strides = [1, 1]} : vector<512x8192xf32> to vector<128x8192xf32>
    %get3A_765 = arith.constant 128 : index
    %get3A_766 = arith.constant 0 : index
    %get3A_767 = vector.load %arg2[%get3A_765, %get3A_766] : memref<512x1xf32, #tpu.memory_space<vmem>>, vector<128x1xf32>
    %broadcast_in_dim3A_768 = vector.shape_cast %get3A_767 : vector<128x1xf32> to vector<128x1xf32>
    %broadcast_in_dim3A_769 = vector.broadcast %broadcast_in_dim3A_768 : vector<128x1xf32> to vector<128x128xf32>
    %broadcast_in_dim3A_770 = arith.constant 0x7F800000 : f32
    %broadcast_in_dim3A_771 = vector.broadcast %broadcast_in_dim3A_770 : f32 to vector<128x128xf32>
    %broadcast_in_dim3A_772 = arith.constant 0 : i32
    %broadcast_in_dim3A_773 = vector.broadcast %broadcast_in_dim3A_772 : i32 to vector<128x128xi32>
    %slice3A_774 = vector.extract_strided_slice %slice3A_764 {offsets = [0, 0], sizes = [128, 128], strides = [1, 1]} : vector<128x8192xf32> to vector<128x128xf32>
    %sub3A_775 = arith.subf %broadcast_in_dim3A_769, %slice3A_774 : vector<128x128xf32>
    %slice3A_776 = vector.extract_strided_slice %get3A_8 {offsets = [0, 0], sizes = [1, 128], strides = [1, 1]} : vector<1x8192xf32> to vector<1x128xf32>
    %broadcast_in_dim3A_777 = vector.shape_cast %slice3A_776 : vector<1x128xf32> to vector<1x128xf32>
    %broadcast_in_dim3A_778 = vector.broadcast %broadcast_in_dim3A_777 : vector<1x128xf32> to vector<128x128xf32>
    %add3A_779 = arith.addf %sub3A_775, %broadcast_in_dim3A_778 : vector<128x128xf32>
    %lt3A_780 = arith.cmpf olt, %add3A_779, %broadcast_in_dim3A_771 : vector<128x128xf32>
    %select_n3A_781 = arith.select %lt3A_780, %add3A_779, %broadcast_in_dim3A_771 : vector<128x128xi1>, vector<128x128xf32>
    %jit3A_782 = arith.constant 0 : i32
    %broadcast_in_dim3A_783 = vector.broadcast %jit3A_782 : i32 to vector<128x128xi32>
    %select_n3A_784 = arith.select %lt3A_780, %broadcast_in_dim3A_783, %broadcast_in_dim3A_773 : vector<128x128xi1>, vector<128x128xi32>
    %slice3A_785 = vector.extract_strided_slice %slice3A_764 {offsets = [0, 128], sizes = [128, 128], strides = [1, 1]} : vector<128x8192xf32> to vector<128x128xf32>
    %sub3A_786 = arith.subf %broadcast_in_dim3A_769, %slice3A_785 : vector<128x128xf32>
    %slice3A_787 = vector.extract_strided_slice %get3A_8 {offsets = [0, 128], sizes = [1, 128], strides = [1, 1]} : vector<1x8192xf32> to vector<1x128xf32>
    %broadcast_in_dim3A_788 = vector.shape_cast %slice3A_787 : vector<1x128xf32> to vector<1x128xf32>
    %broadcast_in_dim3A_789 = vector.broadcast %broadcast_in_dim3A_788 : vector<1x128xf32> to vector<128x128xf32>
    %add3A_790 = arith.addf %sub3A_786, %broadcast_in_dim3A_789 : vector<128x128xf32>
    %lt3A_791 = arith.cmpf olt, %add3A_790, %select_n3A_781 : vector<128x128xf32>
    %select_n3A_792 = arith.select %lt3A_791, %add3A_790, %select_n3A_781 : vector<128x128xi1>, vector<128x128xf32>
    %jit3A_793 = arith.constant 1 : i32
    %broadcast_in_dim3A_794 = vector.broadcast %jit3A_793 : i32 to vector<128x128xi32>
    %select_n3A_795 = arith.select %lt3A_791, %broadcast_in_dim3A_794, %select_n3A_784 : vector<128x128xi1>, vector<128x128xi32>
    %slice3A_796 = vector.extract_strided_slice %slice3A_764 {offsets = [0, 256], sizes = [128, 128], strides = [1, 1]} : vector<128x8192xf32> to vector<128x128xf32>
    %sub3A_797 = arith.subf %broadcast_in_dim3A_769, %slice3A_796 : vector<128x128xf32>
    %slice3A_798 = vector.extract_strided_slice %get3A_8 {offsets = [0, 256], sizes = [1, 128], strides = [1, 1]} : vector<1x8192xf32> to vector<1x128xf32>
    %broadcast_in_dim3A_799 = vector.shape_cast %slice3A_798 : vector<1x128xf32> to vector<1x128xf32>
    %broadcast_in_dim3A_800 = vector.broadcast %broadcast_in_dim3A_799 : vector<1x128xf32> to vector<128x128xf32>
    %add3A_801 = arith.addf %sub3A_797, %broadcast_in_dim3A_800 : vector<128x128xf32>
    %lt3A_802 = arith.cmpf olt, %add3A_801, %select_n3A_792 : vector<128x128xf32>
    %select_n3A_803 = arith.select %lt3A_802, %add3A_801, %select_n3A_792 : vector<128x128xi1>, vector<128x128xf32>
    %jit3A_804 = arith.constant 2 : i32
    %broadcast_in_dim3A_805 = vector.broadcast %jit3A_804 : i32 to vector<128x128xi32>
    %select_n3A_806 = arith.select %lt3A_802, %broadcast_in_dim3A_805, %select_n3A_795 : vector<128x128xi1>, vector<128x128xi32>
    %slice3A_807 = vector.extract_strided_slice %slice3A_764 {offsets = [0, 384], sizes = [128, 128], strides = [1, 1]} : vector<128x8192xf32> to vector<128x128xf32>
    %sub3A_808 = arith.subf %broadcast_in_dim3A_769, %slice3A_807 : vector<128x128xf32>
    %slice3A_809 = vector.extract_strided_slice %get3A_8 {offsets = [0, 384], sizes = [1, 128], strides = [1, 1]} : vector<1x8192xf32> to vector<1x128xf32>
    %broadcast_in_dim3A_810 = vector.shape_cast %slice3A_809 : vector<1x128xf32> to vector<1x128xf32>
    %broadcast_in_dim3A_811 = vector.broadcast %broadcast_in_dim3A_810 : vector<1x128xf32> to vector<128x128xf32>
    %add3A_812 = arith.addf %sub3A_808, %broadcast_in_dim3A_811 : vector<128x128xf32>
    %lt3A_813 = arith.cmpf olt, %add3A_812, %select_n3A_803 : vector<128x128xf32>
    %select_n3A_814 = arith.select %lt3A_813, %add3A_812, %select_n3A_803 : vector<128x128xi1>, vector<128x128xf32>
    %jit3A_815 = arith.constant 3 : i32
    %broadcast_in_dim3A_816 = vector.broadcast %jit3A_815 : i32 to vector<128x128xi32>
    %select_n3A_817 = arith.select %lt3A_813, %broadcast_in_dim3A_816, %select_n3A_806 : vector<128x128xi1>, vector<128x128xi32>
    %slice3A_818 = vector.extract_strided_slice %slice3A_764 {offsets = [0, 512], sizes = [128, 128], strides = [1, 1]} : vector<128x8192xf32> to vector<128x128xf32>
    %sub3A_819 = arith.subf %broadcast_in_dim3A_769, %slice3A_818 : vector<128x128xf32>
    %slice3A_820 = vector.extract_strided_slice %get3A_8 {offsets = [0, 512], sizes = [1, 128], strides = [1, 1]} : vector<1x8192xf32> to vector<1x128xf32>
    %broadcast_in_dim3A_821 = vector.shape_cast %slice3A_820 : vector<1x128xf32> to vector<1x128xf32>
    %broadcast_in_dim3A_822 = vector.broadcast %broadcast_in_dim3A_821 : vector<1x128xf32> to vector<128x128xf32>
    %add3A_823 = arith.addf %sub3A_819, %broadcast_in_dim3A_822 : vector<128x128xf32>
    %lt3A_824 = arith.cmpf olt, %add3A_823, %select_n3A_814 : vector<128x128xf32>
    %select_n3A_825 = arith.select %lt3A_824, %add3A_823, %select_n3A_814 : vector<128x128xi1>, vector<128x128xf32>
    %jit3A_826 = arith.constant 4 : i32
    %broadcast_in_dim3A_827 = vector.broadcast %jit3A_826 : i32 to vector<128x128xi32>
    %select_n3A_828 = arith.select %lt3A_824, %broadcast_in_dim3A_827, %select_n3A_817 : vector<128x128xi1>, vector<128x128xi32>
    %slice3A_829 = vector.extract_strided_slice %slice3A_764 {offsets = [0, 640], sizes = [128, 128], strides = [1, 1]} : vector<128x8192xf32> to vector<128x128xf32>
    %sub3A_830 = arith.subf %broadcast_in_dim3A_769, %slice3A_829 : vector<128x128xf32>
    %slice3A_831 = vector.extract_strided_slice %get3A_8 {offsets = [0, 640], sizes = [1, 128], strides = [1, 1]} : vector<1x8192xf32> to vector<1x128xf32>
    %broadcast_in_dim3A_832 = vector.shape_cast %slice3A_831 : vector<1x128xf32> to vector<1x128xf32>
    %broadcast_in_dim3A_833 = vector.broadcast %broadcast_in_dim3A_832 : vector<1x128xf32> to vector<128x128xf32>
    %add3A_834 = arith.addf %sub3A_830, %broadcast_in_dim3A_833 : vector<128x128xf32>
    %lt3A_835 = arith.cmpf olt, %add3A_834, %select_n3A_825 : vector<128x128xf32>
    %select_n3A_836 = arith.select %lt3A_835, %add3A_834, %select_n3A_825 : vector<128x128xi1>, vector<128x128xf32>
    %jit3A_837 = arith.constant 5 : i32
    %broadcast_in_dim3A_838 = vector.broadcast %jit3A_837 : i32 to vector<128x128xi32>
    %select_n3A_839 = arith.select %lt3A_835, %broadcast_in_dim3A_838, %select_n3A_828 : vector<128x128xi1>, vector<128x128xi32>
    %slice3A_840 = vector.extract_strided_slice %slice3A_764 {offsets = [0, 768], sizes = [128, 128], strides = [1, 1]} : vector<128x8192xf32> to vector<128x128xf32>
    %sub3A_841 = arith.subf %broadcast_in_dim3A_769, %slice3A_840 : vector<128x128xf32>
    %slice3A_842 = vector.extract_strided_slice %get3A_8 {offsets = [0, 768], sizes = [1, 128], strides = [1, 1]} : vector<1x8192xf32> to vector<1x128xf32>
    %broadcast_in_dim3A_843 = vector.shape_cast %slice3A_842 : vector<1x128xf32> to vector<1x128xf32>
    %broadcast_in_dim3A_844 = vector.broadcast %broadcast_in_dim3A_843 : vector<1x128xf32> to vector<128x128xf32>
    %add3A_845 = arith.addf %sub3A_841, %broadcast_in_dim3A_844 : vector<128x128xf32>
    %lt3A_846 = arith.cmpf olt, %add3A_845, %select_n3A_836 : vector<128x128xf32>
    %select_n3A_847 = arith.select %lt3A_846, %add3A_845, %select_n3A_836 : vector<128x128xi1>, vector<128x128xf32>
    %jit3A_848 = arith.constant 6 : i32
    %broadcast_in_dim3A_849 = vector.broadcast %jit3A_848 : i32 to vector<128x128xi32>
    %select_n3A_850 = arith.select %lt3A_846, %broadcast_in_dim3A_849, %select_n3A_839 : vector<128x128xi1>, vector<128x128xi32>
    %slice3A_851 = vector.extract_strided_slice %slice3A_764 {offsets = [0, 896], sizes = [128, 128], strides = [1, 1]} : vector<128x8192xf32> to vector<128x128xf32>
    %sub3A_852 = arith.subf %broadcast_in_dim3A_769, %slice3A_851 : vector<128x128xf32>
    %slice3A_853 = vector.extract_strided_slice %get3A_8 {offsets = [0, 896], sizes = [1, 128], strides = [1, 1]} : vector<1x8192xf32> to vector<1x128xf32>
    %broadcast_in_dim3A_854 = vector.shape_cast %slice3A_853 : vector<1x128xf32> to vector<1x128xf32>
    %broadcast_in_dim3A_855 = vector.broadcast %broadcast_in_dim3A_854 : vector<1x128xf32> to vector<128x128xf32>
    %add3A_856 = arith.addf %sub3A_852, %broadcast_in_dim3A_855 : vector<128x128xf32>
    %lt3A_857 = arith.cmpf olt, %add3A_856, %select_n3A_847 : vector<128x128xf32>
    %select_n3A_858 = arith.select %lt3A_857, %add3A_856, %select_n3A_847 : vector<128x128xi1>, vector<128x128xf32>
    %jit3A_859 = arith.constant 7 : i32
    %broadcast_in_dim3A_860 = vector.broadcast %jit3A_859 : i32 to vector<128x128xi32>
    %select_n3A_861 = arith.select %lt3A_857, %broadcast_in_dim3A_860, %select_n3A_850 : vector<128x128xi1>, vector<128x128xi32>
    %slice3A_862 = vector.extract_strided_slice %slice3A_764 {offsets = [0, 1024], sizes = [128, 128], strides = [1, 1]} : vector<128x8192xf32> to vector<128x128xf32>
    %sub3A_863 = arith.subf %broadcast_in_dim3A_769, %slice3A_862 : vector<128x128xf32>
    %slice3A_864 = vector.extract_strided_slice %get3A_8 {offsets = [0, 1024], sizes = [1, 128], strides = [1, 1]} : vector<1x8192xf32> to vector<1x128xf32>
    %broadcast_in_dim3A_865 = vector.shape_cast %slice3A_864 : vector<1x128xf32> to vector<1x128xf32>
    %broadcast_in_dim3A_866 = vector.broadcast %broadcast_in_dim3A_865 : vector<1x128xf32> to vector<128x128xf32>
    %add3A_867 = arith.addf %sub3A_863, %broadcast_in_dim3A_866 : vector<128x128xf32>
    %lt3A_868 = arith.cmpf olt, %add3A_867, %select_n3A_858 : vector<128x128xf32>
    %select_n3A_869 = arith.select %lt3A_868, %add3A_867, %select_n3A_858 : vector<128x128xi1>, vector<128x128xf32>
    %jit3A_870 = arith.constant 8 : i32
    %broadcast_in_dim3A_871 = vector.broadcast %jit3A_870 : i32 to vector<128x128xi32>
    %select_n3A_872 = arith.select %lt3A_868, %broadcast_in_dim3A_871, %select_n3A_861 : vector<128x128xi1>, vector<128x128xi32>
    %slice3A_873 = vector.extract_strided_slice %slice3A_764 {offsets = [0, 1152], sizes = [128, 128], strides = [1, 1]} : vector<128x8192xf32> to vector<128x128xf32>
    %sub3A_874 = arith.subf %broadcast_in_dim3A_769, %slice3A_873 : vector<128x128xf32>
    %slice3A_875 = vector.extract_strided_slice %get3A_8 {offsets = [0, 1152], sizes = [1, 128], strides = [1, 1]} : vector<1x8192xf32> to vector<1x128xf32>
    %broadcast_in_dim3A_876 = vector.shape_cast %slice3A_875 : vector<1x128xf32> to vector<1x128xf32>
    %broadcast_in_dim3A_877 = vector.broadcast %broadcast_in_dim3A_876 : vector<1x128xf32> to vector<128x128xf32>
    %add3A_878 = arith.addf %sub3A_874, %broadcast_in_dim3A_877 : vector<128x128xf32>
    %lt3A_879 = arith.cmpf olt, %add3A_878, %select_n3A_869 : vector<128x128xf32>
    %select_n3A_880 = arith.select %lt3A_879, %add3A_878, %select_n3A_869 : vector<128x128xi1>, vector<128x128xf32>
    %jit3A_881 = arith.constant 9 : i32
    %broadcast_in_dim3A_882 = vector.broadcast %jit3A_881 : i32 to vector<128x128xi32>
    %select_n3A_883 = arith.select %lt3A_879, %broadcast_in_dim3A_882, %select_n3A_872 : vector<128x128xi1>, vector<128x128xi32>
    %slice3A_884 = vector.extract_strided_slice %slice3A_764 {offsets = [0, 1280], sizes = [128, 128], strides = [1, 1]} : vector<128x8192xf32> to vector<128x128xf32>
    %sub3A_885 = arith.subf %broadcast_in_dim3A_769, %slice3A_884 : vector<128x128xf32>
    %slice3A_886 = vector.extract_strided_slice %get3A_8 {offsets = [0, 1280], sizes = [1, 128], strides = [1, 1]} : vector<1x8192xf32> to vector<1x128xf32>
    %broadcast_in_dim3A_887 = vector.shape_cast %slice3A_886 : vector<1x128xf32> to vector<1x128xf32>
    %broadcast_in_dim3A_888 = vector.broadcast %broadcast_in_dim3A_887 : vector<1x128xf32> to vector<128x128xf32>
    %add3A_889 = arith.addf %sub3A_885, %broadcast_in_dim3A_888 : vector<128x128xf32>
    %lt3A_890 = arith.cmpf olt, %add3A_889, %select_n3A_880 : vector<128x128xf32>
    %select_n3A_891 = arith.select %lt3A_890, %add3A_889, %select_n3A_880 : vector<128x128xi1>, vector<128x128xf32>
    %jit3A_892 = arith.constant 10 : i32
    %broadcast_in_dim3A_893 = vector.broadcast %jit3A_892 : i32 to vector<128x128xi32>
    %select_n3A_894 = arith.select %lt3A_890, %broadcast_in_dim3A_893, %select_n3A_883 : vector<128x128xi1>, vector<128x128xi32>
    %slice3A_895 = vector.extract_strided_slice %slice3A_764 {offsets = [0, 1408], sizes = [128, 128], strides = [1, 1]} : vector<128x8192xf32> to vector<128x128xf32>
    %sub3A_896 = arith.subf %broadcast_in_dim3A_769, %slice3A_895 : vector<128x128xf32>
    %slice3A_897 = vector.extract_strided_slice %get3A_8 {offsets = [0, 1408], sizes = [1, 128], strides = [1, 1]} : vector<1x8192xf32> to vector<1x128xf32>
    %broadcast_in_dim3A_898 = vector.shape_cast %slice3A_897 : vector<1x128xf32> to vector<1x128xf32>
    %broadcast_in_dim3A_899 = vector.broadcast %broadcast_in_dim3A_898 : vector<1x128xf32> to vector<128x128xf32>
    %add3A_900 = arith.addf %sub3A_896, %broadcast_in_dim3A_899 : vector<128x128xf32>
    %lt3A_901 = arith.cmpf olt, %add3A_900, %select_n3A_891 : vector<128x128xf32>
    %select_n3A_902 = arith.select %lt3A_901, %add3A_900, %select_n3A_891 : vector<128x128xi1>, vector<128x128xf32>
    %jit3A_903 = arith.constant 11 : i32
    %broadcast_in_dim3A_904 = vector.broadcast %jit3A_903 : i32 to vector<128x128xi32>
    %select_n3A_905 = arith.select %lt3A_901, %broadcast_in_dim3A_904, %select_n3A_894 : vector<128x128xi1>, vector<128x128xi32>
    %slice3A_906 = vector.extract_strided_slice %slice3A_764 {offsets = [0, 1536], sizes = [128, 128], strides = [1, 1]} : vector<128x8192xf32> to vector<128x128xf32>
    %sub3A_907 = arith.subf %broadcast_in_dim3A_769, %slice3A_906 : vector<128x128xf32>
    %slice3A_908 = vector.extract_strided_slice %get3A_8 {offsets = [0, 1536], sizes = [1, 128], strides = [1, 1]} : vector<1x8192xf32> to vector<1x128xf32>
    %broadcast_in_dim3A_909 = vector.shape_cast %slice3A_908 : vector<1x128xf32> to vector<1x128xf32>
    %broadcast_in_dim3A_910 = vector.broadcast %broadcast_in_dim3A_909 : vector<1x128xf32> to vector<128x128xf32>
    %add3A_911 = arith.addf %sub3A_907, %broadcast_in_dim3A_910 : vector<128x128xf32>
    %lt3A_912 = arith.cmpf olt, %add3A_911, %select_n3A_902 : vector<128x128xf32>
    %select_n3A_913 = arith.select %lt3A_912, %add3A_911, %select_n3A_902 : vector<128x128xi1>, vector<128x128xf32>
    %jit3A_914 = arith.constant 12 : i32
    %broadcast_in_dim3A_915 = vector.broadcast %jit3A_914 : i32 to vector<128x128xi32>
    %select_n3A_916 = arith.select %lt3A_912, %broadcast_in_dim3A_915, %select_n3A_905 : vector<128x128xi1>, vector<128x128xi32>
    %slice3A_917 = vector.extract_strided_slice %slice3A_764 {offsets = [0, 1664], sizes = [128, 128], strides = [1, 1]} : vector<128x8192xf32> to vector<128x128xf32>
    %sub3A_918 = arith.subf %broadcast_in_dim3A_769, %slice3A_917 : vector<128x128xf32>
    %slice3A_919 = vector.extract_strided_slice %get3A_8 {offsets = [0, 1664], sizes = [1, 128], strides = [1, 1]} : vector<1x8192xf32> to vector<1x128xf32>
    %broadcast_in_dim3A_920 = vector.shape_cast %slice3A_919 : vector<1x128xf32> to vector<1x128xf32>
    %broadcast_in_dim3A_921 = vector.broadcast %broadcast_in_dim3A_920 : vector<1x128xf32> to vector<128x128xf32>
    %add3A_922 = arith.addf %sub3A_918, %broadcast_in_dim3A_921 : vector<128x128xf32>
    %lt3A_923 = arith.cmpf olt, %add3A_922, %select_n3A_913 : vector<128x128xf32>
    %select_n3A_924 = arith.select %lt3A_923, %add3A_922, %select_n3A_913 : vector<128x128xi1>, vector<128x128xf32>
    %jit3A_925 = arith.constant 13 : i32
    %broadcast_in_dim3A_926 = vector.broadcast %jit3A_925 : i32 to vector<128x128xi32>
    %select_n3A_927 = arith.select %lt3A_923, %broadcast_in_dim3A_926, %select_n3A_916 : vector<128x128xi1>, vector<128x128xi32>
    %slice3A_928 = vector.extract_strided_slice %slice3A_764 {offsets = [0, 1792], sizes = [128, 128], strides = [1, 1]} : vector<128x8192xf32> to vector<128x128xf32>
    %sub3A_929 = arith.subf %broadcast_in_dim3A_769, %slice3A_928 : vector<128x128xf32>
    %slice3A_930 = vector.extract_strided_slice %get3A_8 {offsets = [0, 1792], sizes = [1, 128], strides = [1, 1]} : vector<1x8192xf32> to vector<1x128xf32>
    %broadcast_in_dim3A_931 = vector.shape_cast %slice3A_930 : vector<1x128xf32> to vector<1x128xf32>
    %broadcast_in_dim3A_932 = vector.broadcast %broadcast_in_dim3A_931 : vector<1x128xf32> to vector<128x128xf32>
    %add3A_933 = arith.addf %sub3A_929, %broadcast_in_dim3A_932 : vector<128x128xf32>
    %lt3A_934 = arith.cmpf olt, %add3A_933, %select_n3A_924 : vector<128x128xf32>
    %select_n3A_935 = arith.select %lt3A_934, %add3A_933, %select_n3A_924 : vector<128x128xi1>, vector<128x128xf32>
    %jit3A_936 = arith.constant 14 : i32
    %broadcast_in_dim3A_937 = vector.broadcast %jit3A_936 : i32 to vector<128x128xi32>
    %select_n3A_938 = arith.select %lt3A_934, %broadcast_in_dim3A_937, %select_n3A_927 : vector<128x128xi1>, vector<128x128xi32>
    %slice3A_939 = vector.extract_strided_slice %slice3A_764 {offsets = [0, 1920], sizes = [128, 128], strides = [1, 1]} : vector<128x8192xf32> to vector<128x128xf32>
    %sub3A_940 = arith.subf %broadcast_in_dim3A_769, %slice3A_939 : vector<128x128xf32>
    %slice3A_941 = vector.extract_strided_slice %get3A_8 {offsets = [0, 1920], sizes = [1, 128], strides = [1, 1]} : vector<1x8192xf32> to vector<1x128xf32>
    %broadcast_in_dim3A_942 = vector.shape_cast %slice3A_941 : vector<1x128xf32> to vector<1x128xf32>
    %broadcast_in_dim3A_943 = vector.broadcast %broadcast_in_dim3A_942 : vector<1x128xf32> to vector<128x128xf32>
    %add3A_944 = arith.addf %sub3A_940, %broadcast_in_dim3A_943 : vector<128x128xf32>
    %lt3A_945 = arith.cmpf olt, %add3A_944, %select_n3A_935 : vector<128x128xf32>
    %select_n3A_946 = arith.select %lt3A_945, %add3A_944, %select_n3A_935 : vector<128x128xi1>, vector<128x128xf32>
    %jit3A_947 = arith.constant 15 : i32
    %broadcast_in_dim3A_948 = vector.broadcast %jit3A_947 : i32 to vector<128x128xi32>
    %select_n3A_949 = arith.select %lt3A_945, %broadcast_in_dim3A_948, %select_n3A_938 : vector<128x128xi1>, vector<128x128xi32>
    %slice3A_950 = vector.extract_strided_slice %slice3A_764 {offsets = [0, 2048], sizes = [128, 128], strides = [1, 1]} : vector<128x8192xf32> to vector<128x128xf32>
    %sub3A_951 = arith.subf %broadcast_in_dim3A_769, %slice3A_950 : vector<128x128xf32>
    %slice3A_952 = vector.extract_strided_slice %get3A_8 {offsets = [0, 2048], sizes = [1, 128], strides = [1, 1]} : vector<1x8192xf32> to vector<1x128xf32>
    %broadcast_in_dim3A_953 = vector.shape_cast %slice3A_952 : vector<1x128xf32> to vector<1x128xf32>
    %broadcast_in_dim3A_954 = vector.broadcast %broadcast_in_dim3A_953 : vector<1x128xf32> to vector<128x128xf32>
    %add3A_955 = arith.addf %sub3A_951, %broadcast_in_dim3A_954 : vector<128x128xf32>
    %lt3A_956 = arith.cmpf olt, %add3A_955, %select_n3A_946 : vector<128x128xf32>
    %select_n3A_957 = arith.select %lt3A_956, %add3A_955, %select_n3A_946 : vector<128x128xi1>, vector<128x128xf32>
    %jit3A_958 = arith.constant 16 : i32
    %broadcast_in_dim3A_959 = vector.broadcast %jit3A_958 : i32 to vector<128x128xi32>
    %select_n3A_960 = arith.select %lt3A_956, %broadcast_in_dim3A_959, %select_n3A_949 : vector<128x128xi1>, vector<128x128xi32>
    %slice3A_961 = vector.extract_strided_slice %slice3A_764 {offsets = [0, 2176], sizes = [128, 128], strides = [1, 1]} : vector<128x8192xf32> to vector<128x128xf32>
    %sub3A_962 = arith.subf %broadcast_in_dim3A_769, %slice3A_961 : vector<128x128xf32>
    %slice3A_963 = vector.extract_strided_slice %get3A_8 {offsets = [0, 2176], sizes = [1, 128], strides = [1, 1]} : vector<1x8192xf32> to vector<1x128xf32>
    %broadcast_in_dim3A_964 = vector.shape_cast %slice3A_963 : vector<1x128xf32> to vector<1x128xf32>
    %broadcast_in_dim3A_965 = vector.broadcast %broadcast_in_dim3A_964 : vector<1x128xf32> to vector<128x128xf32>
    %add3A_966 = arith.addf %sub3A_962, %broadcast_in_dim3A_965 : vector<128x128xf32>
    %lt3A_967 = arith.cmpf olt, %add3A_966, %select_n3A_957 : vector<128x128xf32>
    %select_n3A_968 = arith.select %lt3A_967, %add3A_966, %select_n3A_957 : vector<128x128xi1>, vector<128x128xf32>
    %jit3A_969 = arith.constant 17 : i32
    %broadcast_in_dim3A_970 = vector.broadcast %jit3A_969 : i32 to vector<128x128xi32>
    %select_n3A_971 = arith.select %lt3A_967, %broadcast_in_dim3A_970, %select_n3A_960 : vector<128x128xi1>, vector<128x128xi32>
    %slice3A_972 = vector.extract_strided_slice %slice3A_764 {offsets = [0, 2304], sizes = [128, 128], strides = [1, 1]} : vector<128x8192xf32> to vector<128x128xf32>
    %sub3A_973 = arith.subf %broadcast_in_dim3A_769, %slice3A_972 : vector<128x128xf32>
    %slice3A_974 = vector.extract_strided_slice %get3A_8 {offsets = [0, 2304], sizes = [1, 128], strides = [1, 1]} : vector<1x8192xf32> to vector<1x128xf32>
    %broadcast_in_dim3A_975 = vector.shape_cast %slice3A_974 : vector<1x128xf32> to vector<1x128xf32>
    %broadcast_in_dim3A_976 = vector.broadcast %broadcast_in_dim3A_975 : vector<1x128xf32> to vector<128x128xf32>
    %add3A_977 = arith.addf %sub3A_973, %broadcast_in_dim3A_976 : vector<128x128xf32>
    %lt3A_978 = arith.cmpf olt, %add3A_977, %select_n3A_968 : vector<128x128xf32>
    %select_n3A_979 = arith.select %lt3A_978, %add3A_977, %select_n3A_968 : vector<128x128xi1>, vector<128x128xf32>
    %jit3A_980 = arith.constant 18 : i32
    %broadcast_in_dim3A_981 = vector.broadcast %jit3A_980 : i32 to vector<128x128xi32>
    %select_n3A_982 = arith.select %lt3A_978, %broadcast_in_dim3A_981, %select_n3A_971 : vector<128x128xi1>, vector<128x128xi32>
    %slice3A_983 = vector.extract_strided_slice %slice3A_764 {offsets = [0, 2432], sizes = [128, 128], strides = [1, 1]} : vector<128x8192xf32> to vector<128x128xf32>
    %sub3A_984 = arith.subf %broadcast_in_dim3A_769, %slice3A_983 : vector<128x128xf32>
    %slice3A_985 = vector.extract_strided_slice %get3A_8 {offsets = [0, 2432], sizes = [1, 128], strides = [1, 1]} : vector<1x8192xf32> to vector<1x128xf32>
    %broadcast_in_dim3A_986 = vector.shape_cast %slice3A_985 : vector<1x128xf32> to vector<1x128xf32>
    %broadcast_in_dim3A_987 = vector.broadcast %broadcast_in_dim3A_986 : vector<1x128xf32> to vector<128x128xf32>
    %add3A_988 = arith.addf %sub3A_984, %broadcast_in_dim3A_987 : vector<128x128xf32>
    %lt3A_989 = arith.cmpf olt, %add3A_988, %select_n3A_979 : vector<128x128xf32>
    %select_n3A_990 = arith.select %lt3A_989, %add3A_988, %select_n3A_979 : vector<128x128xi1>, vector<128x128xf32>
    %jit3A_991 = arith.constant 19 : i32
    %broadcast_in_dim3A_992 = vector.broadcast %jit3A_991 : i32 to vector<128x128xi32>
    %select_n3A_993 = arith.select %lt3A_989, %broadcast_in_dim3A_992, %select_n3A_982 : vector<128x128xi1>, vector<128x128xi32>
    %slice3A_994 = vector.extract_strided_slice %slice3A_764 {offsets = [0, 2560], sizes = [128, 128], strides = [1, 1]} : vector<128x8192xf32> to vector<128x128xf32>
    %sub3A_995 = arith.subf %broadcast_in_dim3A_769, %slice3A_994 : vector<128x128xf32>
    %slice3A_996 = vector.extract_strided_slice %get3A_8 {offsets = [0, 2560], sizes = [1, 128], strides = [1, 1]} : vector<1x8192xf32> to vector<1x128xf32>
    %broadcast_in_dim3A_997 = vector.shape_cast %slice3A_996 : vector<1x128xf32> to vector<1x128xf32>
    %broadcast_in_dim3A_998 = vector.broadcast %broadcast_in_dim3A_997 : vector<1x128xf32> to vector<128x128xf32>
    %add3A_999 = arith.addf %sub3A_995, %broadcast_in_dim3A_998 : vector<128x128xf32>
    %lt3A_1000 = arith.cmpf olt, %add3A_999, %select_n3A_990 : vector<128x128xf32>
    %select_n3A_1001 = arith.select %lt3A_1000, %add3A_999, %select_n3A_990 : vector<128x128xi1>, vector<128x128xf32>
    %jit3A_1002 = arith.constant 20 : i32
    %broadcast_in_dim3A_1003 = vector.broadcast %jit3A_1002 : i32 to vector<128x128xi32>
    %select_n3A_1004 = arith.select %lt3A_1000, %broadcast_in_dim3A_1003, %select_n3A_993 : vector<128x128xi1>, vector<128x128xi32>
    %slice3A_1005 = vector.extract_strided_slice %slice3A_764 {offsets = [0, 2688], sizes = [128, 128], strides = [1, 1]} : vector<128x8192xf32> to vector<128x128xf32>
    %sub3A_1006 = arith.subf %broadcast_in_dim3A_769, %slice3A_1005 : vector<128x128xf32>
    %slice3A_1007 = vector.extract_strided_slice %get3A_8 {offsets = [0, 2688], sizes = [1, 128], strides = [1, 1]} : vector<1x8192xf32> to vector<1x128xf32>
    %broadcast_in_dim3A_1008 = vector.shape_cast %slice3A_1007 : vector<1x128xf32> to vector<1x128xf32>
    %broadcast_in_dim3A_1009 = vector.broadcast %broadcast_in_dim3A_1008 : vector<1x128xf32> to vector<128x128xf32>
    %add3A_1010 = arith.addf %sub3A_1006, %broadcast_in_dim3A_1009 : vector<128x128xf32>
    %lt3A_1011 = arith.cmpf olt, %add3A_1010, %select_n3A_1001 : vector<128x128xf32>
    %select_n3A_1012 = arith.select %lt3A_1011, %add3A_1010, %select_n3A_1001 : vector<128x128xi1>, vector<128x128xf32>
    %jit3A_1013 = arith.constant 21 : i32
    %broadcast_in_dim3A_1014 = vector.broadcast %jit3A_1013 : i32 to vector<128x128xi32>
    %select_n3A_1015 = arith.select %lt3A_1011, %broadcast_in_dim3A_1014, %select_n3A_1004 : vector<128x128xi1>, vector<128x128xi32>
    %slice3A_1016 = vector.extract_strided_slice %slice3A_764 {offsets = [0, 2816], sizes = [128, 128], strides = [1, 1]} : vector<128x8192xf32> to vector<128x128xf32>
    %sub3A_1017 = arith.subf %broadcast_in_dim3A_769, %slice3A_1016 : vector<128x128xf32>
    %slice3A_1018 = vector.extract_strided_slice %get3A_8 {offsets = [0, 2816], sizes = [1, 128], strides = [1, 1]} : vector<1x8192xf32> to vector<1x128xf32>
    %broadcast_in_dim3A_1019 = vector.shape_cast %slice3A_1018 : vector<1x128xf32> to vector<1x128xf32>
    %broadcast_in_dim3A_1020 = vector.broadcast %broadcast_in_dim3A_1019 : vector<1x128xf32> to vector<128x128xf32>
    %add3A_1021 = arith.addf %sub3A_1017, %broadcast_in_dim3A_1020 : vector<128x128xf32>
    %lt3A_1022 = arith.cmpf olt, %add3A_1021, %select_n3A_1012 : vector<128x128xf32>
    %select_n3A_1023 = arith.select %lt3A_1022, %add3A_1021, %select_n3A_1012 : vector<128x128xi1>, vector<128x128xf32>
    %jit3A_1024 = arith.constant 22 : i32
    %broadcast_in_dim3A_1025 = vector.broadcast %jit3A_1024 : i32 to vector<128x128xi32>
    %select_n3A_1026 = arith.select %lt3A_1022, %broadcast_in_dim3A_1025, %select_n3A_1015 : vector<128x128xi1>, vector<128x128xi32>
    %slice3A_1027 = vector.extract_strided_slice %slice3A_764 {offsets = [0, 2944], sizes = [128, 128], strides = [1, 1]} : vector<128x8192xf32> to vector<128x128xf32>
    %sub3A_1028 = arith.subf %broadcast_in_dim3A_769, %slice3A_1027 : vector<128x128xf32>
    %slice3A_1029 = vector.extract_strided_slice %get3A_8 {offsets = [0, 2944], sizes = [1, 128], strides = [1, 1]} : vector<1x8192xf32> to vector<1x128xf32>
    %broadcast_in_dim3A_1030 = vector.shape_cast %slice3A_1029 : vector<1x128xf32> to vector<1x128xf32>
    %broadcast_in_dim3A_1031 = vector.broadcast %broadcast_in_dim3A_1030 : vector<1x128xf32> to vector<128x128xf32>
    %add3A_1032 = arith.addf %sub3A_1028, %broadcast_in_dim3A_1031 : vector<128x128xf32>
    %lt3A_1033 = arith.cmpf olt, %add3A_1032, %select_n3A_1023 : vector<128x128xf32>
    %select_n3A_1034 = arith.select %lt3A_1033, %add3A_1032, %select_n3A_1023 : vector<128x128xi1>, vector<128x128xf32>
    %jit3A_1035 = arith.constant 23 : i32
    %broadcast_in_dim3A_1036 = vector.broadcast %jit3A_1035 : i32 to vector<128x128xi32>
    %select_n3A_1037 = arith.select %lt3A_1033, %broadcast_in_dim3A_1036, %select_n3A_1026 : vector<128x128xi1>, vector<128x128xi32>
    %slice3A_1038 = vector.extract_strided_slice %slice3A_764 {offsets = [0, 3072], sizes = [128, 128], strides = [1, 1]} : vector<128x8192xf32> to vector<128x128xf32>
    %sub3A_1039 = arith.subf %broadcast_in_dim3A_769, %slice3A_1038 : vector<128x128xf32>
    %slice3A_1040 = vector.extract_strided_slice %get3A_8 {offsets = [0, 3072], sizes = [1, 128], strides = [1, 1]} : vector<1x8192xf32> to vector<1x128xf32>
    %broadcast_in_dim3A_1041 = vector.shape_cast %slice3A_1040 : vector<1x128xf32> to vector<1x128xf32>
    %broadcast_in_dim3A_1042 = vector.broadcast %broadcast_in_dim3A_1041 : vector<1x128xf32> to vector<128x128xf32>
    %add3A_1043 = arith.addf %sub3A_1039, %broadcast_in_dim3A_1042 : vector<128x128xf32>
    %lt3A_1044 = arith.cmpf olt, %add3A_1043, %select_n3A_1034 : vector<128x128xf32>
    %select_n3A_1045 = arith.select %lt3A_1044, %add3A_1043, %select_n3A_1034 : vector<128x128xi1>, vector<128x128xf32>
    %jit3A_1046 = arith.constant 24 : i32
    %broadcast_in_dim3A_1047 = vector.broadcast %jit3A_1046 : i32 to vector<128x128xi32>
    %select_n3A_1048 = arith.select %lt3A_1044, %broadcast_in_dim3A_1047, %select_n3A_1037 : vector<128x128xi1>, vector<128x128xi32>
    %slice3A_1049 = vector.extract_strided_slice %slice3A_764 {offsets = [0, 3200], sizes = [128, 128], strides = [1, 1]} : vector<128x8192xf32> to vector<128x128xf32>
    %sub3A_1050 = arith.subf %broadcast_in_dim3A_769, %slice3A_1049 : vector<128x128xf32>
    %slice3A_1051 = vector.extract_strided_slice %get3A_8 {offsets = [0, 3200], sizes = [1, 128], strides = [1, 1]} : vector<1x8192xf32> to vector<1x128xf32>
    %broadcast_in_dim3A_1052 = vector.shape_cast %slice3A_1051 : vector<1x128xf32> to vector<1x128xf32>
    %broadcast_in_dim3A_1053 = vector.broadcast %broadcast_in_dim3A_1052 : vector<1x128xf32> to vector<128x128xf32>
    %add3A_1054 = arith.addf %sub3A_1050, %broadcast_in_dim3A_1053 : vector<128x128xf32>
    %lt3A_1055 = arith.cmpf olt, %add3A_1054, %select_n3A_1045 : vector<128x128xf32>
    %select_n3A_1056 = arith.select %lt3A_1055, %add3A_1054, %select_n3A_1045 : vector<128x128xi1>, vector<128x128xf32>
    %jit3A_1057 = arith.constant 25 : i32
    %broadcast_in_dim3A_1058 = vector.broadcast %jit3A_1057 : i32 to vector<128x128xi32>
    %select_n3A_1059 = arith.select %lt3A_1055, %broadcast_in_dim3A_1058, %select_n3A_1048 : vector<128x128xi1>, vector<128x128xi32>
    %slice3A_1060 = vector.extract_strided_slice %slice3A_764 {offsets = [0, 3328], sizes = [128, 128], strides = [1, 1]} : vector<128x8192xf32> to vector<128x128xf32>
    %sub3A_1061 = arith.subf %broadcast_in_dim3A_769, %slice3A_1060 : vector<128x128xf32>
    %slice3A_1062 = vector.extract_strided_slice %get3A_8 {offsets = [0, 3328], sizes = [1, 128], strides = [1, 1]} : vector<1x8192xf32> to vector<1x128xf32>
    %broadcast_in_dim3A_1063 = vector.shape_cast %slice3A_1062 : vector<1x128xf32> to vector<1x128xf32>
    %broadcast_in_dim3A_1064 = vector.broadcast %broadcast_in_dim3A_1063 : vector<1x128xf32> to vector<128x128xf32>
    %add3A_1065 = arith.addf %sub3A_1061, %broadcast_in_dim3A_1064 : vector<128x128xf32>
    %lt3A_1066 = arith.cmpf olt, %add3A_1065, %select_n3A_1056 : vector<128x128xf32>
    %select_n3A_1067 = arith.select %lt3A_1066, %add3A_1065, %select_n3A_1056 : vector<128x128xi1>, vector<128x128xf32>
    %jit3A_1068 = arith.constant 26 : i32
    %broadcast_in_dim3A_1069 = vector.broadcast %jit3A_1068 : i32 to vector<128x128xi32>
    %select_n3A_1070 = arith.select %lt3A_1066, %broadcast_in_dim3A_1069, %select_n3A_1059 : vector<128x128xi1>, vector<128x128xi32>
    %slice3A_1071 = vector.extract_strided_slice %slice3A_764 {offsets = [0, 3456], sizes = [128, 128], strides = [1, 1]} : vector<128x8192xf32> to vector<128x128xf32>
    %sub3A_1072 = arith.subf %broadcast_in_dim3A_769, %slice3A_1071 : vector<128x128xf32>
    %slice3A_1073 = vector.extract_strided_slice %get3A_8 {offsets = [0, 3456], sizes = [1, 128], strides = [1, 1]} : vector<1x8192xf32> to vector<1x128xf32>
    %broadcast_in_dim3A_1074 = vector.shape_cast %slice3A_1073 : vector<1x128xf32> to vector<1x128xf32>
    %broadcast_in_dim3A_1075 = vector.broadcast %broadcast_in_dim3A_1074 : vector<1x128xf32> to vector<128x128xf32>
    %add3A_1076 = arith.addf %sub3A_1072, %broadcast_in_dim3A_1075 : vector<128x128xf32>
    %lt3A_1077 = arith.cmpf olt, %add3A_1076, %select_n3A_1067 : vector<128x128xf32>
    %select_n3A_1078 = arith.select %lt3A_1077, %add3A_1076, %select_n3A_1067 : vector<128x128xi1>, vector<128x128xf32>
    %jit3A_1079 = arith.constant 27 : i32
    %broadcast_in_dim3A_1080 = vector.broadcast %jit3A_1079 : i32 to vector<128x128xi32>
    %select_n3A_1081 = arith.select %lt3A_1077, %broadcast_in_dim3A_1080, %select_n3A_1070 : vector<128x128xi1>, vector<128x128xi32>
    %slice3A_1082 = vector.extract_strided_slice %slice3A_764 {offsets = [0, 3584], sizes = [128, 128], strides = [1, 1]} : vector<128x8192xf32> to vector<128x128xf32>
    %sub3A_1083 = arith.subf %broadcast_in_dim3A_769, %slice3A_1082 : vector<128x128xf32>
    %slice3A_1084 = vector.extract_strided_slice %get3A_8 {offsets = [0, 3584], sizes = [1, 128], strides = [1, 1]} : vector<1x8192xf32> to vector<1x128xf32>
    %broadcast_in_dim3A_1085 = vector.shape_cast %slice3A_1084 : vector<1x128xf32> to vector<1x128xf32>
    %broadcast_in_dim3A_1086 = vector.broadcast %broadcast_in_dim3A_1085 : vector<1x128xf32> to vector<128x128xf32>
    %add3A_1087 = arith.addf %sub3A_1083, %broadcast_in_dim3A_1086 : vector<128x128xf32>
    %lt3A_1088 = arith.cmpf olt, %add3A_1087, %select_n3A_1078 : vector<128x128xf32>
    %select_n3A_1089 = arith.select %lt3A_1088, %add3A_1087, %select_n3A_1078 : vector<128x128xi1>, vector<128x128xf32>
    %jit3A_1090 = arith.constant 28 : i32
    %broadcast_in_dim3A_1091 = vector.broadcast %jit3A_1090 : i32 to vector<128x128xi32>
    %select_n3A_1092 = arith.select %lt3A_1088, %broadcast_in_dim3A_1091, %select_n3A_1081 : vector<128x128xi1>, vector<128x128xi32>
    %slice3A_1093 = vector.extract_strided_slice %slice3A_764 {offsets = [0, 3712], sizes = [128, 128], strides = [1, 1]} : vector<128x8192xf32> to vector<128x128xf32>
    %sub3A_1094 = arith.subf %broadcast_in_dim3A_769, %slice3A_1093 : vector<128x128xf32>
    %slice3A_1095 = vector.extract_strided_slice %get3A_8 {offsets = [0, 3712], sizes = [1, 128], strides = [1, 1]} : vector<1x8192xf32> to vector<1x128xf32>
    %broadcast_in_dim3A_1096 = vector.shape_cast %slice3A_1095 : vector<1x128xf32> to vector<1x128xf32>
    %broadcast_in_dim3A_1097 = vector.broadcast %broadcast_in_dim3A_1096 : vector<1x128xf32> to vector<128x128xf32>
    %add3A_1098 = arith.addf %sub3A_1094, %broadcast_in_dim3A_1097 : vector<128x128xf32>
    %lt3A_1099 = arith.cmpf olt, %add3A_1098, %select_n3A_1089 : vector<128x128xf32>
    %select_n3A_1100 = arith.select %lt3A_1099, %add3A_1098, %select_n3A_1089 : vector<128x128xi1>, vector<128x128xf32>
    %jit3A_1101 = arith.constant 29 : i32
    %broadcast_in_dim3A_1102 = vector.broadcast %jit3A_1101 : i32 to vector<128x128xi32>
    %select_n3A_1103 = arith.select %lt3A_1099, %broadcast_in_dim3A_1102, %select_n3A_1092 : vector<128x128xi1>, vector<128x128xi32>
    %slice3A_1104 = vector.extract_strided_slice %slice3A_764 {offsets = [0, 3840], sizes = [128, 128], strides = [1, 1]} : vector<128x8192xf32> to vector<128x128xf32>
    %sub3A_1105 = arith.subf %broadcast_in_dim3A_769, %slice3A_1104 : vector<128x128xf32>
    %slice3A_1106 = vector.extract_strided_slice %get3A_8 {offsets = [0, 3840], sizes = [1, 128], strides = [1, 1]} : vector<1x8192xf32> to vector<1x128xf32>
    %broadcast_in_dim3A_1107 = vector.shape_cast %slice3A_1106 : vector<1x128xf32> to vector<1x128xf32>
    %broadcast_in_dim3A_1108 = vector.broadcast %broadcast_in_dim3A_1107 : vector<1x128xf32> to vector<128x128xf32>
    %add3A_1109 = arith.addf %sub3A_1105, %broadcast_in_dim3A_1108 : vector<128x128xf32>
    %lt3A_1110 = arith.cmpf olt, %add3A_1109, %select_n3A_1100 : vector<128x128xf32>
    %select_n3A_1111 = arith.select %lt3A_1110, %add3A_1109, %select_n3A_1100 : vector<128x128xi1>, vector<128x128xf32>
    %jit3A_1112 = arith.constant 30 : i32
    %broadcast_in_dim3A_1113 = vector.broadcast %jit3A_1112 : i32 to vector<128x128xi32>
    %select_n3A_1114 = arith.select %lt3A_1110, %broadcast_in_dim3A_1113, %select_n3A_1103 : vector<128x128xi1>, vector<128x128xi32>
    %slice3A_1115 = vector.extract_strided_slice %slice3A_764 {offsets = [0, 3968], sizes = [128, 128], strides = [1, 1]} : vector<128x8192xf32> to vector<128x128xf32>
    %sub3A_1116 = arith.subf %broadcast_in_dim3A_769, %slice3A_1115 : vector<128x128xf32>
    %slice3A_1117 = vector.extract_strided_slice %get3A_8 {offsets = [0, 3968], sizes = [1, 128], strides = [1, 1]} : vector<1x8192xf32> to vector<1x128xf32>
    %broadcast_in_dim3A_1118 = vector.shape_cast %slice3A_1117 : vector<1x128xf32> to vector<1x128xf32>
    %broadcast_in_dim3A_1119 = vector.broadcast %broadcast_in_dim3A_1118 : vector<1x128xf32> to vector<128x128xf32>
    %add3A_1120 = arith.addf %sub3A_1116, %broadcast_in_dim3A_1119 : vector<128x128xf32>
    %lt3A_1121 = arith.cmpf olt, %add3A_1120, %select_n3A_1111 : vector<128x128xf32>
    %select_n3A_1122 = arith.select %lt3A_1121, %add3A_1120, %select_n3A_1111 : vector<128x128xi1>, vector<128x128xf32>
    %jit3A_1123 = arith.constant 31 : i32
    %broadcast_in_dim3A_1124 = vector.broadcast %jit3A_1123 : i32 to vector<128x128xi32>
    %select_n3A_1125 = arith.select %lt3A_1121, %broadcast_in_dim3A_1124, %select_n3A_1114 : vector<128x128xi1>, vector<128x128xi32>
    %reduce_min3A_1126 = arith.constant dense<0x7F800000> : vector<128xf32>
    %reduce_min3A_1127 = vector.multi_reduction <minimumf>, %select_n3A_1122, %reduce_min3A_1126 [1] : vector<128x128xf32> to vector<128xf32>
    %broadcast_in_dim3A_1128 = vector.shape_cast %reduce_min3A_1127 : vector<128xf32> to vector<128x1xf32>
    %mul3A_1129 = arith.constant 128 : i32
    %mul3A_1130 = vector.broadcast %mul3A_1129 : i32 to vector<128x128xi32>
    %mul3A_1131 = arith.muli %select_n3A_1125, %mul3A_1130 : vector<128x128xi32>
    %add3A_1132 = arith.addi %mul3A_1131, %iota3A : vector<128x128xi32>
    %eq3A_1133 = vector.broadcast %broadcast_in_dim3A_1128 : vector<128x1xf32> to vector<128x128xf32>
    %eq3A_1134 = arith.cmpf oeq, %select_n3A_1122, %eq3A_1133 : vector<128x128xf32>
    %jit3A_1135 = arith.constant 8192 : i32
    %broadcast_in_dim3A_1136 = vector.broadcast %jit3A_1135 : i32 to vector<128x128xi32>
    %select_n3A_1137 = arith.select %eq3A_1134, %add3A_1132, %broadcast_in_dim3A_1136 : vector<128x128xi1>, vector<128x128xi32>
    %reduce_min3A_1138 = arith.constant dense<2147483647> : vector<128xi32>
    %reduce_min3A_1139 = vector.multi_reduction <minsi>, %select_n3A_1137, %reduce_min3A_1138 [1] : vector<128x128xi32> to vector<128xi32>
    %broadcast_in_dim3A_1140 = arith.constant 0x7F800000 : f32
    %broadcast_in_dim3A_1141 = vector.broadcast %broadcast_in_dim3A_1140 : f32 to vector<128x128xf32>
    %broadcast_in_dim3A_1142 = arith.constant 0 : i32
    %broadcast_in_dim3A_1143 = vector.broadcast %broadcast_in_dim3A_1142 : i32 to vector<128x128xi32>
    %slice3A_1144 = vector.extract_strided_slice %slice3A_764 {offsets = [0, 4096], sizes = [128, 128], strides = [1, 1]} : vector<128x8192xf32> to vector<128x128xf32>
    %sub3A_1145 = arith.subf %broadcast_in_dim3A_769, %slice3A_1144 : vector<128x128xf32>
    %slice3A_1146 = vector.extract_strided_slice %get3A_8 {offsets = [0, 4096], sizes = [1, 128], strides = [1, 1]} : vector<1x8192xf32> to vector<1x128xf32>
    %broadcast_in_dim3A_1147 = vector.shape_cast %slice3A_1146 : vector<1x128xf32> to vector<1x128xf32>
    %broadcast_in_dim3A_1148 = vector.broadcast %broadcast_in_dim3A_1147 : vector<1x128xf32> to vector<128x128xf32>
    %add3A_1149 = arith.addf %sub3A_1145, %broadcast_in_dim3A_1148 : vector<128x128xf32>
    %lt3A_1150 = arith.cmpf olt, %add3A_1149, %broadcast_in_dim3A_1141 : vector<128x128xf32>
    %select_n3A_1151 = arith.select %lt3A_1150, %add3A_1149, %broadcast_in_dim3A_1141 : vector<128x128xi1>, vector<128x128xf32>
    %jit3A_1152 = arith.constant 32 : i32
    %broadcast_in_dim3A_1153 = vector.broadcast %jit3A_1152 : i32 to vector<128x128xi32>
    %select_n3A_1154 = arith.select %lt3A_1150, %broadcast_in_dim3A_1153, %broadcast_in_dim3A_1143 : vector<128x128xi1>, vector<128x128xi32>
    %slice3A_1155 = vector.extract_strided_slice %slice3A_764 {offsets = [0, 4224], sizes = [128, 128], strides = [1, 1]} : vector<128x8192xf32> to vector<128x128xf32>
    %sub3A_1156 = arith.subf %broadcast_in_dim3A_769, %slice3A_1155 : vector<128x128xf32>
    %slice3A_1157 = vector.extract_strided_slice %get3A_8 {offsets = [0, 4224], sizes = [1, 128], strides = [1, 1]} : vector<1x8192xf32> to vector<1x128xf32>
    %broadcast_in_dim3A_1158 = vector.shape_cast %slice3A_1157 : vector<1x128xf32> to vector<1x128xf32>
    %broadcast_in_dim3A_1159 = vector.broadcast %broadcast_in_dim3A_1158 : vector<1x128xf32> to vector<128x128xf32>
    %add3A_1160 = arith.addf %sub3A_1156, %broadcast_in_dim3A_1159 : vector<128x128xf32>
    %lt3A_1161 = arith.cmpf olt, %add3A_1160, %select_n3A_1151 : vector<128x128xf32>
    %select_n3A_1162 = arith.select %lt3A_1161, %add3A_1160, %select_n3A_1151 : vector<128x128xi1>, vector<128x128xf32>
    %jit3A_1163 = arith.constant 33 : i32
    %broadcast_in_dim3A_1164 = vector.broadcast %jit3A_1163 : i32 to vector<128x128xi32>
    %select_n3A_1165 = arith.select %lt3A_1161, %broadcast_in_dim3A_1164, %select_n3A_1154 : vector<128x128xi1>, vector<128x128xi32>
    %slice3A_1166 = vector.extract_strided_slice %slice3A_764 {offsets = [0, 4352], sizes = [128, 128], strides = [1, 1]} : vector<128x8192xf32> to vector<128x128xf32>
    %sub3A_1167 = arith.subf %broadcast_in_dim3A_769, %slice3A_1166 : vector<128x128xf32>
    %slice3A_1168 = vector.extract_strided_slice %get3A_8 {offsets = [0, 4352], sizes = [1, 128], strides = [1, 1]} : vector<1x8192xf32> to vector<1x128xf32>
    %broadcast_in_dim3A_1169 = vector.shape_cast %slice3A_1168 : vector<1x128xf32> to vector<1x128xf32>
    %broadcast_in_dim3A_1170 = vector.broadcast %broadcast_in_dim3A_1169 : vector<1x128xf32> to vector<128x128xf32>
    %add3A_1171 = arith.addf %sub3A_1167, %broadcast_in_dim3A_1170 : vector<128x128xf32>
    %lt3A_1172 = arith.cmpf olt, %add3A_1171, %select_n3A_1162 : vector<128x128xf32>
    %select_n3A_1173 = arith.select %lt3A_1172, %add3A_1171, %select_n3A_1162 : vector<128x128xi1>, vector<128x128xf32>
    %jit3A_1174 = arith.constant 34 : i32
    %broadcast_in_dim3A_1175 = vector.broadcast %jit3A_1174 : i32 to vector<128x128xi32>
    %select_n3A_1176 = arith.select %lt3A_1172, %broadcast_in_dim3A_1175, %select_n3A_1165 : vector<128x128xi1>, vector<128x128xi32>
    %slice3A_1177 = vector.extract_strided_slice %slice3A_764 {offsets = [0, 4480], sizes = [128, 128], strides = [1, 1]} : vector<128x8192xf32> to vector<128x128xf32>
    %sub3A_1178 = arith.subf %broadcast_in_dim3A_769, %slice3A_1177 : vector<128x128xf32>
    %slice3A_1179 = vector.extract_strided_slice %get3A_8 {offsets = [0, 4480], sizes = [1, 128], strides = [1, 1]} : vector<1x8192xf32> to vector<1x128xf32>
    %broadcast_in_dim3A_1180 = vector.shape_cast %slice3A_1179 : vector<1x128xf32> to vector<1x128xf32>
    %broadcast_in_dim3A_1181 = vector.broadcast %broadcast_in_dim3A_1180 : vector<1x128xf32> to vector<128x128xf32>
    %add3A_1182 = arith.addf %sub3A_1178, %broadcast_in_dim3A_1181 : vector<128x128xf32>
    %lt3A_1183 = arith.cmpf olt, %add3A_1182, %select_n3A_1173 : vector<128x128xf32>
    %select_n3A_1184 = arith.select %lt3A_1183, %add3A_1182, %select_n3A_1173 : vector<128x128xi1>, vector<128x128xf32>
    %jit3A_1185 = arith.constant 35 : i32
    %broadcast_in_dim3A_1186 = vector.broadcast %jit3A_1185 : i32 to vector<128x128xi32>
    %select_n3A_1187 = arith.select %lt3A_1183, %broadcast_in_dim3A_1186, %select_n3A_1176 : vector<128x128xi1>, vector<128x128xi32>
    %slice3A_1188 = vector.extract_strided_slice %slice3A_764 {offsets = [0, 4608], sizes = [128, 128], strides = [1, 1]} : vector<128x8192xf32> to vector<128x128xf32>
    %sub3A_1189 = arith.subf %broadcast_in_dim3A_769, %slice3A_1188 : vector<128x128xf32>
    %slice3A_1190 = vector.extract_strided_slice %get3A_8 {offsets = [0, 4608], sizes = [1, 128], strides = [1, 1]} : vector<1x8192xf32> to vector<1x128xf32>
    %broadcast_in_dim3A_1191 = vector.shape_cast %slice3A_1190 : vector<1x128xf32> to vector<1x128xf32>
    %broadcast_in_dim3A_1192 = vector.broadcast %broadcast_in_dim3A_1191 : vector<1x128xf32> to vector<128x128xf32>
    %add3A_1193 = arith.addf %sub3A_1189, %broadcast_in_dim3A_1192 : vector<128x128xf32>
    %lt3A_1194 = arith.cmpf olt, %add3A_1193, %select_n3A_1184 : vector<128x128xf32>
    %select_n3A_1195 = arith.select %lt3A_1194, %add3A_1193, %select_n3A_1184 : vector<128x128xi1>, vector<128x128xf32>
    %jit3A_1196 = arith.constant 36 : i32
    %broadcast_in_dim3A_1197 = vector.broadcast %jit3A_1196 : i32 to vector<128x128xi32>
    %select_n3A_1198 = arith.select %lt3A_1194, %broadcast_in_dim3A_1197, %select_n3A_1187 : vector<128x128xi1>, vector<128x128xi32>
    %slice3A_1199 = vector.extract_strided_slice %slice3A_764 {offsets = [0, 4736], sizes = [128, 128], strides = [1, 1]} : vector<128x8192xf32> to vector<128x128xf32>
    %sub3A_1200 = arith.subf %broadcast_in_dim3A_769, %slice3A_1199 : vector<128x128xf32>
    %slice3A_1201 = vector.extract_strided_slice %get3A_8 {offsets = [0, 4736], sizes = [1, 128], strides = [1, 1]} : vector<1x8192xf32> to vector<1x128xf32>
    %broadcast_in_dim3A_1202 = vector.shape_cast %slice3A_1201 : vector<1x128xf32> to vector<1x128xf32>
    %broadcast_in_dim3A_1203 = vector.broadcast %broadcast_in_dim3A_1202 : vector<1x128xf32> to vector<128x128xf32>
    %add3A_1204 = arith.addf %sub3A_1200, %broadcast_in_dim3A_1203 : vector<128x128xf32>
    %lt3A_1205 = arith.cmpf olt, %add3A_1204, %select_n3A_1195 : vector<128x128xf32>
    %select_n3A_1206 = arith.select %lt3A_1205, %add3A_1204, %select_n3A_1195 : vector<128x128xi1>, vector<128x128xf32>
    %jit3A_1207 = arith.constant 37 : i32
    %broadcast_in_dim3A_1208 = vector.broadcast %jit3A_1207 : i32 to vector<128x128xi32>
    %select_n3A_1209 = arith.select %lt3A_1205, %broadcast_in_dim3A_1208, %select_n3A_1198 : vector<128x128xi1>, vector<128x128xi32>
    %slice3A_1210 = vector.extract_strided_slice %slice3A_764 {offsets = [0, 4864], sizes = [128, 128], strides = [1, 1]} : vector<128x8192xf32> to vector<128x128xf32>
    %sub3A_1211 = arith.subf %broadcast_in_dim3A_769, %slice3A_1210 : vector<128x128xf32>
    %slice3A_1212 = vector.extract_strided_slice %get3A_8 {offsets = [0, 4864], sizes = [1, 128], strides = [1, 1]} : vector<1x8192xf32> to vector<1x128xf32>
    %broadcast_in_dim3A_1213 = vector.shape_cast %slice3A_1212 : vector<1x128xf32> to vector<1x128xf32>
    %broadcast_in_dim3A_1214 = vector.broadcast %broadcast_in_dim3A_1213 : vector<1x128xf32> to vector<128x128xf32>
    %add3A_1215 = arith.addf %sub3A_1211, %broadcast_in_dim3A_1214 : vector<128x128xf32>
    %lt3A_1216 = arith.cmpf olt, %add3A_1215, %select_n3A_1206 : vector<128x128xf32>
    %select_n3A_1217 = arith.select %lt3A_1216, %add3A_1215, %select_n3A_1206 : vector<128x128xi1>, vector<128x128xf32>
    %jit3A_1218 = arith.constant 38 : i32
    %broadcast_in_dim3A_1219 = vector.broadcast %jit3A_1218 : i32 to vector<128x128xi32>
    %select_n3A_1220 = arith.select %lt3A_1216, %broadcast_in_dim3A_1219, %select_n3A_1209 : vector<128x128xi1>, vector<128x128xi32>
    %slice3A_1221 = vector.extract_strided_slice %slice3A_764 {offsets = [0, 4992], sizes = [128, 128], strides = [1, 1]} : vector<128x8192xf32> to vector<128x128xf32>
    %sub3A_1222 = arith.subf %broadcast_in_dim3A_769, %slice3A_1221 : vector<128x128xf32>
    %slice3A_1223 = vector.extract_strided_slice %get3A_8 {offsets = [0, 4992], sizes = [1, 128], strides = [1, 1]} : vector<1x8192xf32> to vector<1x128xf32>
    %broadcast_in_dim3A_1224 = vector.shape_cast %slice3A_1223 : vector<1x128xf32> to vector<1x128xf32>
    %broadcast_in_dim3A_1225 = vector.broadcast %broadcast_in_dim3A_1224 : vector<1x128xf32> to vector<128x128xf32>
    %add3A_1226 = arith.addf %sub3A_1222, %broadcast_in_dim3A_1225 : vector<128x128xf32>
    %lt3A_1227 = arith.cmpf olt, %add3A_1226, %select_n3A_1217 : vector<128x128xf32>
    %select_n3A_1228 = arith.select %lt3A_1227, %add3A_1226, %select_n3A_1217 : vector<128x128xi1>, vector<128x128xf32>
    %jit3A_1229 = arith.constant 39 : i32
    %broadcast_in_dim3A_1230 = vector.broadcast %jit3A_1229 : i32 to vector<128x128xi32>
    %select_n3A_1231 = arith.select %lt3A_1227, %broadcast_in_dim3A_1230, %select_n3A_1220 : vector<128x128xi1>, vector<128x128xi32>
    %slice3A_1232 = vector.extract_strided_slice %slice3A_764 {offsets = [0, 5120], sizes = [128, 128], strides = [1, 1]} : vector<128x8192xf32> to vector<128x128xf32>
    %sub3A_1233 = arith.subf %broadcast_in_dim3A_769, %slice3A_1232 : vector<128x128xf32>
    %slice3A_1234 = vector.extract_strided_slice %get3A_8 {offsets = [0, 5120], sizes = [1, 128], strides = [1, 1]} : vector<1x8192xf32> to vector<1x128xf32>
    %broadcast_in_dim3A_1235 = vector.shape_cast %slice3A_1234 : vector<1x128xf32> to vector<1x128xf32>
    %broadcast_in_dim3A_1236 = vector.broadcast %broadcast_in_dim3A_1235 : vector<1x128xf32> to vector<128x128xf32>
    %add3A_1237 = arith.addf %sub3A_1233, %broadcast_in_dim3A_1236 : vector<128x128xf32>
    %lt3A_1238 = arith.cmpf olt, %add3A_1237, %select_n3A_1228 : vector<128x128xf32>
    %select_n3A_1239 = arith.select %lt3A_1238, %add3A_1237, %select_n3A_1228 : vector<128x128xi1>, vector<128x128xf32>
    %jit3A_1240 = arith.constant 40 : i32
    %broadcast_in_dim3A_1241 = vector.broadcast %jit3A_1240 : i32 to vector<128x128xi32>
    %select_n3A_1242 = arith.select %lt3A_1238, %broadcast_in_dim3A_1241, %select_n3A_1231 : vector<128x128xi1>, vector<128x128xi32>
    %slice3A_1243 = vector.extract_strided_slice %slice3A_764 {offsets = [0, 5248], sizes = [128, 128], strides = [1, 1]} : vector<128x8192xf32> to vector<128x128xf32>
    %sub3A_1244 = arith.subf %broadcast_in_dim3A_769, %slice3A_1243 : vector<128x128xf32>
    %slice3A_1245 = vector.extract_strided_slice %get3A_8 {offsets = [0, 5248], sizes = [1, 128], strides = [1, 1]} : vector<1x8192xf32> to vector<1x128xf32>
    %broadcast_in_dim3A_1246 = vector.shape_cast %slice3A_1245 : vector<1x128xf32> to vector<1x128xf32>
    %broadcast_in_dim3A_1247 = vector.broadcast %broadcast_in_dim3A_1246 : vector<1x128xf32> to vector<128x128xf32>
    %add3A_1248 = arith.addf %sub3A_1244, %broadcast_in_dim3A_1247 : vector<128x128xf32>
    %lt3A_1249 = arith.cmpf olt, %add3A_1248, %select_n3A_1239 : vector<128x128xf32>
    %select_n3A_1250 = arith.select %lt3A_1249, %add3A_1248, %select_n3A_1239 : vector<128x128xi1>, vector<128x128xf32>
    %jit3A_1251 = arith.constant 41 : i32
    %broadcast_in_dim3A_1252 = vector.broadcast %jit3A_1251 : i32 to vector<128x128xi32>
    %select_n3A_1253 = arith.select %lt3A_1249, %broadcast_in_dim3A_1252, %select_n3A_1242 : vector<128x128xi1>, vector<128x128xi32>
    %slice3A_1254 = vector.extract_strided_slice %slice3A_764 {offsets = [0, 5376], sizes = [128, 128], strides = [1, 1]} : vector<128x8192xf32> to vector<128x128xf32>
    %sub3A_1255 = arith.subf %broadcast_in_dim3A_769, %slice3A_1254 : vector<128x128xf32>
    %slice3A_1256 = vector.extract_strided_slice %get3A_8 {offsets = [0, 5376], sizes = [1, 128], strides = [1, 1]} : vector<1x8192xf32> to vector<1x128xf32>
    %broadcast_in_dim3A_1257 = vector.shape_cast %slice3A_1256 : vector<1x128xf32> to vector<1x128xf32>
    %broadcast_in_dim3A_1258 = vector.broadcast %broadcast_in_dim3A_1257 : vector<1x128xf32> to vector<128x128xf32>
    %add3A_1259 = arith.addf %sub3A_1255, %broadcast_in_dim3A_1258 : vector<128x128xf32>
    %lt3A_1260 = arith.cmpf olt, %add3A_1259, %select_n3A_1250 : vector<128x128xf32>
    %select_n3A_1261 = arith.select %lt3A_1260, %add3A_1259, %select_n3A_1250 : vector<128x128xi1>, vector<128x128xf32>
    %jit3A_1262 = arith.constant 42 : i32
    %broadcast_in_dim3A_1263 = vector.broadcast %jit3A_1262 : i32 to vector<128x128xi32>
    %select_n3A_1264 = arith.select %lt3A_1260, %broadcast_in_dim3A_1263, %select_n3A_1253 : vector<128x128xi1>, vector<128x128xi32>
    %slice3A_1265 = vector.extract_strided_slice %slice3A_764 {offsets = [0, 5504], sizes = [128, 128], strides = [1, 1]} : vector<128x8192xf32> to vector<128x128xf32>
    %sub3A_1266 = arith.subf %broadcast_in_dim3A_769, %slice3A_1265 : vector<128x128xf32>
    %slice3A_1267 = vector.extract_strided_slice %get3A_8 {offsets = [0, 5504], sizes = [1, 128], strides = [1, 1]} : vector<1x8192xf32> to vector<1x128xf32>
    %broadcast_in_dim3A_1268 = vector.shape_cast %slice3A_1267 : vector<1x128xf32> to vector<1x128xf32>
    %broadcast_in_dim3A_1269 = vector.broadcast %broadcast_in_dim3A_1268 : vector<1x128xf32> to vector<128x128xf32>
    %add3A_1270 = arith.addf %sub3A_1266, %broadcast_in_dim3A_1269 : vector<128x128xf32>
    %lt3A_1271 = arith.cmpf olt, %add3A_1270, %select_n3A_1261 : vector<128x128xf32>
    %select_n3A_1272 = arith.select %lt3A_1271, %add3A_1270, %select_n3A_1261 : vector<128x128xi1>, vector<128x128xf32>
    %jit3A_1273 = arith.constant 43 : i32
    %broadcast_in_dim3A_1274 = vector.broadcast %jit3A_1273 : i32 to vector<128x128xi32>
    %select_n3A_1275 = arith.select %lt3A_1271, %broadcast_in_dim3A_1274, %select_n3A_1264 : vector<128x128xi1>, vector<128x128xi32>
    %slice3A_1276 = vector.extract_strided_slice %slice3A_764 {offsets = [0, 5632], sizes = [128, 128], strides = [1, 1]} : vector<128x8192xf32> to vector<128x128xf32>
    %sub3A_1277 = arith.subf %broadcast_in_dim3A_769, %slice3A_1276 : vector<128x128xf32>
    %slice3A_1278 = vector.extract_strided_slice %get3A_8 {offsets = [0, 5632], sizes = [1, 128], strides = [1, 1]} : vector<1x8192xf32> to vector<1x128xf32>
    %broadcast_in_dim3A_1279 = vector.shape_cast %slice3A_1278 : vector<1x128xf32> to vector<1x128xf32>
    %broadcast_in_dim3A_1280 = vector.broadcast %broadcast_in_dim3A_1279 : vector<1x128xf32> to vector<128x128xf32>
    %add3A_1281 = arith.addf %sub3A_1277, %broadcast_in_dim3A_1280 : vector<128x128xf32>
    %lt3A_1282 = arith.cmpf olt, %add3A_1281, %select_n3A_1272 : vector<128x128xf32>
    %select_n3A_1283 = arith.select %lt3A_1282, %add3A_1281, %select_n3A_1272 : vector<128x128xi1>, vector<128x128xf32>
    %jit3A_1284 = arith.constant 44 : i32
    %broadcast_in_dim3A_1285 = vector.broadcast %jit3A_1284 : i32 to vector<128x128xi32>
    %select_n3A_1286 = arith.select %lt3A_1282, %broadcast_in_dim3A_1285, %select_n3A_1275 : vector<128x128xi1>, vector<128x128xi32>
    %slice3A_1287 = vector.extract_strided_slice %slice3A_764 {offsets = [0, 5760], sizes = [128, 128], strides = [1, 1]} : vector<128x8192xf32> to vector<128x128xf32>
    %sub3A_1288 = arith.subf %broadcast_in_dim3A_769, %slice3A_1287 : vector<128x128xf32>
    %slice3A_1289 = vector.extract_strided_slice %get3A_8 {offsets = [0, 5760], sizes = [1, 128], strides = [1, 1]} : vector<1x8192xf32> to vector<1x128xf32>
    %broadcast_in_dim3A_1290 = vector.shape_cast %slice3A_1289 : vector<1x128xf32> to vector<1x128xf32>
    %broadcast_in_dim3A_1291 = vector.broadcast %broadcast_in_dim3A_1290 : vector<1x128xf32> to vector<128x128xf32>
    %add3A_1292 = arith.addf %sub3A_1288, %broadcast_in_dim3A_1291 : vector<128x128xf32>
    %lt3A_1293 = arith.cmpf olt, %add3A_1292, %select_n3A_1283 : vector<128x128xf32>
    %select_n3A_1294 = arith.select %lt3A_1293, %add3A_1292, %select_n3A_1283 : vector<128x128xi1>, vector<128x128xf32>
    %jit3A_1295 = arith.constant 45 : i32
    %broadcast_in_dim3A_1296 = vector.broadcast %jit3A_1295 : i32 to vector<128x128xi32>
    %select_n3A_1297 = arith.select %lt3A_1293, %broadcast_in_dim3A_1296, %select_n3A_1286 : vector<128x128xi1>, vector<128x128xi32>
    %slice3A_1298 = vector.extract_strided_slice %slice3A_764 {offsets = [0, 5888], sizes = [128, 128], strides = [1, 1]} : vector<128x8192xf32> to vector<128x128xf32>
    %sub3A_1299 = arith.subf %broadcast_in_dim3A_769, %slice3A_1298 : vector<128x128xf32>
    %slice3A_1300 = vector.extract_strided_slice %get3A_8 {offsets = [0, 5888], sizes = [1, 128], strides = [1, 1]} : vector<1x8192xf32> to vector<1x128xf32>
    %broadcast_in_dim3A_1301 = vector.shape_cast %slice3A_1300 : vector<1x128xf32> to vector<1x128xf32>
    %broadcast_in_dim3A_1302 = vector.broadcast %broadcast_in_dim3A_1301 : vector<1x128xf32> to vector<128x128xf32>
    %add3A_1303 = arith.addf %sub3A_1299, %broadcast_in_dim3A_1302 : vector<128x128xf32>
    %lt3A_1304 = arith.cmpf olt, %add3A_1303, %select_n3A_1294 : vector<128x128xf32>
    %select_n3A_1305 = arith.select %lt3A_1304, %add3A_1303, %select_n3A_1294 : vector<128x128xi1>, vector<128x128xf32>
    %jit3A_1306 = arith.constant 46 : i32
    %broadcast_in_dim3A_1307 = vector.broadcast %jit3A_1306 : i32 to vector<128x128xi32>
    %select_n3A_1308 = arith.select %lt3A_1304, %broadcast_in_dim3A_1307, %select_n3A_1297 : vector<128x128xi1>, vector<128x128xi32>
    %slice3A_1309 = vector.extract_strided_slice %slice3A_764 {offsets = [0, 6016], sizes = [128, 128], strides = [1, 1]} : vector<128x8192xf32> to vector<128x128xf32>
    %sub3A_1310 = arith.subf %broadcast_in_dim3A_769, %slice3A_1309 : vector<128x128xf32>
    %slice3A_1311 = vector.extract_strided_slice %get3A_8 {offsets = [0, 6016], sizes = [1, 128], strides = [1, 1]} : vector<1x8192xf32> to vector<1x128xf32>
    %broadcast_in_dim3A_1312 = vector.shape_cast %slice3A_1311 : vector<1x128xf32> to vector<1x128xf32>
    %broadcast_in_dim3A_1313 = vector.broadcast %broadcast_in_dim3A_1312 : vector<1x128xf32> to vector<128x128xf32>
    %add3A_1314 = arith.addf %sub3A_1310, %broadcast_in_dim3A_1313 : vector<128x128xf32>
    %lt3A_1315 = arith.cmpf olt, %add3A_1314, %select_n3A_1305 : vector<128x128xf32>
    %select_n3A_1316 = arith.select %lt3A_1315, %add3A_1314, %select_n3A_1305 : vector<128x128xi1>, vector<128x128xf32>
    %jit3A_1317 = arith.constant 47 : i32
    %broadcast_in_dim3A_1318 = vector.broadcast %jit3A_1317 : i32 to vector<128x128xi32>
    %select_n3A_1319 = arith.select %lt3A_1315, %broadcast_in_dim3A_1318, %select_n3A_1308 : vector<128x128xi1>, vector<128x128xi32>
    %slice3A_1320 = vector.extract_strided_slice %slice3A_764 {offsets = [0, 6144], sizes = [128, 128], strides = [1, 1]} : vector<128x8192xf32> to vector<128x128xf32>
    %sub3A_1321 = arith.subf %broadcast_in_dim3A_769, %slice3A_1320 : vector<128x128xf32>
    %slice3A_1322 = vector.extract_strided_slice %get3A_8 {offsets = [0, 6144], sizes = [1, 128], strides = [1, 1]} : vector<1x8192xf32> to vector<1x128xf32>
    %broadcast_in_dim3A_1323 = vector.shape_cast %slice3A_1322 : vector<1x128xf32> to vector<1x128xf32>
    %broadcast_in_dim3A_1324 = vector.broadcast %broadcast_in_dim3A_1323 : vector<1x128xf32> to vector<128x128xf32>
    %add3A_1325 = arith.addf %sub3A_1321, %broadcast_in_dim3A_1324 : vector<128x128xf32>
    %lt3A_1326 = arith.cmpf olt, %add3A_1325, %select_n3A_1316 : vector<128x128xf32>
    %select_n3A_1327 = arith.select %lt3A_1326, %add3A_1325, %select_n3A_1316 : vector<128x128xi1>, vector<128x128xf32>
    %jit3A_1328 = arith.constant 48 : i32
    %broadcast_in_dim3A_1329 = vector.broadcast %jit3A_1328 : i32 to vector<128x128xi32>
    %select_n3A_1330 = arith.select %lt3A_1326, %broadcast_in_dim3A_1329, %select_n3A_1319 : vector<128x128xi1>, vector<128x128xi32>
    %slice3A_1331 = vector.extract_strided_slice %slice3A_764 {offsets = [0, 6272], sizes = [128, 128], strides = [1, 1]} : vector<128x8192xf32> to vector<128x128xf32>
    %sub3A_1332 = arith.subf %broadcast_in_dim3A_769, %slice3A_1331 : vector<128x128xf32>
    %slice3A_1333 = vector.extract_strided_slice %get3A_8 {offsets = [0, 6272], sizes = [1, 128], strides = [1, 1]} : vector<1x8192xf32> to vector<1x128xf32>
    %broadcast_in_dim3A_1334 = vector.shape_cast %slice3A_1333 : vector<1x128xf32> to vector<1x128xf32>
    %broadcast_in_dim3A_1335 = vector.broadcast %broadcast_in_dim3A_1334 : vector<1x128xf32> to vector<128x128xf32>
    %add3A_1336 = arith.addf %sub3A_1332, %broadcast_in_dim3A_1335 : vector<128x128xf32>
    %lt3A_1337 = arith.cmpf olt, %add3A_1336, %select_n3A_1327 : vector<128x128xf32>
    %select_n3A_1338 = arith.select %lt3A_1337, %add3A_1336, %select_n3A_1327 : vector<128x128xi1>, vector<128x128xf32>
    %jit3A_1339 = arith.constant 49 : i32
    %broadcast_in_dim3A_1340 = vector.broadcast %jit3A_1339 : i32 to vector<128x128xi32>
    %select_n3A_1341 = arith.select %lt3A_1337, %broadcast_in_dim3A_1340, %select_n3A_1330 : vector<128x128xi1>, vector<128x128xi32>
    %slice3A_1342 = vector.extract_strided_slice %slice3A_764 {offsets = [0, 6400], sizes = [128, 128], strides = [1, 1]} : vector<128x8192xf32> to vector<128x128xf32>
    %sub3A_1343 = arith.subf %broadcast_in_dim3A_769, %slice3A_1342 : vector<128x128xf32>
    %slice3A_1344 = vector.extract_strided_slice %get3A_8 {offsets = [0, 6400], sizes = [1, 128], strides = [1, 1]} : vector<1x8192xf32> to vector<1x128xf32>
    %broadcast_in_dim3A_1345 = vector.shape_cast %slice3A_1344 : vector<1x128xf32> to vector<1x128xf32>
    %broadcast_in_dim3A_1346 = vector.broadcast %broadcast_in_dim3A_1345 : vector<1x128xf32> to vector<128x128xf32>
    %add3A_1347 = arith.addf %sub3A_1343, %broadcast_in_dim3A_1346 : vector<128x128xf32>
    %lt3A_1348 = arith.cmpf olt, %add3A_1347, %select_n3A_1338 : vector<128x128xf32>
    %select_n3A_1349 = arith.select %lt3A_1348, %add3A_1347, %select_n3A_1338 : vector<128x128xi1>, vector<128x128xf32>
    %jit3A_1350 = arith.constant 50 : i32
    %broadcast_in_dim3A_1351 = vector.broadcast %jit3A_1350 : i32 to vector<128x128xi32>
    %select_n3A_1352 = arith.select %lt3A_1348, %broadcast_in_dim3A_1351, %select_n3A_1341 : vector<128x128xi1>, vector<128x128xi32>
    %slice3A_1353 = vector.extract_strided_slice %slice3A_764 {offsets = [0, 6528], sizes = [128, 128], strides = [1, 1]} : vector<128x8192xf32> to vector<128x128xf32>
    %sub3A_1354 = arith.subf %broadcast_in_dim3A_769, %slice3A_1353 : vector<128x128xf32>
    %slice3A_1355 = vector.extract_strided_slice %get3A_8 {offsets = [0, 6528], sizes = [1, 128], strides = [1, 1]} : vector<1x8192xf32> to vector<1x128xf32>
    %broadcast_in_dim3A_1356 = vector.shape_cast %slice3A_1355 : vector<1x128xf32> to vector<1x128xf32>
    %broadcast_in_dim3A_1357 = vector.broadcast %broadcast_in_dim3A_1356 : vector<1x128xf32> to vector<128x128xf32>
    %add3A_1358 = arith.addf %sub3A_1354, %broadcast_in_dim3A_1357 : vector<128x128xf32>
    %lt3A_1359 = arith.cmpf olt, %add3A_1358, %select_n3A_1349 : vector<128x128xf32>
    %select_n3A_1360 = arith.select %lt3A_1359, %add3A_1358, %select_n3A_1349 : vector<128x128xi1>, vector<128x128xf32>
    %jit3A_1361 = arith.constant 51 : i32
    %broadcast_in_dim3A_1362 = vector.broadcast %jit3A_1361 : i32 to vector<128x128xi32>
    %select_n3A_1363 = arith.select %lt3A_1359, %broadcast_in_dim3A_1362, %select_n3A_1352 : vector<128x128xi1>, vector<128x128xi32>
    %slice3A_1364 = vector.extract_strided_slice %slice3A_764 {offsets = [0, 6656], sizes = [128, 128], strides = [1, 1]} : vector<128x8192xf32> to vector<128x128xf32>
    %sub3A_1365 = arith.subf %broadcast_in_dim3A_769, %slice3A_1364 : vector<128x128xf32>
    %slice3A_1366 = vector.extract_strided_slice %get3A_8 {offsets = [0, 6656], sizes = [1, 128], strides = [1, 1]} : vector<1x8192xf32> to vector<1x128xf32>
    %broadcast_in_dim3A_1367 = vector.shape_cast %slice3A_1366 : vector<1x128xf32> to vector<1x128xf32>
    %broadcast_in_dim3A_1368 = vector.broadcast %broadcast_in_dim3A_1367 : vector<1x128xf32> to vector<128x128xf32>
    %add3A_1369 = arith.addf %sub3A_1365, %broadcast_in_dim3A_1368 : vector<128x128xf32>
    %lt3A_1370 = arith.cmpf olt, %add3A_1369, %select_n3A_1360 : vector<128x128xf32>
    %select_n3A_1371 = arith.select %lt3A_1370, %add3A_1369, %select_n3A_1360 : vector<128x128xi1>, vector<128x128xf32>
    %jit3A_1372 = arith.constant 52 : i32
    %broadcast_in_dim3A_1373 = vector.broadcast %jit3A_1372 : i32 to vector<128x128xi32>
    %select_n3A_1374 = arith.select %lt3A_1370, %broadcast_in_dim3A_1373, %select_n3A_1363 : vector<128x128xi1>, vector<128x128xi32>
    %slice3A_1375 = vector.extract_strided_slice %slice3A_764 {offsets = [0, 6784], sizes = [128, 128], strides = [1, 1]} : vector<128x8192xf32> to vector<128x128xf32>
    %sub3A_1376 = arith.subf %broadcast_in_dim3A_769, %slice3A_1375 : vector<128x128xf32>
    %slice3A_1377 = vector.extract_strided_slice %get3A_8 {offsets = [0, 6784], sizes = [1, 128], strides = [1, 1]} : vector<1x8192xf32> to vector<1x128xf32>
    %broadcast_in_dim3A_1378 = vector.shape_cast %slice3A_1377 : vector<1x128xf32> to vector<1x128xf32>
    %broadcast_in_dim3A_1379 = vector.broadcast %broadcast_in_dim3A_1378 : vector<1x128xf32> to vector<128x128xf32>
    %add3A_1380 = arith.addf %sub3A_1376, %broadcast_in_dim3A_1379 : vector<128x128xf32>
    %lt3A_1381 = arith.cmpf olt, %add3A_1380, %select_n3A_1371 : vector<128x128xf32>
    %select_n3A_1382 = arith.select %lt3A_1381, %add3A_1380, %select_n3A_1371 : vector<128x128xi1>, vector<128x128xf32>
    %jit3A_1383 = arith.constant 53 : i32
    %broadcast_in_dim3A_1384 = vector.broadcast %jit3A_1383 : i32 to vector<128x128xi32>
    %select_n3A_1385 = arith.select %lt3A_1381, %broadcast_in_dim3A_1384, %select_n3A_1374 : vector<128x128xi1>, vector<128x128xi32>
    %slice3A_1386 = vector.extract_strided_slice %slice3A_764 {offsets = [0, 6912], sizes = [128, 128], strides = [1, 1]} : vector<128x8192xf32> to vector<128x128xf32>
    %sub3A_1387 = arith.subf %broadcast_in_dim3A_769, %slice3A_1386 : vector<128x128xf32>
    %slice3A_1388 = vector.extract_strided_slice %get3A_8 {offsets = [0, 6912], sizes = [1, 128], strides = [1, 1]} : vector<1x8192xf32> to vector<1x128xf32>
    %broadcast_in_dim3A_1389 = vector.shape_cast %slice3A_1388 : vector<1x128xf32> to vector<1x128xf32>
    %broadcast_in_dim3A_1390 = vector.broadcast %broadcast_in_dim3A_1389 : vector<1x128xf32> to vector<128x128xf32>
    %add3A_1391 = arith.addf %sub3A_1387, %broadcast_in_dim3A_1390 : vector<128x128xf32>
    %lt3A_1392 = arith.cmpf olt, %add3A_1391, %select_n3A_1382 : vector<128x128xf32>
    %select_n3A_1393 = arith.select %lt3A_1392, %add3A_1391, %select_n3A_1382 : vector<128x128xi1>, vector<128x128xf32>
    %jit3A_1394 = arith.constant 54 : i32
    %broadcast_in_dim3A_1395 = vector.broadcast %jit3A_1394 : i32 to vector<128x128xi32>
    %select_n3A_1396 = arith.select %lt3A_1392, %broadcast_in_dim3A_1395, %select_n3A_1385 : vector<128x128xi1>, vector<128x128xi32>
    %slice3A_1397 = vector.extract_strided_slice %slice3A_764 {offsets = [0, 7040], sizes = [128, 128], strides = [1, 1]} : vector<128x8192xf32> to vector<128x128xf32>
    %sub3A_1398 = arith.subf %broadcast_in_dim3A_769, %slice3A_1397 : vector<128x128xf32>
    %slice3A_1399 = vector.extract_strided_slice %get3A_8 {offsets = [0, 7040], sizes = [1, 128], strides = [1, 1]} : vector<1x8192xf32> to vector<1x128xf32>
    %broadcast_in_dim3A_1400 = vector.shape_cast %slice3A_1399 : vector<1x128xf32> to vector<1x128xf32>
    %broadcast_in_dim3A_1401 = vector.broadcast %broadcast_in_dim3A_1400 : vector<1x128xf32> to vector<128x128xf32>
    %add3A_1402 = arith.addf %sub3A_1398, %broadcast_in_dim3A_1401 : vector<128x128xf32>
    %lt3A_1403 = arith.cmpf olt, %add3A_1402, %select_n3A_1393 : vector<128x128xf32>
    %select_n3A_1404 = arith.select %lt3A_1403, %add3A_1402, %select_n3A_1393 : vector<128x128xi1>, vector<128x128xf32>
    %jit3A_1405 = arith.constant 55 : i32
    %broadcast_in_dim3A_1406 = vector.broadcast %jit3A_1405 : i32 to vector<128x128xi32>
    %select_n3A_1407 = arith.select %lt3A_1403, %broadcast_in_dim3A_1406, %select_n3A_1396 : vector<128x128xi1>, vector<128x128xi32>
    %slice3A_1408 = vector.extract_strided_slice %slice3A_764 {offsets = [0, 7168], sizes = [128, 128], strides = [1, 1]} : vector<128x8192xf32> to vector<128x128xf32>
    %sub3A_1409 = arith.subf %broadcast_in_dim3A_769, %slice3A_1408 : vector<128x128xf32>
    %slice3A_1410 = vector.extract_strided_slice %get3A_8 {offsets = [0, 7168], sizes = [1, 128], strides = [1, 1]} : vector<1x8192xf32> to vector<1x128xf32>
    %broadcast_in_dim3A_1411 = vector.shape_cast %slice3A_1410 : vector<1x128xf32> to vector<1x128xf32>
    %broadcast_in_dim3A_1412 = vector.broadcast %broadcast_in_dim3A_1411 : vector<1x128xf32> to vector<128x128xf32>
    %add3A_1413 = arith.addf %sub3A_1409, %broadcast_in_dim3A_1412 : vector<128x128xf32>
    %lt3A_1414 = arith.cmpf olt, %add3A_1413, %select_n3A_1404 : vector<128x128xf32>
    %select_n3A_1415 = arith.select %lt3A_1414, %add3A_1413, %select_n3A_1404 : vector<128x128xi1>, vector<128x128xf32>
    %jit3A_1416 = arith.constant 56 : i32
    %broadcast_in_dim3A_1417 = vector.broadcast %jit3A_1416 : i32 to vector<128x128xi32>
    %select_n3A_1418 = arith.select %lt3A_1414, %broadcast_in_dim3A_1417, %select_n3A_1407 : vector<128x128xi1>, vector<128x128xi32>
    %slice3A_1419 = vector.extract_strided_slice %slice3A_764 {offsets = [0, 7296], sizes = [128, 128], strides = [1, 1]} : vector<128x8192xf32> to vector<128x128xf32>
    %sub3A_1420 = arith.subf %broadcast_in_dim3A_769, %slice3A_1419 : vector<128x128xf32>
    %slice3A_1421 = vector.extract_strided_slice %get3A_8 {offsets = [0, 7296], sizes = [1, 128], strides = [1, 1]} : vector<1x8192xf32> to vector<1x128xf32>
    %broadcast_in_dim3A_1422 = vector.shape_cast %slice3A_1421 : vector<1x128xf32> to vector<1x128xf32>
    %broadcast_in_dim3A_1423 = vector.broadcast %broadcast_in_dim3A_1422 : vector<1x128xf32> to vector<128x128xf32>
    %add3A_1424 = arith.addf %sub3A_1420, %broadcast_in_dim3A_1423 : vector<128x128xf32>
    %lt3A_1425 = arith.cmpf olt, %add3A_1424, %select_n3A_1415 : vector<128x128xf32>
    %select_n3A_1426 = arith.select %lt3A_1425, %add3A_1424, %select_n3A_1415 : vector<128x128xi1>, vector<128x128xf32>
    %jit3A_1427 = arith.constant 57 : i32
    %broadcast_in_dim3A_1428 = vector.broadcast %jit3A_1427 : i32 to vector<128x128xi32>
    %select_n3A_1429 = arith.select %lt3A_1425, %broadcast_in_dim3A_1428, %select_n3A_1418 : vector<128x128xi1>, vector<128x128xi32>
    %slice3A_1430 = vector.extract_strided_slice %slice3A_764 {offsets = [0, 7424], sizes = [128, 128], strides = [1, 1]} : vector<128x8192xf32> to vector<128x128xf32>
    %sub3A_1431 = arith.subf %broadcast_in_dim3A_769, %slice3A_1430 : vector<128x128xf32>
    %slice3A_1432 = vector.extract_strided_slice %get3A_8 {offsets = [0, 7424], sizes = [1, 128], strides = [1, 1]} : vector<1x8192xf32> to vector<1x128xf32>
    %broadcast_in_dim3A_1433 = vector.shape_cast %slice3A_1432 : vector<1x128xf32> to vector<1x128xf32>
    %broadcast_in_dim3A_1434 = vector.broadcast %broadcast_in_dim3A_1433 : vector<1x128xf32> to vector<128x128xf32>
    %add3A_1435 = arith.addf %sub3A_1431, %broadcast_in_dim3A_1434 : vector<128x128xf32>
    %lt3A_1436 = arith.cmpf olt, %add3A_1435, %select_n3A_1426 : vector<128x128xf32>
    %select_n3A_1437 = arith.select %lt3A_1436, %add3A_1435, %select_n3A_1426 : vector<128x128xi1>, vector<128x128xf32>
    %jit3A_1438 = arith.constant 58 : i32
    %broadcast_in_dim3A_1439 = vector.broadcast %jit3A_1438 : i32 to vector<128x128xi32>
    %select_n3A_1440 = arith.select %lt3A_1436, %broadcast_in_dim3A_1439, %select_n3A_1429 : vector<128x128xi1>, vector<128x128xi32>
    %slice3A_1441 = vector.extract_strided_slice %slice3A_764 {offsets = [0, 7552], sizes = [128, 128], strides = [1, 1]} : vector<128x8192xf32> to vector<128x128xf32>
    %sub3A_1442 = arith.subf %broadcast_in_dim3A_769, %slice3A_1441 : vector<128x128xf32>
    %slice3A_1443 = vector.extract_strided_slice %get3A_8 {offsets = [0, 7552], sizes = [1, 128], strides = [1, 1]} : vector<1x8192xf32> to vector<1x128xf32>
    %broadcast_in_dim3A_1444 = vector.shape_cast %slice3A_1443 : vector<1x128xf32> to vector<1x128xf32>
    %broadcast_in_dim3A_1445 = vector.broadcast %broadcast_in_dim3A_1444 : vector<1x128xf32> to vector<128x128xf32>
    %add3A_1446 = arith.addf %sub3A_1442, %broadcast_in_dim3A_1445 : vector<128x128xf32>
    %lt3A_1447 = arith.cmpf olt, %add3A_1446, %select_n3A_1437 : vector<128x128xf32>
    %select_n3A_1448 = arith.select %lt3A_1447, %add3A_1446, %select_n3A_1437 : vector<128x128xi1>, vector<128x128xf32>
    %jit3A_1449 = arith.constant 59 : i32
    %broadcast_in_dim3A_1450 = vector.broadcast %jit3A_1449 : i32 to vector<128x128xi32>
    %select_n3A_1451 = arith.select %lt3A_1447, %broadcast_in_dim3A_1450, %select_n3A_1440 : vector<128x128xi1>, vector<128x128xi32>
    %slice3A_1452 = vector.extract_strided_slice %slice3A_764 {offsets = [0, 7680], sizes = [128, 128], strides = [1, 1]} : vector<128x8192xf32> to vector<128x128xf32>
    %sub3A_1453 = arith.subf %broadcast_in_dim3A_769, %slice3A_1452 : vector<128x128xf32>
    %slice3A_1454 = vector.extract_strided_slice %get3A_8 {offsets = [0, 7680], sizes = [1, 128], strides = [1, 1]} : vector<1x8192xf32> to vector<1x128xf32>
    %broadcast_in_dim3A_1455 = vector.shape_cast %slice3A_1454 : vector<1x128xf32> to vector<1x128xf32>
    %broadcast_in_dim3A_1456 = vector.broadcast %broadcast_in_dim3A_1455 : vector<1x128xf32> to vector<128x128xf32>
    %add3A_1457 = arith.addf %sub3A_1453, %broadcast_in_dim3A_1456 : vector<128x128xf32>
    %lt3A_1458 = arith.cmpf olt, %add3A_1457, %select_n3A_1448 : vector<128x128xf32>
    %select_n3A_1459 = arith.select %lt3A_1458, %add3A_1457, %select_n3A_1448 : vector<128x128xi1>, vector<128x128xf32>
    %jit3A_1460 = arith.constant 60 : i32
    %broadcast_in_dim3A_1461 = vector.broadcast %jit3A_1460 : i32 to vector<128x128xi32>
    %select_n3A_1462 = arith.select %lt3A_1458, %broadcast_in_dim3A_1461, %select_n3A_1451 : vector<128x128xi1>, vector<128x128xi32>
    %slice3A_1463 = vector.extract_strided_slice %slice3A_764 {offsets = [0, 7808], sizes = [128, 128], strides = [1, 1]} : vector<128x8192xf32> to vector<128x128xf32>
    %sub3A_1464 = arith.subf %broadcast_in_dim3A_769, %slice3A_1463 : vector<128x128xf32>
    %slice3A_1465 = vector.extract_strided_slice %get3A_8 {offsets = [0, 7808], sizes = [1, 128], strides = [1, 1]} : vector<1x8192xf32> to vector<1x128xf32>
    %broadcast_in_dim3A_1466 = vector.shape_cast %slice3A_1465 : vector<1x128xf32> to vector<1x128xf32>
    %broadcast_in_dim3A_1467 = vector.broadcast %broadcast_in_dim3A_1466 : vector<1x128xf32> to vector<128x128xf32>
    %add3A_1468 = arith.addf %sub3A_1464, %broadcast_in_dim3A_1467 : vector<128x128xf32>
    %lt3A_1469 = arith.cmpf olt, %add3A_1468, %select_n3A_1459 : vector<128x128xf32>
    %select_n3A_1470 = arith.select %lt3A_1469, %add3A_1468, %select_n3A_1459 : vector<128x128xi1>, vector<128x128xf32>
    %jit3A_1471 = arith.constant 61 : i32
    %broadcast_in_dim3A_1472 = vector.broadcast %jit3A_1471 : i32 to vector<128x128xi32>
    %select_n3A_1473 = arith.select %lt3A_1469, %broadcast_in_dim3A_1472, %select_n3A_1462 : vector<128x128xi1>, vector<128x128xi32>
    %slice3A_1474 = vector.extract_strided_slice %slice3A_764 {offsets = [0, 7936], sizes = [128, 128], strides = [1, 1]} : vector<128x8192xf32> to vector<128x128xf32>
    %sub3A_1475 = arith.subf %broadcast_in_dim3A_769, %slice3A_1474 : vector<128x128xf32>
    %slice3A_1476 = vector.extract_strided_slice %get3A_8 {offsets = [0, 7936], sizes = [1, 128], strides = [1, 1]} : vector<1x8192xf32> to vector<1x128xf32>
    %broadcast_in_dim3A_1477 = vector.shape_cast %slice3A_1476 : vector<1x128xf32> to vector<1x128xf32>
    %broadcast_in_dim3A_1478 = vector.broadcast %broadcast_in_dim3A_1477 : vector<1x128xf32> to vector<128x128xf32>
    %add3A_1479 = arith.addf %sub3A_1475, %broadcast_in_dim3A_1478 : vector<128x128xf32>
    %lt3A_1480 = arith.cmpf olt, %add3A_1479, %select_n3A_1470 : vector<128x128xf32>
    %select_n3A_1481 = arith.select %lt3A_1480, %add3A_1479, %select_n3A_1470 : vector<128x128xi1>, vector<128x128xf32>
    %jit3A_1482 = arith.constant 62 : i32
    %broadcast_in_dim3A_1483 = vector.broadcast %jit3A_1482 : i32 to vector<128x128xi32>
    %select_n3A_1484 = arith.select %lt3A_1480, %broadcast_in_dim3A_1483, %select_n3A_1473 : vector<128x128xi1>, vector<128x128xi32>
    %slice3A_1485 = vector.extract_strided_slice %slice3A_764 {offsets = [0, 8064], sizes = [128, 128], strides = [1, 1]} : vector<128x8192xf32> to vector<128x128xf32>
    %sub3A_1486 = arith.subf %broadcast_in_dim3A_769, %slice3A_1485 : vector<128x128xf32>
    %slice3A_1487 = vector.extract_strided_slice %get3A_8 {offsets = [0, 8064], sizes = [1, 128], strides = [1, 1]} : vector<1x8192xf32> to vector<1x128xf32>
    %broadcast_in_dim3A_1488 = vector.shape_cast %slice3A_1487 : vector<1x128xf32> to vector<1x128xf32>
    %broadcast_in_dim3A_1489 = vector.broadcast %broadcast_in_dim3A_1488 : vector<1x128xf32> to vector<128x128xf32>
    %add3A_1490 = arith.addf %sub3A_1486, %broadcast_in_dim3A_1489 : vector<128x128xf32>
    %lt3A_1491 = arith.cmpf olt, %add3A_1490, %select_n3A_1481 : vector<128x128xf32>
    %select_n3A_1492 = arith.select %lt3A_1491, %add3A_1490, %select_n3A_1481 : vector<128x128xi1>, vector<128x128xf32>
    %jit3A_1493 = arith.constant 63 : i32
    %broadcast_in_dim3A_1494 = vector.broadcast %jit3A_1493 : i32 to vector<128x128xi32>
    %select_n3A_1495 = arith.select %lt3A_1491, %broadcast_in_dim3A_1494, %select_n3A_1484 : vector<128x128xi1>, vector<128x128xi32>
    %reduce_min3A_1496 = arith.constant dense<0x7F800000> : vector<128xf32>
    %reduce_min3A_1497 = vector.multi_reduction <minimumf>, %select_n3A_1492, %reduce_min3A_1496 [1] : vector<128x128xf32> to vector<128xf32>
    %broadcast_in_dim3A_1498 = vector.shape_cast %reduce_min3A_1497 : vector<128xf32> to vector<128x1xf32>
    %mul3A_1499 = arith.constant 128 : i32
    %mul3A_1500 = vector.broadcast %mul3A_1499 : i32 to vector<128x128xi32>
    %mul3A_1501 = arith.muli %select_n3A_1495, %mul3A_1500 : vector<128x128xi32>
    %add3A_1502 = arith.addi %mul3A_1501, %iota3A : vector<128x128xi32>
    %eq3A_1503 = vector.broadcast %broadcast_in_dim3A_1498 : vector<128x1xf32> to vector<128x128xf32>
    %eq3A_1504 = arith.cmpf oeq, %select_n3A_1492, %eq3A_1503 : vector<128x128xf32>
    %jit3A_1505 = arith.constant 8192 : i32
    %broadcast_in_dim3A_1506 = vector.broadcast %jit3A_1505 : i32 to vector<128x128xi32>
    %select_n3A_1507 = arith.select %eq3A_1504, %add3A_1502, %broadcast_in_dim3A_1506 : vector<128x128xi1>, vector<128x128xi32>
    %reduce_min3A_1508 = arith.constant dense<2147483647> : vector<128xi32>
    %reduce_min3A_1509 = vector.multi_reduction <minsi>, %select_n3A_1507, %reduce_min3A_1508 [1] : vector<128x128xi32> to vector<128xi32>
    %convert_element_type3A_1510 = arith.truncf %broadcast_in_dim3A_1128 : vector<128x1xf32> to vector<128x1xbf16>
    %convert_element_type3A_1511 = arith.extf %convert_element_type3A_1510 : vector<128x1xbf16> to vector<128x1xf32>
    %lt3A_1512 = arith.cmpf olt, %broadcast_in_dim3A_1498, %convert_element_type3A_1511 : vector<128x1xf32>
    %squeeze3A_1513 = vector.shape_cast %lt3A_1512 : vector<128x1xi1> to vector<128xi1>
    %select_n3A_1514 = arith.select %squeeze3A_1513, %reduce_min3A_1509, %reduce_min3A_1139 : vector<128xi1>, vector<128xi32>
    %swap3A_1515 = arith.constant 0 : index
    %swap3A_1516 = arith.constant 0 : index
    %swap3A_1517 = arith.constant 128 : index
    %swap3A_1518 = vector.load %arg5[%swap3A_1515, %swap3A_1516, %swap3A_1517] : memref<1x1x512xi32, #tpu.memory_space<vmem>>, vector<1x1x128xi32>
    %swap3A_1519 = vector.shape_cast %swap3A_1518 : vector<1x1x128xi32> to vector<128xi32>
    %swap3A_1520 = vector.shape_cast %select_n3A_1514 : vector<128xi32> to vector<1x1x128xi32>
    tpu.vector_store %arg5[%swap3A_1515, %swap3A_1516, %swap3A_1517], %swap3A_1520 {strides = array<i32>} : memref<1x1x512xi32, #tpu.memory_space<vmem>>, vector<1x1x128xi32>,
    %squeeze3A_1521 = vector.shape_cast %lt3A_1512 : vector<128x1xi1> to vector<128xi1>
    %squeeze3A_1522 = vector.shape_cast %broadcast_in_dim3A_1498 : vector<128x1xf32> to vector<128xf32>
    %squeeze3A_1523 = vector.shape_cast %broadcast_in_dim3A_1128 : vector<128x1xf32> to vector<128xf32>
    %select_n3A_1524 = arith.select %squeeze3A_1521, %squeeze3A_1522, %squeeze3A_1523 : vector<128xi1>, vector<128xf32>
    %reduce_sum3A_1525 = vector.shape_cast %select_n3A_1524 : vector<128xf32> to vector<1x128xf32>
    %reduce_sum3A_1526 = arith.constant dense<0.000000e+00> : vector<1xf32>
    %reduce_sum3A_1527 = vector.multi_reduction <add>, %reduce_sum3A_1525, %reduce_sum3A_1526 [1] : vector<1x128xf32> to vector<1xf32>
    %reduce_sum3A_1528 = vector.shape_cast %reduce_sum3A_1527 : vector<1xf32> to vector<1x1xf32>
    %reduce_sum3A_1529 = vector.extract %reduce_sum3A_1528[0, 0] : f32 from vector<1x1xf32>
    %reshape3A_1530 = vector.broadcast %reduce_sum3A_1529 : f32 to vector<1x1xf32>
    %add3A_1531 = arith.addf %add3A_763, %reshape3A_1530 : vector<1x1xf32>
    %slice3A_1532 = vector.extract_strided_slice %dot_general3A_5 {offsets = [256, 0], sizes = [128, 8192], strides = [1, 1]} : vector<512x8192xf32> to vector<128x8192xf32>
    %get3A_1533 = arith.constant 256 : index
    %get3A_1534 = arith.constant 0 : index
    %get3A_1535 = vector.load %arg2[%get3A_1533, %get3A_1534] : memref<512x1xf32, #tpu.memory_space<vmem>>, vector<128x1xf32>
    %broadcast_in_dim3A_1536 = vector.shape_cast %get3A_1535 : vector<128x1xf32> to vector<128x1xf32>
    %broadcast_in_dim3A_1537 = vector.broadcast %broadcast_in_dim3A_1536 : vector<128x1xf32> to vector<128x128xf32>
    %broadcast_in_dim3A_1538 = arith.constant 0x7F800000 : f32
    %broadcast_in_dim3A_1539 = vector.broadcast %broadcast_in_dim3A_1538 : f32 to vector<128x128xf32>
    %broadcast_in_dim3A_1540 = arith.constant 0 : i32
    %broadcast_in_dim3A_1541 = vector.broadcast %broadcast_in_dim3A_1540 : i32 to vector<128x128xi32>
    %slice3A_1542 = vector.extract_strided_slice %slice3A_1532 {offsets = [0, 0], sizes = [128, 128], strides = [1, 1]} : vector<128x8192xf32> to vector<128x128xf32>
    %sub3A_1543 = arith.subf %broadcast_in_dim3A_1537, %slice3A_1542 : vector<128x128xf32>
    %slice3A_1544 = vector.extract_strided_slice %get3A_8 {offsets = [0, 0], sizes = [1, 128], strides = [1, 1]} : vector<1x8192xf32> to vector<1x128xf32>
    %broadcast_in_dim3A_1545 = vector.shape_cast %slice3A_1544 : vector<1x128xf32> to vector<1x128xf32>
    %broadcast_in_dim3A_1546 = vector.broadcast %broadcast_in_dim3A_1545 : vector<1x128xf32> to vector<128x128xf32>
    %add3A_1547 = arith.addf %sub3A_1543, %broadcast_in_dim3A_1546 : vector<128x128xf32>
    %lt3A_1548 = arith.cmpf olt, %add3A_1547, %broadcast_in_dim3A_1539 : vector<128x128xf32>
    %select_n3A_1549 = arith.select %lt3A_1548, %add3A_1547, %broadcast_in_dim3A_1539 : vector<128x128xi1>, vector<128x128xf32>
    %jit3A_1550 = arith.constant 0 : i32
    %broadcast_in_dim3A_1551 = vector.broadcast %jit3A_1550 : i32 to vector<128x128xi32>
    %select_n3A_1552 = arith.select %lt3A_1548, %broadcast_in_dim3A_1551, %broadcast_in_dim3A_1541 : vector<128x128xi1>, vector<128x128xi32>
    %slice3A_1553 = vector.extract_strided_slice %slice3A_1532 {offsets = [0, 128], sizes = [128, 128], strides = [1, 1]} : vector<128x8192xf32> to vector<128x128xf32>
    %sub3A_1554 = arith.subf %broadcast_in_dim3A_1537, %slice3A_1553 : vector<128x128xf32>
    %slice3A_1555 = vector.extract_strided_slice %get3A_8 {offsets = [0, 128], sizes = [1, 128], strides = [1, 1]} : vector<1x8192xf32> to vector<1x128xf32>
    %broadcast_in_dim3A_1556 = vector.shape_cast %slice3A_1555 : vector<1x128xf32> to vector<1x128xf32>
    %broadcast_in_dim3A_1557 = vector.broadcast %broadcast_in_dim3A_1556 : vector<1x128xf32> to vector<128x128xf32>
    %add3A_1558 = arith.addf %sub3A_1554, %broadcast_in_dim3A_1557 : vector<128x128xf32>
    %lt3A_1559 = arith.cmpf olt, %add3A_1558, %select_n3A_1549 : vector<128x128xf32>
    %select_n3A_1560 = arith.select %lt3A_1559, %add3A_1558, %select_n3A_1549 : vector<128x128xi1>, vector<128x128xf32>
    %jit3A_1561 = arith.constant 1 : i32
    %broadcast_in_dim3A_1562 = vector.broadcast %jit3A_1561 : i32 to vector<128x128xi32>
    %select_n3A_1563 = arith.select %lt3A_1559, %broadcast_in_dim3A_1562, %select_n3A_1552 : vector<128x128xi1>, vector<128x128xi32>
    %slice3A_1564 = vector.extract_strided_slice %slice3A_1532 {offsets = [0, 256], sizes = [128, 128], strides = [1, 1]} : vector<128x8192xf32> to vector<128x128xf32>
    %sub3A_1565 = arith.subf %broadcast_in_dim3A_1537, %slice3A_1564 : vector<128x128xf32>
    %slice3A_1566 = vector.extract_strided_slice %get3A_8 {offsets = [0, 256], sizes = [1, 128], strides = [1, 1]} : vector<1x8192xf32> to vector<1x128xf32>
    %broadcast_in_dim3A_1567 = vector.shape_cast %slice3A_1566 : vector<1x128xf32> to vector<1x128xf32>
    %broadcast_in_dim3A_1568 = vector.broadcast %broadcast_in_dim3A_1567 : vector<1x128xf32> to vector<128x128xf32>
    %add3A_1569 = arith.addf %sub3A_1565, %broadcast_in_dim3A_1568 : vector<128x128xf32>
    %lt3A_1570 = arith.cmpf olt, %add3A_1569, %select_n3A_1560 : vector<128x128xf32>
    %select_n3A_1571 = arith.select %lt3A_1570, %add3A_1569, %select_n3A_1560 : vector<128x128xi1>, vector<128x128xf32>
    %jit3A_1572 = arith.constant 2 : i32
    %broadcast_in_dim3A_1573 = vector.broadcast %jit3A_1572 : i32 to vector<128x128xi32>
    %select_n3A_1574 = arith.select %lt3A_1570, %broadcast_in_dim3A_1573, %select_n3A_1563 : vector<128x128xi1>, vector<128x128xi32>
    %slice3A_1575 = vector.extract_strided_slice %slice3A_1532 {offsets = [0, 384], sizes = [128, 128], strides = [1, 1]} : vector<128x8192xf32> to vector<128x128xf32>
    %sub3A_1576 = arith.subf %broadcast_in_dim3A_1537, %slice3A_1575 : vector<128x128xf32>
    %slice3A_1577 = vector.extract_strided_slice %get3A_8 {offsets = [0, 384], sizes = [1, 128], strides = [1, 1]} : vector<1x8192xf32> to vector<1x128xf32>
    %broadcast_in_dim3A_1578 = vector.shape_cast %slice3A_1577 : vector<1x128xf32> to vector<1x128xf32>
    %broadcast_in_dim3A_1579 = vector.broadcast %broadcast_in_dim3A_1578 : vector<1x128xf32> to vector<128x128xf32>
    %add3A_1580 = arith.addf %sub3A_1576, %broadcast_in_dim3A_1579 : vector<128x128xf32>
    %lt3A_1581 = arith.cmpf olt, %add3A_1580, %select_n3A_1571 : vector<128x128xf32>
    %select_n3A_1582 = arith.select %lt3A_1581, %add3A_1580, %select_n3A_1571 : vector<128x128xi1>, vector<128x128xf32>
    %jit3A_1583 = arith.constant 3 : i32
    %broadcast_in_dim3A_1584 = vector.broadcast %jit3A_1583 : i32 to vector<128x128xi32>
    %select_n3A_1585 = arith.select %lt3A_1581, %broadcast_in_dim3A_1584, %select_n3A_1574 : vector<128x128xi1>, vector<128x128xi32>
    %slice3A_1586 = vector.extract_strided_slice %slice3A_1532 {offsets = [0, 512], sizes = [128, 128], strides = [1, 1]} : vector<128x8192xf32> to vector<128x128xf32>
    %sub3A_1587 = arith.subf %broadcast_in_dim3A_1537, %slice3A_1586 : vector<128x128xf32>
    %slice3A_1588 = vector.extract_strided_slice %get3A_8 {offsets = [0, 512], sizes = [1, 128], strides = [1, 1]} : vector<1x8192xf32> to vector<1x128xf32>
    %broadcast_in_dim3A_1589 = vector.shape_cast %slice3A_1588 : vector<1x128xf32> to vector<1x128xf32>
    %broadcast_in_dim3A_1590 = vector.broadcast %broadcast_in_dim3A_1589 : vector<1x128xf32> to vector<128x128xf32>
    %add3A_1591 = arith.addf %sub3A_1587, %broadcast_in_dim3A_1590 : vector<128x128xf32>
    %lt3A_1592 = arith.cmpf olt, %add3A_1591, %select_n3A_1582 : vector<128x128xf32>
    %select_n3A_1593 = arith.select %lt3A_1592, %add3A_1591, %select_n3A_1582 : vector<128x128xi1>, vector<128x128xf32>
    %jit3A_1594 = arith.constant 4 : i32
    %broadcast_in_dim3A_1595 = vector.broadcast %jit3A_1594 : i32 to vector<128x128xi32>
    %select_n3A_1596 = arith.select %lt3A_1592, %broadcast_in_dim3A_1595, %select_n3A_1585 : vector<128x128xi1>, vector<128x128xi32>
    %slice3A_1597 = vector.extract_strided_slice %slice3A_1532 {offsets = [0, 640], sizes = [128, 128], strides = [1, 1]} : vector<128x8192xf32> to vector<128x128xf32>
    %sub3A_1598 = arith.subf %broadcast_in_dim3A_1537, %slice3A_1597 : vector<128x128xf32>
    %slice3A_1599 = vector.extract_strided_slice %get3A_8 {offsets = [0, 640], sizes = [1, 128], strides = [1, 1]} : vector<1x8192xf32> to vector<1x128xf32>
    %broadcast_in_dim3A_1600 = vector.shape_cast %slice3A_1599 : vector<1x128xf32> to vector<1x128xf32>
    %broadcast_in_dim3A_1601 = vector.broadcast %broadcast_in_dim3A_1600 : vector<1x128xf32> to vector<128x128xf32>
    %add3A_1602 = arith.addf %sub3A_1598, %broadcast_in_dim3A_1601 : vector<128x128xf32>
    %lt3A_1603 = arith.cmpf olt, %add3A_1602, %select_n3A_1593 : vector<128x128xf32>
    %select_n3A_1604 = arith.select %lt3A_1603, %add3A_1602, %select_n3A_1593 : vector<128x128xi1>, vector<128x128xf32>
    %jit3A_1605 = arith.constant 5 : i32
    %broadcast_in_dim3A_1606 = vector.broadcast %jit3A_1605 : i32 to vector<128x128xi32>
    %select_n3A_1607 = arith.select %lt3A_1603, %broadcast_in_dim3A_1606, %select_n3A_1596 : vector<128x128xi1>, vector<128x128xi32>
    %slice3A_1608 = vector.extract_strided_slice %slice3A_1532 {offsets = [0, 768], sizes = [128, 128], strides = [1, 1]} : vector<128x8192xf32> to vector<128x128xf32>
    %sub3A_1609 = arith.subf %broadcast_in_dim3A_1537, %slice3A_1608 : vector<128x128xf32>
    %slice3A_1610 = vector.extract_strided_slice %get3A_8 {offsets = [0, 768], sizes = [1, 128], strides = [1, 1]} : vector<1x8192xf32> to vector<1x128xf32>
    %broadcast_in_dim3A_1611 = vector.shape_cast %slice3A_1610 : vector<1x128xf32> to vector<1x128xf32>
    %broadcast_in_dim3A_1612 = vector.broadcast %broadcast_in_dim3A_1611 : vector<1x128xf32> to vector<128x128xf32>
    %add3A_1613 = arith.addf %sub3A_1609, %broadcast_in_dim3A_1612 : vector<128x128xf32>
    %lt3A_1614 = arith.cmpf olt, %add3A_1613, %select_n3A_1604 : vector<128x128xf32>
    %select_n3A_1615 = arith.select %lt3A_1614, %add3A_1613, %select_n3A_1604 : vector<128x128xi1>, vector<128x128xf32>
    %jit3A_1616 = arith.constant 6 : i32
    %broadcast_in_dim3A_1617 = vector.broadcast %jit3A_1616 : i32 to vector<128x128xi32>
    %select_n3A_1618 = arith.select %lt3A_1614, %broadcast_in_dim3A_1617, %select_n3A_1607 : vector<128x128xi1>, vector<128x128xi32>
    %slice3A_1619 = vector.extract_strided_slice %slice3A_1532 {offsets = [0, 896], sizes = [128, 128], strides = [1, 1]} : vector<128x8192xf32> to vector<128x128xf32>
    %sub3A_1620 = arith.subf %broadcast_in_dim3A_1537, %slice3A_1619 : vector<128x128xf32>
    %slice3A_1621 = vector.extract_strided_slice %get3A_8 {offsets = [0, 896], sizes = [1, 128], strides = [1, 1]} : vector<1x8192xf32> to vector<1x128xf32>
    %broadcast_in_dim3A_1622 = vector.shape_cast %slice3A_1621 : vector<1x128xf32> to vector<1x128xf32>
    %broadcast_in_dim3A_1623 = vector.broadcast %broadcast_in_dim3A_1622 : vector<1x128xf32> to vector<128x128xf32>
    %add3A_1624 = arith.addf %sub3A_1620, %broadcast_in_dim3A_1623 : vector<128x128xf32>
    %lt3A_1625 = arith.cmpf olt, %add3A_1624, %select_n3A_1615 : vector<128x128xf32>
    %select_n3A_1626 = arith.select %lt3A_1625, %add3A_1624, %select_n3A_1615 : vector<128x128xi1>, vector<128x128xf32>
    %jit3A_1627 = arith.constant 7 : i32
    %broadcast_in_dim3A_1628 = vector.broadcast %jit3A_1627 : i32 to vector<128x128xi32>
    %select_n3A_1629 = arith.select %lt3A_1625, %broadcast_in_dim3A_1628, %select_n3A_1618 : vector<128x128xi1>, vector<128x128xi32>
    %slice3A_1630 = vector.extract_strided_slice %slice3A_1532 {offsets = [0, 1024], sizes = [128, 128], strides = [1, 1]} : vector<128x8192xf32> to vector<128x128xf32>
    %sub3A_1631 = arith.subf %broadcast_in_dim3A_1537, %slice3A_1630 : vector<128x128xf32>
    %slice3A_1632 = vector.extract_strided_slice %get3A_8 {offsets = [0, 1024], sizes = [1, 128], strides = [1, 1]} : vector<1x8192xf32> to vector<1x128xf32>
    %broadcast_in_dim3A_1633 = vector.shape_cast %slice3A_1632 : vector<1x128xf32> to vector<1x128xf32>
    %broadcast_in_dim3A_1634 = vector.broadcast %broadcast_in_dim3A_1633 : vector<1x128xf32> to vector<128x128xf32>
    %add3A_1635 = arith.addf %sub3A_1631, %broadcast_in_dim3A_1634 : vector<128x128xf32>
    %lt3A_1636 = arith.cmpf olt, %add3A_1635, %select_n3A_1626 : vector<128x128xf32>
    %select_n3A_1637 = arith.select %lt3A_1636, %add3A_1635, %select_n3A_1626 : vector<128x128xi1>, vector<128x128xf32>
    %jit3A_1638 = arith.constant 8 : i32
    %broadcast_in_dim3A_1639 = vector.broadcast %jit3A_1638 : i32 to vector<128x128xi32>
    %select_n3A_1640 = arith.select %lt3A_1636, %broadcast_in_dim3A_1639, %select_n3A_1629 : vector<128x128xi1>, vector<128x128xi32>
    %slice3A_1641 = vector.extract_strided_slice %slice3A_1532 {offsets = [0, 1152], sizes = [128, 128], strides = [1, 1]} : vector<128x8192xf32> to vector<128x128xf32>
    %sub3A_1642 = arith.subf %broadcast_in_dim3A_1537, %slice3A_1641 : vector<128x128xf32>
    %slice3A_1643 = vector.extract_strided_slice %get3A_8 {offsets = [0, 1152], sizes = [1, 128], strides = [1, 1]} : vector<1x8192xf32> to vector<1x128xf32>
    %broadcast_in_dim3A_1644 = vector.shape_cast %slice3A_1643 : vector<1x128xf32> to vector<1x128xf32>
    %broadcast_in_dim3A_1645 = vector.broadcast %broadcast_in_dim3A_1644 : vector<1x128xf32> to vector<128x128xf32>
    %add3A_1646 = arith.addf %sub3A_1642, %broadcast_in_dim3A_1645 : vector<128x128xf32>
    %lt3A_1647 = arith.cmpf olt, %add3A_1646, %select_n3A_1637 : vector<128x128xf32>
    %select_n3A_1648 = arith.select %lt3A_1647, %add3A_1646, %select_n3A_1637 : vector<128x128xi1>, vector<128x128xf32>
    %jit3A_1649 = arith.constant 9 : i32
    %broadcast_in_dim3A_1650 = vector.broadcast %jit3A_1649 : i32 to vector<128x128xi32>
    %select_n3A_1651 = arith.select %lt3A_1647, %broadcast_in_dim3A_1650, %select_n3A_1640 : vector<128x128xi1>, vector<128x128xi32>
    %slice3A_1652 = vector.extract_strided_slice %slice3A_1532 {offsets = [0, 1280], sizes = [128, 128], strides = [1, 1]} : vector<128x8192xf32> to vector<128x128xf32>
    %sub3A_1653 = arith.subf %broadcast_in_dim3A_1537, %slice3A_1652 : vector<128x128xf32>
    %slice3A_1654 = vector.extract_strided_slice %get3A_8 {offsets = [0, 1280], sizes = [1, 128], strides = [1, 1]} : vector<1x8192xf32> to vector<1x128xf32>
    %broadcast_in_dim3A_1655 = vector.shape_cast %slice3A_1654 : vector<1x128xf32> to vector<1x128xf32>
    %broadcast_in_dim3A_1656 = vector.broadcast %broadcast_in_dim3A_1655 : vector<1x128xf32> to vector<128x128xf32>
    %add3A_1657 = arith.addf %sub3A_1653, %broadcast_in_dim3A_1656 : vector<128x128xf32>
    %lt3A_1658 = arith.cmpf olt, %add3A_1657, %select_n3A_1648 : vector<128x128xf32>
    %select_n3A_1659 = arith.select %lt3A_1658, %add3A_1657, %select_n3A_1648 : vector<128x128xi1>, vector<128x128xf32>
    %jit3A_1660 = arith.constant 10 : i32
    %broadcast_in_dim3A_1661 = vector.broadcast %jit3A_1660 : i32 to vector<128x128xi32>
    %select_n3A_1662 = arith.select %lt3A_1658, %broadcast_in_dim3A_1661, %select_n3A_1651 : vector<128x128xi1>, vector<128x128xi32>
    %slice3A_1663 = vector.extract_strided_slice %slice3A_1532 {offsets = [0, 1408], sizes = [128, 128], strides = [1, 1]} : vector<128x8192xf32> to vector<128x128xf32>
    %sub3A_1664 = arith.subf %broadcast_in_dim3A_1537, %slice3A_1663 : vector<128x128xf32>
    %slice3A_1665 = vector.extract_strided_slice %get3A_8 {offsets = [0, 1408], sizes = [1, 128], strides = [1, 1]} : vector<1x8192xf32> to vector<1x128xf32>
    %broadcast_in_dim3A_1666 = vector.shape_cast %slice3A_1665 : vector<1x128xf32> to vector<1x128xf32>
    %broadcast_in_dim3A_1667 = vector.broadcast %broadcast_in_dim3A_1666 : vector<1x128xf32> to vector<128x128xf32>
    %add3A_1668 = arith.addf %sub3A_1664, %broadcast_in_dim3A_1667 : vector<128x128xf32>
    %lt3A_1669 = arith.cmpf olt, %add3A_1668, %select_n3A_1659 : vector<128x128xf32>
    %select_n3A_1670 = arith.select %lt3A_1669, %add3A_1668, %select_n3A_1659 : vector<128x128xi1>, vector<128x128xf32>
    %jit3A_1671 = arith.constant 11 : i32
    %broadcast_in_dim3A_1672 = vector.broadcast %jit3A_1671 : i32 to vector<128x128xi32>
    %select_n3A_1673 = arith.select %lt3A_1669, %broadcast_in_dim3A_1672, %select_n3A_1662 : vector<128x128xi1>, vector<128x128xi32>
    %slice3A_1674 = vector.extract_strided_slice %slice3A_1532 {offsets = [0, 1536], sizes = [128, 128], strides = [1, 1]} : vector<128x8192xf32> to vector<128x128xf32>
    %sub3A_1675 = arith.subf %broadcast_in_dim3A_1537, %slice3A_1674 : vector<128x128xf32>
    %slice3A_1676 = vector.extract_strided_slice %get3A_8 {offsets = [0, 1536], sizes = [1, 128], strides = [1, 1]} : vector<1x8192xf32> to vector<1x128xf32>
    %broadcast_in_dim3A_1677 = vector.shape_cast %slice3A_1676 : vector<1x128xf32> to vector<1x128xf32>
    %broadcast_in_dim3A_1678 = vector.broadcast %broadcast_in_dim3A_1677 : vector<1x128xf32> to vector<128x128xf32>
    %add3A_1679 = arith.addf %sub3A_1675, %broadcast_in_dim3A_1678 : vector<128x128xf32>
    %lt3A_1680 = arith.cmpf olt, %add3A_1679, %select_n3A_1670 : vector<128x128xf32>
    %select_n3A_1681 = arith.select %lt3A_1680, %add3A_1679, %select_n3A_1670 : vector<128x128xi1>, vector<128x128xf32>
    %jit3A_1682 = arith.constant 12 : i32
    %broadcast_in_dim3A_1683 = vector.broadcast %jit3A_1682 : i32 to vector<128x128xi32>
    %select_n3A_1684 = arith.select %lt3A_1680, %broadcast_in_dim3A_1683, %select_n3A_1673 : vector<128x128xi1>, vector<128x128xi32>
    %slice3A_1685 = vector.extract_strided_slice %slice3A_1532 {offsets = [0, 1664], sizes = [128, 128], strides = [1, 1]} : vector<128x8192xf32> to vector<128x128xf32>
    %sub3A_1686 = arith.subf %broadcast_in_dim3A_1537, %slice3A_1685 : vector<128x128xf32>
    %slice3A_1687 = vector.extract_strided_slice %get3A_8 {offsets = [0, 1664], sizes = [1, 128], strides = [1, 1]} : vector<1x8192xf32> to vector<1x128xf32>
    %broadcast_in_dim3A_1688 = vector.shape_cast %slice3A_1687 : vector<1x128xf32> to vector<1x128xf32>
    %broadcast_in_dim3A_1689 = vector.broadcast %broadcast_in_dim3A_1688 : vector<1x128xf32> to vector<128x128xf32>
    %add3A_1690 = arith.addf %sub3A_1686, %broadcast_in_dim3A_1689 : vector<128x128xf32>
    %lt3A_1691 = arith.cmpf olt, %add3A_1690, %select_n3A_1681 : vector<128x128xf32>
    %select_n3A_1692 = arith.select %lt3A_1691, %add3A_1690, %select_n3A_1681 : vector<128x128xi1>, vector<128x128xf32>
    %jit3A_1693 = arith.constant 13 : i32
    %broadcast_in_dim3A_1694 = vector.broadcast %jit3A_1693 : i32 to vector<128x128xi32>
    %select_n3A_1695 = arith.select %lt3A_1691, %broadcast_in_dim3A_1694, %select_n3A_1684 : vector<128x128xi1>, vector<128x128xi32>
    %slice3A_1696 = vector.extract_strided_slice %slice3A_1532 {offsets = [0, 1792], sizes = [128, 128], strides = [1, 1]} : vector<128x8192xf32> to vector<128x128xf32>
    %sub3A_1697 = arith.subf %broadcast_in_dim3A_1537, %slice3A_1696 : vector<128x128xf32>
    %slice3A_1698 = vector.extract_strided_slice %get3A_8 {offsets = [0, 1792], sizes = [1, 128], strides = [1, 1]} : vector<1x8192xf32> to vector<1x128xf32>
    %broadcast_in_dim3A_1699 = vector.shape_cast %slice3A_1698 : vector<1x128xf32> to vector<1x128xf32>
    %broadcast_in_dim3A_1700 = vector.broadcast %broadcast_in_dim3A_1699 : vector<1x128xf32> to vector<128x128xf32>
    %add3A_1701 = arith.addf %sub3A_1697, %broadcast_in_dim3A_1700 : vector<128x128xf32>
    %lt3A_1702 = arith.cmpf olt, %add3A_1701, %select_n3A_1692 : vector<128x128xf32>
    %select_n3A_1703 = arith.select %lt3A_1702, %add3A_1701, %select_n3A_1692 : vector<128x128xi1>, vector<128x128xf32>
    %jit3A_1704 = arith.constant 14 : i32
    %broadcast_in_dim3A_1705 = vector.broadcast %jit3A_1704 : i32 to vector<128x128xi32>
    %select_n3A_1706 = arith.select %lt3A_1702, %broadcast_in_dim3A_1705, %select_n3A_1695 : vector<128x128xi1>, vector<128x128xi32>
    %slice3A_1707 = vector.extract_strided_slice %slice3A_1532 {offsets = [0, 1920], sizes = [128, 128], strides = [1, 1]} : vector<128x8192xf32> to vector<128x128xf32>
    %sub3A_1708 = arith.subf %broadcast_in_dim3A_1537, %slice3A_1707 : vector<128x128xf32>
    %slice3A_1709 = vector.extract_strided_slice %get3A_8 {offsets = [0, 1920], sizes = [1, 128], strides = [1, 1]} : vector<1x8192xf32> to vector<1x128xf32>
    %broadcast_in_dim3A_1710 = vector.shape_cast %slice3A_1709 : vector<1x128xf32> to vector<1x128xf32>
    %broadcast_in_dim3A_1711 = vector.broadcast %broadcast_in_dim3A_1710 : vector<1x128xf32> to vector<128x128xf32>
    %add3A_1712 = arith.addf %sub3A_1708, %broadcast_in_dim3A_1711 : vector<128x128xf32>
    %lt3A_1713 = arith.cmpf olt, %add3A_1712, %select_n3A_1703 : vector<128x128xf32>
    %select_n3A_1714 = arith.select %lt3A_1713, %add3A_1712, %select_n3A_1703 : vector<128x128xi1>, vector<128x128xf32>
    %jit3A_1715 = arith.constant 15 : i32
    %broadcast_in_dim3A_1716 = vector.broadcast %jit3A_1715 : i32 to vector<128x128xi32>
    %select_n3A_1717 = arith.select %lt3A_1713, %broadcast_in_dim3A_1716, %select_n3A_1706 : vector<128x128xi1>, vector<128x128xi32>
    %slice3A_1718 = vector.extract_strided_slice %slice3A_1532 {offsets = [0, 2048], sizes = [128, 128], strides = [1, 1]} : vector<128x8192xf32> to vector<128x128xf32>
    %sub3A_1719 = arith.subf %broadcast_in_dim3A_1537, %slice3A_1718 : vector<128x128xf32>
    %slice3A_1720 = vector.extract_strided_slice %get3A_8 {offsets = [0, 2048], sizes = [1, 128], strides = [1, 1]} : vector<1x8192xf32> to vector<1x128xf32>
    %broadcast_in_dim3A_1721 = vector.shape_cast %slice3A_1720 : vector<1x128xf32> to vector<1x128xf32>
    %broadcast_in_dim3A_1722 = vector.broadcast %broadcast_in_dim3A_1721 : vector<1x128xf32> to vector<128x128xf32>
    %add3A_1723 = arith.addf %sub3A_1719, %broadcast_in_dim3A_1722 : vector<128x128xf32>
    %lt3A_1724 = arith.cmpf olt, %add3A_1723, %select_n3A_1714 : vector<128x128xf32>
    %select_n3A_1725 = arith.select %lt3A_1724, %add3A_1723, %select_n3A_1714 : vector<128x128xi1>, vector<128x128xf32>
    %jit3A_1726 = arith.constant 16 : i32
    %broadcast_in_dim3A_1727 = vector.broadcast %jit3A_1726 : i32 to vector<128x128xi32>
    %select_n3A_1728 = arith.select %lt3A_1724, %broadcast_in_dim3A_1727, %select_n3A_1717 : vector<128x128xi1>, vector<128x128xi32>
    %slice3A_1729 = vector.extract_strided_slice %slice3A_1532 {offsets = [0, 2176], sizes = [128, 128], strides = [1, 1]} : vector<128x8192xf32> to vector<128x128xf32>
    %sub3A_1730 = arith.subf %broadcast_in_dim3A_1537, %slice3A_1729 : vector<128x128xf32>
    %slice3A_1731 = vector.extract_strided_slice %get3A_8 {offsets = [0, 2176], sizes = [1, 128], strides = [1, 1]} : vector<1x8192xf32> to vector<1x128xf32>
    %broadcast_in_dim3A_1732 = vector.shape_cast %slice3A_1731 : vector<1x128xf32> to vector<1x128xf32>
    %broadcast_in_dim3A_1733 = vector.broadcast %broadcast_in_dim3A_1732 : vector<1x128xf32> to vector<128x128xf32>
    %add3A_1734 = arith.addf %sub3A_1730, %broadcast_in_dim3A_1733 : vector<128x128xf32>
    %lt3A_1735 = arith.cmpf olt, %add3A_1734, %select_n3A_1725 : vector<128x128xf32>
    %select_n3A_1736 = arith.select %lt3A_1735, %add3A_1734, %select_n3A_1725 : vector<128x128xi1>, vector<128x128xf32>
    %jit3A_1737 = arith.constant 17 : i32
    %broadcast_in_dim3A_1738 = vector.broadcast %jit3A_1737 : i32 to vector<128x128xi32>
    %select_n3A_1739 = arith.select %lt3A_1735, %broadcast_in_dim3A_1738, %select_n3A_1728 : vector<128x128xi1>, vector<128x128xi32>
    %slice3A_1740 = vector.extract_strided_slice %slice3A_1532 {offsets = [0, 2304], sizes = [128, 128], strides = [1, 1]} : vector<128x8192xf32> to vector<128x128xf32>
    %sub3A_1741 = arith.subf %broadcast_in_dim3A_1537, %slice3A_1740 : vector<128x128xf32>
    %slice3A_1742 = vector.extract_strided_slice %get3A_8 {offsets = [0, 2304], sizes = [1, 128], strides = [1, 1]} : vector<1x8192xf32> to vector<1x128xf32>
    %broadcast_in_dim3A_1743 = vector.shape_cast %slice3A_1742 : vector<1x128xf32> to vector<1x128xf32>
    %broadcast_in_dim3A_1744 = vector.broadcast %broadcast_in_dim3A_1743 : vector<1x128xf32> to vector<128x128xf32>
    %add3A_1745 = arith.addf %sub3A_1741, %broadcast_in_dim3A_1744 : vector<128x128xf32>
    %lt3A_1746 = arith.cmpf olt, %add3A_1745, %select_n3A_1736 : vector<128x128xf32>
    %select_n3A_1747 = arith.select %lt3A_1746, %add3A_1745, %select_n3A_1736 : vector<128x128xi1>, vector<128x128xf32>
    %jit3A_1748 = arith.constant 18 : i32
    %broadcast_in_dim3A_1749 = vector.broadcast %jit3A_1748 : i32 to vector<128x128xi32>
    %select_n3A_1750 = arith.select %lt3A_1746, %broadcast_in_dim3A_1749, %select_n3A_1739 : vector<128x128xi1>, vector<128x128xi32>
    %slice3A_1751 = vector.extract_strided_slice %slice3A_1532 {offsets = [0, 2432], sizes = [128, 128], strides = [1, 1]} : vector<128x8192xf32> to vector<128x128xf32>
    %sub3A_1752 = arith.subf %broadcast_in_dim3A_1537, %slice3A_1751 : vector<128x128xf32>
    %slice3A_1753 = vector.extract_strided_slice %get3A_8 {offsets = [0, 2432], sizes = [1, 128], strides = [1, 1]} : vector<1x8192xf32> to vector<1x128xf32>
    %broadcast_in_dim3A_1754 = vector.shape_cast %slice3A_1753 : vector<1x128xf32> to vector<1x128xf32>
    %broadcast_in_dim3A_1755 = vector.broadcast %broadcast_in_dim3A_1754 : vector<1x128xf32> to vector<128x128xf32>
    %add3A_1756 = arith.addf %sub3A_1752, %broadcast_in_dim3A_1755 : vector<128x128xf32>
    %lt3A_1757 = arith.cmpf olt, %add3A_1756, %select_n3A_1747 : vector<128x128xf32>
    %select_n3A_1758 = arith.select %lt3A_1757, %add3A_1756, %select_n3A_1747 : vector<128x128xi1>, vector<128x128xf32>
    %jit3A_1759 = arith.constant 19 : i32
    %broadcast_in_dim3A_1760 = vector.broadcast %jit3A_1759 : i32 to vector<128x128xi32>
    %select_n3A_1761 = arith.select %lt3A_1757, %broadcast_in_dim3A_1760, %select_n3A_1750 : vector<128x128xi1>, vector<128x128xi32>
    %slice3A_1762 = vector.extract_strided_slice %slice3A_1532 {offsets = [0, 2560], sizes = [128, 128], strides = [1, 1]} : vector<128x8192xf32> to vector<128x128xf32>
    %sub3A_1763 = arith.subf %broadcast_in_dim3A_1537, %slice3A_1762 : vector<128x128xf32>
    %slice3A_1764 = vector.extract_strided_slice %get3A_8 {offsets = [0, 2560], sizes = [1, 128], strides = [1, 1]} : vector<1x8192xf32> to vector<1x128xf32>
    %broadcast_in_dim3A_1765 = vector.shape_cast %slice3A_1764 : vector<1x128xf32> to vector<1x128xf32>
    %broadcast_in_dim3A_1766 = vector.broadcast %broadcast_in_dim3A_1765 : vector<1x128xf32> to vector<128x128xf32>
    %add3A_1767 = arith.addf %sub3A_1763, %broadcast_in_dim3A_1766 : vector<128x128xf32>
    %lt3A_1768 = arith.cmpf olt, %add3A_1767, %select_n3A_1758 : vector<128x128xf32>
    %select_n3A_1769 = arith.select %lt3A_1768, %add3A_1767, %select_n3A_1758 : vector<128x128xi1>, vector<128x128xf32>
    %jit3A_1770 = arith.constant 20 : i32
    %broadcast_in_dim3A_1771 = vector.broadcast %jit3A_1770 : i32 to vector<128x128xi32>
    %select_n3A_1772 = arith.select %lt3A_1768, %broadcast_in_dim3A_1771, %select_n3A_1761 : vector<128x128xi1>, vector<128x128xi32>
    %slice3A_1773 = vector.extract_strided_slice %slice3A_1532 {offsets = [0, 2688], sizes = [128, 128], strides = [1, 1]} : vector<128x8192xf32> to vector<128x128xf32>
    %sub3A_1774 = arith.subf %broadcast_in_dim3A_1537, %slice3A_1773 : vector<128x128xf32>
    %slice3A_1775 = vector.extract_strided_slice %get3A_8 {offsets = [0, 2688], sizes = [1, 128], strides = [1, 1]} : vector<1x8192xf32> to vector<1x128xf32>
    %broadcast_in_dim3A_1776 = vector.shape_cast %slice3A_1775 : vector<1x128xf32> to vector<1x128xf32>
    %broadcast_in_dim3A_1777 = vector.broadcast %broadcast_in_dim3A_1776 : vector<1x128xf32> to vector<128x128xf32>
    %add3A_1778 = arith.addf %sub3A_1774, %broadcast_in_dim3A_1777 : vector<128x128xf32>
    %lt3A_1779 = arith.cmpf olt, %add3A_1778, %select_n3A_1769 : vector<128x128xf32>
    %select_n3A_1780 = arith.select %lt3A_1779, %add3A_1778, %select_n3A_1769 : vector<128x128xi1>, vector<128x128xf32>
    %jit3A_1781 = arith.constant 21 : i32
    %broadcast_in_dim3A_1782 = vector.broadcast %jit3A_1781 : i32 to vector<128x128xi32>
    %select_n3A_1783 = arith.select %lt3A_1779, %broadcast_in_dim3A_1782, %select_n3A_1772 : vector<128x128xi1>, vector<128x128xi32>
    %slice3A_1784 = vector.extract_strided_slice %slice3A_1532 {offsets = [0, 2816], sizes = [128, 128], strides = [1, 1]} : vector<128x8192xf32> to vector<128x128xf32>
    %sub3A_1785 = arith.subf %broadcast_in_dim3A_1537, %slice3A_1784 : vector<128x128xf32>
    %slice3A_1786 = vector.extract_strided_slice %get3A_8 {offsets = [0, 2816], sizes = [1, 128], strides = [1, 1]} : vector<1x8192xf32> to vector<1x128xf32>
    %broadcast_in_dim3A_1787 = vector.shape_cast %slice3A_1786 : vector<1x128xf32> to vector<1x128xf32>
    %broadcast_in_dim3A_1788 = vector.broadcast %broadcast_in_dim3A_1787 : vector<1x128xf32> to vector<128x128xf32>
    %add3A_1789 = arith.addf %sub3A_1785, %broadcast_in_dim3A_1788 : vector<128x128xf32>
    %lt3A_1790 = arith.cmpf olt, %add3A_1789, %select_n3A_1780 : vector<128x128xf32>
    %select_n3A_1791 = arith.select %lt3A_1790, %add3A_1789, %select_n3A_1780 : vector<128x128xi1>, vector<128x128xf32>
    %jit3A_1792 = arith.constant 22 : i32
    %broadcast_in_dim3A_1793 = vector.broadcast %jit3A_1792 : i32 to vector<128x128xi32>
    %select_n3A_1794 = arith.select %lt3A_1790, %broadcast_in_dim3A_1793, %select_n3A_1783 : vector<128x128xi1>, vector<128x128xi32>
    %slice3A_1795 = vector.extract_strided_slice %slice3A_1532 {offsets = [0, 2944], sizes = [128, 128], strides = [1, 1]} : vector<128x8192xf32> to vector<128x128xf32>
    %sub3A_1796 = arith.subf %broadcast_in_dim3A_1537, %slice3A_1795 : vector<128x128xf32>
    %slice3A_1797 = vector.extract_strided_slice %get3A_8 {offsets = [0, 2944], sizes = [1, 128], strides = [1, 1]} : vector<1x8192xf32> to vector<1x128xf32>
    %broadcast_in_dim3A_1798 = vector.shape_cast %slice3A_1797 : vector<1x128xf32> to vector<1x128xf32>
    %broadcast_in_dim3A_1799 = vector.broadcast %broadcast_in_dim3A_1798 : vector<1x128xf32> to vector<128x128xf32>
    %add3A_1800 = arith.addf %sub3A_1796, %broadcast_in_dim3A_1799 : vector<128x128xf32>
    %lt3A_1801 = arith.cmpf olt, %add3A_1800, %select_n3A_1791 : vector<128x128xf32>
    %select_n3A_1802 = arith.select %lt3A_1801, %add3A_1800, %select_n3A_1791 : vector<128x128xi1>, vector<128x128xf32>
    %jit3A_1803 = arith.constant 23 : i32
    %broadcast_in_dim3A_1804 = vector.broadcast %jit3A_1803 : i32 to vector<128x128xi32>
    %select_n3A_1805 = arith.select %lt3A_1801, %broadcast_in_dim3A_1804, %select_n3A_1794 : vector<128x128xi1>, vector<128x128xi32>
    %slice3A_1806 = vector.extract_strided_slice %slice3A_1532 {offsets = [0, 3072], sizes = [128, 128], strides = [1, 1]} : vector<128x8192xf32> to vector<128x128xf32>
    %sub3A_1807 = arith.subf %broadcast_in_dim3A_1537, %slice3A_1806 : vector<128x128xf32>
    %slice3A_1808 = vector.extract_strided_slice %get3A_8 {offsets = [0, 3072], sizes = [1, 128], strides = [1, 1]} : vector<1x8192xf32> to vector<1x128xf32>
    %broadcast_in_dim3A_1809 = vector.shape_cast %slice3A_1808 : vector<1x128xf32> to vector<1x128xf32>
    %broadcast_in_dim3A_1810 = vector.broadcast %broadcast_in_dim3A_1809 : vector<1x128xf32> to vector<128x128xf32>
    %add3A_1811 = arith.addf %sub3A_1807, %broadcast_in_dim3A_1810 : vector<128x128xf32>
    %lt3A_1812 = arith.cmpf olt, %add3A_1811, %select_n3A_1802 : vector<128x128xf32>
    %select_n3A_1813 = arith.select %lt3A_1812, %add3A_1811, %select_n3A_1802 : vector<128x128xi1>, vector<128x128xf32>
    %jit3A_1814 = arith.constant 24 : i32
    %broadcast_in_dim3A_1815 = vector.broadcast %jit3A_1814 : i32 to vector<128x128xi32>
    %select_n3A_1816 = arith.select %lt3A_1812, %broadcast_in_dim3A_1815, %select_n3A_1805 : vector<128x128xi1>, vector<128x128xi32>
    %slice3A_1817 = vector.extract_strided_slice %slice3A_1532 {offsets = [0, 3200], sizes = [128, 128], strides = [1, 1]} : vector<128x8192xf32> to vector<128x128xf32>
    %sub3A_1818 = arith.subf %broadcast_in_dim3A_1537, %slice3A_1817 : vector<128x128xf32>
    %slice3A_1819 = vector.extract_strided_slice %get3A_8 {offsets = [0, 3200], sizes = [1, 128], strides = [1, 1]} : vector<1x8192xf32> to vector<1x128xf32>
    %broadcast_in_dim3A_1820 = vector.shape_cast %slice3A_1819 : vector<1x128xf32> to vector<1x128xf32>
    %broadcast_in_dim3A_1821 = vector.broadcast %broadcast_in_dim3A_1820 : vector<1x128xf32> to vector<128x128xf32>
    %add3A_1822 = arith.addf %sub3A_1818, %broadcast_in_dim3A_1821 : vector<128x128xf32>
    %lt3A_1823 = arith.cmpf olt, %add3A_1822, %select_n3A_1813 : vector<128x128xf32>
    %select_n3A_1824 = arith.select %lt3A_1823, %add3A_1822, %select_n3A_1813 : vector<128x128xi1>, vector<128x128xf32>
    %jit3A_1825 = arith.constant 25 : i32
    %broadcast_in_dim3A_1826 = vector.broadcast %jit3A_1825 : i32 to vector<128x128xi32>
    %select_n3A_1827 = arith.select %lt3A_1823, %broadcast_in_dim3A_1826, %select_n3A_1816 : vector<128x128xi1>, vector<128x128xi32>
    %slice3A_1828 = vector.extract_strided_slice %slice3A_1532 {offsets = [0, 3328], sizes = [128, 128], strides = [1, 1]} : vector<128x8192xf32> to vector<128x128xf32>
    %sub3A_1829 = arith.subf %broadcast_in_dim3A_1537, %slice3A_1828 : vector<128x128xf32>
    %slice3A_1830 = vector.extract_strided_slice %get3A_8 {offsets = [0, 3328], sizes = [1, 128], strides = [1, 1]} : vector<1x8192xf32> to vector<1x128xf32>
    %broadcast_in_dim3A_1831 = vector.shape_cast %slice3A_1830 : vector<1x128xf32> to vector<1x128xf32>
    %broadcast_in_dim3A_1832 = vector.broadcast %broadcast_in_dim3A_1831 : vector<1x128xf32> to vector<128x128xf32>
    %add3A_1833 = arith.addf %sub3A_1829, %broadcast_in_dim3A_1832 : vector<128x128xf32>
    %lt3A_1834 = arith.cmpf olt, %add3A_1833, %select_n3A_1824 : vector<128x128xf32>
    %select_n3A_1835 = arith.select %lt3A_1834, %add3A_1833, %select_n3A_1824 : vector<128x128xi1>, vector<128x128xf32>
    %jit3A_1836 = arith.constant 26 : i32
    %broadcast_in_dim3A_1837 = vector.broadcast %jit3A_1836 : i32 to vector<128x128xi32>
    %select_n3A_1838 = arith.select %lt3A_1834, %broadcast_in_dim3A_1837, %select_n3A_1827 : vector<128x128xi1>, vector<128x128xi32>
    %slice3A_1839 = vector.extract_strided_slice %slice3A_1532 {offsets = [0, 3456], sizes = [128, 128], strides = [1, 1]} : vector<128x8192xf32> to vector<128x128xf32>
    %sub3A_1840 = arith.subf %broadcast_in_dim3A_1537, %slice3A_1839 : vector<128x128xf32>
    %slice3A_1841 = vector.extract_strided_slice %get3A_8 {offsets = [0, 3456], sizes = [1, 128], strides = [1, 1]} : vector<1x8192xf32> to vector<1x128xf32>
    %broadcast_in_dim3A_1842 = vector.shape_cast %slice3A_1841 : vector<1x128xf32> to vector<1x128xf32>
    %broadcast_in_dim3A_1843 = vector.broadcast %broadcast_in_dim3A_1842 : vector<1x128xf32> to vector<128x128xf32>
    %add3A_1844 = arith.addf %sub3A_1840, %broadcast_in_dim3A_1843 : vector<128x128xf32>
    %lt3A_1845 = arith.cmpf olt, %add3A_1844, %select_n3A_1835 : vector<128x128xf32>
    %select_n3A_1846 = arith.select %lt3A_1845, %add3A_1844, %select_n3A_1835 : vector<128x128xi1>, vector<128x128xf32>
    %jit3A_1847 = arith.constant 27 : i32
    %broadcast_in_dim3A_1848 = vector.broadcast %jit3A_1847 : i32 to vector<128x128xi32>
    %select_n3A_1849 = arith.select %lt3A_1845, %broadcast_in_dim3A_1848, %select_n3A_1838 : vector<128x128xi1>, vector<128x128xi32>
    %slice3A_1850 = vector.extract_strided_slice %slice3A_1532 {offsets = [0, 3584], sizes = [128, 128], strides = [1, 1]} : vector<128x8192xf32> to vector<128x128xf32>
    %sub3A_1851 = arith.subf %broadcast_in_dim3A_1537, %slice3A_1850 : vector<128x128xf32>
    %slice3A_1852 = vector.extract_strided_slice %get3A_8 {offsets = [0, 3584], sizes = [1, 128], strides = [1, 1]} : vector<1x8192xf32> to vector<1x128xf32>
    %broadcast_in_dim3A_1853 = vector.shape_cast %slice3A_1852 : vector<1x128xf32> to vector<1x128xf32>
    %broadcast_in_dim3A_1854 = vector.broadcast %broadcast_in_dim3A_1853 : vector<1x128xf32> to vector<128x128xf32>
    %add3A_1855 = arith.addf %sub3A_1851, %broadcast_in_dim3A_1854 : vector<128x128xf32>
    %lt3A_1856 = arith.cmpf olt, %add3A_1855, %select_n3A_1846 : vector<128x128xf32>
    %select_n3A_1857 = arith.select %lt3A_1856, %add3A_1855, %select_n3A_1846 : vector<128x128xi1>, vector<128x128xf32>
    %jit3A_1858 = arith.constant 28 : i32
    %broadcast_in_dim3A_1859 = vector.broadcast %jit3A_1858 : i32 to vector<128x128xi32>
    %select_n3A_1860 = arith.select %lt3A_1856, %broadcast_in_dim3A_1859, %select_n3A_1849 : vector<128x128xi1>, vector<128x128xi32>
    %slice3A_1861 = vector.extract_strided_slice %slice3A_1532 {offsets = [0, 3712], sizes = [128, 128], strides = [1, 1]} : vector<128x8192xf32> to vector<128x128xf32>
    %sub3A_1862 = arith.subf %broadcast_in_dim3A_1537, %slice3A_1861 : vector<128x128xf32>
    %slice3A_1863 = vector.extract_strided_slice %get3A_8 {offsets = [0, 3712], sizes = [1, 128], strides = [1, 1]} : vector<1x8192xf32> to vector<1x128xf32>
    %broadcast_in_dim3A_1864 = vector.shape_cast %slice3A_1863 : vector<1x128xf32> to vector<1x128xf32>
    %broadcast_in_dim3A_1865 = vector.broadcast %broadcast_in_dim3A_1864 : vector<1x128xf32> to vector<128x128xf32>
    %add3A_1866 = arith.addf %sub3A_1862, %broadcast_in_dim3A_1865 : vector<128x128xf32>
    %lt3A_1867 = arith.cmpf olt, %add3A_1866, %select_n3A_1857 : vector<128x128xf32>
    %select_n3A_1868 = arith.select %lt3A_1867, %add3A_1866, %select_n3A_1857 : vector<128x128xi1>, vector<128x128xf32>
    %jit3A_1869 = arith.constant 29 : i32
    %broadcast_in_dim3A_1870 = vector.broadcast %jit3A_1869 : i32 to vector<128x128xi32>
    %select_n3A_1871 = arith.select %lt3A_1867, %broadcast_in_dim3A_1870, %select_n3A_1860 : vector<128x128xi1>, vector<128x128xi32>
    %slice3A_1872 = vector.extract_strided_slice %slice3A_1532 {offsets = [0, 3840], sizes = [128, 128], strides = [1, 1]} : vector<128x8192xf32> to vector<128x128xf32>
    %sub3A_1873 = arith.subf %broadcast_in_dim3A_1537, %slice3A_1872 : vector<128x128xf32>
    %slice3A_1874 = vector.extract_strided_slice %get3A_8 {offsets = [0, 3840], sizes = [1, 128], strides = [1, 1]} : vector<1x8192xf32> to vector<1x128xf32>
    %broadcast_in_dim3A_1875 = vector.shape_cast %slice3A_1874 : vector<1x128xf32> to vector<1x128xf32>
    %broadcast_in_dim3A_1876 = vector.broadcast %broadcast_in_dim3A_1875 : vector<1x128xf32> to vector<128x128xf32>
    %add3A_1877 = arith.addf %sub3A_1873, %broadcast_in_dim3A_1876 : vector<128x128xf32>
    %lt3A_1878 = arith.cmpf olt, %add3A_1877, %select_n3A_1868 : vector<128x128xf32>
    %select_n3A_1879 = arith.select %lt3A_1878, %add3A_1877, %select_n3A_1868 : vector<128x128xi1>, vector<128x128xf32>
    %jit3A_1880 = arith.constant 30 : i32
    %broadcast_in_dim3A_1881 = vector.broadcast %jit3A_1880 : i32 to vector<128x128xi32>
    %select_n3A_1882 = arith.select %lt3A_1878, %broadcast_in_dim3A_1881, %select_n3A_1871 : vector<128x128xi1>, vector<128x128xi32>
    %slice3A_1883 = vector.extract_strided_slice %slice3A_1532 {offsets = [0, 3968], sizes = [128, 128], strides = [1, 1]} : vector<128x8192xf32> to vector<128x128xf32>
    %sub3A_1884 = arith.subf %broadcast_in_dim3A_1537, %slice3A_1883 : vector<128x128xf32>
    %slice3A_1885 = vector.extract_strided_slice %get3A_8 {offsets = [0, 3968], sizes = [1, 128], strides = [1, 1]} : vector<1x8192xf32> to vector<1x128xf32>
    %broadcast_in_dim3A_1886 = vector.shape_cast %slice3A_1885 : vector<1x128xf32> to vector<1x128xf32>
    %broadcast_in_dim3A_1887 = vector.broadcast %broadcast_in_dim3A_1886 : vector<1x128xf32> to vector<128x128xf32>
    %add3A_1888 = arith.addf %sub3A_1884, %broadcast_in_dim3A_1887 : vector<128x128xf32>
    %lt3A_1889 = arith.cmpf olt, %add3A_1888, %select_n3A_1879 : vector<128x128xf32>
    %select_n3A_1890 = arith.select %lt3A_1889, %add3A_1888, %select_n3A_1879 : vector<128x128xi1>, vector<128x128xf32>
    %jit3A_1891 = arith.constant 31 : i32
    %broadcast_in_dim3A_1892 = vector.broadcast %jit3A_1891 : i32 to vector<128x128xi32>
    %select_n3A_1893 = arith.select %lt3A_1889, %broadcast_in_dim3A_1892, %select_n3A_1882 : vector<128x128xi1>, vector<128x128xi32>
    %reduce_min3A_1894 = arith.constant dense<0x7F800000> : vector<128xf32>
    %reduce_min3A_1895 = vector.multi_reduction <minimumf>, %select_n3A_1890, %reduce_min3A_1894 [1] : vector<128x128xf32> to vector<128xf32>
    %broadcast_in_dim3A_1896 = vector.shape_cast %reduce_min3A_1895 : vector<128xf32> to vector<128x1xf32>
    %mul3A_1897 = arith.constant 128 : i32
    %mul3A_1898 = vector.broadcast %mul3A_1897 : i32 to vector<128x128xi32>
    %mul3A_1899 = arith.muli %select_n3A_1893, %mul3A_1898 : vector<128x128xi32>
    %add3A_1900 = arith.addi %mul3A_1899, %iota3A : vector<128x128xi32>
    %eq3A_1901 = vector.broadcast %broadcast_in_dim3A_1896 : vector<128x1xf32> to vector<128x128xf32>
    %eq3A_1902 = arith.cmpf oeq, %select_n3A_1890, %eq3A_1901 : vector<128x128xf32>
    %jit3A_1903 = arith.constant 8192 : i32
    %broadcast_in_dim3A_1904 = vector.broadcast %jit3A_1903 : i32 to vector<128x128xi32>
    %select_n3A_1905 = arith.select %eq3A_1902, %add3A_1900, %broadcast_in_dim3A_1904 : vector<128x128xi1>, vector<128x128xi32>
    %reduce_min3A_1906 = arith.constant dense<2147483647> : vector<128xi32>
    %reduce_min3A_1907 = vector.multi_reduction <minsi>, %select_n3A_1905, %reduce_min3A_1906 [1] : vector<128x128xi32> to vector<128xi32>
    %broadcast_in_dim3A_1908 = arith.constant 0x7F800000 : f32
    %broadcast_in_dim3A_1909 = vector.broadcast %broadcast_in_dim3A_1908 : f32 to vector<128x128xf32>
    %broadcast_in_dim3A_1910 = arith.constant 0 : i32
    %broadcast_in_dim3A_1911 = vector.broadcast %broadcast_in_dim3A_1910 : i32 to vector<128x128xi32>
    %slice3A_1912 = vector.extract_strided_slice %slice3A_1532 {offsets = [0, 4096], sizes = [128, 128], strides = [1, 1]} : vector<128x8192xf32> to vector<128x128xf32>
    %sub3A_1913 = arith.subf %broadcast_in_dim3A_1537, %slice3A_1912 : vector<128x128xf32>
    %slice3A_1914 = vector.extract_strided_slice %get3A_8 {offsets = [0, 4096], sizes = [1, 128], strides = [1, 1]} : vector<1x8192xf32> to vector<1x128xf32>
    %broadcast_in_dim3A_1915 = vector.shape_cast %slice3A_1914 : vector<1x128xf32> to vector<1x128xf32>
    %broadcast_in_dim3A_1916 = vector.broadcast %broadcast_in_dim3A_1915 : vector<1x128xf32> to vector<128x128xf32>
    %add3A_1917 = arith.addf %sub3A_1913, %broadcast_in_dim3A_1916 : vector<128x128xf32>
    %lt3A_1918 = arith.cmpf olt, %add3A_1917, %broadcast_in_dim3A_1909 : vector<128x128xf32>
    %select_n3A_1919 = arith.select %lt3A_1918, %add3A_1917, %broadcast_in_dim3A_1909 : vector<128x128xi1>, vector<128x128xf32>
    %jit3A_1920 = arith.constant 32 : i32
    %broadcast_in_dim3A_1921 = vector.broadcast %jit3A_1920 : i32 to vector<128x128xi32>
    %select_n3A_1922 = arith.select %lt3A_1918, %broadcast_in_dim3A_1921, %broadcast_in_dim3A_1911 : vector<128x128xi1>, vector<128x128xi32>
    %slice3A_1923 = vector.extract_strided_slice %slice3A_1532 {offsets = [0, 4224], sizes = [128, 128], strides = [1, 1]} : vector<128x8192xf32> to vector<128x128xf32>
    %sub3A_1924 = arith.subf %broadcast_in_dim3A_1537, %slice3A_1923 : vector<128x128xf32>
    %slice3A_1925 = vector.extract_strided_slice %get3A_8 {offsets = [0, 4224], sizes = [1, 128], strides = [1, 1]} : vector<1x8192xf32> to vector<1x128xf32>
    %broadcast_in_dim3A_1926 = vector.shape_cast %slice3A_1925 : vector<1x128xf32> to vector<1x128xf32>
    %broadcast_in_dim3A_1927 = vector.broadcast %broadcast_in_dim3A_1926 : vector<1x128xf32> to vector<128x128xf32>
    %add3A_1928 = arith.addf %sub3A_1924, %broadcast_in_dim3A_1927 : vector<128x128xf32>
    %lt3A_1929 = arith.cmpf olt, %add3A_1928, %select_n3A_1919 : vector<128x128xf32>
    %select_n3A_1930 = arith.select %lt3A_1929, %add3A_1928, %select_n3A_1919 : vector<128x128xi1>, vector<128x128xf32>
    %jit3A_1931 = arith.constant 33 : i32
    %broadcast_in_dim3A_1932 = vector.broadcast %jit3A_1931 : i32 to vector<128x128xi32>
    %select_n3A_1933 = arith.select %lt3A_1929, %broadcast_in_dim3A_1932, %select_n3A_1922 : vector<128x128xi1>, vector<128x128xi32>
    %slice3A_1934 = vector.extract_strided_slice %slice3A_1532 {offsets = [0, 4352], sizes = [128, 128], strides = [1, 1]} : vector<128x8192xf32> to vector<128x128xf32>
    %sub3A_1935 = arith.subf %broadcast_in_dim3A_1537, %slice3A_1934 : vector<128x128xf32>
    %slice3A_1936 = vector.extract_strided_slice %get3A_8 {offsets = [0, 4352], sizes = [1, 128], strides = [1, 1]} : vector<1x8192xf32> to vector<1x128xf32>
    %broadcast_in_dim3A_1937 = vector.shape_cast %slice3A_1936 : vector<1x128xf32> to vector<1x128xf32>
    %broadcast_in_dim3A_1938 = vector.broadcast %broadcast_in_dim3A_1937 : vector<1x128xf32> to vector<128x128xf32>
    %add3A_1939 = arith.addf %sub3A_1935, %broadcast_in_dim3A_1938 : vector<128x128xf32>
    %lt3A_1940 = arith.cmpf olt, %add3A_1939, %select_n3A_1930 : vector<128x128xf32>
    %select_n3A_1941 = arith.select %lt3A_1940, %add3A_1939, %select_n3A_1930 : vector<128x128xi1>, vector<128x128xf32>
    %jit3A_1942 = arith.constant 34 : i32
    %broadcast_in_dim3A_1943 = vector.broadcast %jit3A_1942 : i32 to vector<128x128xi32>
    %select_n3A_1944 = arith.select %lt3A_1940, %broadcast_in_dim3A_1943, %select_n3A_1933 : vector<128x128xi1>, vector<128x128xi32>
    %slice3A_1945 = vector.extract_strided_slice %slice3A_1532 {offsets = [0, 4480], sizes = [128, 128], strides = [1, 1]} : vector<128x8192xf32> to vector<128x128xf32>
    %sub3A_1946 = arith.subf %broadcast_in_dim3A_1537, %slice3A_1945 : vector<128x128xf32>
    %slice3A_1947 = vector.extract_strided_slice %get3A_8 {offsets = [0, 4480], sizes = [1, 128], strides = [1, 1]} : vector<1x8192xf32> to vector<1x128xf32>
    %broadcast_in_dim3A_1948 = vector.shape_cast %slice3A_1947 : vector<1x128xf32> to vector<1x128xf32>
    %broadcast_in_dim3A_1949 = vector.broadcast %broadcast_in_dim3A_1948 : vector<1x128xf32> to vector<128x128xf32>
    %add3A_1950 = arith.addf %sub3A_1946, %broadcast_in_dim3A_1949 : vector<128x128xf32>
    %lt3A_1951 = arith.cmpf olt, %add3A_1950, %select_n3A_1941 : vector<128x128xf32>
    %select_n3A_1952 = arith.select %lt3A_1951, %add3A_1950, %select_n3A_1941 : vector<128x128xi1>, vector<128x128xf32>
    %jit3A_1953 = arith.constant 35 : i32
    %broadcast_in_dim3A_1954 = vector.broadcast %jit3A_1953 : i32 to vector<128x128xi32>
    %select_n3A_1955 = arith.select %lt3A_1951, %broadcast_in_dim3A_1954, %select_n3A_1944 : vector<128x128xi1>, vector<128x128xi32>
    %slice3A_1956 = vector.extract_strided_slice %slice3A_1532 {offsets = [0, 4608], sizes = [128, 128], strides = [1, 1]} : vector<128x8192xf32> to vector<128x128xf32>
    %sub3A_1957 = arith.subf %broadcast_in_dim3A_1537, %slice3A_1956 : vector<128x128xf32>
    %slice3A_1958 = vector.extract_strided_slice %get3A_8 {offsets = [0, 4608], sizes = [1, 128], strides = [1, 1]} : vector<1x8192xf32> to vector<1x128xf32>
    %broadcast_in_dim3A_1959 = vector.shape_cast %slice3A_1958 : vector<1x128xf32> to vector<1x128xf32>
    %broadcast_in_dim3A_1960 = vector.broadcast %broadcast_in_dim3A_1959 : vector<1x128xf32> to vector<128x128xf32>
    %add3A_1961 = arith.addf %sub3A_1957, %broadcast_in_dim3A_1960 : vector<128x128xf32>
    %lt3A_1962 = arith.cmpf olt, %add3A_1961, %select_n3A_1952 : vector<128x128xf32>
    %select_n3A_1963 = arith.select %lt3A_1962, %add3A_1961, %select_n3A_1952 : vector<128x128xi1>, vector<128x128xf32>
    %jit3A_1964 = arith.constant 36 : i32
    %broadcast_in_dim3A_1965 = vector.broadcast %jit3A_1964 : i32 to vector<128x128xi32>
    %select_n3A_1966 = arith.select %lt3A_1962, %broadcast_in_dim3A_1965, %select_n3A_1955 : vector<128x128xi1>, vector<128x128xi32>
    %slice3A_1967 = vector.extract_strided_slice %slice3A_1532 {offsets = [0, 4736], sizes = [128, 128], strides = [1, 1]} : vector<128x8192xf32> to vector<128x128xf32>
    %sub3A_1968 = arith.subf %broadcast_in_dim3A_1537, %slice3A_1967 : vector<128x128xf32>
    %slice3A_1969 = vector.extract_strided_slice %get3A_8 {offsets = [0, 4736], sizes = [1, 128], strides = [1, 1]} : vector<1x8192xf32> to vector<1x128xf32>
    %broadcast_in_dim3A_1970 = vector.shape_cast %slice3A_1969 : vector<1x128xf32> to vector<1x128xf32>
    %broadcast_in_dim3A_1971 = vector.broadcast %broadcast_in_dim3A_1970 : vector<1x128xf32> to vector<128x128xf32>
    %add3A_1972 = arith.addf %sub3A_1968, %broadcast_in_dim3A_1971 : vector<128x128xf32>
    %lt3A_1973 = arith.cmpf olt, %add3A_1972, %select_n3A_1963 : vector<128x128xf32>
    %select_n3A_1974 = arith.select %lt3A_1973, %add3A_1972, %select_n3A_1963 : vector<128x128xi1>, vector<128x128xf32>
    %jit3A_1975 = arith.constant 37 : i32
    %broadcast_in_dim3A_1976 = vector.broadcast %jit3A_1975 : i32 to vector<128x128xi32>
    %select_n3A_1977 = arith.select %lt3A_1973, %broadcast_in_dim3A_1976, %select_n3A_1966 : vector<128x128xi1>, vector<128x128xi32>
    %slice3A_1978 = vector.extract_strided_slice %slice3A_1532 {offsets = [0, 4864], sizes = [128, 128], strides = [1, 1]} : vector<128x8192xf32> to vector<128x128xf32>
    %sub3A_1979 = arith.subf %broadcast_in_dim3A_1537, %slice3A_1978 : vector<128x128xf32>
    %slice3A_1980 = vector.extract_strided_slice %get3A_8 {offsets = [0, 4864], sizes = [1, 128], strides = [1, 1]} : vector<1x8192xf32> to vector<1x128xf32>
    %broadcast_in_dim3A_1981 = vector.shape_cast %slice3A_1980 : vector<1x128xf32> to vector<1x128xf32>
    %broadcast_in_dim3A_1982 = vector.broadcast %broadcast_in_dim3A_1981 : vector<1x128xf32> to vector<128x128xf32>
    %add3A_1983 = arith.addf %sub3A_1979, %broadcast_in_dim3A_1982 : vector<128x128xf32>
    %lt3A_1984 = arith.cmpf olt, %add3A_1983, %select_n3A_1974 : vector<128x128xf32>
    %select_n3A_1985 = arith.select %lt3A_1984, %add3A_1983, %select_n3A_1974 : vector<128x128xi1>, vector<128x128xf32>
    %jit3A_1986 = arith.constant 38 : i32
    %broadcast_in_dim3A_1987 = vector.broadcast %jit3A_1986 : i32 to vector<128x128xi32>
    %select_n3A_1988 = arith.select %lt3A_1984, %broadcast_in_dim3A_1987, %select_n3A_1977 : vector<128x128xi1>, vector<128x128xi32>
    %slice3A_1989 = vector.extract_strided_slice %slice3A_1532 {offsets = [0, 4992], sizes = [128, 128], strides = [1, 1]} : vector<128x8192xf32> to vector<128x128xf32>
    %sub3A_1990 = arith.subf %broadcast_in_dim3A_1537, %slice3A_1989 : vector<128x128xf32>
    %slice3A_1991 = vector.extract_strided_slice %get3A_8 {offsets = [0, 4992], sizes = [1, 128], strides = [1, 1]} : vector<1x8192xf32> to vector<1x128xf32>
    %broadcast_in_dim3A_1992 = vector.shape_cast %slice3A_1991 : vector<1x128xf32> to vector<1x128xf32>
    %broadcast_in_dim3A_1993 = vector.broadcast %broadcast_in_dim3A_1992 : vector<1x128xf32> to vector<128x128xf32>
    %add3A_1994 = arith.addf %sub3A_1990, %broadcast_in_dim3A_1993 : vector<128x128xf32>
    %lt3A_1995 = arith.cmpf olt, %add3A_1994, %select_n3A_1985 : vector<128x128xf32>
    %select_n3A_1996 = arith.select %lt3A_1995, %add3A_1994, %select_n3A_1985 : vector<128x128xi1>, vector<128x128xf32>
    %jit3A_1997 = arith.constant 39 : i32
    %broadcast_in_dim3A_1998 = vector.broadcast %jit3A_1997 : i32 to vector<128x128xi32>
    %select_n3A_1999 = arith.select %lt3A_1995, %broadcast_in_dim3A_1998, %select_n3A_1988 : vector<128x128xi1>, vector<128x128xi32>
    %slice3A_2000 = vector.extract_strided_slice %slice3A_1532 {offsets = [0, 5120], sizes = [128, 128], strides = [1, 1]} : vector<128x8192xf32> to vector<128x128xf32>
    %sub3A_2001 = arith.subf %broadcast_in_dim3A_1537, %slice3A_2000 : vector<128x128xf32>
    %slice3A_2002 = vector.extract_strided_slice %get3A_8 {offsets = [0, 5120], sizes = [1, 128], strides = [1, 1]} : vector<1x8192xf32> to vector<1x128xf32>
    %broadcast_in_dim3A_2003 = vector.shape_cast %slice3A_2002 : vector<1x128xf32> to vector<1x128xf32>
    %broadcast_in_dim3A_2004 = vector.broadcast %broadcast_in_dim3A_2003 : vector<1x128xf32> to vector<128x128xf32>
    %add3A_2005 = arith.addf %sub3A_2001, %broadcast_in_dim3A_2004 : vector<128x128xf32>
    %lt3A_2006 = arith.cmpf olt, %add3A_2005, %select_n3A_1996 : vector<128x128xf32>
    %select_n3A_2007 = arith.select %lt3A_2006, %add3A_2005, %select_n3A_1996 : vector<128x128xi1>, vector<128x128xf32>
    %jit3A_2008 = arith.constant 40 : i32
    %broadcast_in_dim3A_2009 = vector.broadcast %jit3A_2008 : i32 to vector<128x128xi32>
    %select_n3A_2010 = arith.select %lt3A_2006, %broadcast_in_dim3A_2009, %select_n3A_1999 : vector<128x128xi1>, vector<128x128xi32>
    %slice3A_2011 = vector.extract_strided_slice %slice3A_1532 {offsets = [0, 5248], sizes = [128, 128], strides = [1, 1]} : vector<128x8192xf32> to vector<128x128xf32>
    %sub3A_2012 = arith.subf %broadcast_in_dim3A_1537, %slice3A_2011 : vector<128x128xf32>
    %slice3A_2013 = vector.extract_strided_slice %get3A_8 {offsets = [0, 5248], sizes = [1, 128], strides = [1, 1]} : vector<1x8192xf32> to vector<1x128xf32>
    %broadcast_in_dim3A_2014 = vector.shape_cast %slice3A_2013 : vector<1x128xf32> to vector<1x128xf32>
    %broadcast_in_dim3A_2015 = vector.broadcast %broadcast_in_dim3A_2014 : vector<1x128xf32> to vector<128x128xf32>
    %add3A_2016 = arith.addf %sub3A_2012, %broadcast_in_dim3A_2015 : vector<128x128xf32>
    %lt3A_2017 = arith.cmpf olt, %add3A_2016, %select_n3A_2007 : vector<128x128xf32>
    %select_n3A_2018 = arith.select %lt3A_2017, %add3A_2016, %select_n3A_2007 : vector<128x128xi1>, vector<128x128xf32>
    %jit3A_2019 = arith.constant 41 : i32
    %broadcast_in_dim3A_2020 = vector.broadcast %jit3A_2019 : i32 to vector<128x128xi32>
    %select_n3A_2021 = arith.select %lt3A_2017, %broadcast_in_dim3A_2020, %select_n3A_2010 : vector<128x128xi1>, vector<128x128xi32>
    %slice3A_2022 = vector.extract_strided_slice %slice3A_1532 {offsets = [0, 5376], sizes = [128, 128], strides = [1, 1]} : vector<128x8192xf32> to vector<128x128xf32>
    %sub3A_2023 = arith.subf %broadcast_in_dim3A_1537, %slice3A_2022 : vector<128x128xf32>
    %slice3A_2024 = vector.extract_strided_slice %get3A_8 {offsets = [0, 5376], sizes = [1, 128], strides = [1, 1]} : vector<1x8192xf32> to vector<1x128xf32>
    %broadcast_in_dim3A_2025 = vector.shape_cast %slice3A_2024 : vector<1x128xf32> to vector<1x128xf32>
    %broadcast_in_dim3A_2026 = vector.broadcast %broadcast_in_dim3A_2025 : vector<1x128xf32> to vector<128x128xf32>
    %add3A_2027 = arith.addf %sub3A_2023, %broadcast_in_dim3A_2026 : vector<128x128xf32>
    %lt3A_2028 = arith.cmpf olt, %add3A_2027, %select_n3A_2018 : vector<128x128xf32>
    %select_n3A_2029 = arith.select %lt3A_2028, %add3A_2027, %select_n3A_2018 : vector<128x128xi1>, vector<128x128xf32>
    %jit3A_2030 = arith.constant 42 : i32
    %broadcast_in_dim3A_2031 = vector.broadcast %jit3A_2030 : i32 to vector<128x128xi32>
    %select_n3A_2032 = arith.select %lt3A_2028, %broadcast_in_dim3A_2031, %select_n3A_2021 : vector<128x128xi1>, vector<128x128xi32>
    %slice3A_2033 = vector.extract_strided_slice %slice3A_1532 {offsets = [0, 5504], sizes = [128, 128], strides = [1, 1]} : vector<128x8192xf32> to vector<128x128xf32>
    %sub3A_2034 = arith.subf %broadcast_in_dim3A_1537, %slice3A_2033 : vector<128x128xf32>
    %slice3A_2035 = vector.extract_strided_slice %get3A_8 {offsets = [0, 5504], sizes = [1, 128], strides = [1, 1]} : vector<1x8192xf32> to vector<1x128xf32>
    %broadcast_in_dim3A_2036 = vector.shape_cast %slice3A_2035 : vector<1x128xf32> to vector<1x128xf32>
    %broadcast_in_dim3A_2037 = vector.broadcast %broadcast_in_dim3A_2036 : vector<1x128xf32> to vector<128x128xf32>
    %add3A_2038 = arith.addf %sub3A_2034, %broadcast_in_dim3A_2037 : vector<128x128xf32>
    %lt3A_2039 = arith.cmpf olt, %add3A_2038, %select_n3A_2029 : vector<128x128xf32>
    %select_n3A_2040 = arith.select %lt3A_2039, %add3A_2038, %select_n3A_2029 : vector<128x128xi1>, vector<128x128xf32>
    %jit3A_2041 = arith.constant 43 : i32
    %broadcast_in_dim3A_2042 = vector.broadcast %jit3A_2041 : i32 to vector<128x128xi32>
    %select_n3A_2043 = arith.select %lt3A_2039, %broadcast_in_dim3A_2042, %select_n3A_2032 : vector<128x128xi1>, vector<128x128xi32>
    %slice3A_2044 = vector.extract_strided_slice %slice3A_1532 {offsets = [0, 5632], sizes = [128, 128], strides = [1, 1]} : vector<128x8192xf32> to vector<128x128xf32>
    %sub3A_2045 = arith.subf %broadcast_in_dim3A_1537, %slice3A_2044 : vector<128x128xf32>
    %slice3A_2046 = vector.extract_strided_slice %get3A_8 {offsets = [0, 5632], sizes = [1, 128], strides = [1, 1]} : vector<1x8192xf32> to vector<1x128xf32>
    %broadcast_in_dim3A_2047 = vector.shape_cast %slice3A_2046 : vector<1x128xf32> to vector<1x128xf32>
    %broadcast_in_dim3A_2048 = vector.broadcast %broadcast_in_dim3A_2047 : vector<1x128xf32> to vector<128x128xf32>
    %add3A_2049 = arith.addf %sub3A_2045, %broadcast_in_dim3A_2048 : vector<128x128xf32>
    %lt3A_2050 = arith.cmpf olt, %add3A_2049, %select_n3A_2040 : vector<128x128xf32>
    %select_n3A_2051 = arith.select %lt3A_2050, %add3A_2049, %select_n3A_2040 : vector<128x128xi1>, vector<128x128xf32>
    %jit3A_2052 = arith.constant 44 : i32
    %broadcast_in_dim3A_2053 = vector.broadcast %jit3A_2052 : i32 to vector<128x128xi32>
    %select_n3A_2054 = arith.select %lt3A_2050, %broadcast_in_dim3A_2053, %select_n3A_2043 : vector<128x128xi1>, vector<128x128xi32>
    %slice3A_2055 = vector.extract_strided_slice %slice3A_1532 {offsets = [0, 5760], sizes = [128, 128], strides = [1, 1]} : vector<128x8192xf32> to vector<128x128xf32>
    %sub3A_2056 = arith.subf %broadcast_in_dim3A_1537, %slice3A_2055 : vector<128x128xf32>
    %slice3A_2057 = vector.extract_strided_slice %get3A_8 {offsets = [0, 5760], sizes = [1, 128], strides = [1, 1]} : vector<1x8192xf32> to vector<1x128xf32>
    %broadcast_in_dim3A_2058 = vector.shape_cast %slice3A_2057 : vector<1x128xf32> to vector<1x128xf32>
    %broadcast_in_dim3A_2059 = vector.broadcast %broadcast_in_dim3A_2058 : vector<1x128xf32> to vector<128x128xf32>
    %add3A_2060 = arith.addf %sub3A_2056, %broadcast_in_dim3A_2059 : vector<128x128xf32>
    %lt3A_2061 = arith.cmpf olt, %add3A_2060, %select_n3A_2051 : vector<128x128xf32>
    %select_n3A_2062 = arith.select %lt3A_2061, %add3A_2060, %select_n3A_2051 : vector<128x128xi1>, vector<128x128xf32>
    %jit3A_2063 = arith.constant 45 : i32
    %broadcast_in_dim3A_2064 = vector.broadcast %jit3A_2063 : i32 to vector<128x128xi32>
    %select_n3A_2065 = arith.select %lt3A_2061, %broadcast_in_dim3A_2064, %select_n3A_2054 : vector<128x128xi1>, vector<128x128xi32>
    %slice3A_2066 = vector.extract_strided_slice %slice3A_1532 {offsets = [0, 5888], sizes = [128, 128], strides = [1, 1]} : vector<128x8192xf32> to vector<128x128xf32>
    %sub3A_2067 = arith.subf %broadcast_in_dim3A_1537, %slice3A_2066 : vector<128x128xf32>
    %slice3A_2068 = vector.extract_strided_slice %get3A_8 {offsets = [0, 5888], sizes = [1, 128], strides = [1, 1]} : vector<1x8192xf32> to vector<1x128xf32>
    %broadcast_in_dim3A_2069 = vector.shape_cast %slice3A_2068 : vector<1x128xf32> to vector<1x128xf32>
    %broadcast_in_dim3A_2070 = vector.broadcast %broadcast_in_dim3A_2069 : vector<1x128xf32> to vector<128x128xf32>
    %add3A_2071 = arith.addf %sub3A_2067, %broadcast_in_dim3A_2070 : vector<128x128xf32>
    %lt3A_2072 = arith.cmpf olt, %add3A_2071, %select_n3A_2062 : vector<128x128xf32>
    %select_n3A_2073 = arith.select %lt3A_2072, %add3A_2071, %select_n3A_2062 : vector<128x128xi1>, vector<128x128xf32>
    %jit3A_2074 = arith.constant 46 : i32
    %broadcast_in_dim3A_2075 = vector.broadcast %jit3A_2074 : i32 to vector<128x128xi32>
    %select_n3A_2076 = arith.select %lt3A_2072, %broadcast_in_dim3A_2075, %select_n3A_2065 : vector<128x128xi1>, vector<128x128xi32>
    %slice3A_2077 = vector.extract_strided_slice %slice3A_1532 {offsets = [0, 6016], sizes = [128, 128], strides = [1, 1]} : vector<128x8192xf32> to vector<128x128xf32>
    %sub3A_2078 = arith.subf %broadcast_in_dim3A_1537, %slice3A_2077 : vector<128x128xf32>
    %slice3A_2079 = vector.extract_strided_slice %get3A_8 {offsets = [0, 6016], sizes = [1, 128], strides = [1, 1]} : vector<1x8192xf32> to vector<1x128xf32>
    %broadcast_in_dim3A_2080 = vector.shape_cast %slice3A_2079 : vector<1x128xf32> to vector<1x128xf32>
    %broadcast_in_dim3A_2081 = vector.broadcast %broadcast_in_dim3A_2080 : vector<1x128xf32> to vector<128x128xf32>
    %add3A_2082 = arith.addf %sub3A_2078, %broadcast_in_dim3A_2081 : vector<128x128xf32>
    %lt3A_2083 = arith.cmpf olt, %add3A_2082, %select_n3A_2073 : vector<128x128xf32>
    %select_n3A_2084 = arith.select %lt3A_2083, %add3A_2082, %select_n3A_2073 : vector<128x128xi1>, vector<128x128xf32>
    %jit3A_2085 = arith.constant 47 : i32
    %broadcast_in_dim3A_2086 = vector.broadcast %jit3A_2085 : i32 to vector<128x128xi32>
    %select_n3A_2087 = arith.select %lt3A_2083, %broadcast_in_dim3A_2086, %select_n3A_2076 : vector<128x128xi1>, vector<128x128xi32>
    %slice3A_2088 = vector.extract_strided_slice %slice3A_1532 {offsets = [0, 6144], sizes = [128, 128], strides = [1, 1]} : vector<128x8192xf32> to vector<128x128xf32>
    %sub3A_2089 = arith.subf %broadcast_in_dim3A_1537, %slice3A_2088 : vector<128x128xf32>
    %slice3A_2090 = vector.extract_strided_slice %get3A_8 {offsets = [0, 6144], sizes = [1, 128], strides = [1, 1]} : vector<1x8192xf32> to vector<1x128xf32>
    %broadcast_in_dim3A_2091 = vector.shape_cast %slice3A_2090 : vector<1x128xf32> to vector<1x128xf32>
    %broadcast_in_dim3A_2092 = vector.broadcast %broadcast_in_dim3A_2091 : vector<1x128xf32> to vector<128x128xf32>
    %add3A_2093 = arith.addf %sub3A_2089, %broadcast_in_dim3A_2092 : vector<128x128xf32>
    %lt3A_2094 = arith.cmpf olt, %add3A_2093, %select_n3A_2084 : vector<128x128xf32>
    %select_n3A_2095 = arith.select %lt3A_2094, %add3A_2093, %select_n3A_2084 : vector<128x128xi1>, vector<128x128xf32>
    %jit3A_2096 = arith.constant 48 : i32
    %broadcast_in_dim3A_2097 = vector.broadcast %jit3A_2096 : i32 to vector<128x128xi32>
    %select_n3A_2098 = arith.select %lt3A_2094, %broadcast_in_dim3A_2097, %select_n3A_2087 : vector<128x128xi1>, vector<128x128xi32>
    %slice3A_2099 = vector.extract_strided_slice %slice3A_1532 {offsets = [0, 6272], sizes = [128, 128], strides = [1, 1]} : vector<128x8192xf32> to vector<128x128xf32>
    %sub3A_2100 = arith.subf %broadcast_in_dim3A_1537, %slice3A_2099 : vector<128x128xf32>
    %slice3A_2101 = vector.extract_strided_slice %get3A_8 {offsets = [0, 6272], sizes = [1, 128], strides = [1, 1]} : vector<1x8192xf32> to vector<1x128xf32>
    %broadcast_in_dim3A_2102 = vector.shape_cast %slice3A_2101 : vector<1x128xf32> to vector<1x128xf32>
    %broadcast_in_dim3A_2103 = vector.broadcast %broadcast_in_dim3A_2102 : vector<1x128xf32> to vector<128x128xf32>
    %add3A_2104 = arith.addf %sub3A_2100, %broadcast_in_dim3A_2103 : vector<128x128xf32>
    %lt3A_2105 = arith.cmpf olt, %add3A_2104, %select_n3A_2095 : vector<128x128xf32>
    %select_n3A_2106 = arith.select %lt3A_2105, %add3A_2104, %select_n3A_2095 : vector<128x128xi1>, vector<128x128xf32>
    %jit3A_2107 = arith.constant 49 : i32
    %broadcast_in_dim3A_2108 = vector.broadcast %jit3A_2107 : i32 to vector<128x128xi32>
    %select_n3A_2109 = arith.select %lt3A_2105, %broadcast_in_dim3A_2108, %select_n3A_2098 : vector<128x128xi1>, vector<128x128xi32>
    %slice3A_2110 = vector.extract_strided_slice %slice3A_1532 {offsets = [0, 6400], sizes = [128, 128], strides = [1, 1]} : vector<128x8192xf32> to vector<128x128xf32>
    %sub3A_2111 = arith.subf %broadcast_in_dim3A_1537, %slice3A_2110 : vector<128x128xf32>
    %slice3A_2112 = vector.extract_strided_slice %get3A_8 {offsets = [0, 6400], sizes = [1, 128], strides = [1, 1]} : vector<1x8192xf32> to vector<1x128xf32>
    %broadcast_in_dim3A_2113 = vector.shape_cast %slice3A_2112 : vector<1x128xf32> to vector<1x128xf32>
    %broadcast_in_dim3A_2114 = vector.broadcast %broadcast_in_dim3A_2113 : vector<1x128xf32> to vector<128x128xf32>
    %add3A_2115 = arith.addf %sub3A_2111, %broadcast_in_dim3A_2114 : vector<128x128xf32>
    %lt3A_2116 = arith.cmpf olt, %add3A_2115, %select_n3A_2106 : vector<128x128xf32>
    %select_n3A_2117 = arith.select %lt3A_2116, %add3A_2115, %select_n3A_2106 : vector<128x128xi1>, vector<128x128xf32>
    %jit3A_2118 = arith.constant 50 : i32
    %broadcast_in_dim3A_2119 = vector.broadcast %jit3A_2118 : i32 to vector<128x128xi32>
    %select_n3A_2120 = arith.select %lt3A_2116, %broadcast_in_dim3A_2119, %select_n3A_2109 : vector<128x128xi1>, vector<128x128xi32>
    %slice3A_2121 = vector.extract_strided_slice %slice3A_1532 {offsets = [0, 6528], sizes = [128, 128], strides = [1, 1]} : vector<128x8192xf32> to vector<128x128xf32>
    %sub3A_2122 = arith.subf %broadcast_in_dim3A_1537, %slice3A_2121 : vector<128x128xf32>
    %slice3A_2123 = vector.extract_strided_slice %get3A_8 {offsets = [0, 6528], sizes = [1, 128], strides = [1, 1]} : vector<1x8192xf32> to vector<1x128xf32>
    %broadcast_in_dim3A_2124 = vector.shape_cast %slice3A_2123 : vector<1x128xf32> to vector<1x128xf32>
    %broadcast_in_dim3A_2125 = vector.broadcast %broadcast_in_dim3A_2124 : vector<1x128xf32> to vector<128x128xf32>
    %add3A_2126 = arith.addf %sub3A_2122, %broadcast_in_dim3A_2125 : vector<128x128xf32>
    %lt3A_2127 = arith.cmpf olt, %add3A_2126, %select_n3A_2117 : vector<128x128xf32>
    %select_n3A_2128 = arith.select %lt3A_2127, %add3A_2126, %select_n3A_2117 : vector<128x128xi1>, vector<128x128xf32>
    %jit3A_2129 = arith.constant 51 : i32
    %broadcast_in_dim3A_2130 = vector.broadcast %jit3A_2129 : i32 to vector<128x128xi32>
    %select_n3A_2131 = arith.select %lt3A_2127, %broadcast_in_dim3A_2130, %select_n3A_2120 : vector<128x128xi1>, vector<128x128xi32>
    %slice3A_2132 = vector.extract_strided_slice %slice3A_1532 {offsets = [0, 6656], sizes = [128, 128], strides = [1, 1]} : vector<128x8192xf32> to vector<128x128xf32>
    %sub3A_2133 = arith.subf %broadcast_in_dim3A_1537, %slice3A_2132 : vector<128x128xf32>
    %slice3A_2134 = vector.extract_strided_slice %get3A_8 {offsets = [0, 6656], sizes = [1, 128], strides = [1, 1]} : vector<1x8192xf32> to vector<1x128xf32>
    %broadcast_in_dim3A_2135 = vector.shape_cast %slice3A_2134 : vector<1x128xf32> to vector<1x128xf32>
    %broadcast_in_dim3A_2136 = vector.broadcast %broadcast_in_dim3A_2135 : vector<1x128xf32> to vector<128x128xf32>
    %add3A_2137 = arith.addf %sub3A_2133, %broadcast_in_dim3A_2136 : vector<128x128xf32>
    %lt3A_2138 = arith.cmpf olt, %add3A_2137, %select_n3A_2128 : vector<128x128xf32>
    %select_n3A_2139 = arith.select %lt3A_2138, %add3A_2137, %select_n3A_2128 : vector<128x128xi1>, vector<128x128xf32>
    %jit3A_2140 = arith.constant 52 : i32
    %broadcast_in_dim3A_2141 = vector.broadcast %jit3A_2140 : i32 to vector<128x128xi32>
    %select_n3A_2142 = arith.select %lt3A_2138, %broadcast_in_dim3A_2141, %select_n3A_2131 : vector<128x128xi1>, vector<128x128xi32>
    %slice3A_2143 = vector.extract_strided_slice %slice3A_1532 {offsets = [0, 6784], sizes = [128, 128], strides = [1, 1]} : vector<128x8192xf32> to vector<128x128xf32>
    %sub3A_2144 = arith.subf %broadcast_in_dim3A_1537, %slice3A_2143 : vector<128x128xf32>
    %slice3A_2145 = vector.extract_strided_slice %get3A_8 {offsets = [0, 6784], sizes = [1, 128], strides = [1, 1]} : vector<1x8192xf32> to vector<1x128xf32>
    %broadcast_in_dim3A_2146 = vector.shape_cast %slice3A_2145 : vector<1x128xf32> to vector<1x128xf32>
    %broadcast_in_dim3A_2147 = vector.broadcast %broadcast_in_dim3A_2146 : vector<1x128xf32> to vector<128x128xf32>
    %add3A_2148 = arith.addf %sub3A_2144, %broadcast_in_dim3A_2147 : vector<128x128xf32>
    %lt3A_2149 = arith.cmpf olt, %add3A_2148, %select_n3A_2139 : vector<128x128xf32>
    %select_n3A_2150 = arith.select %lt3A_2149, %add3A_2148, %select_n3A_2139 : vector<128x128xi1>, vector<128x128xf32>
    %jit3A_2151 = arith.constant 53 : i32
    %broadcast_in_dim3A_2152 = vector.broadcast %jit3A_2151 : i32 to vector<128x128xi32>
    %select_n3A_2153 = arith.select %lt3A_2149, %broadcast_in_dim3A_2152, %select_n3A_2142 : vector<128x128xi1>, vector<128x128xi32>
    %slice3A_2154 = vector.extract_strided_slice %slice3A_1532 {offsets = [0, 6912], sizes = [128, 128], strides = [1, 1]} : vector<128x8192xf32> to vector<128x128xf32>
    %sub3A_2155 = arith.subf %broadcast_in_dim3A_1537, %slice3A_2154 : vector<128x128xf32>
    %slice3A_2156 = vector.extract_strided_slice %get3A_8 {offsets = [0, 6912], sizes = [1, 128], strides = [1, 1]} : vector<1x8192xf32> to vector<1x128xf32>
    %broadcast_in_dim3A_2157 = vector.shape_cast %slice3A_2156 : vector<1x128xf32> to vector<1x128xf32>
    %broadcast_in_dim3A_2158 = vector.broadcast %broadcast_in_dim3A_2157 : vector<1x128xf32> to vector<128x128xf32>
    %add3A_2159 = arith.addf %sub3A_2155, %broadcast_in_dim3A_2158 : vector<128x128xf32>
    %lt3A_2160 = arith.cmpf olt, %add3A_2159, %select_n3A_2150 : vector<128x128xf32>
    %select_n3A_2161 = arith.select %lt3A_2160, %add3A_2159, %select_n3A_2150 : vector<128x128xi1>, vector<128x128xf32>
    %jit3A_2162 = arith.constant 54 : i32
    %broadcast_in_dim3A_2163 = vector.broadcast %jit3A_2162 : i32 to vector<128x128xi32>
    %select_n3A_2164 = arith.select %lt3A_2160, %broadcast_in_dim3A_2163, %select_n3A_2153 : vector<128x128xi1>, vector<128x128xi32>
    %slice3A_2165 = vector.extract_strided_slice %slice3A_1532 {offsets = [0, 7040], sizes = [128, 128], strides = [1, 1]} : vector<128x8192xf32> to vector<128x128xf32>
    %sub3A_2166 = arith.subf %broadcast_in_dim3A_1537, %slice3A_2165 : vector<128x128xf32>
    %slice3A_2167 = vector.extract_strided_slice %get3A_8 {offsets = [0, 7040], sizes = [1, 128], strides = [1, 1]} : vector<1x8192xf32> to vector<1x128xf32>
    %broadcast_in_dim3A_2168 = vector.shape_cast %slice3A_2167 : vector<1x128xf32> to vector<1x128xf32>
    %broadcast_in_dim3A_2169 = vector.broadcast %broadcast_in_dim3A_2168 : vector<1x128xf32> to vector<128x128xf32>
    %add3A_2170 = arith.addf %sub3A_2166, %broadcast_in_dim3A_2169 : vector<128x128xf32>
    %lt3A_2171 = arith.cmpf olt, %add3A_2170, %select_n3A_2161 : vector<128x128xf32>
    %select_n3A_2172 = arith.select %lt3A_2171, %add3A_2170, %select_n3A_2161 : vector<128x128xi1>, vector<128x128xf32>
    %jit3A_2173 = arith.constant 55 : i32
    %broadcast_in_dim3A_2174 = vector.broadcast %jit3A_2173 : i32 to vector<128x128xi32>
    %select_n3A_2175 = arith.select %lt3A_2171, %broadcast_in_dim3A_2174, %select_n3A_2164 : vector<128x128xi1>, vector<128x128xi32>
    %slice3A_2176 = vector.extract_strided_slice %slice3A_1532 {offsets = [0, 7168], sizes = [128, 128], strides = [1, 1]} : vector<128x8192xf32> to vector<128x128xf32>
    %sub3A_2177 = arith.subf %broadcast_in_dim3A_1537, %slice3A_2176 : vector<128x128xf32>
    %slice3A_2178 = vector.extract_strided_slice %get3A_8 {offsets = [0, 7168], sizes = [1, 128], strides = [1, 1]} : vector<1x8192xf32> to vector<1x128xf32>
    %broadcast_in_dim3A_2179 = vector.shape_cast %slice3A_2178 : vector<1x128xf32> to vector<1x128xf32>
    %broadcast_in_dim3A_2180 = vector.broadcast %broadcast_in_dim3A_2179 : vector<1x128xf32> to vector<128x128xf32>
    %add3A_2181 = arith.addf %sub3A_2177, %broadcast_in_dim3A_2180 : vector<128x128xf32>
    %lt3A_2182 = arith.cmpf olt, %add3A_2181, %select_n3A_2172 : vector<128x128xf32>
    %select_n3A_2183 = arith.select %lt3A_2182, %add3A_2181, %select_n3A_2172 : vector<128x128xi1>, vector<128x128xf32>
    %jit3A_2184 = arith.constant 56 : i32
    %broadcast_in_dim3A_2185 = vector.broadcast %jit3A_2184 : i32 to vector<128x128xi32>
    %select_n3A_2186 = arith.select %lt3A_2182, %broadcast_in_dim3A_2185, %select_n3A_2175 : vector<128x128xi1>, vector<128x128xi32>
    %slice3A_2187 = vector.extract_strided_slice %slice3A_1532 {offsets = [0, 7296], sizes = [128, 128], strides = [1, 1]} : vector<128x8192xf32> to vector<128x128xf32>
    %sub3A_2188 = arith.subf %broadcast_in_dim3A_1537, %slice3A_2187 : vector<128x128xf32>
    %slice3A_2189 = vector.extract_strided_slice %get3A_8 {offsets = [0, 7296], sizes = [1, 128], strides = [1, 1]} : vector<1x8192xf32> to vector<1x128xf32>
    %broadcast_in_dim3A_2190 = vector.shape_cast %slice3A_2189 : vector<1x128xf32> to vector<1x128xf32>
    %broadcast_in_dim3A_2191 = vector.broadcast %broadcast_in_dim3A_2190 : vector<1x128xf32> to vector<128x128xf32>
    %add3A_2192 = arith.addf %sub3A_2188, %broadcast_in_dim3A_2191 : vector<128x128xf32>
    %lt3A_2193 = arith.cmpf olt, %add3A_2192, %select_n3A_2183 : vector<128x128xf32>
    %select_n3A_2194 = arith.select %lt3A_2193, %add3A_2192, %select_n3A_2183 : vector<128x128xi1>, vector<128x128xf32>
    %jit3A_2195 = arith.constant 57 : i32
    %broadcast_in_dim3A_2196 = vector.broadcast %jit3A_2195 : i32 to vector<128x128xi32>
    %select_n3A_2197 = arith.select %lt3A_2193, %broadcast_in_dim3A_2196, %select_n3A_2186 : vector<128x128xi1>, vector<128x128xi32>
    %slice3A_2198 = vector.extract_strided_slice %slice3A_1532 {offsets = [0, 7424], sizes = [128, 128], strides = [1, 1]} : vector<128x8192xf32> to vector<128x128xf32>
    %sub3A_2199 = arith.subf %broadcast_in_dim3A_1537, %slice3A_2198 : vector<128x128xf32>
    %slice3A_2200 = vector.extract_strided_slice %get3A_8 {offsets = [0, 7424], sizes = [1, 128], strides = [1, 1]} : vector<1x8192xf32> to vector<1x128xf32>
    %broadcast_in_dim3A_2201 = vector.shape_cast %slice3A_2200 : vector<1x128xf32> to vector<1x128xf32>
    %broadcast_in_dim3A_2202 = vector.broadcast %broadcast_in_dim3A_2201 : vector<1x128xf32> to vector<128x128xf32>
    %add3A_2203 = arith.addf %sub3A_2199, %broadcast_in_dim3A_2202 : vector<128x128xf32>
    %lt3A_2204 = arith.cmpf olt, %add3A_2203, %select_n3A_2194 : vector<128x128xf32>
    %select_n3A_2205 = arith.select %lt3A_2204, %add3A_2203, %select_n3A_2194 : vector<128x128xi1>, vector<128x128xf32>
    %jit3A_2206 = arith.constant 58 : i32
    %broadcast_in_dim3A_2207 = vector.broadcast %jit3A_2206 : i32 to vector<128x128xi32>
    %select_n3A_2208 = arith.select %lt3A_2204, %broadcast_in_dim3A_2207, %select_n3A_2197 : vector<128x128xi1>, vector<128x128xi32>
    %slice3A_2209 = vector.extract_strided_slice %slice3A_1532 {offsets = [0, 7552], sizes = [128, 128], strides = [1, 1]} : vector<128x8192xf32> to vector<128x128xf32>
    %sub3A_2210 = arith.subf %broadcast_in_dim3A_1537, %slice3A_2209 : vector<128x128xf32>
    %slice3A_2211 = vector.extract_strided_slice %get3A_8 {offsets = [0, 7552], sizes = [1, 128], strides = [1, 1]} : vector<1x8192xf32> to vector<1x128xf32>
    %broadcast_in_dim3A_2212 = vector.shape_cast %slice3A_2211 : vector<1x128xf32> to vector<1x128xf32>
    %broadcast_in_dim3A_2213 = vector.broadcast %broadcast_in_dim3A_2212 : vector<1x128xf32> to vector<128x128xf32>
    %add3A_2214 = arith.addf %sub3A_2210, %broadcast_in_dim3A_2213 : vector<128x128xf32>
    %lt3A_2215 = arith.cmpf olt, %add3A_2214, %select_n3A_2205 : vector<128x128xf32>
    %select_n3A_2216 = arith.select %lt3A_2215, %add3A_2214, %select_n3A_2205 : vector<128x128xi1>, vector<128x128xf32>
    %jit3A_2217 = arith.constant 59 : i32
    %broadcast_in_dim3A_2218 = vector.broadcast %jit3A_2217 : i32 to vector<128x128xi32>
    %select_n3A_2219 = arith.select %lt3A_2215, %broadcast_in_dim3A_2218, %select_n3A_2208 : vector<128x128xi1>, vector<128x128xi32>
    %slice3A_2220 = vector.extract_strided_slice %slice3A_1532 {offsets = [0, 7680], sizes = [128, 128], strides = [1, 1]} : vector<128x8192xf32> to vector<128x128xf32>
    %sub3A_2221 = arith.subf %broadcast_in_dim3A_1537, %slice3A_2220 : vector<128x128xf32>
    %slice3A_2222 = vector.extract_strided_slice %get3A_8 {offsets = [0, 7680], sizes = [1, 128], strides = [1, 1]} : vector<1x8192xf32> to vector<1x128xf32>
    %broadcast_in_dim3A_2223 = vector.shape_cast %slice3A_2222 : vector<1x128xf32> to vector<1x128xf32>
    %broadcast_in_dim3A_2224 = vector.broadcast %broadcast_in_dim3A_2223 : vector<1x128xf32> to vector<128x128xf32>
    %add3A_2225 = arith.addf %sub3A_2221, %broadcast_in_dim3A_2224 : vector<128x128xf32>
    %lt3A_2226 = arith.cmpf olt, %add3A_2225, %select_n3A_2216 : vector<128x128xf32>
    %select_n3A_2227 = arith.select %lt3A_2226, %add3A_2225, %select_n3A_2216 : vector<128x128xi1>, vector<128x128xf32>
    %jit3A_2228 = arith.constant 60 : i32
    %broadcast_in_dim3A_2229 = vector.broadcast %jit3A_2228 : i32 to vector<128x128xi32>
    %select_n3A_2230 = arith.select %lt3A_2226, %broadcast_in_dim3A_2229, %select_n3A_2219 : vector<128x128xi1>, vector<128x128xi32>
    %slice3A_2231 = vector.extract_strided_slice %slice3A_1532 {offsets = [0, 7808], sizes = [128, 128], strides = [1, 1]} : vector<128x8192xf32> to vector<128x128xf32>
    %sub3A_2232 = arith.subf %broadcast_in_dim3A_1537, %slice3A_2231 : vector<128x128xf32>
    %slice3A_2233 = vector.extract_strided_slice %get3A_8 {offsets = [0, 7808], sizes = [1, 128], strides = [1, 1]} : vector<1x8192xf32> to vector<1x128xf32>
    %broadcast_in_dim3A_2234 = vector.shape_cast %slice3A_2233 : vector<1x128xf32> to vector<1x128xf32>
    %broadcast_in_dim3A_2235 = vector.broadcast %broadcast_in_dim3A_2234 : vector<1x128xf32> to vector<128x128xf32>
    %add3A_2236 = arith.addf %sub3A_2232, %broadcast_in_dim3A_2235 : vector<128x128xf32>
    %lt3A_2237 = arith.cmpf olt, %add3A_2236, %select_n3A_2227 : vector<128x128xf32>
    %select_n3A_2238 = arith.select %lt3A_2237, %add3A_2236, %select_n3A_2227 : vector<128x128xi1>, vector<128x128xf32>
    %jit3A_2239 = arith.constant 61 : i32
    %broadcast_in_dim3A_2240 = vector.broadcast %jit3A_2239 : i32 to vector<128x128xi32>
    %select_n3A_2241 = arith.select %lt3A_2237, %broadcast_in_dim3A_2240, %select_n3A_2230 : vector<128x128xi1>, vector<128x128xi32>
    %slice3A_2242 = vector.extract_strided_slice %slice3A_1532 {offsets = [0, 7936], sizes = [128, 128], strides = [1, 1]} : vector<128x8192xf32> to vector<128x128xf32>
    %sub3A_2243 = arith.subf %broadcast_in_dim3A_1537, %slice3A_2242 : vector<128x128xf32>
    %slice3A_2244 = vector.extract_strided_slice %get3A_8 {offsets = [0, 7936], sizes = [1, 128], strides = [1, 1]} : vector<1x8192xf32> to vector<1x128xf32>
    %broadcast_in_dim3A_2245 = vector.shape_cast %slice3A_2244 : vector<1x128xf32> to vector<1x128xf32>
    %broadcast_in_dim3A_2246 = vector.broadcast %broadcast_in_dim3A_2245 : vector<1x128xf32> to vector<128x128xf32>
    %add3A_2247 = arith.addf %sub3A_2243, %broadcast_in_dim3A_2246 : vector<128x128xf32>
    %lt3A_2248 = arith.cmpf olt, %add3A_2247, %select_n3A_2238 : vector<128x128xf32>
    %select_n3A_2249 = arith.select %lt3A_2248, %add3A_2247, %select_n3A_2238 : vector<128x128xi1>, vector<128x128xf32>
    %jit3A_2250 = arith.constant 62 : i32
    %broadcast_in_dim3A_2251 = vector.broadcast %jit3A_2250 : i32 to vector<128x128xi32>
    %select_n3A_2252 = arith.select %lt3A_2248, %broadcast_in_dim3A_2251, %select_n3A_2241 : vector<128x128xi1>, vector<128x128xi32>
    %slice3A_2253 = vector.extract_strided_slice %slice3A_1532 {offsets = [0, 8064], sizes = [128, 128], strides = [1, 1]} : vector<128x8192xf32> to vector<128x128xf32>
    %sub3A_2254 = arith.subf %broadcast_in_dim3A_1537, %slice3A_2253 : vector<128x128xf32>
    %slice3A_2255 = vector.extract_strided_slice %get3A_8 {offsets = [0, 8064], sizes = [1, 128], strides = [1, 1]} : vector<1x8192xf32> to vector<1x128xf32>
    %broadcast_in_dim3A_2256 = vector.shape_cast %slice3A_2255 : vector<1x128xf32> to vector<1x128xf32>
    %broadcast_in_dim3A_2257 = vector.broadcast %broadcast_in_dim3A_2256 : vector<1x128xf32> to vector<128x128xf32>
    %add3A_2258 = arith.addf %sub3A_2254, %broadcast_in_dim3A_2257 : vector<128x128xf32>
    %lt3A_2259 = arith.cmpf olt, %add3A_2258, %select_n3A_2249 : vector<128x128xf32>
    %select_n3A_2260 = arith.select %lt3A_2259, %add3A_2258, %select_n3A_2249 : vector<128x128xi1>, vector<128x128xf32>
    %jit3A_2261 = arith.constant 63 : i32
    %broadcast_in_dim3A_2262 = vector.broadcast %jit3A_2261 : i32 to vector<128x128xi32>
    %select_n3A_2263 = arith.select %lt3A_2259, %broadcast_in_dim3A_2262, %select_n3A_2252 : vector<128x128xi1>, vector<128x128xi32>
    %reduce_min3A_2264 = arith.constant dense<0x7F800000> : vector<128xf32>
    %reduce_min3A_2265 = vector.multi_reduction <minimumf>, %select_n3A_2260, %reduce_min3A_2264 [1] : vector<128x128xf32> to vector<128xf32>
    %broadcast_in_dim3A_2266 = vector.shape_cast %reduce_min3A_2265 : vector<128xf32> to vector<128x1xf32>
    %mul3A_2267 = arith.constant 128 : i32
    %mul3A_2268 = vector.broadcast %mul3A_2267 : i32 to vector<128x128xi32>
    %mul3A_2269 = arith.muli %select_n3A_2263, %mul3A_2268 : vector<128x128xi32>
    %add3A_2270 = arith.addi %mul3A_2269, %iota3A : vector<128x128xi32>
    %eq3A_2271 = vector.broadcast %broadcast_in_dim3A_2266 : vector<128x1xf32> to vector<128x128xf32>
    %eq3A_2272 = arith.cmpf oeq, %select_n3A_2260, %eq3A_2271 : vector<128x128xf32>
    %jit3A_2273 = arith.constant 8192 : i32
    %broadcast_in_dim3A_2274 = vector.broadcast %jit3A_2273 : i32 to vector<128x128xi32>
    %select_n3A_2275 = arith.select %eq3A_2272, %add3A_2270, %broadcast_in_dim3A_2274 : vector<128x128xi1>, vector<128x128xi32>
    %reduce_min3A_2276 = arith.constant dense<2147483647> : vector<128xi32>
    %reduce_min3A_2277 = vector.multi_reduction <minsi>, %select_n3A_2275, %reduce_min3A_2276 [1] : vector<128x128xi32> to vector<128xi32>
    %convert_element_type3A_2278 = arith.truncf %broadcast_in_dim3A_1896 : vector<128x1xf32> to vector<128x1xbf16>
    %convert_element_type3A_2279 = arith.extf %convert_element_type3A_2278 : vector<128x1xbf16> to vector<128x1xf32>
    %lt3A_2280 = arith.cmpf olt, %broadcast_in_dim3A_2266, %convert_element_type3A_2279 : vector<128x1xf32>
    %squeeze3A_2281 = vector.shape_cast %lt3A_2280 : vector<128x1xi1> to vector<128xi1>
    %select_n3A_2282 = arith.select %squeeze3A_2281, %reduce_min3A_2277, %reduce_min3A_1907 : vector<128xi1>, vector<128xi32>
    %swap3A_2283 = arith.constant 0 : index
    %swap3A_2284 = arith.constant 0 : index
    %swap3A_2285 = arith.constant 256 : index
    %swap3A_2286 = vector.load %arg5[%swap3A_2283, %swap3A_2284, %swap3A_2285] : memref<1x1x512xi32, #tpu.memory_space<vmem>>, vector<1x1x128xi32>
    %swap3A_2287 = vector.shape_cast %swap3A_2286 : vector<1x1x128xi32> to vector<128xi32>
    %swap3A_2288 = vector.shape_cast %select_n3A_2282 : vector<128xi32> to vector<1x1x128xi32>
    tpu.vector_store %arg5[%swap3A_2283, %swap3A_2284, %swap3A_2285], %swap3A_2288 {strides = array<i32>} : memref<1x1x512xi32, #tpu.memory_space<vmem>>, vector<1x1x128xi32>,
    %squeeze3A_2289 = vector.shape_cast %lt3A_2280 : vector<128x1xi1> to vector<128xi1>
    %squeeze3A_2290 = vector.shape_cast %broadcast_in_dim3A_2266 : vector<128x1xf32> to vector<128xf32>
    %squeeze3A_2291 = vector.shape_cast %broadcast_in_dim3A_1896 : vector<128x1xf32> to vector<128xf32>
    %select_n3A_2292 = arith.select %squeeze3A_2289, %squeeze3A_2290, %squeeze3A_2291 : vector<128xi1>, vector<128xf32>
    %reduce_sum3A_2293 = vector.shape_cast %select_n3A_2292 : vector<128xf32> to vector<1x128xf32>
    %reduce_sum3A_2294 = arith.constant dense<0.000000e+00> : vector<1xf32>
    %reduce_sum3A_2295 = vector.multi_reduction <add>, %reduce_sum3A_2293, %reduce_sum3A_2294 [1] : vector<1x128xf32> to vector<1xf32>
    %reduce_sum3A_2296 = vector.shape_cast %reduce_sum3A_2295 : vector<1xf32> to vector<1x1xf32>
    %reduce_sum3A_2297 = vector.extract %reduce_sum3A_2296[0, 0] : f32 from vector<1x1xf32>
    %reshape3A_2298 = vector.broadcast %reduce_sum3A_2297 : f32 to vector<1x1xf32>
    %add3A_2299 = arith.addf %add3A_1531, %reshape3A_2298 : vector<1x1xf32>
    %slice3A_2300 = vector.extract_strided_slice %dot_general3A_5 {offsets = [384, 0], sizes = [128, 8192], strides = [1, 1]} : vector<512x8192xf32> to vector<128x8192xf32>
    %get3A_2301 = arith.constant 384 : index
    %get3A_2302 = arith.constant 0 : index
    %get3A_2303 = vector.load %arg2[%get3A_2301, %get3A_2302] : memref<512x1xf32, #tpu.memory_space<vmem>>, vector<128x1xf32>
    %broadcast_in_dim3A_2304 = vector.shape_cast %get3A_2303 : vector<128x1xf32> to vector<128x1xf32>
    %broadcast_in_dim3A_2305 = vector.broadcast %broadcast_in_dim3A_2304 : vector<128x1xf32> to vector<128x128xf32>
    %broadcast_in_dim3A_2306 = arith.constant 0x7F800000 : f32
    %broadcast_in_dim3A_2307 = vector.broadcast %broadcast_in_dim3A_2306 : f32 to vector<128x128xf32>
    %broadcast_in_dim3A_2308 = arith.constant 0 : i32
    %broadcast_in_dim3A_2309 = vector.broadcast %broadcast_in_dim3A_2308 : i32 to vector<128x128xi32>
    %slice3A_2310 = vector.extract_strided_slice %slice3A_2300 {offsets = [0, 0], sizes = [128, 128], strides = [1, 1]} : vector<128x8192xf32> to vector<128x128xf32>
    %sub3A_2311 = arith.subf %broadcast_in_dim3A_2305, %slice3A_2310 : vector<128x128xf32>
    %slice3A_2312 = vector.extract_strided_slice %get3A_8 {offsets = [0, 0], sizes = [1, 128], strides = [1, 1]} : vector<1x8192xf32> to vector<1x128xf32>
    %broadcast_in_dim3A_2313 = vector.shape_cast %slice3A_2312 : vector<1x128xf32> to vector<1x128xf32>
    %broadcast_in_dim3A_2314 = vector.broadcast %broadcast_in_dim3A_2313 : vector<1x128xf32> to vector<128x128xf32>
    %add3A_2315 = arith.addf %sub3A_2311, %broadcast_in_dim3A_2314 : vector<128x128xf32>
    %lt3A_2316 = arith.cmpf olt, %add3A_2315, %broadcast_in_dim3A_2307 : vector<128x128xf32>
    %select_n3A_2317 = arith.select %lt3A_2316, %add3A_2315, %broadcast_in_dim3A_2307 : vector<128x128xi1>, vector<128x128xf32>
    %jit3A_2318 = arith.constant 0 : i32
    %broadcast_in_dim3A_2319 = vector.broadcast %jit3A_2318 : i32 to vector<128x128xi32>
    %select_n3A_2320 = arith.select %lt3A_2316, %broadcast_in_dim3A_2319, %broadcast_in_dim3A_2309 : vector<128x128xi1>, vector<128x128xi32>
    %slice3A_2321 = vector.extract_strided_slice %slice3A_2300 {offsets = [0, 128], sizes = [128, 128], strides = [1, 1]} : vector<128x8192xf32> to vector<128x128xf32>
    %sub3A_2322 = arith.subf %broadcast_in_dim3A_2305, %slice3A_2321 : vector<128x128xf32>
    %slice3A_2323 = vector.extract_strided_slice %get3A_8 {offsets = [0, 128], sizes = [1, 128], strides = [1, 1]} : vector<1x8192xf32> to vector<1x128xf32>
    %broadcast_in_dim3A_2324 = vector.shape_cast %slice3A_2323 : vector<1x128xf32> to vector<1x128xf32>
    %broadcast_in_dim3A_2325 = vector.broadcast %broadcast_in_dim3A_2324 : vector<1x128xf32> to vector<128x128xf32>
    %add3A_2326 = arith.addf %sub3A_2322, %broadcast_in_dim3A_2325 : vector<128x128xf32>
    %lt3A_2327 = arith.cmpf olt, %add3A_2326, %select_n3A_2317 : vector<128x128xf32>
    %select_n3A_2328 = arith.select %lt3A_2327, %add3A_2326, %select_n3A_2317 : vector<128x128xi1>, vector<128x128xf32>
    %jit3A_2329 = arith.constant 1 : i32
    %broadcast_in_dim3A_2330 = vector.broadcast %jit3A_2329 : i32 to vector<128x128xi32>
    %select_n3A_2331 = arith.select %lt3A_2327, %broadcast_in_dim3A_2330, %select_n3A_2320 : vector<128x128xi1>, vector<128x128xi32>
    %slice3A_2332 = vector.extract_strided_slice %slice3A_2300 {offsets = [0, 256], sizes = [128, 128], strides = [1, 1]} : vector<128x8192xf32> to vector<128x128xf32>
    %sub3A_2333 = arith.subf %broadcast_in_dim3A_2305, %slice3A_2332 : vector<128x128xf32>
    %slice3A_2334 = vector.extract_strided_slice %get3A_8 {offsets = [0, 256], sizes = [1, 128], strides = [1, 1]} : vector<1x8192xf32> to vector<1x128xf32>
    %broadcast_in_dim3A_2335 = vector.shape_cast %slice3A_2334 : vector<1x128xf32> to vector<1x128xf32>
    %broadcast_in_dim3A_2336 = vector.broadcast %broadcast_in_dim3A_2335 : vector<1x128xf32> to vector<128x128xf32>
    %add3A_2337 = arith.addf %sub3A_2333, %broadcast_in_dim3A_2336 : vector<128x128xf32>
    %lt3A_2338 = arith.cmpf olt, %add3A_2337, %select_n3A_2328 : vector<128x128xf32>
    %select_n3A_2339 = arith.select %lt3A_2338, %add3A_2337, %select_n3A_2328 : vector<128x128xi1>, vector<128x128xf32>
    %jit3A_2340 = arith.constant 2 : i32
    %broadcast_in_dim3A_2341 = vector.broadcast %jit3A_2340 : i32 to vector<128x128xi32>
    %select_n3A_2342 = arith.select %lt3A_2338, %broadcast_in_dim3A_2341, %select_n3A_2331 : vector<128x128xi1>, vector<128x128xi32>
    %slice3A_2343 = vector.extract_strided_slice %slice3A_2300 {offsets = [0, 384], sizes = [128, 128], strides = [1, 1]} : vector<128x8192xf32> to vector<128x128xf32>
    %sub3A_2344 = arith.subf %broadcast_in_dim3A_2305, %slice3A_2343 : vector<128x128xf32>
    %slice3A_2345 = vector.extract_strided_slice %get3A_8 {offsets = [0, 384], sizes = [1, 128], strides = [1, 1]} : vector<1x8192xf32> to vector<1x128xf32>
    %broadcast_in_dim3A_2346 = vector.shape_cast %slice3A_2345 : vector<1x128xf32> to vector<1x128xf32>
    %broadcast_in_dim3A_2347 = vector.broadcast %broadcast_in_dim3A_2346 : vector<1x128xf32> to vector<128x128xf32>
    %add3A_2348 = arith.addf %sub3A_2344, %broadcast_in_dim3A_2347 : vector<128x128xf32>
    %lt3A_2349 = arith.cmpf olt, %add3A_2348, %select_n3A_2339 : vector<128x128xf32>
    %select_n3A_2350 = arith.select %lt3A_2349, %add3A_2348, %select_n3A_2339 : vector<128x128xi1>, vector<128x128xf32>
    %jit3A_2351 = arith.constant 3 : i32
    %broadcast_in_dim3A_2352 = vector.broadcast %jit3A_2351 : i32 to vector<128x128xi32>
    %select_n3A_2353 = arith.select %lt3A_2349, %broadcast_in_dim3A_2352, %select_n3A_2342 : vector<128x128xi1>, vector<128x128xi32>
    %slice3A_2354 = vector.extract_strided_slice %slice3A_2300 {offsets = [0, 512], sizes = [128, 128], strides = [1, 1]} : vector<128x8192xf32> to vector<128x128xf32>
    %sub3A_2355 = arith.subf %broadcast_in_dim3A_2305, %slice3A_2354 : vector<128x128xf32>
    %slice3A_2356 = vector.extract_strided_slice %get3A_8 {offsets = [0, 512], sizes = [1, 128], strides = [1, 1]} : vector<1x8192xf32> to vector<1x128xf32>
    %broadcast_in_dim3A_2357 = vector.shape_cast %slice3A_2356 : vector<1x128xf32> to vector<1x128xf32>
    %broadcast_in_dim3A_2358 = vector.broadcast %broadcast_in_dim3A_2357 : vector<1x128xf32> to vector<128x128xf32>
    %add3A_2359 = arith.addf %sub3A_2355, %broadcast_in_dim3A_2358 : vector<128x128xf32>
    %lt3A_2360 = arith.cmpf olt, %add3A_2359, %select_n3A_2350 : vector<128x128xf32>
    %select_n3A_2361 = arith.select %lt3A_2360, %add3A_2359, %select_n3A_2350 : vector<128x128xi1>, vector<128x128xf32>
    %jit3A_2362 = arith.constant 4 : i32
    %broadcast_in_dim3A_2363 = vector.broadcast %jit3A_2362 : i32 to vector<128x128xi32>
    %select_n3A_2364 = arith.select %lt3A_2360, %broadcast_in_dim3A_2363, %select_n3A_2353 : vector<128x128xi1>, vector<128x128xi32>
    %slice3A_2365 = vector.extract_strided_slice %slice3A_2300 {offsets = [0, 640], sizes = [128, 128], strides = [1, 1]} : vector<128x8192xf32> to vector<128x128xf32>
    %sub3A_2366 = arith.subf %broadcast_in_dim3A_2305, %slice3A_2365 : vector<128x128xf32>
    %slice3A_2367 = vector.extract_strided_slice %get3A_8 {offsets = [0, 640], sizes = [1, 128], strides = [1, 1]} : vector<1x8192xf32> to vector<1x128xf32>
    %broadcast_in_dim3A_2368 = vector.shape_cast %slice3A_2367 : vector<1x128xf32> to vector<1x128xf32>
    %broadcast_in_dim3A_2369 = vector.broadcast %broadcast_in_dim3A_2368 : vector<1x128xf32> to vector<128x128xf32>
    %add3A_2370 = arith.addf %sub3A_2366, %broadcast_in_dim3A_2369 : vector<128x128xf32>
    %lt3A_2371 = arith.cmpf olt, %add3A_2370, %select_n3A_2361 : vector<128x128xf32>
    %select_n3A_2372 = arith.select %lt3A_2371, %add3A_2370, %select_n3A_2361 : vector<128x128xi1>, vector<128x128xf32>
    %jit3A_2373 = arith.constant 5 : i32
    %broadcast_in_dim3A_2374 = vector.broadcast %jit3A_2373 : i32 to vector<128x128xi32>
    %select_n3A_2375 = arith.select %lt3A_2371, %broadcast_in_dim3A_2374, %select_n3A_2364 : vector<128x128xi1>, vector<128x128xi32>
    %slice3A_2376 = vector.extract_strided_slice %slice3A_2300 {offsets = [0, 768], sizes = [128, 128], strides = [1, 1]} : vector<128x8192xf32> to vector<128x128xf32>
    %sub3A_2377 = arith.subf %broadcast_in_dim3A_2305, %slice3A_2376 : vector<128x128xf32>
    %slice3A_2378 = vector.extract_strided_slice %get3A_8 {offsets = [0, 768], sizes = [1, 128], strides = [1, 1]} : vector<1x8192xf32> to vector<1x128xf32>
    %broadcast_in_dim3A_2379 = vector.shape_cast %slice3A_2378 : vector<1x128xf32> to vector<1x128xf32>
    %broadcast_in_dim3A_2380 = vector.broadcast %broadcast_in_dim3A_2379 : vector<1x128xf32> to vector<128x128xf32>
    %add3A_2381 = arith.addf %sub3A_2377, %broadcast_in_dim3A_2380 : vector<128x128xf32>
    %lt3A_2382 = arith.cmpf olt, %add3A_2381, %select_n3A_2372 : vector<128x128xf32>
    %select_n3A_2383 = arith.select %lt3A_2382, %add3A_2381, %select_n3A_2372 : vector<128x128xi1>, vector<128x128xf32>
    %jit3A_2384 = arith.constant 6 : i32
    %broadcast_in_dim3A_2385 = vector.broadcast %jit3A_2384 : i32 to vector<128x128xi32>
    %select_n3A_2386 = arith.select %lt3A_2382, %broadcast_in_dim3A_2385, %select_n3A_2375 : vector<128x128xi1>, vector<128x128xi32>
    %slice3A_2387 = vector.extract_strided_slice %slice3A_2300 {offsets = [0, 896], sizes = [128, 128], strides = [1, 1]} : vector<128x8192xf32> to vector<128x128xf32>
    %sub3A_2388 = arith.subf %broadcast_in_dim3A_2305, %slice3A_2387 : vector<128x128xf32>
    %slice3A_2389 = vector.extract_strided_slice %get3A_8 {offsets = [0, 896], sizes = [1, 128], strides = [1, 1]} : vector<1x8192xf32> to vector<1x128xf32>
    %broadcast_in_dim3A_2390 = vector.shape_cast %slice3A_2389 : vector<1x128xf32> to vector<1x128xf32>
    %broadcast_in_dim3A_2391 = vector.broadcast %broadcast_in_dim3A_2390 : vector<1x128xf32> to vector<128x128xf32>
    %add3A_2392 = arith.addf %sub3A_2388, %broadcast_in_dim3A_2391 : vector<128x128xf32>
    %lt3A_2393 = arith.cmpf olt, %add3A_2392, %select_n3A_2383 : vector<128x128xf32>
    %select_n3A_2394 = arith.select %lt3A_2393, %add3A_2392, %select_n3A_2383 : vector<128x128xi1>, vector<128x128xf32>
    %jit3A_2395 = arith.constant 7 : i32
    %broadcast_in_dim3A_2396 = vector.broadcast %jit3A_2395 : i32 to vector<128x128xi32>
    %select_n3A_2397 = arith.select %lt3A_2393, %broadcast_in_dim3A_2396, %select_n3A_2386 : vector<128x128xi1>, vector<128x128xi32>
    %slice3A_2398 = vector.extract_strided_slice %slice3A_2300 {offsets = [0, 1024], sizes = [128, 128], strides = [1, 1]} : vector<128x8192xf32> to vector<128x128xf32>
    %sub3A_2399 = arith.subf %broadcast_in_dim3A_2305, %slice3A_2398 : vector<128x128xf32>
    %slice3A_2400 = vector.extract_strided_slice %get3A_8 {offsets = [0, 1024], sizes = [1, 128], strides = [1, 1]} : vector<1x8192xf32> to vector<1x128xf32>
    %broadcast_in_dim3A_2401 = vector.shape_cast %slice3A_2400 : vector<1x128xf32> to vector<1x128xf32>
    %broadcast_in_dim3A_2402 = vector.broadcast %broadcast_in_dim3A_2401 : vector<1x128xf32> to vector<128x128xf32>
    %add3A_2403 = arith.addf %sub3A_2399, %broadcast_in_dim3A_2402 : vector<128x128xf32>
    %lt3A_2404 = arith.cmpf olt, %add3A_2403, %select_n3A_2394 : vector<128x128xf32>
    %select_n3A_2405 = arith.select %lt3A_2404, %add3A_2403, %select_n3A_2394 : vector<128x128xi1>, vector<128x128xf32>
    %jit3A_2406 = arith.constant 8 : i32
    %broadcast_in_dim3A_2407 = vector.broadcast %jit3A_2406 : i32 to vector<128x128xi32>
    %select_n3A_2408 = arith.select %lt3A_2404, %broadcast_in_dim3A_2407, %select_n3A_2397 : vector<128x128xi1>, vector<128x128xi32>
    %slice3A_2409 = vector.extract_strided_slice %slice3A_2300 {offsets = [0, 1152], sizes = [128, 128], strides = [1, 1]} : vector<128x8192xf32> to vector<128x128xf32>
    %sub3A_2410 = arith.subf %broadcast_in_dim3A_2305, %slice3A_2409 : vector<128x128xf32>
    %slice3A_2411 = vector.extract_strided_slice %get3A_8 {offsets = [0, 1152], sizes = [1, 128], strides = [1, 1]} : vector<1x8192xf32> to vector<1x128xf32>
    %broadcast_in_dim3A_2412 = vector.shape_cast %slice3A_2411 : vector<1x128xf32> to vector<1x128xf32>
    %broadcast_in_dim3A_2413 = vector.broadcast %broadcast_in_dim3A_2412 : vector<1x128xf32> to vector<128x128xf32>
    %add3A_2414 = arith.addf %sub3A_2410, %broadcast_in_dim3A_2413 : vector<128x128xf32>
    %lt3A_2415 = arith.cmpf olt, %add3A_2414, %select_n3A_2405 : vector<128x128xf32>
    %select_n3A_2416 = arith.select %lt3A_2415, %add3A_2414, %select_n3A_2405 : vector<128x128xi1>, vector<128x128xf32>
    %jit3A_2417 = arith.constant 9 : i32
    %broadcast_in_dim3A_2418 = vector.broadcast %jit3A_2417 : i32 to vector<128x128xi32>
    %select_n3A_2419 = arith.select %lt3A_2415, %broadcast_in_dim3A_2418, %select_n3A_2408 : vector<128x128xi1>, vector<128x128xi32>
    %slice3A_2420 = vector.extract_strided_slice %slice3A_2300 {offsets = [0, 1280], sizes = [128, 128], strides = [1, 1]} : vector<128x8192xf32> to vector<128x128xf32>
    %sub3A_2421 = arith.subf %broadcast_in_dim3A_2305, %slice3A_2420 : vector<128x128xf32>
    %slice3A_2422 = vector.extract_strided_slice %get3A_8 {offsets = [0, 1280], sizes = [1, 128], strides = [1, 1]} : vector<1x8192xf32> to vector<1x128xf32>
    %broadcast_in_dim3A_2423 = vector.shape_cast %slice3A_2422 : vector<1x128xf32> to vector<1x128xf32>
    %broadcast_in_dim3A_2424 = vector.broadcast %broadcast_in_dim3A_2423 : vector<1x128xf32> to vector<128x128xf32>
    %add3A_2425 = arith.addf %sub3A_2421, %broadcast_in_dim3A_2424 : vector<128x128xf32>
    %lt3A_2426 = arith.cmpf olt, %add3A_2425, %select_n3A_2416 : vector<128x128xf32>
    %select_n3A_2427 = arith.select %lt3A_2426, %add3A_2425, %select_n3A_2416 : vector<128x128xi1>, vector<128x128xf32>
    %jit3A_2428 = arith.constant 10 : i32
    %broadcast_in_dim3A_2429 = vector.broadcast %jit3A_2428 : i32 to vector<128x128xi32>
    %select_n3A_2430 = arith.select %lt3A_2426, %broadcast_in_dim3A_2429, %select_n3A_2419 : vector<128x128xi1>, vector<128x128xi32>
    %slice3A_2431 = vector.extract_strided_slice %slice3A_2300 {offsets = [0, 1408], sizes = [128, 128], strides = [1, 1]} : vector<128x8192xf32> to vector<128x128xf32>
    %sub3A_2432 = arith.subf %broadcast_in_dim3A_2305, %slice3A_2431 : vector<128x128xf32>
    %slice3A_2433 = vector.extract_strided_slice %get3A_8 {offsets = [0, 1408], sizes = [1, 128], strides = [1, 1]} : vector<1x8192xf32> to vector<1x128xf32>
    %broadcast_in_dim3A_2434 = vector.shape_cast %slice3A_2433 : vector<1x128xf32> to vector<1x128xf32>
    %broadcast_in_dim3A_2435 = vector.broadcast %broadcast_in_dim3A_2434 : vector<1x128xf32> to vector<128x128xf32>
    %add3A_2436 = arith.addf %sub3A_2432, %broadcast_in_dim3A_2435 : vector<128x128xf32>
    %lt3A_2437 = arith.cmpf olt, %add3A_2436, %select_n3A_2427 : vector<128x128xf32>
    %select_n3A_2438 = arith.select %lt3A_2437, %add3A_2436, %select_n3A_2427 : vector<128x128xi1>, vector<128x128xf32>
    %jit3A_2439 = arith.constant 11 : i32
    %broadcast_in_dim3A_2440 = vector.broadcast %jit3A_2439 : i32 to vector<128x128xi32>
    %select_n3A_2441 = arith.select %lt3A_2437, %broadcast_in_dim3A_2440, %select_n3A_2430 : vector<128x128xi1>, vector<128x128xi32>
    %slice3A_2442 = vector.extract_strided_slice %slice3A_2300 {offsets = [0, 1536], sizes = [128, 128], strides = [1, 1]} : vector<128x8192xf32> to vector<128x128xf32>
    %sub3A_2443 = arith.subf %broadcast_in_dim3A_2305, %slice3A_2442 : vector<128x128xf32>
    %slice3A_2444 = vector.extract_strided_slice %get3A_8 {offsets = [0, 1536], sizes = [1, 128], strides = [1, 1]} : vector<1x8192xf32> to vector<1x128xf32>
    %broadcast_in_dim3A_2445 = vector.shape_cast %slice3A_2444 : vector<1x128xf32> to vector<1x128xf32>
    %broadcast_in_dim3A_2446 = vector.broadcast %broadcast_in_dim3A_2445 : vector<1x128xf32> to vector<128x128xf32>
    %add3A_2447 = arith.addf %sub3A_2443, %broadcast_in_dim3A_2446 : vector<128x128xf32>
    %lt3A_2448 = arith.cmpf olt, %add3A_2447, %select_n3A_2438 : vector<128x128xf32>
    %select_n3A_2449 = arith.select %lt3A_2448, %add3A_2447, %select_n3A_2438 : vector<128x128xi1>, vector<128x128xf32>
    %jit3A_2450 = arith.constant 12 : i32
    %broadcast_in_dim3A_2451 = vector.broadcast %jit3A_2450 : i32 to vector<128x128xi32>
    %select_n3A_2452 = arith.select %lt3A_2448, %broadcast_in_dim3A_2451, %select_n3A_2441 : vector<128x128xi1>, vector<128x128xi32>
    %slice3A_2453 = vector.extract_strided_slice %slice3A_2300 {offsets = [0, 1664], sizes = [128, 128], strides = [1, 1]} : vector<128x8192xf32> to vector<128x128xf32>
    %sub3A_2454 = arith.subf %broadcast_in_dim3A_2305, %slice3A_2453 : vector<128x128xf32>
    %slice3A_2455 = vector.extract_strided_slice %get3A_8 {offsets = [0, 1664], sizes = [1, 128], strides = [1, 1]} : vector<1x8192xf32> to vector<1x128xf32>
    %broadcast_in_dim3A_2456 = vector.shape_cast %slice3A_2455 : vector<1x128xf32> to vector<1x128xf32>
    %broadcast_in_dim3A_2457 = vector.broadcast %broadcast_in_dim3A_2456 : vector<1x128xf32> to vector<128x128xf32>
    %add3A_2458 = arith.addf %sub3A_2454, %broadcast_in_dim3A_2457 : vector<128x128xf32>
    %lt3A_2459 = arith.cmpf olt, %add3A_2458, %select_n3A_2449 : vector<128x128xf32>
    %select_n3A_2460 = arith.select %lt3A_2459, %add3A_2458, %select_n3A_2449 : vector<128x128xi1>, vector<128x128xf32>
    %jit3A_2461 = arith.constant 13 : i32
    %broadcast_in_dim3A_2462 = vector.broadcast %jit3A_2461 : i32 to vector<128x128xi32>
    %select_n3A_2463 = arith.select %lt3A_2459, %broadcast_in_dim3A_2462, %select_n3A_2452 : vector<128x128xi1>, vector<128x128xi32>
    %slice3A_2464 = vector.extract_strided_slice %slice3A_2300 {offsets = [0, 1792], sizes = [128, 128], strides = [1, 1]} : vector<128x8192xf32> to vector<128x128xf32>
    %sub3A_2465 = arith.subf %broadcast_in_dim3A_2305, %slice3A_2464 : vector<128x128xf32>
    %slice3A_2466 = vector.extract_strided_slice %get3A_8 {offsets = [0, 1792], sizes = [1, 128], strides = [1, 1]} : vector<1x8192xf32> to vector<1x128xf32>
    %broadcast_in_dim3A_2467 = vector.shape_cast %slice3A_2466 : vector<1x128xf32> to vector<1x128xf32>
    %broadcast_in_dim3A_2468 = vector.broadcast %broadcast_in_dim3A_2467 : vector<1x128xf32> to vector<128x128xf32>
    %add3A_2469 = arith.addf %sub3A_2465, %broadcast_in_dim3A_2468 : vector<128x128xf32>
    %lt3A_2470 = arith.cmpf olt, %add3A_2469, %select_n3A_2460 : vector<128x128xf32>
    %select_n3A_2471 = arith.select %lt3A_2470, %add3A_2469, %select_n3A_2460 : vector<128x128xi1>, vector<128x128xf32>
    %jit3A_2472 = arith.constant 14 : i32
    %broadcast_in_dim3A_2473 = vector.broadcast %jit3A_2472 : i32 to vector<128x128xi32>
    %select_n3A_2474 = arith.select %lt3A_2470, %broadcast_in_dim3A_2473, %select_n3A_2463 : vector<128x128xi1>, vector<128x128xi32>
    %slice3A_2475 = vector.extract_strided_slice %slice3A_2300 {offsets = [0, 1920], sizes = [128, 128], strides = [1, 1]} : vector<128x8192xf32> to vector<128x128xf32>
    %sub3A_2476 = arith.subf %broadcast_in_dim3A_2305, %slice3A_2475 : vector<128x128xf32>
    %slice3A_2477 = vector.extract_strided_slice %get3A_8 {offsets = [0, 1920], sizes = [1, 128], strides = [1, 1]} : vector<1x8192xf32> to vector<1x128xf32>
    %broadcast_in_dim3A_2478 = vector.shape_cast %slice3A_2477 : vector<1x128xf32> to vector<1x128xf32>
    %broadcast_in_dim3A_2479 = vector.broadcast %broadcast_in_dim3A_2478 : vector<1x128xf32> to vector<128x128xf32>
    %add3A_2480 = arith.addf %sub3A_2476, %broadcast_in_dim3A_2479 : vector<128x128xf32>
    %lt3A_2481 = arith.cmpf olt, %add3A_2480, %select_n3A_2471 : vector<128x128xf32>
    %select_n3A_2482 = arith.select %lt3A_2481, %add3A_2480, %select_n3A_2471 : vector<128x128xi1>, vector<128x128xf32>
    %jit3A_2483 = arith.constant 15 : i32
    %broadcast_in_dim3A_2484 = vector.broadcast %jit3A_2483 : i32 to vector<128x128xi32>
    %select_n3A_2485 = arith.select %lt3A_2481, %broadcast_in_dim3A_2484, %select_n3A_2474 : vector<128x128xi1>, vector<128x128xi32>
    %slice3A_2486 = vector.extract_strided_slice %slice3A_2300 {offsets = [0, 2048], sizes = [128, 128], strides = [1, 1]} : vector<128x8192xf32> to vector<128x128xf32>
    %sub3A_2487 = arith.subf %broadcast_in_dim3A_2305, %slice3A_2486 : vector<128x128xf32>
    %slice3A_2488 = vector.extract_strided_slice %get3A_8 {offsets = [0, 2048], sizes = [1, 128], strides = [1, 1]} : vector<1x8192xf32> to vector<1x128xf32>
    %broadcast_in_dim3A_2489 = vector.shape_cast %slice3A_2488 : vector<1x128xf32> to vector<1x128xf32>
    %broadcast_in_dim3A_2490 = vector.broadcast %broadcast_in_dim3A_2489 : vector<1x128xf32> to vector<128x128xf32>
    %add3A_2491 = arith.addf %sub3A_2487, %broadcast_in_dim3A_2490 : vector<128x128xf32>
    %lt3A_2492 = arith.cmpf olt, %add3A_2491, %select_n3A_2482 : vector<128x128xf32>
    %select_n3A_2493 = arith.select %lt3A_2492, %add3A_2491, %select_n3A_2482 : vector<128x128xi1>, vector<128x128xf32>
    %jit3A_2494 = arith.constant 16 : i32
    %broadcast_in_dim3A_2495 = vector.broadcast %jit3A_2494 : i32 to vector<128x128xi32>
    %select_n3A_2496 = arith.select %lt3A_2492, %broadcast_in_dim3A_2495, %select_n3A_2485 : vector<128x128xi1>, vector<128x128xi32>
    %slice3A_2497 = vector.extract_strided_slice %slice3A_2300 {offsets = [0, 2176], sizes = [128, 128], strides = [1, 1]} : vector<128x8192xf32> to vector<128x128xf32>
    %sub3A_2498 = arith.subf %broadcast_in_dim3A_2305, %slice3A_2497 : vector<128x128xf32>
    %slice3A_2499 = vector.extract_strided_slice %get3A_8 {offsets = [0, 2176], sizes = [1, 128], strides = [1, 1]} : vector<1x8192xf32> to vector<1x128xf32>
    %broadcast_in_dim3A_2500 = vector.shape_cast %slice3A_2499 : vector<1x128xf32> to vector<1x128xf32>
    %broadcast_in_dim3A_2501 = vector.broadcast %broadcast_in_dim3A_2500 : vector<1x128xf32> to vector<128x128xf32>
    %add3A_2502 = arith.addf %sub3A_2498, %broadcast_in_dim3A_2501 : vector<128x128xf32>
    %lt3A_2503 = arith.cmpf olt, %add3A_2502, %select_n3A_2493 : vector<128x128xf32>
    %select_n3A_2504 = arith.select %lt3A_2503, %add3A_2502, %select_n3A_2493 : vector<128x128xi1>, vector<128x128xf32>
    %jit3A_2505 = arith.constant 17 : i32
    %broadcast_in_dim3A_2506 = vector.broadcast %jit3A_2505 : i32 to vector<128x128xi32>
    %select_n3A_2507 = arith.select %lt3A_2503, %broadcast_in_dim3A_2506, %select_n3A_2496 : vector<128x128xi1>, vector<128x128xi32>
    %slice3A_2508 = vector.extract_strided_slice %slice3A_2300 {offsets = [0, 2304], sizes = [128, 128], strides = [1, 1]} : vector<128x8192xf32> to vector<128x128xf32>
    %sub3A_2509 = arith.subf %broadcast_in_dim3A_2305, %slice3A_2508 : vector<128x128xf32>
    %slice3A_2510 = vector.extract_strided_slice %get3A_8 {offsets = [0, 2304], sizes = [1, 128], strides = [1, 1]} : vector<1x8192xf32> to vector<1x128xf32>
    %broadcast_in_dim3A_2511 = vector.shape_cast %slice3A_2510 : vector<1x128xf32> to vector<1x128xf32>
    %broadcast_in_dim3A_2512 = vector.broadcast %broadcast_in_dim3A_2511 : vector<1x128xf32> to vector<128x128xf32>
    %add3A_2513 = arith.addf %sub3A_2509, %broadcast_in_dim3A_2512 : vector<128x128xf32>
    %lt3A_2514 = arith.cmpf olt, %add3A_2513, %select_n3A_2504 : vector<128x128xf32>
    %select_n3A_2515 = arith.select %lt3A_2514, %add3A_2513, %select_n3A_2504 : vector<128x128xi1>, vector<128x128xf32>
    %jit3A_2516 = arith.constant 18 : i32
    %broadcast_in_dim3A_2517 = vector.broadcast %jit3A_2516 : i32 to vector<128x128xi32>
    %select_n3A_2518 = arith.select %lt3A_2514, %broadcast_in_dim3A_2517, %select_n3A_2507 : vector<128x128xi1>, vector<128x128xi32>
    %slice3A_2519 = vector.extract_strided_slice %slice3A_2300 {offsets = [0, 2432], sizes = [128, 128], strides = [1, 1]} : vector<128x8192xf32> to vector<128x128xf32>
    %sub3A_2520 = arith.subf %broadcast_in_dim3A_2305, %slice3A_2519 : vector<128x128xf32>
    %slice3A_2521 = vector.extract_strided_slice %get3A_8 {offsets = [0, 2432], sizes = [1, 128], strides = [1, 1]} : vector<1x8192xf32> to vector<1x128xf32>
    %broadcast_in_dim3A_2522 = vector.shape_cast %slice3A_2521 : vector<1x128xf32> to vector<1x128xf32>
    %broadcast_in_dim3A_2523 = vector.broadcast %broadcast_in_dim3A_2522 : vector<1x128xf32> to vector<128x128xf32>
    %add3A_2524 = arith.addf %sub3A_2520, %broadcast_in_dim3A_2523 : vector<128x128xf32>
    %lt3A_2525 = arith.cmpf olt, %add3A_2524, %select_n3A_2515 : vector<128x128xf32>
    %select_n3A_2526 = arith.select %lt3A_2525, %add3A_2524, %select_n3A_2515 : vector<128x128xi1>, vector<128x128xf32>
    %jit3A_2527 = arith.constant 19 : i32
    %broadcast_in_dim3A_2528 = vector.broadcast %jit3A_2527 : i32 to vector<128x128xi32>
    %select_n3A_2529 = arith.select %lt3A_2525, %broadcast_in_dim3A_2528, %select_n3A_2518 : vector<128x128xi1>, vector<128x128xi32>
    %slice3A_2530 = vector.extract_strided_slice %slice3A_2300 {offsets = [0, 2560], sizes = [128, 128], strides = [1, 1]} : vector<128x8192xf32> to vector<128x128xf32>
    %sub3A_2531 = arith.subf %broadcast_in_dim3A_2305, %slice3A_2530 : vector<128x128xf32>
    %slice3A_2532 = vector.extract_strided_slice %get3A_8 {offsets = [0, 2560], sizes = [1, 128], strides = [1, 1]} : vector<1x8192xf32> to vector<1x128xf32>
    %broadcast_in_dim3A_2533 = vector.shape_cast %slice3A_2532 : vector<1x128xf32> to vector<1x128xf32>
    %broadcast_in_dim3A_2534 = vector.broadcast %broadcast_in_dim3A_2533 : vector<1x128xf32> to vector<128x128xf32>
    %add3A_2535 = arith.addf %sub3A_2531, %broadcast_in_dim3A_2534 : vector<128x128xf32>
    %lt3A_2536 = arith.cmpf olt, %add3A_2535, %select_n3A_2526 : vector<128x128xf32>
    %select_n3A_2537 = arith.select %lt3A_2536, %add3A_2535, %select_n3A_2526 : vector<128x128xi1>, vector<128x128xf32>
    %jit3A_2538 = arith.constant 20 : i32
    %broadcast_in_dim3A_2539 = vector.broadcast %jit3A_2538 : i32 to vector<128x128xi32>
    %select_n3A_2540 = arith.select %lt3A_2536, %broadcast_in_dim3A_2539, %select_n3A_2529 : vector<128x128xi1>, vector<128x128xi32>
    %slice3A_2541 = vector.extract_strided_slice %slice3A_2300 {offsets = [0, 2688], sizes = [128, 128], strides = [1, 1]} : vector<128x8192xf32> to vector<128x128xf32>
    %sub3A_2542 = arith.subf %broadcast_in_dim3A_2305, %slice3A_2541 : vector<128x128xf32>
    %slice3A_2543 = vector.extract_strided_slice %get3A_8 {offsets = [0, 2688], sizes = [1, 128], strides = [1, 1]} : vector<1x8192xf32> to vector<1x128xf32>
    %broadcast_in_dim3A_2544 = vector.shape_cast %slice3A_2543 : vector<1x128xf32> to vector<1x128xf32>
    %broadcast_in_dim3A_2545 = vector.broadcast %broadcast_in_dim3A_2544 : vector<1x128xf32> to vector<128x128xf32>
    %add3A_2546 = arith.addf %sub3A_2542, %broadcast_in_dim3A_2545 : vector<128x128xf32>
    %lt3A_2547 = arith.cmpf olt, %add3A_2546, %select_n3A_2537 : vector<128x128xf32>
    %select_n3A_2548 = arith.select %lt3A_2547, %add3A_2546, %select_n3A_2537 : vector<128x128xi1>, vector<128x128xf32>
    %jit3A_2549 = arith.constant 21 : i32
    %broadcast_in_dim3A_2550 = vector.broadcast %jit3A_2549 : i32 to vector<128x128xi32>
    %select_n3A_2551 = arith.select %lt3A_2547, %broadcast_in_dim3A_2550, %select_n3A_2540 : vector<128x128xi1>, vector<128x128xi32>
    %slice3A_2552 = vector.extract_strided_slice %slice3A_2300 {offsets = [0, 2816], sizes = [128, 128], strides = [1, 1]} : vector<128x8192xf32> to vector<128x128xf32>
    %sub3A_2553 = arith.subf %broadcast_in_dim3A_2305, %slice3A_2552 : vector<128x128xf32>
    %slice3A_2554 = vector.extract_strided_slice %get3A_8 {offsets = [0, 2816], sizes = [1, 128], strides = [1, 1]} : vector<1x8192xf32> to vector<1x128xf32>
    %broadcast_in_dim3A_2555 = vector.shape_cast %slice3A_2554 : vector<1x128xf32> to vector<1x128xf32>
    %broadcast_in_dim3A_2556 = vector.broadcast %broadcast_in_dim3A_2555 : vector<1x128xf32> to vector<128x128xf32>
    %add3A_2557 = arith.addf %sub3A_2553, %broadcast_in_dim3A_2556 : vector<128x128xf32>
    %lt3A_2558 = arith.cmpf olt, %add3A_2557, %select_n3A_2548 : vector<128x128xf32>
    %select_n3A_2559 = arith.select %lt3A_2558, %add3A_2557, %select_n3A_2548 : vector<128x128xi1>, vector<128x128xf32>
    %jit3A_2560 = arith.constant 22 : i32
    %broadcast_in_dim3A_2561 = vector.broadcast %jit3A_2560 : i32 to vector<128x128xi32>
    %select_n3A_2562 = arith.select %lt3A_2558, %broadcast_in_dim3A_2561, %select_n3A_2551 : vector<128x128xi1>, vector<128x128xi32>
    %slice3A_2563 = vector.extract_strided_slice %slice3A_2300 {offsets = [0, 2944], sizes = [128, 128], strides = [1, 1]} : vector<128x8192xf32> to vector<128x128xf32>
    %sub3A_2564 = arith.subf %broadcast_in_dim3A_2305, %slice3A_2563 : vector<128x128xf32>
    %slice3A_2565 = vector.extract_strided_slice %get3A_8 {offsets = [0, 2944], sizes = [1, 128], strides = [1, 1]} : vector<1x8192xf32> to vector<1x128xf32>
    %broadcast_in_dim3A_2566 = vector.shape_cast %slice3A_2565 : vector<1x128xf32> to vector<1x128xf32>
    %broadcast_in_dim3A_2567 = vector.broadcast %broadcast_in_dim3A_2566 : vector<1x128xf32> to vector<128x128xf32>
    %add3A_2568 = arith.addf %sub3A_2564, %broadcast_in_dim3A_2567 : vector<128x128xf32>
    %lt3A_2569 = arith.cmpf olt, %add3A_2568, %select_n3A_2559 : vector<128x128xf32>
    %select_n3A_2570 = arith.select %lt3A_2569, %add3A_2568, %select_n3A_2559 : vector<128x128xi1>, vector<128x128xf32>
    %jit3A_2571 = arith.constant 23 : i32
    %broadcast_in_dim3A_2572 = vector.broadcast %jit3A_2571 : i32 to vector<128x128xi32>
    %select_n3A_2573 = arith.select %lt3A_2569, %broadcast_in_dim3A_2572, %select_n3A_2562 : vector<128x128xi1>, vector<128x128xi32>
    %slice3A_2574 = vector.extract_strided_slice %slice3A_2300 {offsets = [0, 3072], sizes = [128, 128], strides = [1, 1]} : vector<128x8192xf32> to vector<128x128xf32>
    %sub3A_2575 = arith.subf %broadcast_in_dim3A_2305, %slice3A_2574 : vector<128x128xf32>
    %slice3A_2576 = vector.extract_strided_slice %get3A_8 {offsets = [0, 3072], sizes = [1, 128], strides = [1, 1]} : vector<1x8192xf32> to vector<1x128xf32>
    %broadcast_in_dim3A_2577 = vector.shape_cast %slice3A_2576 : vector<1x128xf32> to vector<1x128xf32>
    %broadcast_in_dim3A_2578 = vector.broadcast %broadcast_in_dim3A_2577 : vector<1x128xf32> to vector<128x128xf32>
    %add3A_2579 = arith.addf %sub3A_2575, %broadcast_in_dim3A_2578 : vector<128x128xf32>
    %lt3A_2580 = arith.cmpf olt, %add3A_2579, %select_n3A_2570 : vector<128x128xf32>
    %select_n3A_2581 = arith.select %lt3A_2580, %add3A_2579, %select_n3A_2570 : vector<128x128xi1>, vector<128x128xf32>
    %jit3A_2582 = arith.constant 24 : i32
    %broadcast_in_dim3A_2583 = vector.broadcast %jit3A_2582 : i32 to vector<128x128xi32>
    %select_n3A_2584 = arith.select %lt3A_2580, %broadcast_in_dim3A_2583, %select_n3A_2573 : vector<128x128xi1>, vector<128x128xi32>
    %slice3A_2585 = vector.extract_strided_slice %slice3A_2300 {offsets = [0, 3200], sizes = [128, 128], strides = [1, 1]} : vector<128x8192xf32> to vector<128x128xf32>
    %sub3A_2586 = arith.subf %broadcast_in_dim3A_2305, %slice3A_2585 : vector<128x128xf32>
    %slice3A_2587 = vector.extract_strided_slice %get3A_8 {offsets = [0, 3200], sizes = [1, 128], strides = [1, 1]} : vector<1x8192xf32> to vector<1x128xf32>
    %broadcast_in_dim3A_2588 = vector.shape_cast %slice3A_2587 : vector<1x128xf32> to vector<1x128xf32>
    %broadcast_in_dim3A_2589 = vector.broadcast %broadcast_in_dim3A_2588 : vector<1x128xf32> to vector<128x128xf32>
    %add3A_2590 = arith.addf %sub3A_2586, %broadcast_in_dim3A_2589 : vector<128x128xf32>
    %lt3A_2591 = arith.cmpf olt, %add3A_2590, %select_n3A_2581 : vector<128x128xf32>
    %select_n3A_2592 = arith.select %lt3A_2591, %add3A_2590, %select_n3A_2581 : vector<128x128xi1>, vector<128x128xf32>
    %jit3A_2593 = arith.constant 25 : i32
    %broadcast_in_dim3A_2594 = vector.broadcast %jit3A_2593 : i32 to vector<128x128xi32>
    %select_n3A_2595 = arith.select %lt3A_2591, %broadcast_in_dim3A_2594, %select_n3A_2584 : vector<128x128xi1>, vector<128x128xi32>
    %slice3A_2596 = vector.extract_strided_slice %slice3A_2300 {offsets = [0, 3328], sizes = [128, 128], strides = [1, 1]} : vector<128x8192xf32> to vector<128x128xf32>
    %sub3A_2597 = arith.subf %broadcast_in_dim3A_2305, %slice3A_2596 : vector<128x128xf32>
    %slice3A_2598 = vector.extract_strided_slice %get3A_8 {offsets = [0, 3328], sizes = [1, 128], strides = [1, 1]} : vector<1x8192xf32> to vector<1x128xf32>
    %broadcast_in_dim3A_2599 = vector.shape_cast %slice3A_2598 : vector<1x128xf32> to vector<1x128xf32>
    %broadcast_in_dim3A_2600 = vector.broadcast %broadcast_in_dim3A_2599 : vector<1x128xf32> to vector<128x128xf32>
    %add3A_2601 = arith.addf %sub3A_2597, %broadcast_in_dim3A_2600 : vector<128x128xf32>
    %lt3A_2602 = arith.cmpf olt, %add3A_2601, %select_n3A_2592 : vector<128x128xf32>
    %select_n3A_2603 = arith.select %lt3A_2602, %add3A_2601, %select_n3A_2592 : vector<128x128xi1>, vector<128x128xf32>
    %jit3A_2604 = arith.constant 26 : i32
    %broadcast_in_dim3A_2605 = vector.broadcast %jit3A_2604 : i32 to vector<128x128xi32>
    %select_n3A_2606 = arith.select %lt3A_2602, %broadcast_in_dim3A_2605, %select_n3A_2595 : vector<128x128xi1>, vector<128x128xi32>
    %slice3A_2607 = vector.extract_strided_slice %slice3A_2300 {offsets = [0, 3456], sizes = [128, 128], strides = [1, 1]} : vector<128x8192xf32> to vector<128x128xf32>
    %sub3A_2608 = arith.subf %broadcast_in_dim3A_2305, %slice3A_2607 : vector<128x128xf32>
    %slice3A_2609 = vector.extract_strided_slice %get3A_8 {offsets = [0, 3456], sizes = [1, 128], strides = [1, 1]} : vector<1x8192xf32> to vector<1x128xf32>
    %broadcast_in_dim3A_2610 = vector.shape_cast %slice3A_2609 : vector<1x128xf32> to vector<1x128xf32>
    %broadcast_in_dim3A_2611 = vector.broadcast %broadcast_in_dim3A_2610 : vector<1x128xf32> to vector<128x128xf32>
    %add3A_2612 = arith.addf %sub3A_2608, %broadcast_in_dim3A_2611 : vector<128x128xf32>
    %lt3A_2613 = arith.cmpf olt, %add3A_2612, %select_n3A_2603 : vector<128x128xf32>
    %select_n3A_2614 = arith.select %lt3A_2613, %add3A_2612, %select_n3A_2603 : vector<128x128xi1>, vector<128x128xf32>
    %jit3A_2615 = arith.constant 27 : i32
    %broadcast_in_dim3A_2616 = vector.broadcast %jit3A_2615 : i32 to vector<128x128xi32>
    %select_n3A_2617 = arith.select %lt3A_2613, %broadcast_in_dim3A_2616, %select_n3A_2606 : vector<128x128xi1>, vector<128x128xi32>
    %slice3A_2618 = vector.extract_strided_slice %slice3A_2300 {offsets = [0, 3584], sizes = [128, 128], strides = [1, 1]} : vector<128x8192xf32> to vector<128x128xf32>
    %sub3A_2619 = arith.subf %broadcast_in_dim3A_2305, %slice3A_2618 : vector<128x128xf32>
    %slice3A_2620 = vector.extract_strided_slice %get3A_8 {offsets = [0, 3584], sizes = [1, 128], strides = [1, 1]} : vector<1x8192xf32> to vector<1x128xf32>
    %broadcast_in_dim3A_2621 = vector.shape_cast %slice3A_2620 : vector<1x128xf32> to vector<1x128xf32>
    %broadcast_in_dim3A_2622 = vector.broadcast %broadcast_in_dim3A_2621 : vector<1x128xf32> to vector<128x128xf32>
    %add3A_2623 = arith.addf %sub3A_2619, %broadcast_in_dim3A_2622 : vector<128x128xf32>
    %lt3A_2624 = arith.cmpf olt, %add3A_2623, %select_n3A_2614 : vector<128x128xf32>
    %select_n3A_2625 = arith.select %lt3A_2624, %add3A_2623, %select_n3A_2614 : vector<128x128xi1>, vector<128x128xf32>
    %jit3A_2626 = arith.constant 28 : i32
    %broadcast_in_dim3A_2627 = vector.broadcast %jit3A_2626 : i32 to vector<128x128xi32>
    %select_n3A_2628 = arith.select %lt3A_2624, %broadcast_in_dim3A_2627, %select_n3A_2617 : vector<128x128xi1>, vector<128x128xi32>
    %slice3A_2629 = vector.extract_strided_slice %slice3A_2300 {offsets = [0, 3712], sizes = [128, 128], strides = [1, 1]} : vector<128x8192xf32> to vector<128x128xf32>
    %sub3A_2630 = arith.subf %broadcast_in_dim3A_2305, %slice3A_2629 : vector<128x128xf32>
    %slice3A_2631 = vector.extract_strided_slice %get3A_8 {offsets = [0, 3712], sizes = [1, 128], strides = [1, 1]} : vector<1x8192xf32> to vector<1x128xf32>
    %broadcast_in_dim3A_2632 = vector.shape_cast %slice3A_2631 : vector<1x128xf32> to vector<1x128xf32>
    %broadcast_in_dim3A_2633 = vector.broadcast %broadcast_in_dim3A_2632 : vector<1x128xf32> to vector<128x128xf32>
    %add3A_2634 = arith.addf %sub3A_2630, %broadcast_in_dim3A_2633 : vector<128x128xf32>
    %lt3A_2635 = arith.cmpf olt, %add3A_2634, %select_n3A_2625 : vector<128x128xf32>
    %select_n3A_2636 = arith.select %lt3A_2635, %add3A_2634, %select_n3A_2625 : vector<128x128xi1>, vector<128x128xf32>
    %jit3A_2637 = arith.constant 29 : i32
    %broadcast_in_dim3A_2638 = vector.broadcast %jit3A_2637 : i32 to vector<128x128xi32>
    %select_n3A_2639 = arith.select %lt3A_2635, %broadcast_in_dim3A_2638, %select_n3A_2628 : vector<128x128xi1>, vector<128x128xi32>
    %slice3A_2640 = vector.extract_strided_slice %slice3A_2300 {offsets = [0, 3840], sizes = [128, 128], strides = [1, 1]} : vector<128x8192xf32> to vector<128x128xf32>
    %sub3A_2641 = arith.subf %broadcast_in_dim3A_2305, %slice3A_2640 : vector<128x128xf32>
    %slice3A_2642 = vector.extract_strided_slice %get3A_8 {offsets = [0, 3840], sizes = [1, 128], strides = [1, 1]} : vector<1x8192xf32> to vector<1x128xf32>
    %broadcast_in_dim3A_2643 = vector.shape_cast %slice3A_2642 : vector<1x128xf32> to vector<1x128xf32>
    %broadcast_in_dim3A_2644 = vector.broadcast %broadcast_in_dim3A_2643 : vector<1x128xf32> to vector<128x128xf32>
    %add3A_2645 = arith.addf %sub3A_2641, %broadcast_in_dim3A_2644 : vector<128x128xf32>
    %lt3A_2646 = arith.cmpf olt, %add3A_2645, %select_n3A_2636 : vector<128x128xf32>
    %select_n3A_2647 = arith.select %lt3A_2646, %add3A_2645, %select_n3A_2636 : vector<128x128xi1>, vector<128x128xf32>
    %jit3A_2648 = arith.constant 30 : i32
    %broadcast_in_dim3A_2649 = vector.broadcast %jit3A_2648 : i32 to vector<128x128xi32>
    %select_n3A_2650 = arith.select %lt3A_2646, %broadcast_in_dim3A_2649, %select_n3A_2639 : vector<128x128xi1>, vector<128x128xi32>
    %slice3A_2651 = vector.extract_strided_slice %slice3A_2300 {offsets = [0, 3968], sizes = [128, 128], strides = [1, 1]} : vector<128x8192xf32> to vector<128x128xf32>
    %sub3A_2652 = arith.subf %broadcast_in_dim3A_2305, %slice3A_2651 : vector<128x128xf32>
    %slice3A_2653 = vector.extract_strided_slice %get3A_8 {offsets = [0, 3968], sizes = [1, 128], strides = [1, 1]} : vector<1x8192xf32> to vector<1x128xf32>
    %broadcast_in_dim3A_2654 = vector.shape_cast %slice3A_2653 : vector<1x128xf32> to vector<1x128xf32>
    %broadcast_in_dim3A_2655 = vector.broadcast %broadcast_in_dim3A_2654 : vector<1x128xf32> to vector<128x128xf32>
    %add3A_2656 = arith.addf %sub3A_2652, %broadcast_in_dim3A_2655 : vector<128x128xf32>
    %lt3A_2657 = arith.cmpf olt, %add3A_2656, %select_n3A_2647 : vector<128x128xf32>
    %select_n3A_2658 = arith.select %lt3A_2657, %add3A_2656, %select_n3A_2647 : vector<128x128xi1>, vector<128x128xf32>
    %jit3A_2659 = arith.constant 31 : i32
    %broadcast_in_dim3A_2660 = vector.broadcast %jit3A_2659 : i32 to vector<128x128xi32>
    %select_n3A_2661 = arith.select %lt3A_2657, %broadcast_in_dim3A_2660, %select_n3A_2650 : vector<128x128xi1>, vector<128x128xi32>
    %reduce_min3A_2662 = arith.constant dense<0x7F800000> : vector<128xf32>
    %reduce_min3A_2663 = vector.multi_reduction <minimumf>, %select_n3A_2658, %reduce_min3A_2662 [1] : vector<128x128xf32> to vector<128xf32>
    %broadcast_in_dim3A_2664 = vector.shape_cast %reduce_min3A_2663 : vector<128xf32> to vector<128x1xf32>
    %mul3A_2665 = arith.constant 128 : i32
    %mul3A_2666 = vector.broadcast %mul3A_2665 : i32 to vector<128x128xi32>
    %mul3A_2667 = arith.muli %select_n3A_2661, %mul3A_2666 : vector<128x128xi32>
    %add3A_2668 = arith.addi %mul3A_2667, %iota3A : vector<128x128xi32>
    %eq3A_2669 = vector.broadcast %broadcast_in_dim3A_2664 : vector<128x1xf32> to vector<128x128xf32>
    %eq3A_2670 = arith.cmpf oeq, %select_n3A_2658, %eq3A_2669 : vector<128x128xf32>
    %jit3A_2671 = arith.constant 8192 : i32
    %broadcast_in_dim3A_2672 = vector.broadcast %jit3A_2671 : i32 to vector<128x128xi32>
    %select_n3A_2673 = arith.select %eq3A_2670, %add3A_2668, %broadcast_in_dim3A_2672 : vector<128x128xi1>, vector<128x128xi32>
    %reduce_min3A_2674 = arith.constant dense<2147483647> : vector<128xi32>
    %reduce_min3A_2675 = vector.multi_reduction <minsi>, %select_n3A_2673, %reduce_min3A_2674 [1] : vector<128x128xi32> to vector<128xi32>
    %broadcast_in_dim3A_2676 = arith.constant 0x7F800000 : f32
    %broadcast_in_dim3A_2677 = vector.broadcast %broadcast_in_dim3A_2676 : f32 to vector<128x128xf32>
    %broadcast_in_dim3A_2678 = arith.constant 0 : i32
    %broadcast_in_dim3A_2679 = vector.broadcast %broadcast_in_dim3A_2678 : i32 to vector<128x128xi32>
    %slice3A_2680 = vector.extract_strided_slice %slice3A_2300 {offsets = [0, 4096], sizes = [128, 128], strides = [1, 1]} : vector<128x8192xf32> to vector<128x128xf32>
    %sub3A_2681 = arith.subf %broadcast_in_dim3A_2305, %slice3A_2680 : vector<128x128xf32>
    %slice3A_2682 = vector.extract_strided_slice %get3A_8 {offsets = [0, 4096], sizes = [1, 128], strides = [1, 1]} : vector<1x8192xf32> to vector<1x128xf32>
    %broadcast_in_dim3A_2683 = vector.shape_cast %slice3A_2682 : vector<1x128xf32> to vector<1x128xf32>
    %broadcast_in_dim3A_2684 = vector.broadcast %broadcast_in_dim3A_2683 : vector<1x128xf32> to vector<128x128xf32>
    %add3A_2685 = arith.addf %sub3A_2681, %broadcast_in_dim3A_2684 : vector<128x128xf32>
    %lt3A_2686 = arith.cmpf olt, %add3A_2685, %broadcast_in_dim3A_2677 : vector<128x128xf32>
    %select_n3A_2687 = arith.select %lt3A_2686, %add3A_2685, %broadcast_in_dim3A_2677 : vector<128x128xi1>, vector<128x128xf32>
    %jit3A_2688 = arith.constant 32 : i32
    %broadcast_in_dim3A_2689 = vector.broadcast %jit3A_2688 : i32 to vector<128x128xi32>
    %select_n3A_2690 = arith.select %lt3A_2686, %broadcast_in_dim3A_2689, %broadcast_in_dim3A_2679 : vector<128x128xi1>, vector<128x128xi32>
    %slice3A_2691 = vector.extract_strided_slice %slice3A_2300 {offsets = [0, 4224], sizes = [128, 128], strides = [1, 1]} : vector<128x8192xf32> to vector<128x128xf32>
    %sub3A_2692 = arith.subf %broadcast_in_dim3A_2305, %slice3A_2691 : vector<128x128xf32>
    %slice3A_2693 = vector.extract_strided_slice %get3A_8 {offsets = [0, 4224], sizes = [1, 128], strides = [1, 1]} : vector<1x8192xf32> to vector<1x128xf32>
    %broadcast_in_dim3A_2694 = vector.shape_cast %slice3A_2693 : vector<1x128xf32> to vector<1x128xf32>
    %broadcast_in_dim3A_2695 = vector.broadcast %broadcast_in_dim3A_2694 : vector<1x128xf32> to vector<128x128xf32>
    %add3A_2696 = arith.addf %sub3A_2692, %broadcast_in_dim3A_2695 : vector<128x128xf32>
    %lt3A_2697 = arith.cmpf olt, %add3A_2696, %select_n3A_2687 : vector<128x128xf32>
    %select_n3A_2698 = arith.select %lt3A_2697, %add3A_2696, %select_n3A_2687 : vector<128x128xi1>, vector<128x128xf32>
    %jit3A_2699 = arith.constant 33 : i32
    %broadcast_in_dim3A_2700 = vector.broadcast %jit3A_2699 : i32 to vector<128x128xi32>
    %select_n3A_2701 = arith.select %lt3A_2697, %broadcast_in_dim3A_2700, %select_n3A_2690 : vector<128x128xi1>, vector<128x128xi32>
    %slice3A_2702 = vector.extract_strided_slice %slice3A_2300 {offsets = [0, 4352], sizes = [128, 128], strides = [1, 1]} : vector<128x8192xf32> to vector<128x128xf32>
    %sub3A_2703 = arith.subf %broadcast_in_dim3A_2305, %slice3A_2702 : vector<128x128xf32>
    %slice3A_2704 = vector.extract_strided_slice %get3A_8 {offsets = [0, 4352], sizes = [1, 128], strides = [1, 1]} : vector<1x8192xf32> to vector<1x128xf32>
    %broadcast_in_dim3A_2705 = vector.shape_cast %slice3A_2704 : vector<1x128xf32> to vector<1x128xf32>
    %broadcast_in_dim3A_2706 = vector.broadcast %broadcast_in_dim3A_2705 : vector<1x128xf32> to vector<128x128xf32>
    %add3A_2707 = arith.addf %sub3A_2703, %broadcast_in_dim3A_2706 : vector<128x128xf32>
    %lt3A_2708 = arith.cmpf olt, %add3A_2707, %select_n3A_2698 : vector<128x128xf32>
    %select_n3A_2709 = arith.select %lt3A_2708, %add3A_2707, %select_n3A_2698 : vector<128x128xi1>, vector<128x128xf32>
    %jit3A_2710 = arith.constant 34 : i32
    %broadcast_in_dim3A_2711 = vector.broadcast %jit3A_2710 : i32 to vector<128x128xi32>
    %select_n3A_2712 = arith.select %lt3A_2708, %broadcast_in_dim3A_2711, %select_n3A_2701 : vector<128x128xi1>, vector<128x128xi32>
    %slice3A_2713 = vector.extract_strided_slice %slice3A_2300 {offsets = [0, 4480], sizes = [128, 128], strides = [1, 1]} : vector<128x8192xf32> to vector<128x128xf32>
    %sub3A_2714 = arith.subf %broadcast_in_dim3A_2305, %slice3A_2713 : vector<128x128xf32>
    %slice3A_2715 = vector.extract_strided_slice %get3A_8 {offsets = [0, 4480], sizes = [1, 128], strides = [1, 1]} : vector<1x8192xf32> to vector<1x128xf32>
    %broadcast_in_dim3A_2716 = vector.shape_cast %slice3A_2715 : vector<1x128xf32> to vector<1x128xf32>
    %broadcast_in_dim3A_2717 = vector.broadcast %broadcast_in_dim3A_2716 : vector<1x128xf32> to vector<128x128xf32>
    %add3A_2718 = arith.addf %sub3A_2714, %broadcast_in_dim3A_2717 : vector<128x128xf32>
    %lt3A_2719 = arith.cmpf olt, %add3A_2718, %select_n3A_2709 : vector<128x128xf32>
    %select_n3A_2720 = arith.select %lt3A_2719, %add3A_2718, %select_n3A_2709 : vector<128x128xi1>, vector<128x128xf32>
    %jit3A_2721 = arith.constant 35 : i32
    %broadcast_in_dim3A_2722 = vector.broadcast %jit3A_2721 : i32 to vector<128x128xi32>
    %select_n3A_2723 = arith.select %lt3A_2719, %broadcast_in_dim3A_2722, %select_n3A_2712 : vector<128x128xi1>, vector<128x128xi32>
    %slice3A_2724 = vector.extract_strided_slice %slice3A_2300 {offsets = [0, 4608], sizes = [128, 128], strides = [1, 1]} : vector<128x8192xf32> to vector<128x128xf32>
    %sub3A_2725 = arith.subf %broadcast_in_dim3A_2305, %slice3A_2724 : vector<128x128xf32>
    %slice3A_2726 = vector.extract_strided_slice %get3A_8 {offsets = [0, 4608], sizes = [1, 128], strides = [1, 1]} : vector<1x8192xf32> to vector<1x128xf32>
    %broadcast_in_dim3A_2727 = vector.shape_cast %slice3A_2726 : vector<1x128xf32> to vector<1x128xf32>
    %broadcast_in_dim3A_2728 = vector.broadcast %broadcast_in_dim3A_2727 : vector<1x128xf32> to vector<128x128xf32>
    %add3A_2729 = arith.addf %sub3A_2725, %broadcast_in_dim3A_2728 : vector<128x128xf32>
    %lt3A_2730 = arith.cmpf olt, %add3A_2729, %select_n3A_2720 : vector<128x128xf32>
    %select_n3A_2731 = arith.select %lt3A_2730, %add3A_2729, %select_n3A_2720 : vector<128x128xi1>, vector<128x128xf32>
    %jit3A_2732 = arith.constant 36 : i32
    %broadcast_in_dim3A_2733 = vector.broadcast %jit3A_2732 : i32 to vector<128x128xi32>
    %select_n3A_2734 = arith.select %lt3A_2730, %broadcast_in_dim3A_2733, %select_n3A_2723 : vector<128x128xi1>, vector<128x128xi32>
    %slice3A_2735 = vector.extract_strided_slice %slice3A_2300 {offsets = [0, 4736], sizes = [128, 128], strides = [1, 1]} : vector<128x8192xf32> to vector<128x128xf32>
    %sub3A_2736 = arith.subf %broadcast_in_dim3A_2305, %slice3A_2735 : vector<128x128xf32>
    %slice3A_2737 = vector.extract_strided_slice %get3A_8 {offsets = [0, 4736], sizes = [1, 128], strides = [1, 1]} : vector<1x8192xf32> to vector<1x128xf32>
    %broadcast_in_dim3A_2738 = vector.shape_cast %slice3A_2737 : vector<1x128xf32> to vector<1x128xf32>
    %broadcast_in_dim3A_2739 = vector.broadcast %broadcast_in_dim3A_2738 : vector<1x128xf32> to vector<128x128xf32>
    %add3A_2740 = arith.addf %sub3A_2736, %broadcast_in_dim3A_2739 : vector<128x128xf32>
    %lt3A_2741 = arith.cmpf olt, %add3A_2740, %select_n3A_2731 : vector<128x128xf32>
    %select_n3A_2742 = arith.select %lt3A_2741, %add3A_2740, %select_n3A_2731 : vector<128x128xi1>, vector<128x128xf32>
    %jit3A_2743 = arith.constant 37 : i32
    %broadcast_in_dim3A_2744 = vector.broadcast %jit3A_2743 : i32 to vector<128x128xi32>
    %select_n3A_2745 = arith.select %lt3A_2741, %broadcast_in_dim3A_2744, %select_n3A_2734 : vector<128x128xi1>, vector<128x128xi32>
    %slice3A_2746 = vector.extract_strided_slice %slice3A_2300 {offsets = [0, 4864], sizes = [128, 128], strides = [1, 1]} : vector<128x8192xf32> to vector<128x128xf32>
    %sub3A_2747 = arith.subf %broadcast_in_dim3A_2305, %slice3A_2746 : vector<128x128xf32>
    %slice3A_2748 = vector.extract_strided_slice %get3A_8 {offsets = [0, 4864], sizes = [1, 128], strides = [1, 1]} : vector<1x8192xf32> to vector<1x128xf32>
    %broadcast_in_dim3A_2749 = vector.shape_cast %slice3A_2748 : vector<1x128xf32> to vector<1x128xf32>
    %broadcast_in_dim3A_2750 = vector.broadcast %broadcast_in_dim3A_2749 : vector<1x128xf32> to vector<128x128xf32>
    %add3A_2751 = arith.addf %sub3A_2747, %broadcast_in_dim3A_2750 : vector<128x128xf32>
    %lt3A_2752 = arith.cmpf olt, %add3A_2751, %select_n3A_2742 : vector<128x128xf32>
    %select_n3A_2753 = arith.select %lt3A_2752, %add3A_2751, %select_n3A_2742 : vector<128x128xi1>, vector<128x128xf32>
    %jit3A_2754 = arith.constant 38 : i32
    %broadcast_in_dim3A_2755 = vector.broadcast %jit3A_2754 : i32 to vector<128x128xi32>
    %select_n3A_2756 = arith.select %lt3A_2752, %broadcast_in_dim3A_2755, %select_n3A_2745 : vector<128x128xi1>, vector<128x128xi32>
    %slice3A_2757 = vector.extract_strided_slice %slice3A_2300 {offsets = [0, 4992], sizes = [128, 128], strides = [1, 1]} : vector<128x8192xf32> to vector<128x128xf32>
    %sub3A_2758 = arith.subf %broadcast_in_dim3A_2305, %slice3A_2757 : vector<128x128xf32>
    %slice3A_2759 = vector.extract_strided_slice %get3A_8 {offsets = [0, 4992], sizes = [1, 128], strides = [1, 1]} : vector<1x8192xf32> to vector<1x128xf32>
    %broadcast_in_dim3A_2760 = vector.shape_cast %slice3A_2759 : vector<1x128xf32> to vector<1x128xf32>
    %broadcast_in_dim3A_2761 = vector.broadcast %broadcast_in_dim3A_2760 : vector<1x128xf32> to vector<128x128xf32>
    %add3A_2762 = arith.addf %sub3A_2758, %broadcast_in_dim3A_2761 : vector<128x128xf32>
    %lt3A_2763 = arith.cmpf olt, %add3A_2762, %select_n3A_2753 : vector<128x128xf32>
    %select_n3A_2764 = arith.select %lt3A_2763, %add3A_2762, %select_n3A_2753 : vector<128x128xi1>, vector<128x128xf32>
    %jit3A_2765 = arith.constant 39 : i32
    %broadcast_in_dim3A_2766 = vector.broadcast %jit3A_2765 : i32 to vector<128x128xi32>
    %select_n3A_2767 = arith.select %lt3A_2763, %broadcast_in_dim3A_2766, %select_n3A_2756 : vector<128x128xi1>, vector<128x128xi32>
    %slice3A_2768 = vector.extract_strided_slice %slice3A_2300 {offsets = [0, 5120], sizes = [128, 128], strides = [1, 1]} : vector<128x8192xf32> to vector<128x128xf32>
    %sub3A_2769 = arith.subf %broadcast_in_dim3A_2305, %slice3A_2768 : vector<128x128xf32>
    %slice3A_2770 = vector.extract_strided_slice %get3A_8 {offsets = [0, 5120], sizes = [1, 128], strides = [1, 1]} : vector<1x8192xf32> to vector<1x128xf32>
    %broadcast_in_dim3A_2771 = vector.shape_cast %slice3A_2770 : vector<1x128xf32> to vector<1x128xf32>
    %broadcast_in_dim3A_2772 = vector.broadcast %broadcast_in_dim3A_2771 : vector<1x128xf32> to vector<128x128xf32>
    %add3A_2773 = arith.addf %sub3A_2769, %broadcast_in_dim3A_2772 : vector<128x128xf32>
    %lt3A_2774 = arith.cmpf olt, %add3A_2773, %select_n3A_2764 : vector<128x128xf32>
    %select_n3A_2775 = arith.select %lt3A_2774, %add3A_2773, %select_n3A_2764 : vector<128x128xi1>, vector<128x128xf32>
    %jit3A_2776 = arith.constant 40 : i32
    %broadcast_in_dim3A_2777 = vector.broadcast %jit3A_2776 : i32 to vector<128x128xi32>
    %select_n3A_2778 = arith.select %lt3A_2774, %broadcast_in_dim3A_2777, %select_n3A_2767 : vector<128x128xi1>, vector<128x128xi32>
    %slice3A_2779 = vector.extract_strided_slice %slice3A_2300 {offsets = [0, 5248], sizes = [128, 128], strides = [1, 1]} : vector<128x8192xf32> to vector<128x128xf32>
    %sub3A_2780 = arith.subf %broadcast_in_dim3A_2305, %slice3A_2779 : vector<128x128xf32>
    %slice3A_2781 = vector.extract_strided_slice %get3A_8 {offsets = [0, 5248], sizes = [1, 128], strides = [1, 1]} : vector<1x8192xf32> to vector<1x128xf32>
    %broadcast_in_dim3A_2782 = vector.shape_cast %slice3A_2781 : vector<1x128xf32> to vector<1x128xf32>
    %broadcast_in_dim3A_2783 = vector.broadcast %broadcast_in_dim3A_2782 : vector<1x128xf32> to vector<128x128xf32>
    %add3A_2784 = arith.addf %sub3A_2780, %broadcast_in_dim3A_2783 : vector<128x128xf32>
    %lt3A_2785 = arith.cmpf olt, %add3A_2784, %select_n3A_2775 : vector<128x128xf32>
    %select_n3A_2786 = arith.select %lt3A_2785, %add3A_2784, %select_n3A_2775 : vector<128x128xi1>, vector<128x128xf32>
    %jit3A_2787 = arith.constant 41 : i32
    %broadcast_in_dim3A_2788 = vector.broadcast %jit3A_2787 : i32 to vector<128x128xi32>
    %select_n3A_2789 = arith.select %lt3A_2785, %broadcast_in_dim3A_2788, %select_n3A_2778 : vector<128x128xi1>, vector<128x128xi32>
    %slice3A_2790 = vector.extract_strided_slice %slice3A_2300 {offsets = [0, 5376], sizes = [128, 128], strides = [1, 1]} : vector<128x8192xf32> to vector<128x128xf32>
    %sub3A_2791 = arith.subf %broadcast_in_dim3A_2305, %slice3A_2790 : vector<128x128xf32>
    %slice3A_2792 = vector.extract_strided_slice %get3A_8 {offsets = [0, 5376], sizes = [1, 128], strides = [1, 1]} : vector<1x8192xf32> to vector<1x128xf32>
    %broadcast_in_dim3A_2793 = vector.shape_cast %slice3A_2792 : vector<1x128xf32> to vector<1x128xf32>
    %broadcast_in_dim3A_2794 = vector.broadcast %broadcast_in_dim3A_2793 : vector<1x128xf32> to vector<128x128xf32>
    %add3A_2795 = arith.addf %sub3A_2791, %broadcast_in_dim3A_2794 : vector<128x128xf32>
    %lt3A_2796 = arith.cmpf olt, %add3A_2795, %select_n3A_2786 : vector<128x128xf32>
    %select_n3A_2797 = arith.select %lt3A_2796, %add3A_2795, %select_n3A_2786 : vector<128x128xi1>, vector<128x128xf32>
    %jit3A_2798 = arith.constant 42 : i32
    %broadcast_in_dim3A_2799 = vector.broadcast %jit3A_2798 : i32 to vector<128x128xi32>
    %select_n3A_2800 = arith.select %lt3A_2796, %broadcast_in_dim3A_2799, %select_n3A_2789 : vector<128x128xi1>, vector<128x128xi32>
    %slice3A_2801 = vector.extract_strided_slice %slice3A_2300 {offsets = [0, 5504], sizes = [128, 128], strides = [1, 1]} : vector<128x8192xf32> to vector<128x128xf32>
    %sub3A_2802 = arith.subf %broadcast_in_dim3A_2305, %slice3A_2801 : vector<128x128xf32>
    %slice3A_2803 = vector.extract_strided_slice %get3A_8 {offsets = [0, 5504], sizes = [1, 128], strides = [1, 1]} : vector<1x8192xf32> to vector<1x128xf32>
    %broadcast_in_dim3A_2804 = vector.shape_cast %slice3A_2803 : vector<1x128xf32> to vector<1x128xf32>
    %broadcast_in_dim3A_2805 = vector.broadcast %broadcast_in_dim3A_2804 : vector<1x128xf32> to vector<128x128xf32>
    %add3A_2806 = arith.addf %sub3A_2802, %broadcast_in_dim3A_2805 : vector<128x128xf32>
    %lt3A_2807 = arith.cmpf olt, %add3A_2806, %select_n3A_2797 : vector<128x128xf32>
    %select_n3A_2808 = arith.select %lt3A_2807, %add3A_2806, %select_n3A_2797 : vector<128x128xi1>, vector<128x128xf32>
    %jit3A_2809 = arith.constant 43 : i32
    %broadcast_in_dim3A_2810 = vector.broadcast %jit3A_2809 : i32 to vector<128x128xi32>
    %select_n3A_2811 = arith.select %lt3A_2807, %broadcast_in_dim3A_2810, %select_n3A_2800 : vector<128x128xi1>, vector<128x128xi32>
    %slice3A_2812 = vector.extract_strided_slice %slice3A_2300 {offsets = [0, 5632], sizes = [128, 128], strides = [1, 1]} : vector<128x8192xf32> to vector<128x128xf32>
    %sub3A_2813 = arith.subf %broadcast_in_dim3A_2305, %slice3A_2812 : vector<128x128xf32>
    %slice3A_2814 = vector.extract_strided_slice %get3A_8 {offsets = [0, 5632], sizes = [1, 128], strides = [1, 1]} : vector<1x8192xf32> to vector<1x128xf32>
    %broadcast_in_dim3A_2815 = vector.shape_cast %slice3A_2814 : vector<1x128xf32> to vector<1x128xf32>
    %broadcast_in_dim3A_2816 = vector.broadcast %broadcast_in_dim3A_2815 : vector<1x128xf32> to vector<128x128xf32>
    %add3A_2817 = arith.addf %sub3A_2813, %broadcast_in_dim3A_2816 : vector<128x128xf32>
    %lt3A_2818 = arith.cmpf olt, %add3A_2817, %select_n3A_2808 : vector<128x128xf32>
    %select_n3A_2819 = arith.select %lt3A_2818, %add3A_2817, %select_n3A_2808 : vector<128x128xi1>, vector<128x128xf32>
    %jit3A_2820 = arith.constant 44 : i32
    %broadcast_in_dim3A_2821 = vector.broadcast %jit3A_2820 : i32 to vector<128x128xi32>
    %select_n3A_2822 = arith.select %lt3A_2818, %broadcast_in_dim3A_2821, %select_n3A_2811 : vector<128x128xi1>, vector<128x128xi32>
    %slice3A_2823 = vector.extract_strided_slice %slice3A_2300 {offsets = [0, 5760], sizes = [128, 128], strides = [1, 1]} : vector<128x8192xf32> to vector<128x128xf32>
    %sub3A_2824 = arith.subf %broadcast_in_dim3A_2305, %slice3A_2823 : vector<128x128xf32>
    %slice3A_2825 = vector.extract_strided_slice %get3A_8 {offsets = [0, 5760], sizes = [1, 128], strides = [1, 1]} : vector<1x8192xf32> to vector<1x128xf32>
    %broadcast_in_dim3A_2826 = vector.shape_cast %slice3A_2825 : vector<1x128xf32> to vector<1x128xf32>
    %broadcast_in_dim3A_2827 = vector.broadcast %broadcast_in_dim3A_2826 : vector<1x128xf32> to vector<128x128xf32>
    %add3A_2828 = arith.addf %sub3A_2824, %broadcast_in_dim3A_2827 : vector<128x128xf32>
    %lt3A_2829 = arith.cmpf olt, %add3A_2828, %select_n3A_2819 : vector<128x128xf32>
    %select_n3A_2830 = arith.select %lt3A_2829, %add3A_2828, %select_n3A_2819 : vector<128x128xi1>, vector<128x128xf32>
    %jit3A_2831 = arith.constant 45 : i32
    %broadcast_in_dim3A_2832 = vector.broadcast %jit3A_2831 : i32 to vector<128x128xi32>
    %select_n3A_2833 = arith.select %lt3A_2829, %broadcast_in_dim3A_2832, %select_n3A_2822 : vector<128x128xi1>, vector<128x128xi32>
    %slice3A_2834 = vector.extract_strided_slice %slice3A_2300 {offsets = [0, 5888], sizes = [128, 128], strides = [1, 1]} : vector<128x8192xf32> to vector<128x128xf32>
    %sub3A_2835 = arith.subf %broadcast_in_dim3A_2305, %slice3A_2834 : vector<128x128xf32>
    %slice3A_2836 = vector.extract_strided_slice %get3A_8 {offsets = [0, 5888], sizes = [1, 128], strides = [1, 1]} : vector<1x8192xf32> to vector<1x128xf32>
    %broadcast_in_dim3A_2837 = vector.shape_cast %slice3A_2836 : vector<1x128xf32> to vector<1x128xf32>
    %broadcast_in_dim3A_2838 = vector.broadcast %broadcast_in_dim3A_2837 : vector<1x128xf32> to vector<128x128xf32>
    %add3A_2839 = arith.addf %sub3A_2835, %broadcast_in_dim3A_2838 : vector<128x128xf32>
    %lt3A_2840 = arith.cmpf olt, %add3A_2839, %select_n3A_2830 : vector<128x128xf32>
    %select_n3A_2841 = arith.select %lt3A_2840, %add3A_2839, %select_n3A_2830 : vector<128x128xi1>, vector<128x128xf32>
    %jit3A_2842 = arith.constant 46 : i32
    %broadcast_in_dim3A_2843 = vector.broadcast %jit3A_2842 : i32 to vector<128x128xi32>
    %select_n3A_2844 = arith.select %lt3A_2840, %broadcast_in_dim3A_2843, %select_n3A_2833 : vector<128x128xi1>, vector<128x128xi32>
    %slice3A_2845 = vector.extract_strided_slice %slice3A_2300 {offsets = [0, 6016], sizes = [128, 128], strides = [1, 1]} : vector<128x8192xf32> to vector<128x128xf32>
    %sub3A_2846 = arith.subf %broadcast_in_dim3A_2305, %slice3A_2845 : vector<128x128xf32>
    %slice3A_2847 = vector.extract_strided_slice %get3A_8 {offsets = [0, 6016], sizes = [1, 128], strides = [1, 1]} : vector<1x8192xf32> to vector<1x128xf32>
    %broadcast_in_dim3A_2848 = vector.shape_cast %slice3A_2847 : vector<1x128xf32> to vector<1x128xf32>
    %broadcast_in_dim3A_2849 = vector.broadcast %broadcast_in_dim3A_2848 : vector<1x128xf32> to vector<128x128xf32>
    %add3A_2850 = arith.addf %sub3A_2846, %broadcast_in_dim3A_2849 : vector<128x128xf32>
    %lt3A_2851 = arith.cmpf olt, %add3A_2850, %select_n3A_2841 : vector<128x128xf32>
    %select_n3A_2852 = arith.select %lt3A_2851, %add3A_2850, %select_n3A_2841 : vector<128x128xi1>, vector<128x128xf32>
    %jit3A_2853 = arith.constant 47 : i32
    %broadcast_in_dim3A_2854 = vector.broadcast %jit3A_2853 : i32 to vector<128x128xi32>
    %select_n3A_2855 = arith.select %lt3A_2851, %broadcast_in_dim3A_2854, %select_n3A_2844 : vector<128x128xi1>, vector<128x128xi32>
    %slice3A_2856 = vector.extract_strided_slice %slice3A_2300 {offsets = [0, 6144], sizes = [128, 128], strides = [1, 1]} : vector<128x8192xf32> to vector<128x128xf32>
    %sub3A_2857 = arith.subf %broadcast_in_dim3A_2305, %slice3A_2856 : vector<128x128xf32>
    %slice3A_2858 = vector.extract_strided_slice %get3A_8 {offsets = [0, 6144], sizes = [1, 128], strides = [1, 1]} : vector<1x8192xf32> to vector<1x128xf32>
    %broadcast_in_dim3A_2859 = vector.shape_cast %slice3A_2858 : vector<1x128xf32> to vector<1x128xf32>
    %broadcast_in_dim3A_2860 = vector.broadcast %broadcast_in_dim3A_2859 : vector<1x128xf32> to vector<128x128xf32>
    %add3A_2861 = arith.addf %sub3A_2857, %broadcast_in_dim3A_2860 : vector<128x128xf32>
    %lt3A_2862 = arith.cmpf olt, %add3A_2861, %select_n3A_2852 : vector<128x128xf32>
    %select_n3A_2863 = arith.select %lt3A_2862, %add3A_2861, %select_n3A_2852 : vector<128x128xi1>, vector<128x128xf32>
    %jit3A_2864 = arith.constant 48 : i32
    %broadcast_in_dim3A_2865 = vector.broadcast %jit3A_2864 : i32 to vector<128x128xi32>
    %select_n3A_2866 = arith.select %lt3A_2862, %broadcast_in_dim3A_2865, %select_n3A_2855 : vector<128x128xi1>, vector<128x128xi32>
    %slice3A_2867 = vector.extract_strided_slice %slice3A_2300 {offsets = [0, 6272], sizes = [128, 128], strides = [1, 1]} : vector<128x8192xf32> to vector<128x128xf32>
    %sub3A_2868 = arith.subf %broadcast_in_dim3A_2305, %slice3A_2867 : vector<128x128xf32>
    %slice3A_2869 = vector.extract_strided_slice %get3A_8 {offsets = [0, 6272], sizes = [1, 128], strides = [1, 1]} : vector<1x8192xf32> to vector<1x128xf32>
    %broadcast_in_dim3A_2870 = vector.shape_cast %slice3A_2869 : vector<1x128xf32> to vector<1x128xf32>
    %broadcast_in_dim3A_2871 = vector.broadcast %broadcast_in_dim3A_2870 : vector<1x128xf32> to vector<128x128xf32>
    %add3A_2872 = arith.addf %sub3A_2868, %broadcast_in_dim3A_2871 : vector<128x128xf32>
    %lt3A_2873 = arith.cmpf olt, %add3A_2872, %select_n3A_2863 : vector<128x128xf32>
    %select_n3A_2874 = arith.select %lt3A_2873, %add3A_2872, %select_n3A_2863 : vector<128x128xi1>, vector<128x128xf32>
    %jit3A_2875 = arith.constant 49 : i32
    %broadcast_in_dim3A_2876 = vector.broadcast %jit3A_2875 : i32 to vector<128x128xi32>
    %select_n3A_2877 = arith.select %lt3A_2873, %broadcast_in_dim3A_2876, %select_n3A_2866 : vector<128x128xi1>, vector<128x128xi32>
    %slice3A_2878 = vector.extract_strided_slice %slice3A_2300 {offsets = [0, 6400], sizes = [128, 128], strides = [1, 1]} : vector<128x8192xf32> to vector<128x128xf32>
    %sub3A_2879 = arith.subf %broadcast_in_dim3A_2305, %slice3A_2878 : vector<128x128xf32>
    %slice3A_2880 = vector.extract_strided_slice %get3A_8 {offsets = [0, 6400], sizes = [1, 128], strides = [1, 1]} : vector<1x8192xf32> to vector<1x128xf32>
    %broadcast_in_dim3A_2881 = vector.shape_cast %slice3A_2880 : vector<1x128xf32> to vector<1x128xf32>
    %broadcast_in_dim3A_2882 = vector.broadcast %broadcast_in_dim3A_2881 : vector<1x128xf32> to vector<128x128xf32>
    %add3A_2883 = arith.addf %sub3A_2879, %broadcast_in_dim3A_2882 : vector<128x128xf32>
    %lt3A_2884 = arith.cmpf olt, %add3A_2883, %select_n3A_2874 : vector<128x128xf32>
    %select_n3A_2885 = arith.select %lt3A_2884, %add3A_2883, %select_n3A_2874 : vector<128x128xi1>, vector<128x128xf32>
    %jit3A_2886 = arith.constant 50 : i32
    %broadcast_in_dim3A_2887 = vector.broadcast %jit3A_2886 : i32 to vector<128x128xi32>
    %select_n3A_2888 = arith.select %lt3A_2884, %broadcast_in_dim3A_2887, %select_n3A_2877 : vector<128x128xi1>, vector<128x128xi32>
    %slice3A_2889 = vector.extract_strided_slice %slice3A_2300 {offsets = [0, 6528], sizes = [128, 128], strides = [1, 1]} : vector<128x8192xf32> to vector<128x128xf32>
    %sub3A_2890 = arith.subf %broadcast_in_dim3A_2305, %slice3A_2889 : vector<128x128xf32>
    %slice3A_2891 = vector.extract_strided_slice %get3A_8 {offsets = [0, 6528], sizes = [1, 128], strides = [1, 1]} : vector<1x8192xf32> to vector<1x128xf32>
    %broadcast_in_dim3A_2892 = vector.shape_cast %slice3A_2891 : vector<1x128xf32> to vector<1x128xf32>
    %broadcast_in_dim3A_2893 = vector.broadcast %broadcast_in_dim3A_2892 : vector<1x128xf32> to vector<128x128xf32>
    %add3A_2894 = arith.addf %sub3A_2890, %broadcast_in_dim3A_2893 : vector<128x128xf32>
    %lt3A_2895 = arith.cmpf olt, %add3A_2894, %select_n3A_2885 : vector<128x128xf32>
    %select_n3A_2896 = arith.select %lt3A_2895, %add3A_2894, %select_n3A_2885 : vector<128x128xi1>, vector<128x128xf32>
    %jit3A_2897 = arith.constant 51 : i32
    %broadcast_in_dim3A_2898 = vector.broadcast %jit3A_2897 : i32 to vector<128x128xi32>
    %select_n3A_2899 = arith.select %lt3A_2895, %broadcast_in_dim3A_2898, %select_n3A_2888 : vector<128x128xi1>, vector<128x128xi32>
    %slice3A_2900 = vector.extract_strided_slice %slice3A_2300 {offsets = [0, 6656], sizes = [128, 128], strides = [1, 1]} : vector<128x8192xf32> to vector<128x128xf32>
    %sub3A_2901 = arith.subf %broadcast_in_dim3A_2305, %slice3A_2900 : vector<128x128xf32>
    %slice3A_2902 = vector.extract_strided_slice %get3A_8 {offsets = [0, 6656], sizes = [1, 128], strides = [1, 1]} : vector<1x8192xf32> to vector<1x128xf32>
    %broadcast_in_dim3A_2903 = vector.shape_cast %slice3A_2902 : vector<1x128xf32> to vector<1x128xf32>
    %broadcast_in_dim3A_2904 = vector.broadcast %broadcast_in_dim3A_2903 : vector<1x128xf32> to vector<128x128xf32>
    %add3A_2905 = arith.addf %sub3A_2901, %broadcast_in_dim3A_2904 : vector<128x128xf32>
    %lt3A_2906 = arith.cmpf olt, %add3A_2905, %select_n3A_2896 : vector<128x128xf32>
    %select_n3A_2907 = arith.select %lt3A_2906, %add3A_2905, %select_n3A_2896 : vector<128x128xi1>, vector<128x128xf32>
    %jit3A_2908 = arith.constant 52 : i32
    %broadcast_in_dim3A_2909 = vector.broadcast %jit3A_2908 : i32 to vector<128x128xi32>
    %select_n3A_2910 = arith.select %lt3A_2906, %broadcast_in_dim3A_2909, %select_n3A_2899 : vector<128x128xi1>, vector<128x128xi32>
    %slice3A_2911 = vector.extract_strided_slice %slice3A_2300 {offsets = [0, 6784], sizes = [128, 128], strides = [1, 1]} : vector<128x8192xf32> to vector<128x128xf32>
    %sub3A_2912 = arith.subf %broadcast_in_dim3A_2305, %slice3A_2911 : vector<128x128xf32>
    %slice3A_2913 = vector.extract_strided_slice %get3A_8 {offsets = [0, 6784], sizes = [1, 128], strides = [1, 1]} : vector<1x8192xf32> to vector<1x128xf32>
    %broadcast_in_dim3A_2914 = vector.shape_cast %slice3A_2913 : vector<1x128xf32> to vector<1x128xf32>
    %broadcast_in_dim3A_2915 = vector.broadcast %broadcast_in_dim3A_2914 : vector<1x128xf32> to vector<128x128xf32>
    %add3A_2916 = arith.addf %sub3A_2912, %broadcast_in_dim3A_2915 : vector<128x128xf32>
    %lt3A_2917 = arith.cmpf olt, %add3A_2916, %select_n3A_2907 : vector<128x128xf32>
    %select_n3A_2918 = arith.select %lt3A_2917, %add3A_2916, %select_n3A_2907 : vector<128x128xi1>, vector<128x128xf32>
    %jit3A_2919 = arith.constant 53 : i32
    %broadcast_in_dim3A_2920 = vector.broadcast %jit3A_2919 : i32 to vector<128x128xi32>
    %select_n3A_2921 = arith.select %lt3A_2917, %broadcast_in_dim3A_2920, %select_n3A_2910 : vector<128x128xi1>, vector<128x128xi32>
    %slice3A_2922 = vector.extract_strided_slice %slice3A_2300 {offsets = [0, 6912], sizes = [128, 128], strides = [1, 1]} : vector<128x8192xf32> to vector<128x128xf32>
    %sub3A_2923 = arith.subf %broadcast_in_dim3A_2305, %slice3A_2922 : vector<128x128xf32>
    %slice3A_2924 = vector.extract_strided_slice %get3A_8 {offsets = [0, 6912], sizes = [1, 128], strides = [1, 1]} : vector<1x8192xf32> to vector<1x128xf32>
    %broadcast_in_dim3A_2925 = vector.shape_cast %slice3A_2924 : vector<1x128xf32> to vector<1x128xf32>
    %broadcast_in_dim3A_2926 = vector.broadcast %broadcast_in_dim3A_2925 : vector<1x128xf32> to vector<128x128xf32>
    %add3A_2927 = arith.addf %sub3A_2923, %broadcast_in_dim3A_2926 : vector<128x128xf32>
    %lt3A_2928 = arith.cmpf olt, %add3A_2927, %select_n3A_2918 : vector<128x128xf32>
    %select_n3A_2929 = arith.select %lt3A_2928, %add3A_2927, %select_n3A_2918 : vector<128x128xi1>, vector<128x128xf32>
    %jit3A_2930 = arith.constant 54 : i32
    %broadcast_in_dim3A_2931 = vector.broadcast %jit3A_2930 : i32 to vector<128x128xi32>
    %select_n3A_2932 = arith.select %lt3A_2928, %broadcast_in_dim3A_2931, %select_n3A_2921 : vector<128x128xi1>, vector<128x128xi32>
    %slice3A_2933 = vector.extract_strided_slice %slice3A_2300 {offsets = [0, 7040], sizes = [128, 128], strides = [1, 1]} : vector<128x8192xf32> to vector<128x128xf32>
    %sub3A_2934 = arith.subf %broadcast_in_dim3A_2305, %slice3A_2933 : vector<128x128xf32>
    %slice3A_2935 = vector.extract_strided_slice %get3A_8 {offsets = [0, 7040], sizes = [1, 128], strides = [1, 1]} : vector<1x8192xf32> to vector<1x128xf32>
    %broadcast_in_dim3A_2936 = vector.shape_cast %slice3A_2935 : vector<1x128xf32> to vector<1x128xf32>
    %broadcast_in_dim3A_2937 = vector.broadcast %broadcast_in_dim3A_2936 : vector<1x128xf32> to vector<128x128xf32>
    %add3A_2938 = arith.addf %sub3A_2934, %broadcast_in_dim3A_2937 : vector<128x128xf32>
    %lt3A_2939 = arith.cmpf olt, %add3A_2938, %select_n3A_2929 : vector<128x128xf32>
    %select_n3A_2940 = arith.select %lt3A_2939, %add3A_2938, %select_n3A_2929 : vector<128x128xi1>, vector<128x128xf32>
    %jit3A_2941 = arith.constant 55 : i32
    %broadcast_in_dim3A_2942 = vector.broadcast %jit3A_2941 : i32 to vector<128x128xi32>
    %select_n3A_2943 = arith.select %lt3A_2939, %broadcast_in_dim3A_2942, %select_n3A_2932 : vector<128x128xi1>, vector<128x128xi32>
    %slice3A_2944 = vector.extract_strided_slice %slice3A_2300 {offsets = [0, 7168], sizes = [128, 128], strides = [1, 1]} : vector<128x8192xf32> to vector<128x128xf32>
    %sub3A_2945 = arith.subf %broadcast_in_dim3A_2305, %slice3A_2944 : vector<128x128xf32>
    %slice3A_2946 = vector.extract_strided_slice %get3A_8 {offsets = [0, 7168], sizes = [1, 128], strides = [1, 1]} : vector<1x8192xf32> to vector<1x128xf32>
    %broadcast_in_dim3A_2947 = vector.shape_cast %slice3A_2946 : vector<1x128xf32> to vector<1x128xf32>
    %broadcast_in_dim3A_2948 = vector.broadcast %broadcast_in_dim3A_2947 : vector<1x128xf32> to vector<128x128xf32>
    %add3A_2949 = arith.addf %sub3A_2945, %broadcast_in_dim3A_2948 : vector<128x128xf32>
    %lt3A_2950 = arith.cmpf olt, %add3A_2949, %select_n3A_2940 : vector<128x128xf32>
    %select_n3A_2951 = arith.select %lt3A_2950, %add3A_2949, %select_n3A_2940 : vector<128x128xi1>, vector<128x128xf32>
    %jit3A_2952 = arith.constant 56 : i32
    %broadcast_in_dim3A_2953 = vector.broadcast %jit3A_2952 : i32 to vector<128x128xi32>
    %select_n3A_2954 = arith.select %lt3A_2950, %broadcast_in_dim3A_2953, %select_n3A_2943 : vector<128x128xi1>, vector<128x128xi32>
    %slice3A_2955 = vector.extract_strided_slice %slice3A_2300 {offsets = [0, 7296], sizes = [128, 128], strides = [1, 1]} : vector<128x8192xf32> to vector<128x128xf32>
    %sub3A_2956 = arith.subf %broadcast_in_dim3A_2305, %slice3A_2955 : vector<128x128xf32>
    %slice3A_2957 = vector.extract_strided_slice %get3A_8 {offsets = [0, 7296], sizes = [1, 128], strides = [1, 1]} : vector<1x8192xf32> to vector<1x128xf32>
    %broadcast_in_dim3A_2958 = vector.shape_cast %slice3A_2957 : vector<1x128xf32> to vector<1x128xf32>
    %broadcast_in_dim3A_2959 = vector.broadcast %broadcast_in_dim3A_2958 : vector<1x128xf32> to vector<128x128xf32>
    %add3A_2960 = arith.addf %sub3A_2956, %broadcast_in_dim3A_2959 : vector<128x128xf32>
    %lt3A_2961 = arith.cmpf olt, %add3A_2960, %select_n3A_2951 : vector<128x128xf32>
    %select_n3A_2962 = arith.select %lt3A_2961, %add3A_2960, %select_n3A_2951 : vector<128x128xi1>, vector<128x128xf32>
    %jit3A_2963 = arith.constant 57 : i32
    %broadcast_in_dim3A_2964 = vector.broadcast %jit3A_2963 : i32 to vector<128x128xi32>
    %select_n3A_2965 = arith.select %lt3A_2961, %broadcast_in_dim3A_2964, %select_n3A_2954 : vector<128x128xi1>, vector<128x128xi32>
    %slice3A_2966 = vector.extract_strided_slice %slice3A_2300 {offsets = [0, 7424], sizes = [128, 128], strides = [1, 1]} : vector<128x8192xf32> to vector<128x128xf32>
    %sub3A_2967 = arith.subf %broadcast_in_dim3A_2305, %slice3A_2966 : vector<128x128xf32>
    %slice3A_2968 = vector.extract_strided_slice %get3A_8 {offsets = [0, 7424], sizes = [1, 128], strides = [1, 1]} : vector<1x8192xf32> to vector<1x128xf32>
    %broadcast_in_dim3A_2969 = vector.shape_cast %slice3A_2968 : vector<1x128xf32> to vector<1x128xf32>
    %broadcast_in_dim3A_2970 = vector.broadcast %broadcast_in_dim3A_2969 : vector<1x128xf32> to vector<128x128xf32>
    %add3A_2971 = arith.addf %sub3A_2967, %broadcast_in_dim3A_2970 : vector<128x128xf32>
    %lt3A_2972 = arith.cmpf olt, %add3A_2971, %select_n3A_2962 : vector<128x128xf32>
    %select_n3A_2973 = arith.select %lt3A_2972, %add3A_2971, %select_n3A_2962 : vector<128x128xi1>, vector<128x128xf32>
    %jit3A_2974 = arith.constant 58 : i32
    %broadcast_in_dim3A_2975 = vector.broadcast %jit3A_2974 : i32 to vector<128x128xi32>
    %select_n3A_2976 = arith.select %lt3A_2972, %broadcast_in_dim3A_2975, %select_n3A_2965 : vector<128x128xi1>, vector<128x128xi32>
    %slice3A_2977 = vector.extract_strided_slice %slice3A_2300 {offsets = [0, 7552], sizes = [128, 128], strides = [1, 1]} : vector<128x8192xf32> to vector<128x128xf32>
    %sub3A_2978 = arith.subf %broadcast_in_dim3A_2305, %slice3A_2977 : vector<128x128xf32>
    %slice3A_2979 = vector.extract_strided_slice %get3A_8 {offsets = [0, 7552], sizes = [1, 128], strides = [1, 1]} : vector<1x8192xf32> to vector<1x128xf32>
    %broadcast_in_dim3A_2980 = vector.shape_cast %slice3A_2979 : vector<1x128xf32> to vector<1x128xf32>
    %broadcast_in_dim3A_2981 = vector.broadcast %broadcast_in_dim3A_2980 : vector<1x128xf32> to vector<128x128xf32>
    %add3A_2982 = arith.addf %sub3A_2978, %broadcast_in_dim3A_2981 : vector<128x128xf32>
    %lt3A_2983 = arith.cmpf olt, %add3A_2982, %select_n3A_2973 : vector<128x128xf32>
    %select_n3A_2984 = arith.select %lt3A_2983, %add3A_2982, %select_n3A_2973 : vector<128x128xi1>, vector<128x128xf32>
    %jit3A_2985 = arith.constant 59 : i32
    %broadcast_in_dim3A_2986 = vector.broadcast %jit3A_2985 : i32 to vector<128x128xi32>
    %select_n3A_2987 = arith.select %lt3A_2983, %broadcast_in_dim3A_2986, %select_n3A_2976 : vector<128x128xi1>, vector<128x128xi32>
    %slice3A_2988 = vector.extract_strided_slice %slice3A_2300 {offsets = [0, 7680], sizes = [128, 128], strides = [1, 1]} : vector<128x8192xf32> to vector<128x128xf32>
    %sub3A_2989 = arith.subf %broadcast_in_dim3A_2305, %slice3A_2988 : vector<128x128xf32>
    %slice3A_2990 = vector.extract_strided_slice %get3A_8 {offsets = [0, 7680], sizes = [1, 128], strides = [1, 1]} : vector<1x8192xf32> to vector<1x128xf32>
    %broadcast_in_dim3A_2991 = vector.shape_cast %slice3A_2990 : vector<1x128xf32> to vector<1x128xf32>
    %broadcast_in_dim3A_2992 = vector.broadcast %broadcast_in_dim3A_2991 : vector<1x128xf32> to vector<128x128xf32>
    %add3A_2993 = arith.addf %sub3A_2989, %broadcast_in_dim3A_2992 : vector<128x128xf32>
    %lt3A_2994 = arith.cmpf olt, %add3A_2993, %select_n3A_2984 : vector<128x128xf32>
    %select_n3A_2995 = arith.select %lt3A_2994, %add3A_2993, %select_n3A_2984 : vector<128x128xi1>, vector<128x128xf32>
    %jit3A_2996 = arith.constant 60 : i32
    %broadcast_in_dim3A_2997 = vector.broadcast %jit3A_2996 : i32 to vector<128x128xi32>
    %select_n3A_2998 = arith.select %lt3A_2994, %broadcast_in_dim3A_2997, %select_n3A_2987 : vector<128x128xi1>, vector<128x128xi32>
    %slice3A_2999 = vector.extract_strided_slice %slice3A_2300 {offsets = [0, 7808], sizes = [128, 128], strides = [1, 1]} : vector<128x8192xf32> to vector<128x128xf32>
    %sub3A_3000 = arith.subf %broadcast_in_dim3A_2305, %slice3A_2999 : vector<128x128xf32>
    %slice3A_3001 = vector.extract_strided_slice %get3A_8 {offsets = [0, 7808], sizes = [1, 128], strides = [1, 1]} : vector<1x8192xf32> to vector<1x128xf32>
    %broadcast_in_dim3A_3002 = vector.shape_cast %slice3A_3001 : vector<1x128xf32> to vector<1x128xf32>
    %broadcast_in_dim3A_3003 = vector.broadcast %broadcast_in_dim3A_3002 : vector<1x128xf32> to vector<128x128xf32>
    %add3A_3004 = arith.addf %sub3A_3000, %broadcast_in_dim3A_3003 : vector<128x128xf32>
    %lt3A_3005 = arith.cmpf olt, %add3A_3004, %select_n3A_2995 : vector<128x128xf32>
    %select_n3A_3006 = arith.select %lt3A_3005, %add3A_3004, %select_n3A_2995 : vector<128x128xi1>, vector<128x128xf32>
    %jit3A_3007 = arith.constant 61 : i32
    %broadcast_in_dim3A_3008 = vector.broadcast %jit3A_3007 : i32 to vector<128x128xi32>
    %select_n3A_3009 = arith.select %lt3A_3005, %broadcast_in_dim3A_3008, %select_n3A_2998 : vector<128x128xi1>, vector<128x128xi32>
    %slice3A_3010 = vector.extract_strided_slice %slice3A_2300 {offsets = [0, 7936], sizes = [128, 128], strides = [1, 1]} : vector<128x8192xf32> to vector<128x128xf32>
    %sub3A_3011 = arith.subf %broadcast_in_dim3A_2305, %slice3A_3010 : vector<128x128xf32>
    %slice3A_3012 = vector.extract_strided_slice %get3A_8 {offsets = [0, 7936], sizes = [1, 128], strides = [1, 1]} : vector<1x8192xf32> to vector<1x128xf32>
    %broadcast_in_dim3A_3013 = vector.shape_cast %slice3A_3012 : vector<1x128xf32> to vector<1x128xf32>
    %broadcast_in_dim3A_3014 = vector.broadcast %broadcast_in_dim3A_3013 : vector<1x128xf32> to vector<128x128xf32>
    %add3A_3015 = arith.addf %sub3A_3011, %broadcast_in_dim3A_3014 : vector<128x128xf32>
    %lt3A_3016 = arith.cmpf olt, %add3A_3015, %select_n3A_3006 : vector<128x128xf32>
    %select_n3A_3017 = arith.select %lt3A_3016, %add3A_3015, %select_n3A_3006 : vector<128x128xi1>, vector<128x128xf32>
    %jit3A_3018 = arith.constant 62 : i32
    %broadcast_in_dim3A_3019 = vector.broadcast %jit3A_3018 : i32 to vector<128x128xi32>
    %select_n3A_3020 = arith.select %lt3A_3016, %broadcast_in_dim3A_3019, %select_n3A_3009 : vector<128x128xi1>, vector<128x128xi32>
    %slice3A_3021 = vector.extract_strided_slice %slice3A_2300 {offsets = [0, 8064], sizes = [128, 128], strides = [1, 1]} : vector<128x8192xf32> to vector<128x128xf32>
    %sub3A_3022 = arith.subf %broadcast_in_dim3A_2305, %slice3A_3021 : vector<128x128xf32>
    %slice3A_3023 = vector.extract_strided_slice %get3A_8 {offsets = [0, 8064], sizes = [1, 128], strides = [1, 1]} : vector<1x8192xf32> to vector<1x128xf32>
    %broadcast_in_dim3A_3024 = vector.shape_cast %slice3A_3023 : vector<1x128xf32> to vector<1x128xf32>
    %broadcast_in_dim3A_3025 = vector.broadcast %broadcast_in_dim3A_3024 : vector<1x128xf32> to vector<128x128xf32>
    %add3A_3026 = arith.addf %sub3A_3022, %broadcast_in_dim3A_3025 : vector<128x128xf32>
    %lt3A_3027 = arith.cmpf olt, %add3A_3026, %select_n3A_3017 : vector<128x128xf32>
    %select_n3A_3028 = arith.select %lt3A_3027, %add3A_3026, %select_n3A_3017 : vector<128x128xi1>, vector<128x128xf32>
    %jit3A_3029 = arith.constant 63 : i32
    %broadcast_in_dim3A_3030 = vector.broadcast %jit3A_3029 : i32 to vector<128x128xi32>
    %select_n3A_3031 = arith.select %lt3A_3027, %broadcast_in_dim3A_3030, %select_n3A_3020 : vector<128x128xi1>, vector<128x128xi32>
    %reduce_min3A_3032 = arith.constant dense<0x7F800000> : vector<128xf32>
    %reduce_min3A_3033 = vector.multi_reduction <minimumf>, %select_n3A_3028, %reduce_min3A_3032 [1] : vector<128x128xf32> to vector<128xf32>
    %broadcast_in_dim3A_3034 = vector.shape_cast %reduce_min3A_3033 : vector<128xf32> to vector<128x1xf32>
    %mul3A_3035 = arith.constant 128 : i32
    %mul3A_3036 = vector.broadcast %mul3A_3035 : i32 to vector<128x128xi32>
    %mul3A_3037 = arith.muli %select_n3A_3031, %mul3A_3036 : vector<128x128xi32>
    %add3A_3038 = arith.addi %mul3A_3037, %iota3A : vector<128x128xi32>
    %eq3A_3039 = vector.broadcast %broadcast_in_dim3A_3034 : vector<128x1xf32> to vector<128x128xf32>
    %eq3A_3040 = arith.cmpf oeq, %select_n3A_3028, %eq3A_3039 : vector<128x128xf32>
    %jit3A_3041 = arith.constant 8192 : i32
    %broadcast_in_dim3A_3042 = vector.broadcast %jit3A_3041 : i32 to vector<128x128xi32>
    %select_n3A_3043 = arith.select %eq3A_3040, %add3A_3038, %broadcast_in_dim3A_3042 : vector<128x128xi1>, vector<128x128xi32>
    %reduce_min3A_3044 = arith.constant dense<2147483647> : vector<128xi32>
    %reduce_min3A_3045 = vector.multi_reduction <minsi>, %select_n3A_3043, %reduce_min3A_3044 [1] : vector<128x128xi32> to vector<128xi32>
    %convert_element_type3A_3046 = arith.truncf %broadcast_in_dim3A_2664 : vector<128x1xf32> to vector<128x1xbf16>
    %convert_element_type3A_3047 = arith.extf %convert_element_type3A_3046 : vector<128x1xbf16> to vector<128x1xf32>
    %lt3A_3048 = arith.cmpf olt, %broadcast_in_dim3A_3034, %convert_element_type3A_3047 : vector<128x1xf32>
    %squeeze3A_3049 = vector.shape_cast %lt3A_3048 : vector<128x1xi1> to vector<128xi1>
    %select_n3A_3050 = arith.select %squeeze3A_3049, %reduce_min3A_3045, %reduce_min3A_2675 : vector<128xi1>, vector<128xi32>
    %swap3A_3051 = arith.constant 0 : index
    %swap3A_3052 = arith.constant 0 : index
    %swap3A_3053 = arith.constant 384 : index
    %swap3A_3054 = vector.load %arg5[%swap3A_3051, %swap3A_3052, %swap3A_3053] : memref<1x1x512xi32, #tpu.memory_space<vmem>>, vector<1x1x128xi32>
    %swap3A_3055 = vector.shape_cast %swap3A_3054 : vector<1x1x128xi32> to vector<128xi32>
    %swap3A_3056 = vector.shape_cast %select_n3A_3050 : vector<128xi32> to vector<1x1x128xi32>
    tpu.vector_store %arg5[%swap3A_3051, %swap3A_3052, %swap3A_3053], %swap3A_3056 {strides = array<i32>} : memref<1x1x512xi32, #tpu.memory_space<vmem>>, vector<1x1x128xi32>,
    %squeeze3A_3057 = vector.shape_cast %lt3A_3048 : vector<128x1xi1> to vector<128xi1>
    %squeeze3A_3058 = vector.shape_cast %broadcast_in_dim3A_3034 : vector<128x1xf32> to vector<128xf32>
    %squeeze3A_3059 = vector.shape_cast %broadcast_in_dim3A_2664 : vector<128x1xf32> to vector<128xf32>
    %select_n3A_3060 = arith.select %squeeze3A_3057, %squeeze3A_3058, %squeeze3A_3059 : vector<128xi1>, vector<128xf32>
    %reduce_sum3A_3061 = vector.shape_cast %select_n3A_3060 : vector<128xf32> to vector<1x128xf32>
    %reduce_sum3A_3062 = arith.constant dense<0.000000e+00> : vector<1xf32>
    %reduce_sum3A_3063 = vector.multi_reduction <add>, %reduce_sum3A_3061, %reduce_sum3A_3062 [1] : vector<1x128xf32> to vector<1xf32>
    %reduce_sum3A_3064 = vector.shape_cast %reduce_sum3A_3063 : vector<1xf32> to vector<1x1xf32>
    %reduce_sum3A_3065 = vector.extract %reduce_sum3A_3064[0, 0] : f32 from vector<1x1xf32>
    %reshape3A_3066 = vector.broadcast %reduce_sum3A_3065 : f32 to vector<1x1xf32>
    %add3A_3067 = arith.addf %add3A_2299, %reshape3A_3066 : vector<1x1xf32>
    %eq3A_3068 = arith.constant 0 : i32
    %eq3A_3069 = arith.cmpi eq, %arg0, %eq3A_3068 : i32
    %convert_element_type3A_3070 = arith.extui %eq3A_3069 : i1 to i32
    %cond3A = arith.constant 0 : i32
    %cond3A_3071 = arith.cmpi ne, %convert_element_type3A_3070, %cond3A : i32
    scf.if %cond3A_3071 {
      %broadcast_in_dim3A_3079 = arith.constant 0.000000e+00 : f32
      %broadcast_in_dim3A_3080 = vector.broadcast %broadcast_in_dim3A_3079 : f32 to vector<1x1xf32>
      %swap3A_3081 = arith.constant 0 : index
      %swap3A_3082 = arith.constant 0 : index
      %swap3A_3083 = vector.load %arg6[%swap3A_3081, %swap3A_3082] : memref<1x1xf32, #tpu.memory_space<vmem>>, vector<1x1xf32>
      tpu.vector_store %arg6[%swap3A_3081, %swap3A_3082], %broadcast_in_dim3A_3080 {strides = array<i32>} : memref<1x1xf32, #tpu.memory_space<vmem>>, vector<1x1xf32>,
    } else {
    }
    %get3A_3072 = arith.constant 0 : index
    %get3A_3073 = arith.constant 0 : index
    %get3A_3074 = vector.load %arg6[%get3A_3072, %get3A_3073] : memref<1x1xf32, #tpu.memory_space<vmem>>, vector<1x1xf32>
    %add3A_3075 = arith.addf %get3A_3074, %add3A_3067 : vector<1x1xf32>
    %swap3A_3076 = arith.constant 0 : index
    %swap3A_3077 = arith.constant 0 : index
    %swap3A_3078 = vector.load %arg6[%swap3A_3076, %swap3A_3077] : memref<1x1xf32, #tpu.memory_space<vmem>>, vector<1x1xf32>
    tpu.vector_store %arg6[%swap3A_3076, %swap3A_3077], %add3A_3075 {strides = array<i32>} : memref<1x1xf32, #tpu.memory_space<vmem>>, vector<1x1xf32>,
    return
  }
  func.func @transform_0(%arg0: i32) -> (i32, i32) {
    %c0_i32 = arith.constant 0 : i32
    %c0_i32_0 = arith.constant 0 : i32
    return %arg0, %c0_i32 : i32, i32
  }
  func.func @transform_1(%arg0: i32) -> (i32, i32) {
    %c0_i32 = arith.constant 0 : i32
    %c0_i32_0 = arith.constant 0 : i32
    return %arg0, %c0_i32 : i32, i32
  }
  func.func @transform_2(%arg0: i32) -> (i32, i32) {
    %c0_i32 = arith.constant 0 : i32
    %c0_i32_0 = arith.constant 0 : i32
    %c0_i32_1 = arith.constant 0 : i32
    return %c0_i32, %c0_i32_0 : i32, i32
  }
  func.func @transform_3(%arg0: i32) -> (i32, i32) {
    %c0_i32 = arith.constant 0 : i32
    %c0_i32_0 = arith.constant 0 : i32
    %c0_i32_1 = arith.constant 0 : i32
    return %c0_i32, %c0_i32_0 : i32, i32
  }
  func.func @transform_4(%arg0: i32) -> (i32, i32, i32) {
    %c0_i32 = arith.constant 0 : i32
    %c0_i32_0 = arith.constant 0 : i32
    %c0_i32_1 = arith.constant 0 : i32
    return %arg0, %c0_i32, %c0_i32_0 : i32, i32, i32
  }
  func.func @transform_5(%arg0: i32) -> (i32, i32) {
    %c0_i32 = arith.constant 0 : i32
    %c0_i32_0 = arith.constant 0 : i32
    %c0_i32_1 = arith.constant 0 : i32
    return %c0_i32, %c0_i32_0 : i32, i32
  }
}

</mosaic_0001>

<sc_bundles>
// kernel: kernel.6.cloned.1.call-start
scs
__scs_entry_jumppad:
0x0: {  	(pc) =	sbr.rel $0x88, $3  }
0x1: {  	(tag) =	ssettag $0x0;
	lr =	simm.s32 $0x1  }
0x2: {  	[smem:$0x3F9F] =	sst lr;
	_ =	strace $0xD0000000  }
0x3: {  	_ = 	snop  }
0x4: {  	_ = 	snop  }
0x5: {  	_ = 	snop  }
0x6: {  	_ = 	snop  }
0x7: {  	_ = 	snop  }
__scs_overlays_trampoline_lowered:
0x8: {  	[smem:$0x3FAE] =	sst s0  }
0x9: {  	[smem:$0x3FAF] =	sst s1  }
0xa: {  	[smem:$0x3FB0] =	sst s2  }
0xb: {  	[smem:$0x3FB1] =	sst s3  }
0xc: {  	[smem:$0x3FB2] =	sst s4  }
0xd: {  	[smem:$0x3FB3] =	sst s5  }
0xe: {  	[smem:$0x3FB4] =	sst s6  }
0xf: {  	[smem:$0x3FB5] =	sst s7  }
0x10: {  	[smem:$0x3FB6] =	sst s8  }
0x11: {  	[smem:$0x3FB7] =	sst s9;
	s0 =	simm.s32 @!p0 $0x0  }
0x12: {  	s1 =	sld [smem:$0x3F9D];
	s0 =	simm.s32 @p0 $0x1  }
0x13: {  	[smem:$0x3FB8] =	sst s0;
	s0 =	simm.s32 @!p1 $0x0  }
0x14: {  	s2 =	sld [smem:$0x3F9C];
	s0 =	simm.s32 @p1 $0x1  }
0x15: {  	[smem:$0x3FB9] =	sst s0;
	s0 =	simm.s32 @!p2 $0x0  }
0x16: {  	s3 =	sld [smem:$0x3FDB];
	s0 =	simm.s32 @p2 $0x1  }
0x17: {  	s4 =	simm.s32 $0x1BF5;
	[smem:$0x3FBB] =	sst s0  }
0x18: {  	s0 =	sld [smem:$0x3F9E];
	_ =	swait.ge [sflag:s4], $0x0  }
0x19: {  	s7 =	sld [smem:$0x3F9F]  }
0x1a: {  	s8 =	sadd.s32 $0xFFFFE003, lr  }
0x1b: {  	s9 =	sadd.s32 $0xFFFFFEF7, lr;
	s5 =	simm.s32 $0xFFFFFFFF;
	p2 =	slt.u32 s8, $0xFFFFF086  }
0x1c: {  	p1 =	slt.u32 s9, $0xF7A;
	s5 =	simm.s32 @!p2 $0x0  }
0x1d: {  	s5 =	simm.s32 @p1 $0x1;
	p0 =	seq.s32 s7, s2  }
0x1e: {  	s7 =	smul.u32 @!p0 $0xF7A, s2;
	p2 =	seq.s32 @!p0 s5, $0x0  }
0x1f: {  	s9 =	smul.u32 $0xF7A, s1;
	s8 =	simm.s32 @!p0 $0x1BF5;
	p2 =	por !p2, p0  }
0x20: {  	[sflag:s8] =	ssyncset.s32 @!p0 $0xFFFFF086;
	s6 =	sadd.s32 @!p0 s3, s7;
	s7 =	simm.s32 @!p0 $0x108  }
0x21: {  	s3 =	sadd.s32 s3, s9;
	s6 =	sadd.s32 @!p0 $0x88, s6;
	s7 =	simm.s32 @p2 $0x1082  }
0x22: {  	[simem:s7], [sflag:s8] =	dma.local @!p0 [hbm:s6], $0xF7A  }
0x23: {  	s9 =	sor.u32 $0xD0000000, s2;
	s6 =	simm.s32 $0x108;
	_ =	swait.ge @!p0 [sflag:s8], $0x0  }
0x24: {  	s3 =	sadd.s32 $0x88, s3;
	s6 =	simm.s32 @!p1 $0x1082;
	[sflag:s4] =	ssyncset.s32 $0xFFFFF086  }
0x25: {  	[simem:s6], [sflag:s4] =	dma.local [hbm:s3], $0xF7A  }
0x26: {  	[smem:$0x3F9F] =	sst s1;
	(tag) =	ssettag s2;
	_ =	strace s9  }
0x27: {  	s1 =	sld [smem:$0x3FAF]  }
0x28: {  	s2 =	sld [smem:$0x3FB0]  }
0x29: {  	s4 =	sld [smem:$0x3FB2]  }
0x2a: {  	p0 =	seq.s32 s5, $0x0;
	s5 =	sld [smem:$0x3FB3]  }
0x2b: {  	s6 =	sld [smem:$0x3FB4]  }
0x2c: {  	s7 =	sld [smem:$0x3FB5]  }
0x2d: {  	s3 =	simm.s32 $0x108;
	s8 =	sld [smem:$0x3FB6]  }
0x2e: {  	s3 =	simm.s32 @!p0 $0x1082;
	s9 =	sld [smem:$0x3FB7]  }
0x2f: {  	lr =	sadd.s32 s0, s3;
	s0 =	sld [smem:$0x3FAE]  }
0x30: {  	s3 =	sld [smem:$0x3FB1]  }
0x31: {  	[smem:$0x3FBA] =	sst s10  }
0x32: {  	s10 =	sld [smem:$0x3FB8];
	_ =	sdelay $0x3  }
0x33: {  	p0 =	seq.s32 s10, $0x1;
	s10 =	sld [smem:$0x3FBA];
	_ =	sdelay $0x3  }
0x34: {  	[smem:$0x3FBA] =	sst s10  }
0x35: {  	s10 =	sld [smem:$0x3FB9];
	_ =	sdelay $0x3  }
0x36: {  	p1 =	seq.s32 s10, $0x1;
	s10 =	sld [smem:$0x3FBA];
	_ =	sdelay $0x3  }
0x37: {  	[smem:$0x3FBA] =	sst s10  }
0x38: {  	s10 =	sld [smem:$0x3FBB]  }
0x39: {  	_ = 	snop;
	(pc) =	sbr.ind lr, $3  }
0x3a: {  	_ = 	snop  }
0x3b: {  	_ = 	snop  }
0x3c: {  	p2 =	seq.s32 s10, $0x1;
	s10 =	sld [smem:$0x3FBA]  }
0x3d: {  	_ =	shalt  }
0x3e: {  	_ =	shalt  }
0x3f: {  	_ =	shalt  }
0x40: {  	_ =	shalt  }
0x41: {  	_ =	shalt  }
0x42: {  	_ =	shalt  }
0x43: {  	_ =	shalt  }
0x44: {  	_ =	shalt  }
0x45: {  	_ =	shalt  }
0x46: {  	_ =	shalt  }
0x47: {  	_ =	shalt  }
0x48: {  	_ =	shalt  }
0x49: {  	_ =	shalt  }
0x4a: {  	_ =	shalt  }
0x4b: {  	_ =	shalt  }
0x4c: {  	_ =	shalt  }
0x4d: {  	_ =	shalt  }
0x4e: {  	_ =	shalt  }
0x4f: {  	_ =	shalt  }
0x50: {  	_ =	shalt  }
0x51: {  	_ =	shalt  }
0x52: {  	_ =	shalt  }
0x53: {  	_ =	shalt  }
0x54: {  	_ =	shalt  }
0x55: {  	_ =	shalt  }
0x56: {  	_ =	shalt  }
0x57: {  	_ =	shalt  }
0x58: {  	_ =	shalt  }
0x59: {  	_ =	shalt  }
0x5a: {  	_ =	shalt  }
0x5b: {  	_ =	shalt  }
0x5c: {  	_ =	shalt  }
0x5d: {  	_ =	shalt  }
0x5e: {  	_ =	shalt  }
0x5f: {  	_ =	shalt  }
0x60: {  	_ =	shalt  }
0x61: {  	_ =	shalt  }
0x62: {  	_ =	shalt  }
0x63: {  	_ =	shalt  }
0x64: {  	_ =	shalt  }
0x65: {  	_ =	shalt  }
0x66: {  	_ =	shalt  }
0x67: {  	_ =	shalt  }
0x68: {  	_ =	shalt  }
0x69: {  	_ =	shalt  }
0x6a: {  	_ =	shalt  }
0x6b: {  	_ =	shalt  }
0x6c: {  	_ =	shalt  }
0x6d: {  	_ =	shalt  }
0x6e: {  	_ =	shalt  }
0x6f: {  	_ =	shalt  }
0x70: {  	_ =	shalt  }
0x71: {  	_ =	shalt  }
0x72: {  	_ =	shalt  }
0x73: {  	_ =	shalt  }
0x74: {  	_ =	shalt  }
0x75: {  	_ =	shalt  }
0x76: {  	_ =	shalt  }
0x77: {  	_ =	shalt  }
0x78: {  	_ =	shalt  }
0x79: {  	_ =	shalt  }
0x7a: {  	_ =	shalt  }
0x7b: {  	_ =	shalt  }
0x7c: {  	_ =	shalt  }
0x7d: {  	_ =	shalt  }
0x7e: {  	_ =	shalt  }
0x7f: {  	_ =	shalt  }
0x80: {  	_ =	shalt  }
0x81: {  	_ =	shalt  }
0x82: {  	_ =	shalt  }
0x83: {  	_ =	shalt  }
0x84: {  	_ =	shalt  }
0x85: {  	_ =	shalt  }
0x86: {  	_ =	shalt  }
0x87: {  	_ =	shalt  }
.Lfunc_end0:
.L_simem_size_0:
called_computation_lowered:
.L_overlay_start_0:
0x88: {  	s2 =	sld [smem:$0x3FD9]  }
0x89: {  	s3 =	sld [smem:$0x3FFE];
	_ =	sdelay $0x1  }
0x8a: {  	s1 =	srdreg.scid  }
0x8b: {  	s0 =	sand.u32 $0x1, s1  }
0x8c: {  	s14 =	sshll.u32 s0, $0xA;
	s2 =	sadd.s32 s3, s2  }
0x8d: {  	s2 =	sadd.s32 s2, s14  }
0x8e: {  	[smem:$0x3FC6] =	sst s2  }
0x8f: {  	_ = 	snop  }
0x90: {  	s2 =	sld [smem:$0x3FD0];
	_ =	sdelay $0x2  }
0x91: {  	s15 =	simm.s32 $0xB;
	s4 =	simm.s32 $0x10  }
0x92: {  	[smem:s4], [sflag:s15] =	dma.local [hbm:s2], $0x1  }
0x93: {  	_ =	swait.eq [sflag:s15], $0x1  }
0x94: {  	[sflag:s15] =	ssyncset.done $0x0  }
0x95: {  	[sflag:s15] =	ssyncadd.s32 $0xFFFFFFFF  }
0x96: {  	s16 =	sld [smem:$0x11];
	(tm) =	ssettm $0x1  }
0x97: {  	s17 =	sld [smem:$0x3FFB];
	_ =	sdelay $0x3  }
0x98: {  	_ =	strace s17  }
0x99: {  	s3 =	sld [smem:$0x3FFC];
	_ =	sdelay $0x3  }
0x9a: {  	_ =	strace s3  }
0x9b: {  	s3 =	sld [smem:$0x3FFD];
	_ =	sdelay $0x3  }
0x9c: {  	_ =	strace s3  }
0x9d: {  	_ =	strace $0x8FFFFFFF  }
0x9e: {  	s18 =	sld [smem:$0x3FDB];
	_ =	sdelay $0x1  }
0x9f: {  	s19 =	simm.s32 $_scs_section_size  }
0xa0: {  	s5 =	simm.s32 $_size__tile_overlayer_lowered;
	s6 =	simm.s32 $_tile_overlayer_lowered  }
0xa1: {  	s22 =	simm.s32 $0x1BFF;
	s21 =	sshll.u32 s6, $0x1;
	s3 =	sadd.s32 s19, s18  }
0xa2: {  	s7 =	simm.s32 $0x0;
	s20 =	sshll.u32 s5, $0x1;
	s5 =	sadd.s32 s21, s3  }
0xa3: {  	[timem:s7], [sflag:s22] =	dma.local [hbm:s5], s20  }
0xa4: {  	_ =	swait.ge [sflag:s22], s20  }
0xa5: {  	s4 =	ssub.s32 $0x0, s20;
	[sflag:s22] =	ssyncset.done $0x0  }
0xa6: {  	[sflag:s22] =	ssyncadd.s32 s4;
	_ =	sdelay $0x1  }
0xa7: {  	s23 =	simm.s32 $0x1B8B  }
0xa8: {  	_ =	swait.ge [sflag:s23], $0x1  }
0xa9: {  	[sflag:s23] =	ssyncset.done $0x0  }
0xaa: {  	s25 =	simm.s32 $0x1B8E;
	s24 =	sld [smem:$0x3FFE];
	[sflag:s23] =	ssyncadd.s32 $0xFFFFFFFF  }
0xab: {  	s26 =	simm.s32 $execute0_lowered;
	[smem:$0x3FD2] =	sst s25  }
0xac: {  	s5 =	sshll.u32 s26, $0x1;
	_ =	strace $0x80000046;
	[dreg:$0x1] =	wrdreg $0xFFFFFFFF  }
0xad: {  	s28 =	simm.s32 $_size_execute0_lowered;
	s3 =	sadd.s32 s3, s5;
	[dreg:$0x0] =	wrdreg $0x0  }
0xae: {  	s5 =	sshll.u32 s28, $0x1;
	[dreg:$0x2] =	wrdreg s3  }
0xaf: {  	[dreg:$0x3] =	wrdreg s5  }
0xb0: {  	[dreg:$0x4] =	wrdreg $0xC0  }
0xb1: {  	_ =	task [dreg:s7], $0x5FFFF  }
0xb2: {  	[dreg:$0x1] =	wrdreg $0xFFFFFFFF  }
0xb3: {  	[dreg:$0x0] =	wrdreg $0x60  }
0xb4: {  	[dreg:$0x2] =	wrdreg s16  }
0xb5: {  	[dreg:$0x3] =	wrdreg s24  }
0xb6: {  	[dreg:$0x4] =	wrdreg $0x9  }
0xb7: {  	_ =	task.clear_ibuf [dreg:s7], $0x5FFFF;
	_ =	strace $0x90000046  }
0xb8: {  	s29 =	simm.s32 $0x9;
	_ =	strace $0x80000048  }
0xb9: {  	_ =	swait.ge [sflag:s29], $0x1  }
0xba: {  	[sflag:s29] =	ssyncadd.s32 $0xFFFFFFFF  }
0xbb: {  	_ =	strace $0x90000048  }
0xbc: {  	_ =	sfence  }
0xbd: {  	s30 =	sld [smem:$0x0];
	_ =	sdelay $0x2  }
0xbe: {  	s31 =	sshll.u32 s1, $0xD;
	s1 =	sshrl.u32 s1, $0x2  }
0xbf: {  	s3 =	sand.u32 $0x4000, s31;
	s1 =	sadd.s32 s1, s30  }
0xc0: {  	s0 =	sor.u32 s3, s0;
	s1 =	sshll.u32 s1, $0x11  }
0xc1: {  	s0 =	sor.u32 s1, s0  }
0xc2: {  	s0 =	sadd.s32 $0x8F2B, s0  }
0xc3: {  	[sflag:s0] =	ssyncadd.remote.s32 $0x1  }
0xc4: {  	_ =	sfence.sel $0xFFFF  }
0xc5: {  	[dreg:$0x0] =	wrdreg $0xFFFFFFFF;
	(pc) =	sbr.abs _section_cstart, $3  }
0xc6: {  	[dreg:$0x1] =	wrdreg $0xFFFFFFFF  }
0xc7: {  	_ =	task.clear_ibuf [dreg:s7], $0x2FFFF;
	_ =	strace $0x9FFFFFFF  }
0xc8: {  	(tm) =	ssettm $0x7FFFFFFF  }
0xc9: {  	_ =	shalt  }
tec
execute0_lowered:
.L_overlay_start_1:
0x0: {  	(tag) =	ssettag $0x1  }
0x1: {  	s0 =	srdreg.scid;
	s3 =	rddreg [dreg:$0x0]  }
0x2: {  	s1 =	stileid.u32;
	s4 =	rddreg [dreg:$0x1]  }
0x3: {  	s8 =	simm.s32 $0x400;
	s7 =	simm.s32 $0x4400;
	s28 =	simm.s32 $0x100  }
0x4: {  	s29 =	simm.s32 $0x180;
	s17 =	simm.s32 $0xC400;
	s30 =	simm.s32 $0x200  }
0x5: {  	s16 =	simm.s32 $0x10400;
	s31 =	simm.s32 $0x280;
	s13 =	simm.s32 $0x14400  }
0x6: {  	s11 =	simm.s32 $0x1;
	s9 =	simm.s32 $0x2;
	s6 =	simm.s32 $0x8  }
0x7: {  	p0 =	por $0x0, $0x0;
	s15 =	simm.s32 $0x9;
	s0 =	sand.u32 $0x1, s0  }
0x8: {  	s14 =	simm.s32 $0xA;
	s1 =	sshll.u32 s1, $0xB;
	s2 =	sshll.u32 s0, $0xA  }
0x9: {  	s12 =	simm.s32 $0xB;
	s10 =	simm.s32 $0xC;
	s1 =	sor.u32 s2, s1  }
0xa: {  	s0 =	ssub.s32 $0x2, s0;
	s2 =	simm.s32 $0x0;
	s5 =	sshrl.u32 s1, $0x3  }
0xb: {  	s24 =	sshrl.u32 s0, $0x1;
	s1 =	sshll.u32 s1, $0x4;
	s5 =	sadd.s32 s5, s4  }
0xc: {  	[smem:$0x7FF] =	sst s2;
	s1 =	sadd.s32 s1, s4;
	s18 =	sadd.s32 $0x1000, s5  }
0xd: {  	_ =	strace $0x80000047;
	s19 =	sadd.s32 $0x2000, s1;
	[dreg:$0x3] =	wrdreg s18  }
0xe: {  	s0 =	ssub.s32 s0, s24;
	s20 =	sadd.s32 $0x2800, s1;
	[dreg:$0x4] =	wrdreg s19  }
0xf: {  	s24 =	simm.s32 $0x380;
	s21 =	sadd.s32 $0x3000, s1;
	[dreg:$0x5] =	wrdreg s20  }
0x10: {  	s0 =	smax.u32 s0, $0x1;
	s22 =	sadd.s32 $0x3800, s1;
	[dreg:$0x6] =	wrdreg s21  }
0x11: {  	s23 =	sadd.s32 $0x4000, s1;
	s25 =	sadd.s32 $0x4800, s1;
	[dreg:$0x7] =	wrdreg s22  }
0x12: {  	s26 =	sadd.s32 $0x5000, s1;
	p1 =	sne.s32 s0, $0x1;
	[dreg:$0x8] =	wrdreg s23  }
.Ltmp0:
0x13: {  	s4 =	sadd.s32 $0x5800, s1;
	[dreg:$0x9] =	wrdreg s25;
	(pc) =	sbr.rel @!p1 .LBB2_3-.Ltmp0, $4  }
0x14: {  	s5 =	simm.s32 $0x7;
	s1 =	sadd.s32 $0xFFFFFFFF, s0;
	[dreg:$0xa] =	wrdreg s26  }
0x15: {  	s26 =	simm.s32 $0xD;
	s19 =	simm.s32 $0x80;
	s18 =	simm.s32 $0x8400  }
0x16: {  	s25 =	simm.s32 $0x300;
	s23 =	simm.s32 $0x3;
	s22 =	simm.s32 $0x4  }
0x17: {  	s21 =	simm.s32 $0x5;
	s20 =	simm.s32 $0x6;
	s0 =	rddreg [dreg:$0x3]  }
0x18: {  	[tilespmem:s2], [sflag:$0xD] =	stream.linear.gather [hbm4b:s0+s2], $0x400, $0x38;
	[tilespmem:$0x18400] =	vst v63  }
0x19: {  	_ =	swait.ge [sflag:s26], $0x400  }
0x1a: {  	[sflag:s26] =	ssyncset.done $0x0  }
0x1b: {  	[sflag:s26] =	ssyncadd.s32 $0xFFFFFC00  }
0x1c: {  	[tilespmem:s8], [sflag:$0x1] =	stream.indirect.gather [hbm4b:s3+s19], $0x80, s2, s19, $0xb8;
	[tilespmem:$0x18400] =	vst v63  }
0x1d: {  	_ = 	snop  }
0x1e: {  	[tilespmem:s7], [sflag:$0x2] =	stream.indirect.gather [hbm4b:s3+s19], $0x80, s19, s19, $0xb8;
	[tilespmem:$0x18400] =	vst v63  }
0x1f: {  	_ = 	snop  }
0x20: {  	[tilespmem:s18], [sflag:$0x3] =	stream.indirect.gather [hbm4b:s3+s19], $0x80, s28, s19, $0xb8;
	[tilespmem:$0x18400] =	vst v63  }
0x21: {  	_ = 	snop  }
0x22: {  	[tilespmem:s17], [sflag:$0x4] =	stream.indirect.gather [hbm4b:s3+s19], $0x80, s29, s19, $0xb8;
	[tilespmem:$0x18400] =	vst v63  }
0x23: {  	_ = 	snop  }
0x24: {  	[tilespmem:s16], [sflag:$0x5] =	stream.indirect.gather [hbm4b:s3+s19], $0x80, s30, s19, $0xb8;
	[tilespmem:$0x18400] =	vst v63  }
0x25: {  	_ = 	snop  }
0x26: {  	[tilespmem:s13], [sflag:$0x6] =	stream.indirect.gather [hbm4b:s3+s19], $0x80, s31, s19, $0xb8;
	[tilespmem:$0x18400] =	vst v63  }
0x27: {  	_ =	swait.ge [sflag:s11], $0x4000  }
0x28: {  	[sflag:s11] =	ssyncset.done $0x0  }
0x29: {  	s0 =	rddreg [dreg:$0x4];
	[sflag:s11] =	ssyncadd.s32 $0xFFFFC000  }
0x2a: {  	[hbm4b:s0+s2] =	stream.linear.scatter [tilespmem:s8], [sflag:$0x7], $0x4000, $0x38;
	[tilespmem:$0x18400] =	vst v63  }
0x2b: {  	_ =	swait.ge [sflag:s5], $0x4000  }
0x2c: {  	[sflag:s5] =	ssyncset.done $0x0  }
0x2d: {  	[sflag:s5] =	ssyncadd.s32 $0xFFFFC000  }
0x2e: {  	[tilespmem:s8], [sflag:$0x1] =	stream.indirect.gather [hbm4b:s3+s19], $0x80, s25, s19, $0xb8;
	[tilespmem:$0x18400] =	vst v63  }
0x2f: {  	_ =	swait.ge [sflag:s9], $0x4000  }
0x30: {  	[sflag:s9] =	ssyncset.done $0x0  }
0x31: {  	s0 =	rddreg [dreg:$0x5];
	[sflag:s9] =	ssyncadd.s32 $0xFFFFC000  }
0x32: {  	[hbm4b:s0+s2] =	stream.linear.scatter [tilespmem:s7], [sflag:$0x8], $0x4000, $0x38;
	[tilespmem:$0x18400] =	vst v63  }
0x33: {  	_ =	swait.ge [sflag:s6], $0x4000  }
0x34: {  	[sflag:s6] =	ssyncset.done $0x0  }
0x35: {  	[sflag:s6] =	ssyncadd.s32 $0xFFFFC000  }
0x36: {  	[tilespmem:s7], [sflag:$0x2] =	stream.indirect.gather [hbm4b:s3+s19], $0x80, s24, s19, $0xb8;
	[tilespmem:$0x18400] =	vst v63  }
0x37: {  	_ =	swait.ge [sflag:s23], $0x4000  }
0x38: {  	[sflag:s23] =	ssyncset.done $0x0  }
0x39: {  	s0 =	rddreg [dreg:$0x6];
	[sflag:s23] =	ssyncadd.s32 $0xFFFFC000  }
0x3a: {  	[hbm4b:s0+s2] =	stream.linear.scatter [tilespmem:s18], [sflag:$0x9], $0x4000, $0x38;
	[tilespmem:$0x18400] =	vst v63  }
0x3b: {  	_ =	swait.ge [sflag:s22], $0x4000  }
0x3c: {  	[sflag:s22] =	ssyncset.done $0x0  }
0x3d: {  	s0 =	rddreg [dreg:$0x7];
	[sflag:s22] =	ssyncadd.s32 $0xFFFFC000  }
0x3e: {  	[hbm4b:s0+s2] =	stream.linear.scatter [tilespmem:s17], [sflag:$0xA], $0x4000, $0x38;
	[tilespmem:$0x18400] =	vst v63  }
0x3f: {  	_ =	swait.ge [sflag:s21], $0x4000  }
0x40: {  	[sflag:s21] =	ssyncset.done $0x0  }
0x41: {  	s0 =	rddreg [dreg:$0x8];
	[sflag:s21] =	ssyncadd.s32 $0xFFFFC000  }
0x42: {  	[hbm4b:s0+s2] =	stream.linear.scatter [tilespmem:s16], [sflag:$0xB], $0x4000, $0x38;
	[tilespmem:$0x18400] =	vst v63  }
0x43: {  	_ =	swait.ge [sflag:s20], $0x4000  }
0x44: {  	[sflag:s20] =	ssyncset.done $0x0  }
0x45: {  	s0 =	rddreg [dreg:$0x9];
	[sflag:s20] =	ssyncadd.s32 $0xFFFFC000  }
0x46: {  	[hbm4b:s0+s2] =	stream.linear.scatter [tilespmem:s13], [sflag:$0xC], $0x4000, $0x38;
	[tilespmem:$0x18400] =	vst v63  }
0x47: {  	_ =	swait.ge [sflag:s11], $0x4000  }
0x48: {  	[sflag:s11] =	ssyncset.done $0x0  }
0x49: {  	s0 =	rddreg [dreg:$0xa];
	[sflag:s11] =	ssyncadd.s32 $0xFFFFC000  }
0x4a: {  	[hbm4b:s0+s2] =	stream.linear.scatter [tilespmem:s8], [sflag:$0x7], $0x4000, $0x38;
	[tilespmem:$0x18400] =	vst v63  }
0x4b: {  	_ =	swait.ge [sflag:s9], $0x4000  }
0x4c: {  	[sflag:s9] =	ssyncset.done $0x0  }
0x4d: {  	[sflag:s9] =	ssyncadd.s32 $0xFFFFC000  }
0x4e: {  	[hbm4b:s4+s2] =	stream.linear.scatter [tilespmem:s7], [sflag:$0x8], $0x4000, $0x38;
	[tilespmem:$0x18400] =	vst v63  }
0x4f: {  	_ =	swait.ge [sflag:s15], $0x4000  }
0x50: {  	[sflag:s15] =	ssyncset.done $0x0  }
0x51: {  	[sflag:s15] =	ssyncadd.s32 $0xFFFFC000  }
0x52: {  	_ =	swait.ge [sflag:s14], $0x4000  }
0x53: {  	[sflag:s14] =	ssyncset.done $0x0  }
0x54: {  	[sflag:s14] =	ssyncadd.s32 $0xFFFFC000  }
0x55: {  	_ =	swait.ge [sflag:s12], $0x4000  }
0x56: {  	[sflag:s12] =	ssyncset.done $0x0  }
0x57: {  	[sflag:s12] =	ssyncadd.s32 $0xFFFFC000  }
0x58: {  	_ =	swait.ge [sflag:s10], $0x4000  }
0x59: {  	[sflag:s10] =	ssyncset.done $0x0  }
0x5a: {  	p1 =	sne.s32 s1, $0x1;
	[sflag:s10] =	ssyncadd.s32 $0xFFFFC000  }
.Ltmp1:
0x5b: {  	_ =	swait.ge [sflag:s5], $0x4000;
	(pc) =	sbr.rel @!p1 .LBB2_3-.Ltmp1, $4  }
0x5c: {  	[sflag:s5] =	ssyncset.done $0x0  }
0x5d: {  	[sflag:s5] =	ssyncadd.s32 $0xFFFFC000  }
0x5e: {  	s1 =	sadd.s32 $0xFFFFFFFF, s1;
	_ =	swait.ge [sflag:s6], $0x4000  }
0x5f: {  	p0 =	por $0x1, $0x1;
	s0 =	rddreg [dreg:$0x3];
	[sflag:s6] =	ssyncset.done $0x0  }
.LBB2_2:
0x60: {  	[sflag:s6] =	ssyncadd.s32 $0xFFFFC000  }
0x61: {  	[tilespmem:s2], [sflag:$0xD] =	stream.linear.gather [hbm4b:s0+s2], $0x400, $0x38;
	[tilespmem:$0x18400] =	vst v63  }
0x62: {  	_ =	swait.ge [sflag:s26], $0x400  }
0x63: {  	[sflag:s26] =	ssyncset.done $0x0  }
0x64: {  	[sflag:s26] =	ssyncadd.s32 $0xFFFFFC00  }
0x65: {  	[tilespmem:s8], [sflag:$0x1] =	stream.indirect.gather [hbm4b:s3+s19], $0x80, s2, s19, $0xb8;
	[tilespmem:$0x18400] =	vst v63  }
0x66: {  	_ = 	snop  }
0x67: {  	[tilespmem:s7], [sflag:$0x2] =	stream.indirect.gather [hbm4b:s3+s19], $0x80, s19, s19, $0xb8;
	[tilespmem:$0x18400] =	vst v63  }
0x68: {  	_ = 	snop  }
0x69: {  	[tilespmem:s18], [sflag:$0x3] =	stream.indirect.gather [hbm4b:s3+s19], $0x80, s28, s19, $0xb8;
	[tilespmem:$0x18400] =	vst v63  }
0x6a: {  	_ = 	snop  }
0x6b: {  	[tilespmem:s17], [sflag:$0x4] =	stream.indirect.gather [hbm4b:s3+s19], $0x80, s29, s19, $0xb8;
	[tilespmem:$0x18400] =	vst v63  }
0x6c: {  	_ = 	snop  }
0x6d: {  	[tilespmem:s16], [sflag:$0x5] =	stream.indirect.gather [hbm4b:s3+s19], $0x80, s30, s19, $0xb8;
	[tilespmem:$0x18400] =	vst v63  }
0x6e: {  	_ = 	snop  }
0x6f: {  	[tilespmem:s13], [sflag:$0x6] =	stream.indirect.gather [hbm4b:s3+s19], $0x80, s31, s19, $0xb8;
	[tilespmem:$0x18400] =	vst v63  }
0x70: {  	_ =	swait.ge [sflag:s11], $0x4000  }
0x71: {  	[sflag:s11] =	ssyncset.done $0x0  }
0x72: {  	s0 =	rddreg [dreg:$0x4];
	[sflag:s11] =	ssyncadd.s32 $0xFFFFC000  }
0x73: {  	[hbm4b:s0+s2] =	stream.linear.scatter [tilespmem:s8], [sflag:$0x7], $0x4000, $0x38;
	[tilespmem:$0x18400] =	vst v63  }
0x74: {  	_ =	swait.ge [sflag:s5], $0x4000  }
0x75: {  	[sflag:s5] =	ssyncset.done $0x0  }
0x76: {  	[sflag:s5] =	ssyncadd.s32 $0xFFFFC000  }
0x77: {  	[tilespmem:s8], [sflag:$0x1] =	stream.indirect.gather [hbm4b:s3+s19], $0x80, s25, s19, $0xb8;
	[tilespmem:$0x18400] =	vst v63  }
0x78: {  	_ =	swait.ge [sflag:s9], $0x4000  }
0x79: {  	[sflag:s9] =	ssyncset.done $0x0  }
0x7a: {  	s0 =	rddreg [dreg:$0x5];
	[sflag:s9] =	ssyncadd.s32 $0xFFFFC000  }
0x7b: {  	[hbm4b:s0+s2] =	stream.linear.scatter [tilespmem:s7], [sflag:$0x8], $0x4000, $0x38;
	[tilespmem:$0x18400] =	vst v63  }
0x7c: {  	_ =	swait.ge [sflag:s6], $0x4000  }
0x7d: {  	[sflag:s6] =	ssyncset.done $0x0  }
0x7e: {  	[sflag:s6] =	ssyncadd.s32 $0xFFFFC000  }
0x7f: {  	[tilespmem:s7], [sflag:$0x2] =	stream.indirect.gather [hbm4b:s3+s19], $0x80, s24, s19, $0xb8;
	[tilespmem:$0x18400] =	vst v63  }
0x80: {  	_ =	swait.ge [sflag:s23], $0x4000  }
0x81: {  	[sflag:s23] =	ssyncset.done $0x0  }
0x82: {  	s0 =	rddreg [dreg:$0x6];
	[sflag:s23] =	ssyncadd.s32 $0xFFFFC000  }
0x83: {  	[hbm4b:s0+s2] =	stream.linear.scatter [tilespmem:s18], [sflag:$0x9], $0x4000, $0x38;
	[tilespmem:$0x18400] =	vst v63  }
0x84: {  	_ =	swait.ge [sflag:s22], $0x4000  }
0x85: {  	[sflag:s22] =	ssyncset.done $0x0  }
0x86: {  	s0 =	rddreg [dreg:$0x7];
	[sflag:s22] =	ssyncadd.s32 $0xFFFFC000  }
0x87: {  	[hbm4b:s0+s2] =	stream.linear.scatter [tilespmem:s17], [sflag:$0xA], $0x4000, $0x38;
	[tilespmem:$0x18400] =	vst v63  }
0x88: {  	_ =	swait.ge [sflag:s21], $0x4000  }
0x89: {  	[sflag:s21] =	ssyncset.done $0x0  }
0x8a: {  	s0 =	rddreg [dreg:$0x8];
	[sflag:s21] =	ssyncadd.s32 $0xFFFFC000  }
0x8b: {  	[hbm4b:s0+s2] =	stream.linear.scatter [tilespmem:s16], [sflag:$0xB], $0x4000, $0x38;
	[tilespmem:$0x18400] =	vst v63  }
0x8c: {  	_ =	swait.ge [sflag:s20], $0x4000  }
0x8d: {  	[sflag:s20] =	ssyncset.done $0x0  }
0x8e: {  	s0 =	rddreg [dreg:$0x9];
	[sflag:s20] =	ssyncadd.s32 $0xFFFFC000  }
0x8f: {  	[hbm4b:s0+s2] =	stream.linear.scatter [tilespmem:s13], [sflag:$0xC], $0x4000, $0x38;
	[tilespmem:$0x18400] =	vst v63  }
0x90: {  	_ =	swait.ge [sflag:s11], $0x4000  }
0x91: {  	[sflag:s11] =	ssyncset.done $0x0  }
0x92: {  	s0 =	rddreg [dreg:$0xa];
	[sflag:s11] =	ssyncadd.s32 $0xFFFFC000  }
0x93: {  	[hbm4b:s0+s2] =	stream.linear.scatter [tilespmem:s8], [sflag:$0x7], $0x4000, $0x38;
	[tilespmem:$0x18400] =	vst v63  }
0x94: {  	_ =	swait.ge [sflag:s9], $0x4000  }
0x95: {  	[sflag:s9] =	ssyncset.done $0x0  }
0x96: {  	[sflag:s9] =	ssyncadd.s32 $0xFFFFC000  }
0x97: {  	[hbm4b:s4+s2] =	stream.linear.scatter [tilespmem:s7], [sflag:$0x8], $0x4000, $0x38;
	[tilespmem:$0x18400] =	vst v63  }
0x98: {  	_ =	swait.ge [sflag:s15], $0x4000  }
0x99: {  	[sflag:s15] =	ssyncset.done $0x0  }
0x9a: {  	[sflag:s15] =	ssyncadd.s32 $0xFFFFC000  }
0x9b: {  	_ =	swait.ge [sflag:s14], $0x4000  }
0x9c: {  	[sflag:s14] =	ssyncset.done $0x0  }
0x9d: {  	[sflag:s14] =	ssyncadd.s32 $0xFFFFC000  }
0x9e: {  	_ =	swait.ge [sflag:s12], $0x4000  }
0x9f: {  	[sflag:s12] =	ssyncset.done $0x0  }
0xa0: {  	[sflag:s12] =	ssyncadd.s32 $0xFFFFC000  }
0xa1: {  	_ =	swait.ge [sflag:s10], $0x4000  }
0xa2: {  	[sflag:s10] =	ssyncset.done $0x0  }
0xa3: {  	p1 =	sne.s32 s1, $0x1;
	[sflag:s10] =	ssyncadd.s32 $0xFFFFC000  }
.Ltmp2:
0xa4: {  	_ =	swait.ge [sflag:s5], $0x4000;
	(pc) =	sbr.rel @p1 .LBB2_2-.Ltmp2, $4  }
0xa5: {  	[sflag:s5] =	ssyncset.done $0x0  }
0xa6: {  	[sflag:s5] =	ssyncadd.s32 $0xFFFFC000  }
0xa7: {  	_ =	swait.ge [sflag:s6], $0x4000  }
0xa8: {  	s1 =	sadd.s32 $0xFFFFFFFF, s1;
	s0 =	rddreg [dreg:$0x3];
	[sflag:s6] =	ssyncset.done $0x0  }
.LBB2_3:
0xa9: {  	[sflag:s6] =	ssyncadd.s32 @p0 $0xFFFFC000  }
0xaa: {  	[tilespmem:s2], [sflag:$0xD] =	stream.linear.gather [hbm4b:s0+s2], $0x400, $0x38;
	[tilespmem:$0x18400] =	vst v63  }
0xab: {  	_ =	swait.ge [sflag:s26], $0x400  }
0xac: {  	[sflag:s26] =	ssyncset.done $0x0  }
0xad: {  	[sflag:s26] =	ssyncadd.s32 $0xFFFFFC00  }
0xae: {  	[tilespmem:s8], [sflag:$0x1] =	stream.indirect.gather [hbm4b:s3+s19], $0x80, s2, s19, $0xb8;
	[tilespmem:$0x18400] =	vst v63  }
0xaf: {  	_ = 	snop  }
0xb0: {  	[tilespmem:s7], [sflag:$0x2] =	stream.indirect.gather [hbm4b:s3+s19], $0x80, s19, s19, $0xb8;
	[tilespmem:$0x18400] =	vst v63  }
0xb1: {  	_ = 	snop  }
0xb2: {  	[tilespmem:s18], [sflag:$0x3] =	stream.indirect.gather [hbm4b:s3+s19], $0x80, s28, s19, $0xb8;
	[tilespmem:$0x18400] =	vst v63  }
0xb3: {  	_ = 	snop  }
0xb4: {  	[tilespmem:s17], [sflag:$0x4] =	stream.indirect.gather [hbm4b:s3+s19], $0x80, s29, s19, $0xb8;
	[tilespmem:$0x18400] =	vst v63  }
0xb5: {  	_ = 	snop  }
0xb6: {  	[tilespmem:s16], [sflag:$0x5] =	stream.indirect.gather [hbm4b:s3+s19], $0x80, s30, s19, $0xb8;
	[tilespmem:$0x18400] =	vst v63  }
0xb7: {  	_ = 	snop  }
0xb8: {  	[tilespmem:s13], [sflag:$0x6] =	stream.indirect.gather [hbm4b:s3+s19], $0x80, s31, s19, $0xb8;
	[tilespmem:$0x18400] =	vst v63  }
0xb9: {  	_ =	swait.ge [sflag:s11], $0x4000  }
0xba: {  	[sflag:s11] =	ssyncset.done $0x0  }
0xbb: {  	s31 =	rddreg [dreg:$0x4];
	[sflag:s11] =	ssyncadd.s32 $0xFFFFC000  }
0xbc: {  	[hbm4b:s31+s2] =	stream.linear.scatter [tilespmem:s8], [sflag:$0x7], $0x4000, $0x38;
	[tilespmem:$0x18400] =	vst v63  }
0xbd: {  	_ =	swait.ge [sflag:s5], $0x4000  }
0xbe: {  	[sflag:s5] =	ssyncset.done $0x0  }
0xbf: {  	[sflag:s5] =	ssyncadd.s32 $0xFFFFC000  }
0xc0: {  	[tilespmem:s8], [sflag:$0x1] =	stream.indirect.gather [hbm4b:s3+s19], $0x80, s25, s19, $0xb8;
	[tilespmem:$0x18400] =	vst v63  }
0xc1: {  	_ =	swait.ge [sflag:s9], $0x4000  }
0xc2: {  	[sflag:s9] =	ssyncset.done $0x0  }
0xc3: {  	s1 =	rddreg [dreg:$0x5];
	[sflag:s9] =	ssyncadd.s32 $0xFFFFC000  }
0xc4: {  	[hbm4b:s1+s2] =	stream.linear.scatter [tilespmem:s7], [sflag:$0x8], $0x4000, $0x38;
	[tilespmem:$0x18400] =	vst v63  }
0xc5: {  	_ =	swait.ge [sflag:s6], $0x4000  }
0xc6: {  	[sflag:s6] =	ssyncset.done $0x0  }
0xc7: {  	[sflag:s6] =	ssyncadd.s32 $0xFFFFC000  }
0xc8: {  	[tilespmem:s7], [sflag:$0x2] =	stream.indirect.gather [hbm4b:s3+s19], $0x80, s24, s19, $0xb8;
	[tilespmem:$0x18400] =	vst v63  }
0xc9: {  	_ =	swait.ge [sflag:s23], $0x4000  }
0xca: {  	[sflag:s23] =	ssyncset.done $0x0  }
0xcb: {  	s25 =	rddreg [dreg:$0x6];
	[sflag:s23] =	ssyncadd.s32 $0xFFFFC000  }
0xcc: {  	[hbm4b:s25+s2] =	stream.linear.scatter [tilespmem:s18], [sflag:$0x9], $0x4000, $0x38;
	[tilespmem:$0x18400] =	vst v63  }
0xcd: {  	_ =	swait.ge [sflag:s22], $0x4000  }
0xce: {  	[sflag:s22] =	ssyncset.done $0x0  }
0xcf: {  	s26 =	rddreg [dreg:$0x7];
	[sflag:s22] =	ssyncadd.s32 $0xFFFFC000  }
0xd0: {  	[hbm4b:s26+s2] =	stream.linear.scatter [tilespmem:s17], [sflag:$0xA], $0x4000, $0x38;
	[tilespmem:$0x18400] =	vst v63  }
0xd1: {  	_ =	swait.ge [sflag:s21], $0x4000  }
0xd2: {  	[sflag:s21] =	ssyncset.done $0x0  }
0xd3: {  	s28 =	rddreg [dreg:$0x8];
	[sflag:s21] =	ssyncadd.s32 $0xFFFFC000  }
0xd4: {  	[hbm4b:s28+s2] =	stream.linear.scatter [tilespmem:s16], [sflag:$0xB], $0x4000, $0x38;
	[tilespmem:$0x18400] =	vst v63  }
0xd5: {  	_ =	swait.ge [sflag:s20], $0x4000  }
0xd6: {  	[sflag:s20] =	ssyncset.done $0x0  }
0xd7: {  	s29 =	rddreg [dreg:$0x9];
	[sflag:s20] =	ssyncadd.s32 $0xFFFFC000  }
0xd8: {  	[hbm4b:s29+s2] =	stream.linear.scatter [tilespmem:s13], [sflag:$0xC], $0x4000, $0x38;
	[tilespmem:$0x18400] =	vst v63  }
0xd9: {  	_ =	swait.ge [sflag:s11], $0x4000  }
0xda: {  	[sflag:s11] =	ssyncset.done $0x0  }
0xdb: {  	s30 =	rddreg [dreg:$0xa];
	[sflag:s11] =	ssyncadd.s32 $0xFFFFC000  }
0xdc: {  	[hbm4b:s30+s2] =	stream.linear.scatter [tilespmem:s8], [sflag:$0x7], $0x4000, $0x38;
	[tilespmem:$0x18400] =	vst v63  }
0xdd: {  	_ =	swait.ge [sflag:s9], $0x4000  }
0xde: {  	[sflag:s9] =	ssyncset.done $0x0  }
0xdf: {  	[sflag:s9] =	ssyncadd.s32 $0xFFFFC000  }
0xe0: {  	[hbm4b:s4+s2] =	stream.linear.scatter [tilespmem:s7], [sflag:$0x8], $0x4000, $0x38;
	[tilespmem:$0x18400] =	vst v63  }
0xe1: {  	_ =	swait.ge [sflag:s15], $0x4000  }
0xe2: {  	[sflag:s15] =	ssyncset.done $0x0  }
0xe3: {  	[sflag:s15] =	ssyncadd.s32 $0xFFFFC000  }
0xe4: {  	_ =	swait.ge [sflag:s14], $0x4000  }
0xe5: {  	[sflag:s14] =	ssyncset.done $0x0  }
0xe6: {  	[sflag:s14] =	ssyncadd.s32 $0xFFFFC000  }
0xe7: {  	_ =	swait.ge [sflag:s12], $0x4000  }
0xe8: {  	[sflag:s12] =	ssyncset.done $0x0  }
0xe9: {  	[sflag:s12] =	ssyncadd.s32 $0xFFFFC000  }
0xea: {  	_ =	swait.ge [sflag:s10], $0x4000  }
0xeb: {  	[sflag:s10] =	ssyncset.done $0x0  }
0xec: {  	[sflag:s10] =	ssyncadd.s32 $0xFFFFC000  }
0xed: {  	_ =	swait.ge [sflag:s5], $0x4000  }
0xee: {  	[sflag:s5] =	ssyncset.done $0x0  }
0xef: {  	[sflag:s5] =	ssyncadd.s32 $0xFFFFC000  }
0xf0: {  	_ =	swait.ge [sflag:s6], $0x4000  }
0xf1: {  	[sflag:s6] =	ssyncset.done $0x0  }
0xf2: {  	[sflag:s6] =	ssyncadd.s32 $0xFFFFC000  }
0xf3: {  	_ =	sfence.sel $0x180000  }
0xf4: {  	[bflag:$0x0] =	sbarrier.arrive $0xFFFF  }
0xf5: {  	_ =	strace $0x90000047  }
0xf6: {  	s31 =	stileid.u32;
	[bflag:$0x2] =	sbarrier.arrive $0xFFFF  }
0xf7: {  	p0 =	sne.s32 s31, $0x0;
	s0 =	rddreg [dreg:$0x2]  }
0xf8: {  	s0 =	sadd.s32 @!p0 $0x100000, s0  }
0xf9: {  	[sflag:s0] =	ssyncadd.tile.s32 @!p0 $0x1;
	_ =	shalt  }
.Lfunc_end2:
_tile_overlayer_lowered:
.L_overlay_start_2:
0xfa: {  	(tag) =	ssettag $0x2  }
0xfb: {  	s0 =	rddreg [dreg:$0x0];
	s2 =	stileid.u32  }
0xfc: {  	s1 =	rddreg [dreg:$0x1];
	p0 =	sne.s32 s2, $0x0  }
0xfd: {  	s3 =	rddreg [dreg:$0x2];
	[bflag:$0x3] =	sbarrier.arrive $0xFFFF;
	s2 =	simm.s32 @!p0 $0x1C0D  }
0xfe: {  	[timem:s3], [sflag:s2] =	dma.local @!p0 [hbm:s0], s1  }
0xff: {  	s0 =	simm.s32 @!p0 $0xD  }
0x100: {  	_ =	swait.ge @!p0 [sflag:s0], s1  }
0x101: {  	s1 =	ssub.s32 @!p0 $0x0, s1;
	[sflag:s0] =	ssyncset.done @!p0 $0x0  }
0x102: {  	[sflag:s0] =	ssyncadd.s32 @!p0 s1  }
0x103: {  	[bflag:$0x3] =	sbarrier.arrive $0xFFFF  }
0x104: {  	_ =	shalt  }

// kernel: kernel.9.cloned.1.call-start
scs
__scs_entry_jumppad:
0x0: {  	(pc) =	sbr.rel $0x88, $3  }
0x1: {  	(tag) =	ssettag $0x0;
	lr =	simm.s32 $0x1  }
0x2: {  	[smem:$0x3F9F] =	sst lr;
	_ =	strace $0xD0000000  }
0x3: {  	_ = 	snop  }
0x4: {  	_ = 	snop  }
0x5: {  	_ = 	snop  }
0x6: {  	_ = 	snop  }
0x7: {  	_ = 	snop  }
__scs_overlays_trampoline_lowered:
0x8: {  	[smem:$0x3FAE] =	sst s0  }
0x9: {  	[smem:$0x3FAF] =	sst s1  }
0xa: {  	[smem:$0x3FB0] =	sst s2  }
0xb: {  	[smem:$0x3FB1] =	sst s3  }
0xc: {  	[smem:$0x3FB2] =	sst s4  }
0xd: {  	[smem:$0x3FB3] =	sst s5  }
0xe: {  	[smem:$0x3FB4] =	sst s6  }
0xf: {  	[smem:$0x3FB5] =	sst s7  }
0x10: {  	[smem:$0x3FB6] =	sst s8  }
0x11: {  	[smem:$0x3FB7] =	sst s9;
	s0 =	simm.s32 @!p0 $0x0  }
0x12: {  	s1 =	sld [smem:$0x3F9D];
	s0 =	simm.s32 @p0 $0x1  }
0x13: {  	[smem:$0x3FB8] =	sst s0;
	s0 =	simm.s32 @!p1 $0x0  }
0x14: {  	s2 =	sld [smem:$0x3F9C];
	s0 =	simm.s32 @p1 $0x1  }
0x15: {  	[smem:$0x3FB9] =	sst s0;
	s0 =	simm.s32 @!p2 $0x0  }
0x16: {  	s3 =	sld [smem:$0x3FDB];
	s0 =	simm.s32 @p2 $0x1  }
0x17: {  	s4 =	simm.s32 $0x1BF5;
	[smem:$0x3FBB] =	sst s0  }
0x18: {  	s0 =	sld [smem:$0x3F9E];
	_ =	swait.ge [sflag:s4], $0x0  }
0x19: {  	s7 =	sld [smem:$0x3F9F]  }
0x1a: {  	s8 =	sadd.s32 $0xFFFFE003, lr  }
0x1b: {  	s9 =	sadd.s32 $0xFFFFFEF7, lr;
	s5 =	simm.s32 $0xFFFFFFFF;
	p2 =	slt.u32 s8, $0xFFFFF086  }
0x1c: {  	p1 =	slt.u32 s9, $0xF7A;
	s5 =	simm.s32 @!p2 $0x0  }
0x1d: {  	s5 =	simm.s32 @p1 $0x1;
	p0 =	seq.s32 s7, s2  }
0x1e: {  	s7 =	smul.u32 @!p0 $0xF7A, s2;
	p2 =	seq.s32 @!p0 s5, $0x0  }
0x1f: {  	s9 =	smul.u32 $0xF7A, s1;
	s8 =	simm.s32 @!p0 $0x1BF5;
	p2 =	por !p2, p0  }
0x20: {  	[sflag:s8] =	ssyncset.s32 @!p0 $0xFFFFF086;
	s6 =	sadd.s32 @!p0 s3, s7;
	s7 =	simm.s32 @!p0 $0x108  }
0x21: {  	s3 =	sadd.s32 s3, s9;
	s6 =	sadd.s32 @!p0 $0x88, s6;
	s7 =	simm.s32 @p2 $0x1082  }
0x22: {  	[simem:s7], [sflag:s8] =	dma.local @!p0 [hbm:s6], $0xF7A  }
0x23: {  	s9 =	sor.u32 $0xD0000000, s2;
	s6 =	simm.s32 $0x108;
	_ =	swait.ge @!p0 [sflag:s8], $0x0  }
0x24: {  	s3 =	sadd.s32 $0x88, s3;
	s6 =	simm.s32 @!p1 $0x1082;
	[sflag:s4] =	ssyncset.s32 $0xFFFFF086  }
0x25: {  	[simem:s6], [sflag:s4] =	dma.local [hbm:s3], $0xF7A  }
0x26: {  	[smem:$0x3F9F] =	sst s1;
	(tag) =	ssettag s2;
	_ =	strace s9  }
0x27: {  	s1 =	sld [smem:$0x3FAF]  }
0x28: {  	s2 =	sld [smem:$0x3FB0]  }
0x29: {  	s4 =	sld [smem:$0x3FB2]  }
0x2a: {  	p0 =	seq.s32 s5, $0x0;
	s5 =	sld [smem:$0x3FB3]  }
0x2b: {  	s6 =	sld [smem:$0x3FB4]  }
0x2c: {  	s7 =	sld [smem:$0x3FB5]  }
0x2d: {  	s3 =	simm.s32 $0x108;
	s8 =	sld [smem:$0x3FB6]  }
0x2e: {  	s3 =	simm.s32 @!p0 $0x1082;
	s9 =	sld [smem:$0x3FB7]  }
0x2f: {  	lr =	sadd.s32 s0, s3;
	s0 =	sld [smem:$0x3FAE]  }
0x30: {  	s3 =	sld [smem:$0x3FB1]  }
0x31: {  	[smem:$0x3FBA] =	sst s10  }
0x32: {  	s10 =	sld [smem:$0x3FB8];
	_ =	sdelay $0x3  }
0x33: {  	p0 =	seq.s32 s10, $0x1;
	s10 =	sld [smem:$0x3FBA];
	_ =	sdelay $0x3  }
0x34: {  	[smem:$0x3FBA] =	sst s10  }
0x35: {  	s10 =	sld [smem:$0x3FB9];
	_ =	sdelay $0x3  }
0x36: {  	p1 =	seq.s32 s10, $0x1;
	s10 =	sld [smem:$0x3FBA];
	_ =	sdelay $0x3  }
0x37: {  	[smem:$0x3FBA] =	sst s10  }
0x38: {  	s10 =	sld [smem:$0x3FBB]  }
0x39: {  	_ = 	snop;
	(pc) =	sbr.ind lr, $3  }
0x3a: {  	_ = 	snop  }
0x3b: {  	_ = 	snop  }
0x3c: {  	p2 =	seq.s32 s10, $0x1;
	s10 =	sld [smem:$0x3FBA]  }
0x3d: {  	_ =	shalt  }
0x3e: {  	_ =	shalt  }
0x3f: {  	_ =	shalt  }
0x40: {  	_ =	shalt  }
0x41: {  	_ =	shalt  }
0x42: {  	_ =	shalt  }
0x43: {  	_ =	shalt  }
0x44: {  	_ =	shalt  }
0x45: {  	_ =	shalt  }
0x46: {  	_ =	shalt  }
0x47: {  	_ =	shalt  }
0x48: {  	_ =	shalt  }
0x49: {  	_ =	shalt  }
0x4a: {  	_ =	shalt  }
0x4b: {  	_ =	shalt  }
0x4c: {  	_ =	shalt  }
0x4d: {  	_ =	shalt  }
0x4e: {  	_ =	shalt  }
0x4f: {  	_ =	shalt  }
0x50: {  	_ =	shalt  }
0x51: {  	_ =	shalt  }
0x52: {  	_ =	shalt  }
0x53: {  	_ =	shalt  }
0x54: {  	_ =	shalt  }
0x55: {  	_ =	shalt  }
0x56: {  	_ =	shalt  }
0x57: {  	_ =	shalt  }
0x58: {  	_ =	shalt  }
0x59: {  	_ =	shalt  }
0x5a: {  	_ =	shalt  }
0x5b: {  	_ =	shalt  }
0x5c: {  	_ =	shalt  }
0x5d: {  	_ =	shalt  }
0x5e: {  	_ =	shalt  }
0x5f: {  	_ =	shalt  }
0x60: {  	_ =	shalt  }
0x61: {  	_ =	shalt  }
0x62: {  	_ =	shalt  }
0x63: {  	_ =	shalt  }
0x64: {  	_ =	shalt  }
0x65: {  	_ =	shalt  }
0x66: {  	_ =	shalt  }
0x67: {  	_ =	shalt  }
0x68: {  	_ =	shalt  }
0x69: {  	_ =	shalt  }
0x6a: {  	_ =	shalt  }
0x6b: {  	_ =	shalt  }
0x6c: {  	_ =	shalt  }
0x6d: {  	_ =	shalt  }
0x6e: {  	_ =	shalt  }
0x6f: {  	_ =	shalt  }
0x70: {  	_ =	shalt  }
0x71: {  	_ =	shalt  }
0x72: {  	_ =	shalt  }
0x73: {  	_ =	shalt  }
0x74: {  	_ =	shalt  }
0x75: {  	_ =	shalt  }
0x76: {  	_ =	shalt  }
0x77: {  	_ =	shalt  }
0x78: {  	_ =	shalt  }
0x79: {  	_ =	shalt  }
0x7a: {  	_ =	shalt  }
0x7b: {  	_ =	shalt  }
0x7c: {  	_ =	shalt  }
0x7d: {  	_ =	shalt  }
0x7e: {  	_ =	shalt  }
0x7f: {  	_ =	shalt  }
0x80: {  	_ =	shalt  }
0x81: {  	_ =	shalt  }
0x82: {  	_ =	shalt  }
0x83: {  	_ =	shalt  }
0x84: {  	_ =	shalt  }
0x85: {  	_ =	shalt  }
0x86: {  	_ =	shalt  }
0x87: {  	_ =	shalt  }
.Lfunc_end0:
.L_simem_size_0:
called_computation.1_lowered:
.L_overlay_start_0:
0x88: {  	s2 =	sld [smem:$0x3FD9]  }
0x89: {  	s3 =	sld [smem:$0x3FFE];
	_ =	sdelay $0x1  }
0x8a: {  	s1 =	srdreg.scid  }
0x8b: {  	s0 =	sand.u32 $0x1, s1  }
0x8c: {  	s15 =	sshll.u32 s0, $0xA;
	s2 =	sadd.s32 s3, s2  }
0x8d: {  	s2 =	sadd.s32 s2, s15  }
0x8e: {  	[smem:$0x3FC6] =	sst s2  }
0x8f: {  	_ = 	snop  }
0x90: {  	s2 =	sld [smem:$0x3FD0];
	_ =	sdelay $0x2  }
0x91: {  	s16 =	simm.s32 $0xB;
	s4 =	simm.s32 $0x10  }
0x92: {  	[smem:s4], [sflag:s16] =	dma.local [hbm:s2], $0x1  }
0x93: {  	_ =	swait.eq [sflag:s16], $0x1  }
0x94: {  	[sflag:s16] =	ssyncset.done $0x0  }
0x95: {  	[sflag:s16] =	ssyncadd.s32 $0xFFFFFFFF  }
0x96: {  	s17 =	sld [smem:$0x11];
	(tm) =	ssettm $0x1  }
0x97: {  	s18 =	sld [smem:$0x3FFB];
	_ =	sdelay $0x3  }
0x98: {  	_ =	strace s18  }
0x99: {  	s2 =	sld [smem:$0x3FFC];
	_ =	sdelay $0x3  }
0x9a: {  	_ =	strace s2  }
0x9b: {  	s2 =	sld [smem:$0x3FFD];
	_ =	sdelay $0x3  }
0x9c: {  	_ =	strace s2  }
0x9d: {  	_ =	strace $0x8FFFFFFF  }
0x9e: {  	s19 =	sld [smem:$0x3FDB];
	_ =	sdelay $0x1  }
0x9f: {  	s20 =	simm.s32 $_scs_section_size  }
0xa0: {  	s5 =	simm.s32 $_size__tile_overlayer_lowered;
	s6 =	simm.s32 $_tile_overlayer_lowered  }
0xa1: {  	s7 =	simm.s32 $0x1BFF;
	s21 =	sshll.u32 s6, $0x1;
	s4 =	sadd.s32 s20, s19  }
0xa2: {  	s22 =	simm.s32 $0x0;
	s5 =	sshll.u32 s5, $0x1;
	s6 =	sadd.s32 s21, s4  }
0xa3: {  	[timem:s22], [sflag:s7] =	dma.local [hbm:s6], s5  }
0xa4: {  	_ =	swait.ge [sflag:s7], s5  }
0xa5: {  	s5 =	ssub.s32 $0x0, s5;
	[sflag:s7] =	ssyncset.done $0x0  }
0xa6: {  	[sflag:s7] =	ssyncadd.s32 s5;
	_ =	sdelay $0x1  }
0xa7: {  	s23 =	simm.s32 $0x1B8B  }
0xa8: {  	_ =	swait.ge [sflag:s23], $0x1  }
0xa9: {  	[sflag:s23] =	ssyncset.done $0x0  }
0xaa: {  	[sflag:s23] =	ssyncadd.s32 $0xFFFFFFFF  }
0xab: {  	s5 =	sld [smem:$0x0]  }
0xac: {  	s6 =	sand.u32 $0xFFFFFFFE, s1  }
0xad: {  	p0 =	sne.s32 s1, s6  }
0xae: {  	s6 =	sshll.u32 @p0 s6, $0xE  }
0xaf: {  	s6 =	sadd.s32 @p0 $0x11B8D, s6;
	s7 =	sshll.u32 @p0 s5, $0x11  }
0xb0: {  	s6 =	sor.u32 @p0 s7, s6  }
0xb1: {  	[sflag:s6] =	ssyncadd.remote.s32 @p0 $0x1;
	_ =	sdelay $0x1  }
0xb2: {  	s6 =	simm.s32 @p0 $0x1B8D  }
0xb3: {  	_ =	swait.eq @p0 [sflag:s6], $0x1  }
0xb4: {  	[sflag:s6] =	ssyncadd.s32 @p0 $0xFFFFFFFF  }
0xb5: {  	s7 =	sshll.u32 @!p0 s1, $0xE  }
0xb6: {  	s7 =	sor.u32 @!p0 $0x4000, s7;
	s6 =	simm.s32 @!p0 $0x1B8D  }
0xb7: {  	s5 =	sshll.u32 @!p0 s5, $0x11;
	s7 =	sadd.s32 @!p0 $0x11B8D, s7;
	_ =	swait.eq @!p0 [sflag:s6], $0x1  }
0xb8: {  	s5 =	sor.u32 @!p0 s5, s7;
	[sflag:s6] =	ssyncadd.s32 @!p0 $0xFFFFFFFF  }
0xb9: {  	s25 =	simm.s32 $0x1B8E;
	s24 =	sld [smem:$0x3FFE];
	[sflag:s5] =	ssyncadd.remote.s32 @!p0 $0x1  }
0xba: {  	s26 =	simm.s32 $execute0_lowered;
	[smem:$0x3FD2] =	sst s25  }
0xbb: {  	s6 =	sshll.u32 s26, $0x1;
	_ =	strace $0x80000049;
	[dreg:$0x1] =	wrdreg $0xFFFFFFFF  }
0xbc: {  	s28 =	simm.s32 $_size_execute0_lowered;
	s4 =	sadd.s32 s4, s6;
	[dreg:$0x0] =	wrdreg $0x0  }
0xbd: {  	s6 =	sshll.u32 s28, $0x1;
	[dreg:$0x2] =	wrdreg s4  }
0xbe: {  	[dreg:$0x3] =	wrdreg s6  }
0xbf: {  	[dreg:$0x4] =	wrdreg $0xC0  }
0xc0: {  	_ =	task [dreg:s22], $0x5FFFF  }
0xc1: {  	[dreg:$0x1] =	wrdreg $0xFFFFFFFF  }
0xc2: {  	[dreg:$0x0] =	wrdreg $0x60  }
0xc3: {  	[dreg:$0x2] =	wrdreg s17  }
0xc4: {  	[dreg:$0x3] =	wrdreg s24  }
0xc5: {  	[dreg:$0x4] =	wrdreg $0xA  }
0xc6: {  	_ =	task.clear_ibuf [dreg:s22], $0x5FFFF;
	_ =	strace $0x90000049  }
0xc7: {  	s29 =	simm.s32 $0xA;
	_ =	strace $0x8000004B  }
0xc8: {  	_ =	swait.ge [sflag:s29], $0x1  }
0xc9: {  	[sflag:s29] =	ssyncadd.s32 $0xFFFFFFFF  }
0xca: {  	_ =	strace $0x9000004B  }
0xcb: {  	_ =	sfence  }
0xcc: {  	s30 =	sld [smem:$0x0];
	_ =	sdelay $0x2  }
0xcd: {  	s31 =	sshll.u32 s1, $0xD;
	s1 =	sshrl.u32 s1, $0x2  }
0xce: {  	s4 =	sand.u32 $0x4000, s31;
	s1 =	sadd.s32 s1, s30  }
0xcf: {  	s0 =	sor.u32 s4, s0;
	s1 =	sshll.u32 s1, $0x11  }
0xd0: {  	s0 =	sor.u32 s1, s0  }
0xd1: {  	s0 =	sadd.s32 $0x8F2B, s0  }
0xd2: {  	[sflag:s0] =	ssyncadd.remote.s32 $0x1  }
0xd3: {  	_ =	sfence.sel $0xFFFF  }
0xd4: {  	[dreg:$0x0] =	wrdreg $0xFFFFFFFF;
	(pc) =	sbr.abs _section_cstart, $3  }
0xd5: {  	[dreg:$0x1] =	wrdreg $0xFFFFFFFF  }
0xd6: {  	_ =	task.clear_ibuf [dreg:s22], $0x2FFFF;
	_ =	strace $0x9FFFFFFF  }
0xd7: {  	(tm) =	ssettm $0x7FFFFFFF  }
tec
execute0_lowered:
.L_overlay_start_1:
0x0: {  	(tag) =	ssettag $0x1  }
0x1: {  	s0 =	srdreg.scid;
	s3 =	rddreg [dreg:$0x0]  }
0x2: {  	s1 =	stileid.u32;
	s4 =	rddreg [dreg:$0x1]  }
0x3: {  	s8 =	simm.s32 $0x400;
	s7 =	simm.s32 $0x4400;
	s28 =	simm.s32 $0x100  }
0x4: {  	s29 =	simm.s32 $0x180;
	s17 =	simm.s32 $0xC400;
	s30 =	simm.s32 $0x200  }
0x5: {  	s16 =	simm.s32 $0x10400;
	s31 =	simm.s32 $0x280;
	s13 =	simm.s32 $0x14400  }
0x6: {  	s11 =	simm.s32 $0x1;
	s9 =	simm.s32 $0x2;
	s6 =	simm.s32 $0x8  }
0x7: {  	p0 =	por $0x0, $0x0;
	s15 =	simm.s32 $0x9;
	s0 =	sand.u32 $0x1, s0  }
0x8: {  	s14 =	simm.s32 $0xA;
	s1 =	sshll.u32 s1, $0xB;
	s2 =	sshll.u32 s0, $0xA  }
0x9: {  	s12 =	simm.s32 $0xB;
	s10 =	simm.s32 $0xC;
	s1 =	sor.u32 s2, s1  }
0xa: {  	s0 =	ssub.s32 $0x2, s0;
	s2 =	simm.s32 $0x0;
	s5 =	sshrl.u32 s1, $0x3  }
0xb: {  	s24 =	sshrl.u32 s0, $0x1;
	s1 =	sshll.u32 s1, $0x4;
	s5 =	sadd.s32 s5, s4  }
0xc: {  	[smem:$0x7FF] =	sst s2;
	s1 =	sadd.s32 s1, s4;
	s18 =	sadd.s32 $0x82000, s5  }
0xd: {  	_ =	strace $0x8000004A;
	s19 =	sadd.s32 $0x83000, s1;
	[dreg:$0x3] =	wrdreg s18  }
0xe: {  	s0 =	ssub.s32 s0, s24;
	s20 =	sadd.s32 $0x83800, s1;
	[dreg:$0x4] =	wrdreg s19  }
0xf: {  	s24 =	simm.s32 $0x380;
	s21 =	sadd.s32 $0x84000, s1;
	[dreg:$0x5] =	wrdreg s20  }
0x10: {  	s0 =	smax.u32 s0, $0x1;
	s22 =	sadd.s32 $0x84800, s1;
	[dreg:$0x6] =	wrdreg s21  }
0x11: {  	s23 =	sadd.s32 $0x85000, s1;
	s25 =	sadd.s32 $0x85800, s1;
	[dreg:$0x7] =	wrdreg s22  }
0x12: {  	s26 =	sadd.s32 $0x86000, s1;
	p1 =	sne.s32 s0, $0x1;
	[dreg:$0x8] =	wrdreg s23  }
.Ltmp0:
0x13: {  	s4 =	sadd.s32 $0x86800, s1;
	[dreg:$0x9] =	wrdreg s25;
	(pc) =	sbr.rel @!p1 .LBB2_3-.Ltmp0, $4  }
0x14: {  	s5 =	simm.s32 $0x7;
	s1 =	sadd.s32 $0xFFFFFFFF, s0;
	[dreg:$0xa] =	wrdreg s26  }
0x15: {  	s26 =	simm.s32 $0xD;
	s19 =	simm.s32 $0x80;
	s18 =	simm.s32 $0x8400  }
0x16: {  	s25 =	simm.s32 $0x300;
	s23 =	simm.s32 $0x3;
	s22 =	simm.s32 $0x4  }
0x17: {  	s21 =	simm.s32 $0x5;
	s20 =	simm.s32 $0x6;
	s0 =	rddreg [dreg:$0x3]  }
0x18: {  	[tilespmem:s2], [sflag:$0xD] =	stream.linear.gather [hbm4b:s0+s2], $0x400, $0x38;
	[tilespmem:$0x18400] =	vst v63  }
0x19: {  	_ =	swait.ge [sflag:s26], $0x400  }
0x1a: {  	[sflag:s26] =	ssyncset.done $0x0  }
0x1b: {  	[sflag:s26] =	ssyncadd.s32 $0xFFFFFC00  }
0x1c: {  	[tilespmem:s8], [sflag:$0x1] =	stream.indirect.gather [hbm4b:s3+s19], $0x80, s2, s19, $0xb8;
	[tilespmem:$0x18400] =	vst v63  }
0x1d: {  	_ = 	snop  }
0x1e: {  	[tilespmem:s7], [sflag:$0x2] =	stream.indirect.gather [hbm4b:s3+s19], $0x80, s19, s19, $0xb8;
	[tilespmem:$0x18400] =	vst v63  }
0x1f: {  	_ = 	snop  }
0x20: {  	[tilespmem:s18], [sflag:$0x3] =	stream.indirect.gather [hbm4b:s3+s19], $0x80, s28, s19, $0xb8;
	[tilespmem:$0x18400] =	vst v63  }
0x21: {  	_ = 	snop  }
0x22: {  	[tilespmem:s17], [sflag:$0x4] =	stream.indirect.gather [hbm4b:s3+s19], $0x80, s29, s19, $0xb8;
	[tilespmem:$0x18400] =	vst v63  }
0x23: {  	_ = 	snop  }
0x24: {  	[tilespmem:s16], [sflag:$0x5] =	stream.indirect.gather [hbm4b:s3+s19], $0x80, s30, s19, $0xb8;
	[tilespmem:$0x18400] =	vst v63  }
0x25: {  	_ = 	snop  }
0x26: {  	[tilespmem:s13], [sflag:$0x6] =	stream.indirect.gather [hbm4b:s3+s19], $0x80, s31, s19, $0xb8;
	[tilespmem:$0x18400] =	vst v63  }
0x27: {  	_ =	swait.ge [sflag:s11], $0x4000  }
0x28: {  	[sflag:s11] =	ssyncset.done $0x0  }
0x29: {  	s0 =	rddreg [dreg:$0x4];
	[sflag:s11] =	ssyncadd.s32 $0xFFFFC000  }
0x2a: {  	[hbm4b:s0+s2] =	stream.linear.scatter [tilespmem:s8], [sflag:$0x7], $0x4000, $0x38;
	[tilespmem:$0x18400] =	vst v63  }
0x2b: {  	_ =	swait.ge [sflag:s5], $0x4000  }
0x2c: {  	[sflag:s5] =	ssyncset.done $0x0  }
0x2d: {  	[sflag:s5] =	ssyncadd.s32 $0xFFFFC000  }
0x2e: {  	[tilespmem:s8], [sflag:$0x1] =	stream.indirect.gather [hbm4b:s3+s19], $0x80, s25, s19, $0xb8;
	[tilespmem:$0x18400] =	vst v63  }
0x2f: {  	_ =	swait.ge [sflag:s9], $0x4000  }
0x30: {  	[sflag:s9] =	ssyncset.done $0x0  }
0x31: {  	s0 =	rddreg [dreg:$0x5];
	[sflag:s9] =	ssyncadd.s32 $0xFFFFC000  }
0x32: {  	[hbm4b:s0+s2] =	stream.linear.scatter [tilespmem:s7], [sflag:$0x8], $0x4000, $0x38;
	[tilespmem:$0x18400] =	vst v63  }
0x33: {  	_ =	swait.ge [sflag:s6], $0x4000  }
0x34: {  	[sflag:s6] =	ssyncset.done $0x0  }
0x35: {  	[sflag:s6] =	ssyncadd.s32 $0xFFFFC000  }
0x36: {  	[tilespmem:s7], [sflag:$0x2] =	stream.indirect.gather [hbm4b:s3+s19], $0x80, s24, s19, $0xb8;
	[tilespmem:$0x18400] =	vst v63  }
0x37: {  	_ =	swait.ge [sflag:s23], $0x4000  }
0x38: {  	[sflag:s23] =	ssyncset.done $0x0  }
0x39: {  	s0 =	rddreg [dreg:$0x6];
	[sflag:s23] =	ssyncadd.s32 $0xFFFFC000  }
0x3a: {  	[hbm4b:s0+s2] =	stream.linear.scatter [tilespmem:s18], [sflag:$0x9], $0x4000, $0x38;
	[tilespmem:$0x18400] =	vst v63  }
0x3b: {  	_ =	swait.ge [sflag:s22], $0x4000  }
0x3c: {  	[sflag:s22] =	ssyncset.done $0x0  }
0x3d: {  	s0 =	rddreg [dreg:$0x7];
	[sflag:s22] =	ssyncadd.s32 $0xFFFFC000  }
0x3e: {  	[hbm4b:s0+s2] =	stream.linear.scatter [tilespmem:s17], [sflag:$0xA], $0x4000, $0x38;
	[tilespmem:$0x18400] =	vst v63  }
0x3f: {  	_ =	swait.ge [sflag:s21], $0x4000  }
0x40: {  	[sflag:s21] =	ssyncset.done $0x0  }
0x41: {  	s0 =	rddreg [dreg:$0x8];
	[sflag:s21] =	ssyncadd.s32 $0xFFFFC000  }
0x42: {  	[hbm4b:s0+s2] =	stream.linear.scatter [tilespmem:s16], [sflag:$0xB], $0x4000, $0x38;
	[tilespmem:$0x18400] =	vst v63  }
0x43: {  	_ =	swait.ge [sflag:s20], $0x4000  }
0x44: {  	[sflag:s20] =	ssyncset.done $0x0  }
0x45: {  	s0 =	rddreg [dreg:$0x9];
	[sflag:s20] =	ssyncadd.s32 $0xFFFFC000  }
0x46: {  	[hbm4b:s0+s2] =	stream.linear.scatter [tilespmem:s13], [sflag:$0xC], $0x4000, $0x38;
	[tilespmem:$0x18400] =	vst v63  }
0x47: {  	_ =	swait.ge [sflag:s11], $0x4000  }
0x48: {  	[sflag:s11] =	ssyncset.done $0x0  }
0x49: {  	s0 =	rddreg [dreg:$0xa];
	[sflag:s11] =	ssyncadd.s32 $0xFFFFC000  }
0x4a: {  	[hbm4b:s0+s2] =	stream.linear.scatter [tilespmem:s8], [sflag:$0x7], $0x4000, $0x38;
	[tilespmem:$0x18400] =	vst v63  }
0x4b: {  	_ =	swait.ge [sflag:s9], $0x4000  }
0x4c: {  	[sflag:s9] =	ssyncset.done $0x0  }
0x4d: {  	[sflag:s9] =	ssyncadd.s32 $0xFFFFC000  }
0x4e: {  	[hbm4b:s4+s2] =	stream.linear.scatter [tilespmem:s7], [sflag:$0x8], $0x4000, $0x38;
	[tilespmem:$0x18400] =	vst v63  }
0x4f: {  	_ =	swait.ge [sflag:s15], $0x4000  }
0x50: {  	[sflag:s15] =	ssyncset.done $0x0  }
0x51: {  	[sflag:s15] =	ssyncadd.s32 $0xFFFFC000  }
0x52: {  	_ =	swait.ge [sflag:s14], $0x4000  }
0x53: {  	[sflag:s14] =	ssyncset.done $0x0  }
0x54: {  	[sflag:s14] =	ssyncadd.s32 $0xFFFFC000  }
0x55: {  	_ =	swait.ge [sflag:s12], $0x4000  }
0x56: {  	[sflag:s12] =	ssyncset.done $0x0  }
0x57: {  	[sflag:s12] =	ssyncadd.s32 $0xFFFFC000  }
0x58: {  	_ =	swait.ge [sflag:s10], $0x4000  }
0x59: {  	[sflag:s10] =	ssyncset.done $0x0  }
0x5a: {  	p1 =	sne.s32 s1, $0x1;
	[sflag:s10] =	ssyncadd.s32 $0xFFFFC000  }
.Ltmp1:
0x5b: {  	_ =	swait.ge [sflag:s5], $0x4000;
	(pc) =	sbr.rel @!p1 .LBB2_3-.Ltmp1, $4  }
0x5c: {  	[sflag:s5] =	ssyncset.done $0x0  }
0x5d: {  	[sflag:s5] =	ssyncadd.s32 $0xFFFFC000  }
0x5e: {  	s1 =	sadd.s32 $0xFFFFFFFF, s1;
	_ =	swait.ge [sflag:s6], $0x4000  }
0x5f: {  	p0 =	por $0x1, $0x1;
	s0 =	rddreg [dreg:$0x3];
	[sflag:s6] =	ssyncset.done $0x0  }
.LBB2_2:
0x60: {  	[sflag:s6] =	ssyncadd.s32 $0xFFFFC000  }
0x61: {  	[tilespmem:s2], [sflag:$0xD] =	stream.linear.gather [hbm4b:s0+s2], $0x400, $0x38;
	[tilespmem:$0x18400] =	vst v63  }
0x62: {  	_ =	swait.ge [sflag:s26], $0x400  }
0x63: {  	[sflag:s26] =	ssyncset.done $0x0  }
0x64: {  	[sflag:s26] =	ssyncadd.s32 $0xFFFFFC00  }
0x65: {  	[tilespmem:s8], [sflag:$0x1] =	stream.indirect.gather [hbm4b:s3+s19], $0x80, s2, s19, $0xb8;
	[tilespmem:$0x18400] =	vst v63  }
0x66: {  	_ = 	snop  }
0x67: {  	[tilespmem:s7], [sflag:$0x2] =	stream.indirect.gather [hbm4b:s3+s19], $0x80, s19, s19, $0xb8;
	[tilespmem:$0x18400] =	vst v63  }
0x68: {  	_ = 	snop  }
0x69: {  	[tilespmem:s18], [sflag:$0x3] =	stream.indirect.gather [hbm4b:s3+s19], $0x80, s28, s19, $0xb8;
	[tilespmem:$0x18400] =	vst v63  }
0x6a: {  	_ = 	snop  }
0x6b: {  	[tilespmem:s17], [sflag:$0x4] =	stream.indirect.gather [hbm4b:s3+s19], $0x80, s29, s19, $0xb8;
	[tilespmem:$0x18400] =	vst v63  }
0x6c: {  	_ = 	snop  }
0x6d: {  	[tilespmem:s16], [sflag:$0x5] =	stream.indirect.gather [hbm4b:s3+s19], $0x80, s30, s19, $0xb8;
	[tilespmem:$0x18400] =	vst v63  }
0x6e: {  	_ = 	snop  }
0x6f: {  	[tilespmem:s13], [sflag:$0x6] =	stream.indirect.gather [hbm4b:s3+s19], $0x80, s31, s19, $0xb8;
	[tilespmem:$0x18400] =	vst v63  }
0x70: {  	_ =	swait.ge [sflag:s11], $0x4000  }
0x71: {  	[sflag:s11] =	ssyncset.done $0x0  }
0x72: {  	s0 =	rddreg [dreg:$0x4];
	[sflag:s11] =	ssyncadd.s32 $0xFFFFC000  }
0x73: {  	[hbm4b:s0+s2] =	stream.linear.scatter [tilespmem:s8], [sflag:$0x7], $0x4000, $0x38;
	[tilespmem:$0x18400] =	vst v63  }
0x74: {  	_ =	swait.ge [sflag:s5], $0x4000  }
0x75: {  	[sflag:s5] =	ssyncset.done $0x0  }
0x76: {  	[sflag:s5] =	ssyncadd.s32 $0xFFFFC000  }
0x77: {  	[tilespmem:s8], [sflag:$0x1] =	stream.indirect.gather [hbm4b:s3+s19], $0x80, s25, s19, $0xb8;
	[tilespmem:$0x18400] =	vst v63  }
0x78: {  	_ =	swait.ge [sflag:s9], $0x4000  }
0x79: {  	[sflag:s9] =	ssyncset.done $0x0  }
0x7a: {  	s0 =	rddreg [dreg:$0x5];
	[sflag:s9] =	ssyncadd.s32 $0xFFFFC000  }
0x7b: {  	[hbm4b:s0+s2] =	stream.linear.scatter [tilespmem:s7], [sflag:$0x8], $0x4000, $0x38;
	[tilespmem:$0x18400] =	vst v63  }
0x7c: {  	_ =	swait.ge [sflag:s6], $0x4000  }
0x7d: {  	[sflag:s6] =	ssyncset.done $0x0  }
0x7e: {  	[sflag:s6] =	ssyncadd.s32 $0xFFFFC000  }
0x7f: {  	[tilespmem:s7], [sflag:$0x2] =	stream.indirect.gather [hbm4b:s3+s19], $0x80, s24, s19, $0xb8;
	[tilespmem:$0x18400] =	vst v63  }
0x80: {  	_ =	swait.ge [sflag:s23], $0x4000  }
0x81: {  	[sflag:s23] =	ssyncset.done $0x0  }
0x82: {  	s0 =	rddreg [dreg:$0x6];
	[sflag:s23] =	ssyncadd.s32 $0xFFFFC000  }
0x83: {  	[hbm4b:s0+s2] =	stream.linear.scatter [tilespmem:s18], [sflag:$0x9], $0x4000, $0x38;
	[tilespmem:$0x18400] =	vst v63  }
0x84: {  	_ =	swait.ge [sflag:s22], $0x4000  }
0x85: {  	[sflag:s22] =	ssyncset.done $0x0  }
0x86: {  	s0 =	rddreg [dreg:$0x7];
	[sflag:s22] =	ssyncadd.s32 $0xFFFFC000  }
0x87: {  	[hbm4b:s0+s2] =	stream.linear.scatter [tilespmem:s17], [sflag:$0xA], $0x4000, $0x38;
	[tilespmem:$0x18400] =	vst v63  }
0x88: {  	_ =	swait.ge [sflag:s21], $0x4000  }
0x89: {  	[sflag:s21] =	ssyncset.done $0x0  }
0x8a: {  	s0 =	rddreg [dreg:$0x8];
	[sflag:s21] =	ssyncadd.s32 $0xFFFFC000  }
0x8b: {  	[hbm4b:s0+s2] =	stream.linear.scatter [tilespmem:s16], [sflag:$0xB], $0x4000, $0x38;
	[tilespmem:$0x18400] =	vst v63  }
0x8c: {  	_ =	swait.ge [sflag:s20], $0x4000  }
0x8d: {  	[sflag:s20] =	ssyncset.done $0x0  }
0x8e: {  	s0 =	rddreg [dreg:$0x9];
	[sflag:s20] =	ssyncadd.s32 $0xFFFFC000  }
0x8f: {  	[hbm4b:s0+s2] =	stream.linear.scatter [tilespmem:s13], [sflag:$0xC], $0x4000, $0x38;
	[tilespmem:$0x18400] =	vst v63  }
0x90: {  	_ =	swait.ge [sflag:s11], $0x4000  }
0x91: {  	[sflag:s11] =	ssyncset.done $0x0  }
0x92: {  	s0 =	rddreg [dreg:$0xa];
	[sflag:s11] =	ssyncadd.s32 $0xFFFFC000  }
0x93: {  	[hbm4b:s0+s2] =	stream.linear.scatter [tilespmem:s8], [sflag:$0x7], $0x4000, $0x38;
	[tilespmem:$0x18400] =	vst v63  }
0x94: {  	_ =	swait.ge [sflag:s9], $0x4000  }
0x95: {  	[sflag:s9] =	ssyncset.done $0x0  }
0x96: {  	[sflag:s9] =	ssyncadd.s32 $0xFFFFC000  }
0x97: {  	[hbm4b:s4+s2] =	stream.linear.scatter [tilespmem:s7], [sflag:$0x8], $0x4000, $0x38;
	[tilespmem:$0x18400] =	vst v63  }
0x98: {  	_ =	swait.ge [sflag:s15], $0x4000  }
0x99: {  	[sflag:s15] =	ssyncset.done $0x0  }
0x9a: {  	[sflag:s15] =	ssyncadd.s32 $0xFFFFC000  }
0x9b: {  	_ =	swait.ge [sflag:s14], $0x4000  }
0x9c: {  	[sflag:s14] =	ssyncset.done $0x0  }
0x9d: {  	[sflag:s14] =	ssyncadd.s32 $0xFFFFC000  }
0x9e: {  	_ =	swait.ge [sflag:s12], $0x4000  }
0x9f: {  	[sflag:s12] =	ssyncset.done $0x0  }
0xa0: {  	[sflag:s12] =	ssyncadd.s32 $0xFFFFC000  }
0xa1: {  	_ =	swait.ge [sflag:s10], $0x4000  }
0xa2: {  	[sflag:s10] =	ssyncset.done $0x0  }
0xa3: {  	p1 =	sne.s32 s1, $0x1;
	[sflag:s10] =	ssyncadd.s32 $0xFFFFC000  }
.Ltmp2:
0xa4: {  	_ =	swait.ge [sflag:s5], $0x4000;
	(pc) =	sbr.rel @p1 .LBB2_2-.Ltmp2, $4  }
0xa5: {  	[sflag:s5] =	ssyncset.done $0x0  }
0xa6: {  	[sflag:s5] =	ssyncadd.s32 $0xFFFFC000  }
0xa7: {  	_ =	swait.ge [sflag:s6], $0x4000  }
0xa8: {  	s1 =	sadd.s32 $0xFFFFFFFF, s1;
	s0 =	rddreg [dreg:$0x3];
	[sflag:s6] =	ssyncset.done $0x0  }
.LBB2_3:
0xa9: {  	[sflag:s6] =	ssyncadd.s32 @p0 $0xFFFFC000  }
0xaa: {  	[tilespmem:s2], [sflag:$0xD] =	stream.linear.gather [hbm4b:s0+s2], $0x400, $0x38;
	[tilespmem:$0x18400] =	vst v63  }
0xab: {  	_ =	swait.ge [sflag:s26], $0x400  }
0xac: {  	[sflag:s26] =	ssyncset.done $0x0  }
0xad: {  	[sflag:s26] =	ssyncadd.s32 $0xFFFFFC00  }
0xae: {  	[tilespmem:s8], [sflag:$0x1] =	stream.indirect.gather [hbm4b:s3+s19], $0x80, s2, s19, $0xb8;
	[tilespmem:$0x18400] =	vst v63  }
0xaf: {  	_ = 	snop  }
0xb0: {  	[tilespmem:s7], [sflag:$0x2] =	stream.indirect.gather [hbm4b:s3+s19], $0x80, s19, s19, $0xb8;
	[tilespmem:$0x18400] =	vst v63  }
0xb1: {  	_ = 	snop  }
0xb2: {  	[tilespmem:s18], [sflag:$0x3] =	stream.indirect.gather [hbm4b:s3+s19], $0x80, s28, s19, $0xb8;
	[tilespmem:$0x18400] =	vst v63  }
0xb3: {  	_ = 	snop  }
0xb4: {  	[tilespmem:s17], [sflag:$0x4] =	stream.indirect.gather [hbm4b:s3+s19], $0x80, s29, s19, $0xb8;
	[tilespmem:$0x18400] =	vst v63  }
0xb5: {  	_ = 	snop  }
0xb6: {  	[tilespmem:s16], [sflag:$0x5] =	stream.indirect.gather [hbm4b:s3+s19], $0x80, s30, s19, $0xb8;
	[tilespmem:$0x18400] =	vst v63  }
0xb7: {  	_ = 	snop  }
0xb8: {  	[tilespmem:s13], [sflag:$0x6] =	stream.indirect.gather [hbm4b:s3+s19], $0x80, s31, s19, $0xb8;
	[tilespmem:$0x18400] =	vst v63  }
0xb9: {  	_ =	swait.ge [sflag:s11], $0x4000  }
0xba: {  	[sflag:s11] =	ssyncset.done $0x0  }
0xbb: {  	s31 =	rddreg [dreg:$0x4];
	[sflag:s11] =	ssyncadd.s32 $0xFFFFC000  }
0xbc: {  	[hbm4b:s31+s2] =	stream.linear.scatter [tilespmem:s8], [sflag:$0x7], $0x4000, $0x38;
	[tilespmem:$0x18400] =	vst v63  }
0xbd: {  	_ =	swait.ge [sflag:s5], $0x4000  }
0xbe: {  	[sflag:s5] =	ssyncset.done $0x0  }
0xbf: {  	[sflag:s5] =	ssyncadd.s32 $0xFFFFC000  }
0xc0: {  	[tilespmem:s8], [sflag:$0x1] =	stream.indirect.gather [hbm4b:s3+s19], $0x80, s25, s19, $0xb8;
	[tilespmem:$0x18400] =	vst v63  }
0xc1: {  	_ =	swait.ge [sflag:s9], $0x4000  }
0xc2: {  	[sflag:s9] =	ssyncset.done $0x0  }
0xc3: {  	s1 =	rddreg [dreg:$0x5];
	[sflag:s9] =	ssyncadd.s32 $0xFFFFC000  }
0xc4: {  	[hbm4b:s1+s2] =	stream.linear.scatter [tilespmem:s7], [sflag:$0x8], $0x4000, $0x38;
	[tilespmem:$0x18400] =	vst v63  }
0xc5: {  	_ =	swait.ge [sflag:s6], $0x4000  }
0xc6: {  	[sflag:s6] =	ssyncset.done $0x0  }
0xc7: {  	[sflag:s6] =	ssyncadd.s32 $0xFFFFC000  }
0xc8: {  	[tilespmem:s7], [sflag:$0x2] =	stream.indirect.gather [hbm4b:s3+s19], $0x80, s24, s19, $0xb8;
	[tilespmem:$0x18400] =	vst v63  }
0xc9: {  	_ =	swait.ge [sflag:s23], $0x4000  }
0xca: {  	[sflag:s23] =	ssyncset.done $0x0  }
0xcb: {  	s25 =	rddreg [dreg:$0x6];
	[sflag:s23] =	ssyncadd.s32 $0xFFFFC000  }
0xcc: {  	[hbm4b:s25+s2] =	stream.linear.scatter [tilespmem:s18], [sflag:$0x9], $0x4000, $0x38;
	[tilespmem:$0x18400] =	vst v63  }
0xcd: {  	_ =	swait.ge [sflag:s22], $0x4000  }
0xce: {  	[sflag:s22] =	ssyncset.done $0x0  }
0xcf: {  	s26 =	rddreg [dreg:$0x7];
	[sflag:s22] =	ssyncadd.s32 $0xFFFFC000  }
0xd0: {  	[hbm4b:s26+s2] =	stream.linear.scatter [tilespmem:s17], [sflag:$0xA], $0x4000, $0x38;
	[tilespmem:$0x18400] =	vst v63  }
0xd1: {  	_ =	swait.ge [sflag:s21], $0x4000  }
0xd2: {  	[sflag:s21] =	ssyncset.done $0x0  }
0xd3: {  	s28 =	rddreg [dreg:$0x8];
	[sflag:s21] =	ssyncadd.s32 $0xFFFFC000  }
0xd4: {  	[hbm4b:s28+s2] =	stream.linear.scatter [tilespmem:s16], [sflag:$0xB], $0x4000, $0x38;
	[tilespmem:$0x18400] =	vst v63  }
0xd5: {  	_ =	swait.ge [sflag:s20], $0x4000  }
0xd6: {  	[sflag:s20] =	ssyncset.done $0x0  }
0xd7: {  	s29 =	rddreg [dreg:$0x9];
	[sflag:s20] =	ssyncadd.s32 $0xFFFFC000  }
0xd8: {  	[hbm4b:s29+s2] =	stream.linear.scatter [tilespmem:s13], [sflag:$0xC], $0x4000, $0x38;
	[tilespmem:$0x18400] =	vst v63  }
0xd9: {  	_ =	swait.ge [sflag:s11], $0x4000  }
0xda: {  	[sflag:s11] =	ssyncset.done $0x0  }
0xdb: {  	s30 =	rddreg [dreg:$0xa];
	[sflag:s11] =	ssyncadd.s32 $0xFFFFC000  }
0xdc: {  	[hbm4b:s30+s2] =	stream.linear.scatter [tilespmem:s8], [sflag:$0x7], $0x4000, $0x38;
	[tilespmem:$0x18400] =	vst v63  }
0xdd: {  	_ =	swait.ge [sflag:s9], $0x4000  }
0xde: {  	[sflag:s9] =	ssyncset.done $0x0  }
0xdf: {  	[sflag:s9] =	ssyncadd.s32 $0xFFFFC000  }
0xe0: {  	[hbm4b:s4+s2] =	stream.linear.scatter [tilespmem:s7], [sflag:$0x8], $0x4000, $0x38;
	[tilespmem:$0x18400] =	vst v63  }
0xe1: {  	_ =	swait.ge [sflag:s15], $0x4000  }
0xe2: {  	[sflag:s15] =	ssyncset.done $0x0  }
0xe3: {  	[sflag:s15] =	ssyncadd.s32 $0xFFFFC000  }
0xe4: {  	_ =	swait.ge [sflag:s14], $0x4000  }
0xe5: {  	[sflag:s14] =	ssyncset.done $0x0  }
0xe6: {  	[sflag:s14] =	ssyncadd.s32 $0xFFFFC000  }
0xe7: {  	_ =	swait.ge [sflag:s12], $0x4000  }
0xe8: {  	[sflag:s12] =	ssyncset.done $0x0  }
0xe9: {  	[sflag:s12] =	ssyncadd.s32 $0xFFFFC000  }
0xea: {  	_ =	swait.ge [sflag:s10], $0x4000  }
0xeb: {  	[sflag:s10] =	ssyncset.done $0x0  }
0xec: {  	[sflag:s10] =	ssyncadd.s32 $0xFFFFC000  }
0xed: {  	_ =	swait.ge [sflag:s5], $0x4000  }
0xee: {  	[sflag:s5] =	ssyncset.done $0x0  }
0xef: {  	[sflag:s5] =	ssyncadd.s32 $0xFFFFC000  }
0xf0: {  	_ =	swait.ge [sflag:s6], $0x4000  }
0xf1: {  	[sflag:s6] =	ssyncset.done $0x0  }
0xf2: {  	[sflag:s6] =	ssyncadd.s32 $0xFFFFC000  }
0xf3: {  	_ =	sfence.sel $0x180000  }
0xf4: {  	[bflag:$0x0] =	sbarrier.arrive $0xFFFF  }
0xf5: {  	_ =	strace $0x9000004A  }
0xf6: {  	s31 =	stileid.u32;
	[bflag:$0x2] =	sbarrier.arrive $0xFFFF  }
0xf7: {  	p0 =	sne.s32 s31, $0x0;
	s0 =	rddreg [dreg:$0x2]  }
0xf8: {  	s0 =	sadd.s32 @!p0 $0x100000, s0  }
0xf9: {  	[sflag:s0] =	ssyncadd.tile.s32 @!p0 $0x1;
	_ =	shalt  }
.Lfunc_end2:
_tile_overlayer_lowered:
.L_overlay_start_2:
0xfa: {  	(tag) =	ssettag $0x2  }
0xfb: {  	s0 =	rddreg [dreg:$0x0];
	s2 =	stileid.u32  }
0xfc: {  	s1 =	rddreg [dreg:$0x1];
	p0 =	sne.s32 s2, $0x0  }
0xfd: {  	s3 =	rddreg [dreg:$0x2];
	[bflag:$0x3] =	sbarrier.arrive $0xFFFF;
	s2 =	simm.s32 @!p0 $0x1C0D  }
0xfe: {  	[timem:s3], [sflag:s2] =	dma.local @!p0 [hbm:s0], s1  }
0xff: {  	s0 =	simm.s32 @!p0 $0xD  }
0x100: {  	_ =	swait.ge @!p0 [sflag:s0], s1  }
0x101: {  	s1 =	ssub.s32 @!p0 $0x0, s1;
	[sflag:s0] =	ssyncset.done @!p0 $0x0  }
0x102: {  	[sflag:s0] =	ssyncadd.s32 @!p0 s1  }
0x103: {  	[bflag:$0x3] =	sbarrier.arrive $0xFFFF  }
0x104: {  	_ =	shalt  }

</sc_bundles>
